<compile_context>
chip_gen: v7x
topology: tpu7x:2x2x1
jax: 0.10.2.dev20260603
libtpu: 0.0.44.dev20260713+nightly
codegen_flags: <defaults>
</compile_context>

<pallas_src>
import functools

import jax
import jax.numpy as jnp
from jax.experimental import pallas as pl
from jax.experimental.pallas import tpu as pltpu
from jax.experimental.pallas import tpu_sc as plsc

B, T, D = 32, 576, 256
N_SUB, K, SUB = 8, 256, 32
HIDDEN = 1024
CLASSES = 1000
BT = B * T
TM = 2048
HALF = 1024
NK = N_SUB * K

N_SUBCORES = 32
CHUNK = BT // N_SUBCORES
GROUPS = CHUNK // 16


def _enc_body(z_ref, cbtbd_ref, csq_ref, out_ref):
    iota = jax.lax.broadcasted_iota(jnp.int32, (HALF, K), 1)
    for h0 in range(0, TM, HALF):
        rows = pl.ds(h0, HALF)
        zt = z_ref[rows, :]
        codes = []
        for n in range(N_SUB):
            dist = jnp.dot(zt, cbtbd_ref[:, n * K:(n + 1) * K],
                           preferred_element_type=jnp.float32) \
                + csq_ref[:, n * K:(n + 1) * K]
            m = jnp.min(dist, axis=1, keepdims=True)
            code = jnp.min(jnp.where(dist == m, iota, K), axis=1,
                           keepdims=True)
            codes.append(code)
        out_ref[rows, :] = jnp.concatenate(codes, axis=1)


def _sc_decode_body(codes_hbm, cb_hbm, out_hbm,
                    codes_v, cb_v, recon_v, sem_in, sem_cb, sem_out):
    c = jax.lax.axis_index("c")
    s = jax.lax.axis_index("s")
    sub_id = c * 16 + s
    start = sub_id * CHUNK

    cb_cp = pltpu.make_async_copy(cb_hbm, cb_v, sem_cb)
    cb_cp.start()
    codes_cp = pltpu.make_async_copy(
        codes_hbm.at[pl.ds(start * N_SUB, CHUNK * N_SUB)], codes_v, sem_in)
    codes_cp.start()
    cb_cp.wait()
    codes_cp.wait()

    lane = jax.lax.iota(jnp.int32, 16)

    def group(i, _):
        t0 = i * 16
        tids = t0 + lane
        for n in range(N_SUB):
            g = plsc.load_gather(codes_v, [tids * N_SUB + n])
            base = g * SUB + (n * K * SUB)
            for j in range(SUB):
                vals = plsc.load_gather(cb_v, [base + j])
                plsc.store_scatter(recon_v, [lane * D + (n * SUB + j)],
                                   vals)
        out_cp = pltpu.make_async_copy(
            recon_v, out_hbm.at[pl.ds((start + t0) * D, 16 * D)], sem_out)
        out_cp.start()
        out_cp.wait()
        return _

    jax.lax.fori_loop(0, GROUPS, group, None)


def _mlp_body(recon_ref, w1_ref, b1_ref, w2_ref, b2_ref, out_ref):
    for h0 in range(0, TM, HALF):
        rows = pl.ds(h0, HALF)
        q = recon_ref[rows, :].astype(jnp.bfloat16)
        h = jnp.maximum(jnp.dot(q, w1_ref[...],
                                preferred_element_type=jnp.float32)
                        + b1_ref[...], 0.0)
        out_ref[rows, :] = jnp.dot(h.astype(jnp.bfloat16), w2_ref[...],
                                   preferred_element_type=jnp.float32) \
            + b2_ref[...]


@jax.jit
def kernel(z, codebook, W1, b1, W2, b2):
    b, t, d = z.shape
    n_sub, k, sub = codebook.shape
    bt = b * t
    z2 = z.reshape(bt, d)
    cbT = codebook.transpose(0, 2, 1)
    cbtbd = jnp.concatenate(
        [jnp.pad(-2.0 * cbT[n], ((0, 0), (n * k, (n_sub - 1 - n) * k)))
         for n in range(n_sub)], axis=0)
    csq = jnp.sum(codebook * codebook, axis=-1).reshape(1, n_sub * k)
    cbflat = codebook.reshape(n_sub * k * sub)

    codes = pl.pallas_call(
        _enc_body,
        grid=(bt // TM,),
        in_specs=[
            pl.BlockSpec((TM, d), lambda i: (i, 0)),
            pl.BlockSpec((d, NK), lambda i: (0, 0)),
            pl.BlockSpec((1, NK), lambda i: (0, 0)),
        ],
        out_specs=pl.BlockSpec((TM, N_SUB), lambda i: (i, 0)),
        out_shape=jax.ShapeDtypeStruct((bt, N_SUB), jnp.int32),
        compiler_params=pltpu.CompilerParams(
            dimension_semantics=("arbitrary",),
        ),
    )(z2, cbtbd, csq)

    sc_decode = pl.kernel(
        _sc_decode_body,
        out_type=jax.ShapeDtypeStruct((bt * d,), jnp.float32),
        mesh=plsc.VectorSubcoreMesh(core_axis_name="c",
                                    subcore_axis_name="s"),
        compiler_params=pltpu.CompilerParams(needs_layout_passes=False),
        scratch_types=[
            pltpu.VMEM((CHUNK * N_SUB,), jnp.int32),
            pltpu.VMEM((NK * SUB,), jnp.float32),
            pltpu.VMEM((16 * D,), jnp.float32),
            pltpu.SemaphoreType.DMA,
            pltpu.SemaphoreType.DMA,
            pltpu.SemaphoreType.DMA,
        ],
    )
    recon = sc_decode(codes.reshape(bt * N_SUB), cbflat).reshape(bt, d)

    W1b = W1.astype(jnp.bfloat16)
    W2b = W2.astype(jnp.bfloat16)
    out = pl.pallas_call(
        _mlp_body,
        grid=(bt // TM,),
        in_specs=[
            pl.BlockSpec((TM, d), lambda i: (i, 0)),
            pl.BlockSpec((d, HIDDEN), lambda i: (0, 0)),
            pl.BlockSpec((1, HIDDEN), lambda i: (0, 0)),
            pl.BlockSpec((HIDDEN, CLASSES), lambda i: (0, 0)),
            pl.BlockSpec((1, CLASSES), lambda i: (0, 0)),
        ],
        out_specs=pl.BlockSpec((TM, CLASSES), lambda i: (i, 0)),
        out_shape=jax.ShapeDtypeStruct((bt, CLASSES), jnp.float32),
        compiler_params=pltpu.CompilerParams(
            dimension_semantics=("arbitrary",),
        ),
    )(recon, W1b, b1.reshape(1, HIDDEN), W2b, b2.reshape(1, CLASSES))
    return out.reshape(b, t, CLASSES)

# --- scband reference (transcript-rebuilt; emitter-appended) ---
"""Pipeline reference for scband-remind-19387482374488 (READ-ONLY COPY).

The authoritative reference and input builder live on the scoring server;
editing this copy changes nothing except your own understanding.
"""

import jax, jax.numpy as jnp
import numpy as np

B, T, D = 32, 576, 256
N_SUB, K, SUB = 8, 256, 32
HIDDEN, CLASSES = 1024, 1000


def setup_inputs(seed: int = 0) -> dict:
    key = jax.random.key(seed)
    ks = jax.random.split(key, 6)
    z = jax.random.normal(ks[0], (B, T, D), dtype=jnp.float32)
    codebook = jax.random.normal(ks[1], (N_SUB, K, SUB), dtype=jnp.float32)
    W1 = jax.random.normal(ks[2], (D, HIDDEN), dtype=jnp.float32) * (1.0 / np.sqrt(D))
    b1 = jnp.zeros((HIDDEN,), dtype=jnp.float32)
    W2 = jax.random.normal(ks[3], (HIDDEN, CLASSES), dtype=jnp.float32) * (1.0 / np.sqrt(HIDDEN))
    b2 = jnp.zeros((CLASSES,), dtype=jnp.float32)
    return {"z": z, "codebook": codebook, "W1": W1, "b1": b1, "W2": W2, "b2": b2}


def reference(z, codebook, W1, b1, W2, b2):
    # REMIND pipeline: product-quantize encoder features (pq.encode),
    # reconstruct (pq.decode), then run the MLP head (online_training).
    b, t, d = z.shape
    n_sub, k, sub = codebook.shape
    zs = z.reshape(b, t, n_sub, sub)
    # PQ encode: nearest codeword per subvector, ||z - c||^2 = ||z||^2 - 2 z.c + ||c||^2
    z_sq = jnp.sum(zs * zs, axis=-1, keepdims=True)              # (B,T,n_sub,1)
    c_sq = jnp.sum(codebook * codebook, axis=-1)                 # (n_sub,K)
    dots = jnp.einsum('btns,nks->btnk', zs, codebook)            # (B,T,n_sub,K)
    dist = z_sq - 2.0 * dots + c_sq[None, None, :, :]
    codes = jnp.argmin(dist, axis=-1)                            # (B,T,n_sub) int codes
    # PQ decode: gather codewords and reconstruct the feature vector
    sub_idx = jnp.arange(n_sub)[None, None, :]
    recon = codebook[sub_idx, codes]                             # (B,T,n_sub,sub)
    recon = recon.reshape(b, t, d)
    # straight-through so the MLP sees quantized features but grads flow to z
    q = z + jax.lax.stop_gradient(recon - z)
    # MLP head on decoded samples
    h = jax.nn.relu(q @ W1 + b1)
    logits = h @ W2 + b2
    return logits

if __name__ == "__main__":
    import jax
    _d = setup_inputs()
    print(jax.jit(kernel)(*tuple(_d.values())))

</pallas_src>

<mosaic_0001>
#map = affine_map<(d0, d1) -> (0)>
module attributes {stable_mosaic.version = 14 : i64} {
  func.func @_sc_decode_body(%arg0: i32, %arg1: i32, %arg2: memref<147456xi32, #tpu.memory_space<hbm>>, %arg3: memref<65536xf32, #tpu.memory_space<hbm>>, %arg4: memref<4718592xf32, #tpu.memory_space<hbm>>, %arg5: memref<4608xi32, #tpu.memory_space<vmem>>, %arg6: memref<65536xf32, #tpu.memory_space<vmem>>, %arg7: memref<4096xf32, #tpu.memory_space<vmem>>, %arg8: memref<!tpu.dma_semaphore, #tpu.memory_space<semaphore_mem>>, %arg9: memref<!tpu.dma_semaphore, #tpu.memory_space<semaphore_mem>>, %arg10: memref<!tpu.dma_semaphore, #tpu.memory_space<semaphore_mem>>) attributes {dimension_semantics = [#tpu.dimension_semantics<core_parallel>, #tpu.dimension_semantics<subcore_parallel>], iteration_bounds = array<i64: 2, 16>, scalar_prefetch = 0 : i64, scratch_operands = 6 : i64, tpu.core_type = #tpu.core_type<sc_vector_subcore>, window_params = [{transform_indices = #map}, {transform_indices = #map}, {transform_indices = #map}]} {
    %mul3A = arith.constant 16 : i32
    %mul3A_0 = arith.muli %arg0, %mul3A : i32
    %add3A = arith.addi %mul3A_0, %arg1 : i32
    %mul3A_1 = arith.constant 576 : i32
    %mul3A_2 = arith.muli %add3A, %mul3A_1 : i32
    tpu.enqueue_dma source(%arg3 : memref<65536xf32, #tpu.memory_space<hbm>>) target(%arg6 : memref<65536xf32, #tpu.memory_space<vmem>>) target_semaphore(%arg9 : memref<!tpu.dma_semaphore, #tpu.memory_space<semaphore_mem>>)
    %mul3A_3 = arith.constant 8 : i32
    %mul3A_4 = arith.muli %mul3A_2, %mul3A_3 : i32
    %dma_start3A = tpu.memref_slice %arg2[%mul3A_4] : memref<147456xi32, #tpu.memory_space<hbm>> -> memref<4608xi32, #tpu.memory_space<hbm>>
    %dma_start3A_5 = tpu.memref_slice %arg2[%mul3A_4] : memref<147456xi32, #tpu.memory_space<hbm>> -> memref<4608xi32, #tpu.memory_space<hbm>>
    tpu.enqueue_dma source(%dma_start3A_5 : memref<4608xi32, #tpu.memory_space<hbm>>) target(%arg5 : memref<4608xi32, #tpu.memory_space<vmem>>) target_semaphore(%arg8 : memref<!tpu.dma_semaphore, #tpu.memory_space<semaphore_mem>>)
    tpu.wait_dma2 semaphore(%arg9 : memref<!tpu.dma_semaphore, #tpu.memory_space<semaphore_mem>>) src(%arg3 : memref<65536xf32, #tpu.memory_space<hbm>>) dst(%arg6 : memref<65536xf32, #tpu.memory_space<vmem>>)
    %dma_wait3A = tpu.memref_slice %arg2[%mul3A_4] : memref<147456xi32, #tpu.memory_space<hbm>> -> memref<4608xi32, #tpu.memory_space<hbm>>
    %dma_wait3A_6 = tpu.memref_slice %arg2[%mul3A_4] : memref<147456xi32, #tpu.memory_space<hbm>> -> memref<4608xi32, #tpu.memory_space<hbm>>
    tpu.wait_dma2 semaphore(%arg8 : memref<!tpu.dma_semaphore, #tpu.memory_space<semaphore_mem>>) src(%dma_wait3A_6 : memref<4608xi32, #tpu.memory_space<hbm>>) dst(%arg5 : memref<4608xi32, #tpu.memory_space<vmem>>)
    %iota3A = tpu.iota {dimensions = array<i32: 0>} : vector<16xi32>
    %scan3A = arith.constant 0 : i32
    %scan3A_7 = arith.constant 36 : i32
    %scan3A_8 = arith.addi %scan3A, %scan3A_7 : i32
    %scan3A_9 = arith.constant 1 : i32
    scf.for %scan3A_11 = %scan3A to %scan3A_8 step %scan3A_9  : i32 {
      %mul3A_12 = arith.constant 16 : i32
      %mul3A_13 = arith.muli %scan3A_11, %mul3A_12 : i32
      %add3A_14 = vector.broadcast %mul3A_13 : i32 to vector<16xi32>
      %add3A_15 = arith.addi %add3A_14, %iota3A : vector<16xi32>
      %mul3A_16 = arith.constant 8 : i32
      %mul3A_17 = vector.broadcast %mul3A_16 : i32 to vector<16xi32>
      %mul3A_18 = arith.muli %add3A_15, %mul3A_17 : vector<16xi32>
      %add3A_19 = arith.constant 0 : i32
      %add3A_20 = vector.broadcast %add3A_19 : i32 to vector<16xi32>
      %add3A_21 = arith.addi %mul3A_18, %add3A_20 : vector<16xi32>
      %gather3A = tpu.vector_load_idx %arg5[%add3A_21] : memref<4608xi32, #tpu.memory_space<vmem>>[vector<16xi32>], vector<16xi32>,
      %mul3A_22 = arith.constant 32 : i32
      %mul3A_23 = vector.broadcast %mul3A_22 : i32 to vector<16xi32>
      %mul3A_24 = arith.muli %gather3A, %mul3A_23 : vector<16xi32>
      %add3A_25 = arith.constant 0 : i32
      %add3A_26 = vector.broadcast %add3A_25 : i32 to vector<16xi32>
      %add3A_27 = arith.addi %mul3A_24, %add3A_26 : vector<16xi32>
      %add3A_28 = arith.constant 0 : i32
      %add3A_29 = vector.broadcast %add3A_28 : i32 to vector<16xi32>
      %add3A_30 = arith.addi %add3A_27, %add3A_29 : vector<16xi32>
      %gather3A_31 = tpu.vector_load_idx %arg6[%add3A_30] : memref<65536xf32, #tpu.memory_space<vmem>>[vector<16xi32>], vector<16xf32>,
      %mul3A_32 = arith.constant 256 : i32
      %mul3A_33 = vector.broadcast %mul3A_32 : i32 to vector<16xi32>
      %mul3A_34 = arith.muli %iota3A, %mul3A_33 : vector<16xi32>
      %add3A_35 = arith.constant 0 : i32
      %add3A_36 = vector.broadcast %add3A_35 : i32 to vector<16xi32>
      %add3A_37 = arith.addi %mul3A_34, %add3A_36 : vector<16xi32>
      tpu.vector_store_idx %arg7[%add3A_37], %gather3A_31 : memref<4096xf32, #tpu.memory_space<vmem>>[vector<16xi32>], vector<16xf32>,
      %add3A_38 = arith.constant 1 : i32
      %add3A_39 = vector.broadcast %add3A_38 : i32 to vector<16xi32>
      %add3A_40 = arith.addi %add3A_27, %add3A_39 : vector<16xi32>
      %gather3A_41 = tpu.vector_load_idx %arg6[%add3A_40] : memref<65536xf32, #tpu.memory_space<vmem>>[vector<16xi32>], vector<16xf32>,
      %mul3A_42 = arith.constant 256 : i32
      %mul3A_43 = vector.broadcast %mul3A_42 : i32 to vector<16xi32>
      %mul3A_44 = arith.muli %iota3A, %mul3A_43 : vector<16xi32>
      %add3A_45 = arith.constant 1 : i32
      %add3A_46 = vector.broadcast %add3A_45 : i32 to vector<16xi32>
      %add3A_47 = arith.addi %mul3A_44, %add3A_46 : vector<16xi32>
      tpu.vector_store_idx %arg7[%add3A_47], %gather3A_41 : memref<4096xf32, #tpu.memory_space<vmem>>[vector<16xi32>], vector<16xf32>,
      %add3A_48 = arith.constant 2 : i32
      %add3A_49 = vector.broadcast %add3A_48 : i32 to vector<16xi32>
      %add3A_50 = arith.addi %add3A_27, %add3A_49 : vector<16xi32>
      %gather3A_51 = tpu.vector_load_idx %arg6[%add3A_50] : memref<65536xf32, #tpu.memory_space<vmem>>[vector<16xi32>], vector<16xf32>,
      %mul3A_52 = arith.constant 256 : i32
      %mul3A_53 = vector.broadcast %mul3A_52 : i32 to vector<16xi32>
      %mul3A_54 = arith.muli %iota3A, %mul3A_53 : vector<16xi32>
      %add3A_55 = arith.constant 2 : i32
      %add3A_56 = vector.broadcast %add3A_55 : i32 to vector<16xi32>
      %add3A_57 = arith.addi %mul3A_54, %add3A_56 : vector<16xi32>
      tpu.vector_store_idx %arg7[%add3A_57], %gather3A_51 : memref<4096xf32, #tpu.memory_space<vmem>>[vector<16xi32>], vector<16xf32>,
      %add3A_58 = arith.constant 3 : i32
      %add3A_59 = vector.broadcast %add3A_58 : i32 to vector<16xi32>
      %add3A_60 = arith.addi %add3A_27, %add3A_59 : vector<16xi32>
      %gather3A_61 = tpu.vector_load_idx %arg6[%add3A_60] : memref<65536xf32, #tpu.memory_space<vmem>>[vector<16xi32>], vector<16xf32>,
      %mul3A_62 = arith.constant 256 : i32
      %mul3A_63 = vector.broadcast %mul3A_62 : i32 to vector<16xi32>
      %mul3A_64 = arith.muli %iota3A, %mul3A_63 : vector<16xi32>
      %add3A_65 = arith.constant 3 : i32
      %add3A_66 = vector.broadcast %add3A_65 : i32 to vector<16xi32>
      %add3A_67 = arith.addi %mul3A_64, %add3A_66 : vector<16xi32>
      tpu.vector_store_idx %arg7[%add3A_67], %gather3A_61 : memref<4096xf32, #tpu.memory_space<vmem>>[vector<16xi32>], vector<16xf32>,
      %add3A_68 = arith.constant 4 : i32
      %add3A_69 = vector.broadcast %add3A_68 : i32 to vector<16xi32>
      %add3A_70 = arith.addi %add3A_27, %add3A_69 : vector<16xi32>
      %gather3A_71 = tpu.vector_load_idx %arg6[%add3A_70] : memref<65536xf32, #tpu.memory_space<vmem>>[vector<16xi32>], vector<16xf32>,
      %mul3A_72 = arith.constant 256 : i32
      %mul3A_73 = vector.broadcast %mul3A_72 : i32 to vector<16xi32>
      %mul3A_74 = arith.muli %iota3A, %mul3A_73 : vector<16xi32>
      %add3A_75 = arith.constant 4 : i32
      %add3A_76 = vector.broadcast %add3A_75 : i32 to vector<16xi32>
      %add3A_77 = arith.addi %mul3A_74, %add3A_76 : vector<16xi32>
      tpu.vector_store_idx %arg7[%add3A_77], %gather3A_71 : memref<4096xf32, #tpu.memory_space<vmem>>[vector<16xi32>], vector<16xf32>,
      %add3A_78 = arith.constant 5 : i32
      %add3A_79 = vector.broadcast %add3A_78 : i32 to vector<16xi32>
      %add3A_80 = arith.addi %add3A_27, %add3A_79 : vector<16xi32>
      %gather3A_81 = tpu.vector_load_idx %arg6[%add3A_80] : memref<65536xf32, #tpu.memory_space<vmem>>[vector<16xi32>], vector<16xf32>,
      %mul3A_82 = arith.constant 256 : i32
      %mul3A_83 = vector.broadcast %mul3A_82 : i32 to vector<16xi32>
      %mul3A_84 = arith.muli %iota3A, %mul3A_83 : vector<16xi32>
      %add3A_85 = arith.constant 5 : i32
      %add3A_86 = vector.broadcast %add3A_85 : i32 to vector<16xi32>
      %add3A_87 = arith.addi %mul3A_84, %add3A_86 : vector<16xi32>
      tpu.vector_store_idx %arg7[%add3A_87], %gather3A_81 : memref<4096xf32, #tpu.memory_space<vmem>>[vector<16xi32>], vector<16xf32>,
      %add3A_88 = arith.constant 6 : i32
      %add3A_89 = vector.broadcast %add3A_88 : i32 to vector<16xi32>
      %add3A_90 = arith.addi %add3A_27, %add3A_89 : vector<16xi32>
      %gather3A_91 = tpu.vector_load_idx %arg6[%add3A_90] : memref<65536xf32, #tpu.memory_space<vmem>>[vector<16xi32>], vector<16xf32>,
      %mul3A_92 = arith.constant 256 : i32
      %mul3A_93 = vector.broadcast %mul3A_92 : i32 to vector<16xi32>
      %mul3A_94 = arith.muli %iota3A, %mul3A_93 : vector<16xi32>
      %add3A_95 = arith.constant 6 : i32
      %add3A_96 = vector.broadcast %add3A_95 : i32 to vector<16xi32>
      %add3A_97 = arith.addi %mul3A_94, %add3A_96 : vector<16xi32>
      tpu.vector_store_idx %arg7[%add3A_97], %gather3A_91 : memref<4096xf32, #tpu.memory_space<vmem>>[vector<16xi32>], vector<16xf32>,
      %add3A_98 = arith.constant 7 : i32
      %add3A_99 = vector.broadcast %add3A_98 : i32 to vector<16xi32>
      %add3A_100 = arith.addi %add3A_27, %add3A_99 : vector<16xi32>
      %gather3A_101 = tpu.vector_load_idx %arg6[%add3A_100] : memref<65536xf32, #tpu.memory_space<vmem>>[vector<16xi32>], vector<16xf32>,
      %mul3A_102 = arith.constant 256 : i32
      %mul3A_103 = vector.broadcast %mul3A_102 : i32 to vector<16xi32>
      %mul3A_104 = arith.muli %iota3A, %mul3A_103 : vector<16xi32>
      %add3A_105 = arith.constant 7 : i32
      %add3A_106 = vector.broadcast %add3A_105 : i32 to vector<16xi32>
      %add3A_107 = arith.addi %mul3A_104, %add3A_106 : vector<16xi32>
      tpu.vector_store_idx %arg7[%add3A_107], %gather3A_101 : memref<4096xf32, #tpu.memory_space<vmem>>[vector<16xi32>], vector<16xf32>,
      %add3A_108 = arith.constant 8 : i32
      %add3A_109 = vector.broadcast %add3A_108 : i32 to vector<16xi32>
      %add3A_110 = arith.addi %add3A_27, %add3A_109 : vector<16xi32>
      %gather3A_111 = tpu.vector_load_idx %arg6[%add3A_110] : memref<65536xf32, #tpu.memory_space<vmem>>[vector<16xi32>], vector<16xf32>,
      %mul3A_112 = arith.constant 256 : i32
      %mul3A_113 = vector.broadcast %mul3A_112 : i32 to vector<16xi32>
      %mul3A_114 = arith.muli %iota3A, %mul3A_113 : vector<16xi32>
      %add3A_115 = arith.constant 8 : i32
      %add3A_116 = vector.broadcast %add3A_115 : i32 to vector<16xi32>
      %add3A_117 = arith.addi %mul3A_114, %add3A_116 : vector<16xi32>
      tpu.vector_store_idx %arg7[%add3A_117], %gather3A_111 : memref<4096xf32, #tpu.memory_space<vmem>>[vector<16xi32>], vector<16xf32>,
      %add3A_118 = arith.constant 9 : i32
      %add3A_119 = vector.broadcast %add3A_118 : i32 to vector<16xi32>
      %add3A_120 = arith.addi %add3A_27, %add3A_119 : vector<16xi32>
      %gather3A_121 = tpu.vector_load_idx %arg6[%add3A_120] : memref<65536xf32, #tpu.memory_space<vmem>>[vector<16xi32>], vector<16xf32>,
      %mul3A_122 = arith.constant 256 : i32
      %mul3A_123 = vector.broadcast %mul3A_122 : i32 to vector<16xi32>
      %mul3A_124 = arith.muli %iota3A, %mul3A_123 : vector<16xi32>
      %add3A_125 = arith.constant 9 : i32
      %add3A_126 = vector.broadcast %add3A_125 : i32 to vector<16xi32>
      %add3A_127 = arith.addi %mul3A_124, %add3A_126 : vector<16xi32>
      tpu.vector_store_idx %arg7[%add3A_127], %gather3A_121 : memref<4096xf32, #tpu.memory_space<vmem>>[vector<16xi32>], vector<16xf32>,
      %add3A_128 = arith.constant 10 : i32
      %add3A_129 = vector.broadcast %add3A_128 : i32 to vector<16xi32>
      %add3A_130 = arith.addi %add3A_27, %add3A_129 : vector<16xi32>
      %gather3A_131 = tpu.vector_load_idx %arg6[%add3A_130] : memref<65536xf32, #tpu.memory_space<vmem>>[vector<16xi32>], vector<16xf32>,
      %mul3A_132 = arith.constant 256 : i32
      %mul3A_133 = vector.broadcast %mul3A_132 : i32 to vector<16xi32>
      %mul3A_134 = arith.muli %iota3A, %mul3A_133 : vector<16xi32>
      %add3A_135 = arith.constant 10 : i32
      %add3A_136 = vector.broadcast %add3A_135 : i32 to vector<16xi32>
      %add3A_137 = arith.addi %mul3A_134, %add3A_136 : vector<16xi32>
      tpu.vector_store_idx %arg7[%add3A_137], %gather3A_131 : memref<4096xf32, #tpu.memory_space<vmem>>[vector<16xi32>], vector<16xf32>,
      %add3A_138 = arith.constant 11 : i32
      %add3A_139 = vector.broadcast %add3A_138 : i32 to vector<16xi32>
      %add3A_140 = arith.addi %add3A_27, %add3A_139 : vector<16xi32>
      %gather3A_141 = tpu.vector_load_idx %arg6[%add3A_140] : memref<65536xf32, #tpu.memory_space<vmem>>[vector<16xi32>], vector<16xf32>,
      %mul3A_142 = arith.constant 256 : i32
      %mul3A_143 = vector.broadcast %mul3A_142 : i32 to vector<16xi32>
      %mul3A_144 = arith.muli %iota3A, %mul3A_143 : vector<16xi32>
      %add3A_145 = arith.constant 11 : i32
      %add3A_146 = vector.broadcast %add3A_145 : i32 to vector<16xi32>
      %add3A_147 = arith.addi %mul3A_144, %add3A_146 : vector<16xi32>
      tpu.vector_store_idx %arg7[%add3A_147], %gather3A_141 : memref<4096xf32, #tpu.memory_space<vmem>>[vector<16xi32>], vector<16xf32>,
      %add3A_148 = arith.constant 12 : i32
      %add3A_149 = vector.broadcast %add3A_148 : i32 to vector<16xi32>
      %add3A_150 = arith.addi %add3A_27, %add3A_149 : vector<16xi32>
      %gather3A_151 = tpu.vector_load_idx %arg6[%add3A_150] : memref<65536xf32, #tpu.memory_space<vmem>>[vector<16xi32>], vector<16xf32>,
      %mul3A_152 = arith.constant 256 : i32
      %mul3A_153 = vector.broadcast %mul3A_152 : i32 to vector<16xi32>
      %mul3A_154 = arith.muli %iota3A, %mul3A_153 : vector<16xi32>
      %add3A_155 = arith.constant 12 : i32
      %add3A_156 = vector.broadcast %add3A_155 : i32 to vector<16xi32>
      %add3A_157 = arith.addi %mul3A_154, %add3A_156 : vector<16xi32>
      tpu.vector_store_idx %arg7[%add3A_157], %gather3A_151 : memref<4096xf32, #tpu.memory_space<vmem>>[vector<16xi32>], vector<16xf32>,
      %add3A_158 = arith.constant 13 : i32
      %add3A_159 = vector.broadcast %add3A_158 : i32 to vector<16xi32>
      %add3A_160 = arith.addi %add3A_27, %add3A_159 : vector<16xi32>
      %gather3A_161 = tpu.vector_load_idx %arg6[%add3A_160] : memref<65536xf32, #tpu.memory_space<vmem>>[vector<16xi32>], vector<16xf32>,
      %mul3A_162 = arith.constant 256 : i32
      %mul3A_163 = vector.broadcast %mul3A_162 : i32 to vector<16xi32>
      %mul3A_164 = arith.muli %iota3A, %mul3A_163 : vector<16xi32>
      %add3A_165 = arith.constant 13 : i32
      %add3A_166 = vector.broadcast %add3A_165 : i32 to vector<16xi32>
      %add3A_167 = arith.addi %mul3A_164, %add3A_166 : vector<16xi32>
      tpu.vector_store_idx %arg7[%add3A_167], %gather3A_161 : memref<4096xf32, #tpu.memory_space<vmem>>[vector<16xi32>], vector<16xf32>,
      %add3A_168 = arith.constant 14 : i32
      %add3A_169 = vector.broadcast %add3A_168 : i32 to vector<16xi32>
      %add3A_170 = arith.addi %add3A_27, %add3A_169 : vector<16xi32>
      %gather3A_171 = tpu.vector_load_idx %arg6[%add3A_170] : memref<65536xf32, #tpu.memory_space<vmem>>[vector<16xi32>], vector<16xf32>,
      %mul3A_172 = arith.constant 256 : i32
      %mul3A_173 = vector.broadcast %mul3A_172 : i32 to vector<16xi32>
      %mul3A_174 = arith.muli %iota3A, %mul3A_173 : vector<16xi32>
      %add3A_175 = arith.constant 14 : i32
      %add3A_176 = vector.broadcast %add3A_175 : i32 to vector<16xi32>
      %add3A_177 = arith.addi %mul3A_174, %add3A_176 : vector<16xi32>
      tpu.vector_store_idx %arg7[%add3A_177], %gather3A_171 : memref<4096xf32, #tpu.memory_space<vmem>>[vector<16xi32>], vector<16xf32>,
      %add3A_178 = arith.constant 15 : i32
      %add3A_179 = vector.broadcast %add3A_178 : i32 to vector<16xi32>
      %add3A_180 = arith.addi %add3A_27, %add3A_179 : vector<16xi32>
      %gather3A_181 = tpu.vector_load_idx %arg6[%add3A_180] : memref<65536xf32, #tpu.memory_space<vmem>>[vector<16xi32>], vector<16xf32>,
      %mul3A_182 = arith.constant 256 : i32
      %mul3A_183 = vector.broadcast %mul3A_182 : i32 to vector<16xi32>
      %mul3A_184 = arith.muli %iota3A, %mul3A_183 : vector<16xi32>
      %add3A_185 = arith.constant 15 : i32
      %add3A_186 = vector.broadcast %add3A_185 : i32 to vector<16xi32>
      %add3A_187 = arith.addi %mul3A_184, %add3A_186 : vector<16xi32>
      tpu.vector_store_idx %arg7[%add3A_187], %gather3A_181 : memref<4096xf32, #tpu.memory_space<vmem>>[vector<16xi32>], vector<16xf32>,
      %add3A_188 = arith.constant 16 : i32
      %add3A_189 = vector.broadcast %add3A_188 : i32 to vector<16xi32>
      %add3A_190 = arith.addi %add3A_27, %add3A_189 : vector<16xi32>
      %gather3A_191 = tpu.vector_load_idx %arg6[%add3A_190] : memref<65536xf32, #tpu.memory_space<vmem>>[vector<16xi32>], vector<16xf32>,
      %mul3A_192 = arith.constant 256 : i32
      %mul3A_193 = vector.broadcast %mul3A_192 : i32 to vector<16xi32>
      %mul3A_194 = arith.muli %iota3A, %mul3A_193 : vector<16xi32>
      %add3A_195 = arith.constant 16 : i32
      %add3A_196 = vector.broadcast %add3A_195 : i32 to vector<16xi32>
      %add3A_197 = arith.addi %mul3A_194, %add3A_196 : vector<16xi32>
      tpu.vector_store_idx %arg7[%add3A_197], %gather3A_191 : memref<4096xf32, #tpu.memory_space<vmem>>[vector<16xi32>], vector<16xf32>,
      %add3A_198 = arith.constant 17 : i32
      %add3A_199 = vector.broadcast %add3A_198 : i32 to vector<16xi32>
      %add3A_200 = arith.addi %add3A_27, %add3A_199 : vector<16xi32>
      %gather3A_201 = tpu.vector_load_idx %arg6[%add3A_200] : memref<65536xf32, #tpu.memory_space<vmem>>[vector<16xi32>], vector<16xf32>,
      %mul3A_202 = arith.constant 256 : i32
      %mul3A_203 = vector.broadcast %mul3A_202 : i32 to vector<16xi32>
      %mul3A_204 = arith.muli %iota3A, %mul3A_203 : vector<16xi32>
      %add3A_205 = arith.constant 17 : i32
      %add3A_206 = vector.broadcast %add3A_205 : i32 to vector<16xi32>
      %add3A_207 = arith.addi %mul3A_204, %add3A_206 : vector<16xi32>
      tpu.vector_store_idx %arg7[%add3A_207], %gather3A_201 : memref<4096xf32, #tpu.memory_space<vmem>>[vector<16xi32>], vector<16xf32>,
      %add3A_208 = arith.constant 18 : i32
      %add3A_209 = vector.broadcast %add3A_208 : i32 to vector<16xi32>
      %add3A_210 = arith.addi %add3A_27, %add3A_209 : vector<16xi32>
      %gather3A_211 = tpu.vector_load_idx %arg6[%add3A_210] : memref<65536xf32, #tpu.memory_space<vmem>>[vector<16xi32>], vector<16xf32>,
      %mul3A_212 = arith.constant 256 : i32
      %mul3A_213 = vector.broadcast %mul3A_212 : i32 to vector<16xi32>
      %mul3A_214 = arith.muli %iota3A, %mul3A_213 : vector<16xi32>
      %add3A_215 = arith.constant 18 : i32
      %add3A_216 = vector.broadcast %add3A_215 : i32 to vector<16xi32>
      %add3A_217 = arith.addi %mul3A_214, %add3A_216 : vector<16xi32>
      tpu.vector_store_idx %arg7[%add3A_217], %gather3A_211 : memref<4096xf32, #tpu.memory_space<vmem>>[vector<16xi32>], vector<16xf32>,
      %add3A_218 = arith.constant 19 : i32
      %add3A_219 = vector.broadcast %add3A_218 : i32 to vector<16xi32>
      %add3A_220 = arith.addi %add3A_27, %add3A_219 : vector<16xi32>
      %gather3A_221 = tpu.vector_load_idx %arg6[%add3A_220] : memref<65536xf32, #tpu.memory_space<vmem>>[vector<16xi32>], vector<16xf32>,
      %mul3A_222 = arith.constant 256 : i32
      %mul3A_223 = vector.broadcast %mul3A_222 : i32 to vector<16xi32>
      %mul3A_224 = arith.muli %iota3A, %mul3A_223 : vector<16xi32>
      %add3A_225 = arith.constant 19 : i32
      %add3A_226 = vector.broadcast %add3A_225 : i32 to vector<16xi32>
      %add3A_227 = arith.addi %mul3A_224, %add3A_226 : vector<16xi32>
      tpu.vector_store_idx %arg7[%add3A_227], %gather3A_221 : memref<4096xf32, #tpu.memory_space<vmem>>[vector<16xi32>], vector<16xf32>,
      %add3A_228 = arith.constant 20 : i32
      %add3A_229 = vector.broadcast %add3A_228 : i32 to vector<16xi32>
      %add3A_230 = arith.addi %add3A_27, %add3A_229 : vector<16xi32>
      %gather3A_231 = tpu.vector_load_idx %arg6[%add3A_230] : memref<65536xf32, #tpu.memory_space<vmem>>[vector<16xi32>], vector<16xf32>,
      %mul3A_232 = arith.constant 256 : i32
      %mul3A_233 = vector.broadcast %mul3A_232 : i32 to vector<16xi32>
      %mul3A_234 = arith.muli %iota3A, %mul3A_233 : vector<16xi32>
      %add3A_235 = arith.constant 20 : i32
      %add3A_236 = vector.broadcast %add3A_235 : i32 to vector<16xi32>
      %add3A_237 = arith.addi %mul3A_234, %add3A_236 : vector<16xi32>
      tpu.vector_store_idx %arg7[%add3A_237], %gather3A_231 : memref<4096xf32, #tpu.memory_space<vmem>>[vector<16xi32>], vector<16xf32>,
      %add3A_238 = arith.constant 21 : i32
      %add3A_239 = vector.broadcast %add3A_238 : i32 to vector<16xi32>
      %add3A_240 = arith.addi %add3A_27, %add3A_239 : vector<16xi32>
      %gather3A_241 = tpu.vector_load_idx %arg6[%add3A_240] : memref<65536xf32, #tpu.memory_space<vmem>>[vector<16xi32>], vector<16xf32>,
      %mul3A_242 = arith.constant 256 : i32
      %mul3A_243 = vector.broadcast %mul3A_242 : i32 to vector<16xi32>
      %mul3A_244 = arith.muli %iota3A, %mul3A_243 : vector<16xi32>
      %add3A_245 = arith.constant 21 : i32
      %add3A_246 = vector.broadcast %add3A_245 : i32 to vector<16xi32>
      %add3A_247 = arith.addi %mul3A_244, %add3A_246 : vector<16xi32>
      tpu.vector_store_idx %arg7[%add3A_247], %gather3A_241 : memref<4096xf32, #tpu.memory_space<vmem>>[vector<16xi32>], vector<16xf32>,
      %add3A_248 = arith.constant 22 : i32
      %add3A_249 = vector.broadcast %add3A_248 : i32 to vector<16xi32>
      %add3A_250 = arith.addi %add3A_27, %add3A_249 : vector<16xi32>
      %gather3A_251 = tpu.vector_load_idx %arg6[%add3A_250] : memref<65536xf32, #tpu.memory_space<vmem>>[vector<16xi32>], vector<16xf32>,
      %mul3A_252 = arith.constant 256 : i32
      %mul3A_253 = vector.broadcast %mul3A_252 : i32 to vector<16xi32>
      %mul3A_254 = arith.muli %iota3A, %mul3A_253 : vector<16xi32>
      %add3A_255 = arith.constant 22 : i32
      %add3A_256 = vector.broadcast %add3A_255 : i32 to vector<16xi32>
      %add3A_257 = arith.addi %mul3A_254, %add3A_256 : vector<16xi32>
      tpu.vector_store_idx %arg7[%add3A_257], %gather3A_251 : memref<4096xf32, #tpu.memory_space<vmem>>[vector<16xi32>], vector<16xf32>,
      %add3A_258 = arith.constant 23 : i32
      %add3A_259 = vector.broadcast %add3A_258 : i32 to vector<16xi32>
      %add3A_260 = arith.addi %add3A_27, %add3A_259 : vector<16xi32>
      %gather3A_261 = tpu.vector_load_idx %arg6[%add3A_260] : memref<65536xf32, #tpu.memory_space<vmem>>[vector<16xi32>], vector<16xf32>,
      %mul3A_262 = arith.constant 256 : i32
      %mul3A_263 = vector.broadcast %mul3A_262 : i32 to vector<16xi32>
      %mul3A_264 = arith.muli %iota3A, %mul3A_263 : vector<16xi32>
      %add3A_265 = arith.constant 23 : i32
      %add3A_266 = vector.broadcast %add3A_265 : i32 to vector<16xi32>
      %add3A_267 = arith.addi %mul3A_264, %add3A_266 : vector<16xi32>
      tpu.vector_store_idx %arg7[%add3A_267], %gather3A_261 : memref<4096xf32, #tpu.memory_space<vmem>>[vector<16xi32>], vector<16xf32>,
      %add3A_268 = arith.constant 24 : i32
      %add3A_269 = vector.broadcast %add3A_268 : i32 to vector<16xi32>
      %add3A_270 = arith.addi %add3A_27, %add3A_269 : vector<16xi32>
      %gather3A_271 = tpu.vector_load_idx %arg6[%add3A_270] : memref<65536xf32, #tpu.memory_space<vmem>>[vector<16xi32>], vector<16xf32>,
      %mul3A_272 = arith.constant 256 : i32
      %mul3A_273 = vector.broadcast %mul3A_272 : i32 to vector<16xi32>
      %mul3A_274 = arith.muli %iota3A, %mul3A_273 : vector<16xi32>
      %add3A_275 = arith.constant 24 : i32
      %add3A_276 = vector.broadcast %add3A_275 : i32 to vector<16xi32>
      %add3A_277 = arith.addi %mul3A_274, %add3A_276 : vector<16xi32>
      tpu.vector_store_idx %arg7[%add3A_277], %gather3A_271 : memref<4096xf32, #tpu.memory_space<vmem>>[vector<16xi32>], vector<16xf32>,
      %add3A_278 = arith.constant 25 : i32
      %add3A_279 = vector.broadcast %add3A_278 : i32 to vector<16xi32>
      %add3A_280 = arith.addi %add3A_27, %add3A_279 : vector<16xi32>
      %gather3A_281 = tpu.vector_load_idx %arg6[%add3A_280] : memref<65536xf32, #tpu.memory_space<vmem>>[vector<16xi32>], vector<16xf32>,
      %mul3A_282 = arith.constant 256 : i32
      %mul3A_283 = vector.broadcast %mul3A_282 : i32 to vector<16xi32>
      %mul3A_284 = arith.muli %iota3A, %mul3A_283 : vector<16xi32>
      %add3A_285 = arith.constant 25 : i32
      %add3A_286 = vector.broadcast %add3A_285 : i32 to vector<16xi32>
      %add3A_287 = arith.addi %mul3A_284, %add3A_286 : vector<16xi32>
      tpu.vector_store_idx %arg7[%add3A_287], %gather3A_281 : memref<4096xf32, #tpu.memory_space<vmem>>[vector<16xi32>], vector<16xf32>,
      %add3A_288 = arith.constant 26 : i32
      %add3A_289 = vector.broadcast %add3A_288 : i32 to vector<16xi32>
      %add3A_290 = arith.addi %add3A_27, %add3A_289 : vector<16xi32>
      %gather3A_291 = tpu.vector_load_idx %arg6[%add3A_290] : memref<65536xf32, #tpu.memory_space<vmem>>[vector<16xi32>], vector<16xf32>,
      %mul3A_292 = arith.constant 256 : i32
      %mul3A_293 = vector.broadcast %mul3A_292 : i32 to vector<16xi32>
      %mul3A_294 = arith.muli %iota3A, %mul3A_293 : vector<16xi32>
      %add3A_295 = arith.constant 26 : i32
      %add3A_296 = vector.broadcast %add3A_295 : i32 to vector<16xi32>
      %add3A_297 = arith.addi %mul3A_294, %add3A_296 : vector<16xi32>
      tpu.vector_store_idx %arg7[%add3A_297], %gather3A_291 : memref<4096xf32, #tpu.memory_space<vmem>>[vector<16xi32>], vector<16xf32>,
      %add3A_298 = arith.constant 27 : i32
      %add3A_299 = vector.broadcast %add3A_298 : i32 to vector<16xi32>
      %add3A_300 = arith.addi %add3A_27, %add3A_299 : vector<16xi32>
      %gather3A_301 = tpu.vector_load_idx %arg6[%add3A_300] : memref<65536xf32, #tpu.memory_space<vmem>>[vector<16xi32>], vector<16xf32>,
      %mul3A_302 = arith.constant 256 : i32
      %mul3A_303 = vector.broadcast %mul3A_302 : i32 to vector<16xi32>
      %mul3A_304 = arith.muli %iota3A, %mul3A_303 : vector<16xi32>
      %add3A_305 = arith.constant 27 : i32
      %add3A_306 = vector.broadcast %add3A_305 : i32 to vector<16xi32>
      %add3A_307 = arith.addi %mul3A_304, %add3A_306 : vector<16xi32>
      tpu.vector_store_idx %arg7[%add3A_307], %gather3A_301 : memref<4096xf32, #tpu.memory_space<vmem>>[vector<16xi32>], vector<16xf32>,
      %add3A_308 = arith.constant 28 : i32
      %add3A_309 = vector.broadcast %add3A_308 : i32 to vector<16xi32>
      %add3A_310 = arith.addi %add3A_27, %add3A_309 : vector<16xi32>
      %gather3A_311 = tpu.vector_load_idx %arg6[%add3A_310] : memref<65536xf32, #tpu.memory_space<vmem>>[vector<16xi32>], vector<16xf32>,
      %mul3A_312 = arith.constant 256 : i32
      %mul3A_313 = vector.broadcast %mul3A_312 : i32 to vector<16xi32>
      %mul3A_314 = arith.muli %iota3A, %mul3A_313 : vector<16xi32>
      %add3A_315 = arith.constant 28 : i32
      %add3A_316 = vector.broadcast %add3A_315 : i32 to vector<16xi32>
      %add3A_317 = arith.addi %mul3A_314, %add3A_316 : vector<16xi32>
      tpu.vector_store_idx %arg7[%add3A_317], %gather3A_311 : memref<4096xf32, #tpu.memory_space<vmem>>[vector<16xi32>], vector<16xf32>,
      %add3A_318 = arith.constant 29 : i32
      %add3A_319 = vector.broadcast %add3A_318 : i32 to vector<16xi32>
      %add3A_320 = arith.addi %add3A_27, %add3A_319 : vector<16xi32>
      %gather3A_321 = tpu.vector_load_idx %arg6[%add3A_320] : memref<65536xf32, #tpu.memory_space<vmem>>[vector<16xi32>], vector<16xf32>,
      %mul3A_322 = arith.constant 256 : i32
      %mul3A_323 = vector.broadcast %mul3A_322 : i32 to vector<16xi32>
      %mul3A_324 = arith.muli %iota3A, %mul3A_323 : vector<16xi32>
      %add3A_325 = arith.constant 29 : i32
      %add3A_326 = vector.broadcast %add3A_325 : i32 to vector<16xi32>
      %add3A_327 = arith.addi %mul3A_324, %add3A_326 : vector<16xi32>
      tpu.vector_store_idx %arg7[%add3A_327], %gather3A_321 : memref<4096xf32, #tpu.memory_space<vmem>>[vector<16xi32>], vector<16xf32>,
      %add3A_328 = arith.constant 30 : i32
      %add3A_329 = vector.broadcast %add3A_328 : i32 to vector<16xi32>
      %add3A_330 = arith.addi %add3A_27, %add3A_329 : vector<16xi32>
      %gather3A_331 = tpu.vector_load_idx %arg6[%add3A_330] : memref<65536xf32, #tpu.memory_space<vmem>>[vector<16xi32>], vector<16xf32>,
      %mul3A_332 = arith.constant 256 : i32
      %mul3A_333 = vector.broadcast %mul3A_332 : i32 to vector<16xi32>
      %mul3A_334 = arith.muli %iota3A, %mul3A_333 : vector<16xi32>
      %add3A_335 = arith.constant 30 : i32
      %add3A_336 = vector.broadcast %add3A_335 : i32 to vector<16xi32>
      %add3A_337 = arith.addi %mul3A_334, %add3A_336 : vector<16xi32>
      tpu.vector_store_idx %arg7[%add3A_337], %gather3A_331 : memref<4096xf32, #tpu.memory_space<vmem>>[vector<16xi32>], vector<16xf32>,
      %add3A_338 = arith.constant 31 : i32
      %add3A_339 = vector.broadcast %add3A_338 : i32 to vector<16xi32>
      %add3A_340 = arith.addi %add3A_27, %add3A_339 : vector<16xi32>
      %gather3A_341 = tpu.vector_load_idx %arg6[%add3A_340] : memref<65536xf32, #tpu.memory_space<vmem>>[vector<16xi32>], vector<16xf32>,
      %mul3A_342 = arith.constant 256 : i32
      %mul3A_343 = vector.broadcast %mul3A_342 : i32 to vector<16xi32>
      %mul3A_344 = arith.muli %iota3A, %mul3A_343 : vector<16xi32>
      %add3A_345 = arith.constant 31 : i32
      %add3A_346 = vector.broadcast %add3A_345 : i32 to vector<16xi32>
      %add3A_347 = arith.addi %mul3A_344, %add3A_346 : vector<16xi32>
      tpu.vector_store_idx %arg7[%add3A_347], %gather3A_341 : memref<4096xf32, #tpu.memory_space<vmem>>[vector<16xi32>], vector<16xf32>,
      %mul3A_348 = arith.constant 8 : i32
      %mul3A_349 = vector.broadcast %mul3A_348 : i32 to vector<16xi32>
      %mul3A_350 = arith.muli %add3A_15, %mul3A_349 : vector<16xi32>
      %add3A_351 = arith.constant 1 : i32
      %add3A_352 = vector.broadcast %add3A_351 : i32 to vector<16xi32>
      %add3A_353 = arith.addi %mul3A_350, %add3A_352 : vector<16xi32>
      %gather3A_354 = tpu.vector_load_idx %arg5[%add3A_353] : memref<4608xi32, #tpu.memory_space<vmem>>[vector<16xi32>], vector<16xi32>,
      %mul3A_355 = arith.constant 32 : i32
      %mul3A_356 = vector.broadcast %mul3A_355 : i32 to vector<16xi32>
      %mul3A_357 = arith.muli %gather3A_354, %mul3A_356 : vector<16xi32>
      %add3A_358 = arith.constant 8192 : i32
      %add3A_359 = vector.broadcast %add3A_358 : i32 to vector<16xi32>
      %add3A_360 = arith.addi %mul3A_357, %add3A_359 : vector<16xi32>
      %add3A_361 = arith.constant 0 : i32
      %add3A_362 = vector.broadcast %add3A_361 : i32 to vector<16xi32>
      %add3A_363 = arith.addi %add3A_360, %add3A_362 : vector<16xi32>
      %gather3A_364 = tpu.vector_load_idx %arg6[%add3A_363] : memref<65536xf32, #tpu.memory_space<vmem>>[vector<16xi32>], vector<16xf32>,
      %mul3A_365 = arith.constant 256 : i32
      %mul3A_366 = vector.broadcast %mul3A_365 : i32 to vector<16xi32>
      %mul3A_367 = arith.muli %iota3A, %mul3A_366 : vector<16xi32>
      %add3A_368 = arith.constant 32 : i32
      %add3A_369 = vector.broadcast %add3A_368 : i32 to vector<16xi32>
      %add3A_370 = arith.addi %mul3A_367, %add3A_369 : vector<16xi32>
      tpu.vector_store_idx %arg7[%add3A_370], %gather3A_364 : memref<4096xf32, #tpu.memory_space<vmem>>[vector<16xi32>], vector<16xf32>,
      %add3A_371 = arith.constant 1 : i32
      %add3A_372 = vector.broadcast %add3A_371 : i32 to vector<16xi32>
      %add3A_373 = arith.addi %add3A_360, %add3A_372 : vector<16xi32>
      %gather3A_374 = tpu.vector_load_idx %arg6[%add3A_373] : memref<65536xf32, #tpu.memory_space<vmem>>[vector<16xi32>], vector<16xf32>,
      %mul3A_375 = arith.constant 256 : i32
      %mul3A_376 = vector.broadcast %mul3A_375 : i32 to vector<16xi32>
      %mul3A_377 = arith.muli %iota3A, %mul3A_376 : vector<16xi32>
      %add3A_378 = arith.constant 33 : i32
      %add3A_379 = vector.broadcast %add3A_378 : i32 to vector<16xi32>
      %add3A_380 = arith.addi %mul3A_377, %add3A_379 : vector<16xi32>
      tpu.vector_store_idx %arg7[%add3A_380], %gather3A_374 : memref<4096xf32, #tpu.memory_space<vmem>>[vector<16xi32>], vector<16xf32>,
      %add3A_381 = arith.constant 2 : i32
      %add3A_382 = vector.broadcast %add3A_381 : i32 to vector<16xi32>
      %add3A_383 = arith.addi %add3A_360, %add3A_382 : vector<16xi32>
      %gather3A_384 = tpu.vector_load_idx %arg6[%add3A_383] : memref<65536xf32, #tpu.memory_space<vmem>>[vector<16xi32>], vector<16xf32>,
      %mul3A_385 = arith.constant 256 : i32
      %mul3A_386 = vector.broadcast %mul3A_385 : i32 to vector<16xi32>
      %mul3A_387 = arith.muli %iota3A, %mul3A_386 : vector<16xi32>
      %add3A_388 = arith.constant 34 : i32
      %add3A_389 = vector.broadcast %add3A_388 : i32 to vector<16xi32>
      %add3A_390 = arith.addi %mul3A_387, %add3A_389 : vector<16xi32>
      tpu.vector_store_idx %arg7[%add3A_390], %gather3A_384 : memref<4096xf32, #tpu.memory_space<vmem>>[vector<16xi32>], vector<16xf32>,
      %add3A_391 = arith.constant 3 : i32
      %add3A_392 = vector.broadcast %add3A_391 : i32 to vector<16xi32>
      %add3A_393 = arith.addi %add3A_360, %add3A_392 : vector<16xi32>
      %gather3A_394 = tpu.vector_load_idx %arg6[%add3A_393] : memref<65536xf32, #tpu.memory_space<vmem>>[vector<16xi32>], vector<16xf32>,
      %mul3A_395 = arith.constant 256 : i32
      %mul3A_396 = vector.broadcast %mul3A_395 : i32 to vector<16xi32>
      %mul3A_397 = arith.muli %iota3A, %mul3A_396 : vector<16xi32>
      %add3A_398 = arith.constant 35 : i32
      %add3A_399 = vector.broadcast %add3A_398 : i32 to vector<16xi32>
      %add3A_400 = arith.addi %mul3A_397, %add3A_399 : vector<16xi32>
      tpu.vector_store_idx %arg7[%add3A_400], %gather3A_394 : memref<4096xf32, #tpu.memory_space<vmem>>[vector<16xi32>], vector<16xf32>,
      %add3A_401 = arith.constant 4 : i32
      %add3A_402 = vector.broadcast %add3A_401 : i32 to vector<16xi32>
      %add3A_403 = arith.addi %add3A_360, %add3A_402 : vector<16xi32>
      %gather3A_404 = tpu.vector_load_idx %arg6[%add3A_403] : memref<65536xf32, #tpu.memory_space<vmem>>[vector<16xi32>], vector<16xf32>,
      %mul3A_405 = arith.constant 256 : i32
      %mul3A_406 = vector.broadcast %mul3A_405 : i32 to vector<16xi32>
      %mul3A_407 = arith.muli %iota3A, %mul3A_406 : vector<16xi32>
      %add3A_408 = arith.constant 36 : i32
      %add3A_409 = vector.broadcast %add3A_408 : i32 to vector<16xi32>
      %add3A_410 = arith.addi %mul3A_407, %add3A_409 : vector<16xi32>
      tpu.vector_store_idx %arg7[%add3A_410], %gather3A_404 : memref<4096xf32, #tpu.memory_space<vmem>>[vector<16xi32>], vector<16xf32>,
      %add3A_411 = arith.constant 5 : i32
      %add3A_412 = vector.broadcast %add3A_411 : i32 to vector<16xi32>
      %add3A_413 = arith.addi %add3A_360, %add3A_412 : vector<16xi32>
      %gather3A_414 = tpu.vector_load_idx %arg6[%add3A_413] : memref<65536xf32, #tpu.memory_space<vmem>>[vector<16xi32>], vector<16xf32>,
      %mul3A_415 = arith.constant 256 : i32
      %mul3A_416 = vector.broadcast %mul3A_415 : i32 to vector<16xi32>
      %mul3A_417 = arith.muli %iota3A, %mul3A_416 : vector<16xi32>
      %add3A_418 = arith.constant 37 : i32
      %add3A_419 = vector.broadcast %add3A_418 : i32 to vector<16xi32>
      %add3A_420 = arith.addi %mul3A_417, %add3A_419 : vector<16xi32>
      tpu.vector_store_idx %arg7[%add3A_420], %gather3A_414 : memref<4096xf32, #tpu.memory_space<vmem>>[vector<16xi32>], vector<16xf32>,
      %add3A_421 = arith.constant 6 : i32
      %add3A_422 = vector.broadcast %add3A_421 : i32 to vector<16xi32>
      %add3A_423 = arith.addi %add3A_360, %add3A_422 : vector<16xi32>
      %gather3A_424 = tpu.vector_load_idx %arg6[%add3A_423] : memref<65536xf32, #tpu.memory_space<vmem>>[vector<16xi32>], vector<16xf32>,
      %mul3A_425 = arith.constant 256 : i32
      %mul3A_426 = vector.broadcast %mul3A_425 : i32 to vector<16xi32>
      %mul3A_427 = arith.muli %iota3A, %mul3A_426 : vector<16xi32>
      %add3A_428 = arith.constant 38 : i32
      %add3A_429 = vector.broadcast %add3A_428 : i32 to vector<16xi32>
      %add3A_430 = arith.addi %mul3A_427, %add3A_429 : vector<16xi32>
      tpu.vector_store_idx %arg7[%add3A_430], %gather3A_424 : memref<4096xf32, #tpu.memory_space<vmem>>[vector<16xi32>], vector<16xf32>,
      %add3A_431 = arith.constant 7 : i32
      %add3A_432 = vector.broadcast %add3A_431 : i32 to vector<16xi32>
      %add3A_433 = arith.addi %add3A_360, %add3A_432 : vector<16xi32>
      %gather3A_434 = tpu.vector_load_idx %arg6[%add3A_433] : memref<65536xf32, #tpu.memory_space<vmem>>[vector<16xi32>], vector<16xf32>,
      %mul3A_435 = arith.constant 256 : i32
      %mul3A_436 = vector.broadcast %mul3A_435 : i32 to vector<16xi32>
      %mul3A_437 = arith.muli %iota3A, %mul3A_436 : vector<16xi32>
      %add3A_438 = arith.constant 39 : i32
      %add3A_439 = vector.broadcast %add3A_438 : i32 to vector<16xi32>
      %add3A_440 = arith.addi %mul3A_437, %add3A_439 : vector<16xi32>
      tpu.vector_store_idx %arg7[%add3A_440], %gather3A_434 : memref<4096xf32, #tpu.memory_space<vmem>>[vector<16xi32>], vector<16xf32>,
      %add3A_441 = arith.constant 8 : i32
      %add3A_442 = vector.broadcast %add3A_441 : i32 to vector<16xi32>
      %add3A_443 = arith.addi %add3A_360, %add3A_442 : vector<16xi32>
      %gather3A_444 = tpu.vector_load_idx %arg6[%add3A_443] : memref<65536xf32, #tpu.memory_space<vmem>>[vector<16xi32>], vector<16xf32>,
      %mul3A_445 = arith.constant 256 : i32
      %mul3A_446 = vector.broadcast %mul3A_445 : i32 to vector<16xi32>
      %mul3A_447 = arith.muli %iota3A, %mul3A_446 : vector<16xi32>
      %add3A_448 = arith.constant 40 : i32
      %add3A_449 = vector.broadcast %add3A_448 : i32 to vector<16xi32>
      %add3A_450 = arith.addi %mul3A_447, %add3A_449 : vector<16xi32>
      tpu.vector_store_idx %arg7[%add3A_450], %gather3A_444 : memref<4096xf32, #tpu.memory_space<vmem>>[vector<16xi32>], vector<16xf32>,
      %add3A_451 = arith.constant 9 : i32
      %add3A_452 = vector.broadcast %add3A_451 : i32 to vector<16xi32>
      %add3A_453 = arith.addi %add3A_360, %add3A_452 : vector<16xi32>
      %gather3A_454 = tpu.vector_load_idx %arg6[%add3A_453] : memref<65536xf32, #tpu.memory_space<vmem>>[vector<16xi32>], vector<16xf32>,
      %mul3A_455 = arith.constant 256 : i32
      %mul3A_456 = vector.broadcast %mul3A_455 : i32 to vector<16xi32>
      %mul3A_457 = arith.muli %iota3A, %mul3A_456 : vector<16xi32>
      %add3A_458 = arith.constant 41 : i32
      %add3A_459 = vector.broadcast %add3A_458 : i32 to vector<16xi32>
      %add3A_460 = arith.addi %mul3A_457, %add3A_459 : vector<16xi32>
      tpu.vector_store_idx %arg7[%add3A_460], %gather3A_454 : memref<4096xf32, #tpu.memory_space<vmem>>[vector<16xi32>], vector<16xf32>,
      %add3A_461 = arith.constant 10 : i32
      %add3A_462 = vector.broadcast %add3A_461 : i32 to vector<16xi32>
      %add3A_463 = arith.addi %add3A_360, %add3A_462 : vector<16xi32>
      %gather3A_464 = tpu.vector_load_idx %arg6[%add3A_463] : memref<65536xf32, #tpu.memory_space<vmem>>[vector<16xi32>], vector<16xf32>,
      %mul3A_465 = arith.constant 256 : i32
      %mul3A_466 = vector.broadcast %mul3A_465 : i32 to vector<16xi32>
      %mul3A_467 = arith.muli %iota3A, %mul3A_466 : vector<16xi32>
      %add3A_468 = arith.constant 42 : i32
      %add3A_469 = vector.broadcast %add3A_468 : i32 to vector<16xi32>
      %add3A_470 = arith.addi %mul3A_467, %add3A_469 : vector<16xi32>
      tpu.vector_store_idx %arg7[%add3A_470], %gather3A_464 : memref<4096xf32, #tpu.memory_space<vmem>>[vector<16xi32>], vector<16xf32>,
      %add3A_471 = arith.constant 11 : i32
      %add3A_472 = vector.broadcast %add3A_471 : i32 to vector<16xi32>
      %add3A_473 = arith.addi %add3A_360, %add3A_472 : vector<16xi32>
      %gather3A_474 = tpu.vector_load_idx %arg6[%add3A_473] : memref<65536xf32, #tpu.memory_space<vmem>>[vector<16xi32>], vector<16xf32>,
      %mul3A_475 = arith.constant 256 : i32
      %mul3A_476 = vector.broadcast %mul3A_475 : i32 to vector<16xi32>
      %mul3A_477 = arith.muli %iota3A, %mul3A_476 : vector<16xi32>
      %add3A_478 = arith.constant 43 : i32
      %add3A_479 = vector.broadcast %add3A_478 : i32 to vector<16xi32>
      %add3A_480 = arith.addi %mul3A_477, %add3A_479 : vector<16xi32>
      tpu.vector_store_idx %arg7[%add3A_480], %gather3A_474 : memref<4096xf32, #tpu.memory_space<vmem>>[vector<16xi32>], vector<16xf32>,
      %add3A_481 = arith.constant 12 : i32
      %add3A_482 = vector.broadcast %add3A_481 : i32 to vector<16xi32>
      %add3A_483 = arith.addi %add3A_360, %add3A_482 : vector<16xi32>
      %gather3A_484 = tpu.vector_load_idx %arg6[%add3A_483] : memref<65536xf32, #tpu.memory_space<vmem>>[vector<16xi32>], vector<16xf32>,
      %mul3A_485 = arith.constant 256 : i32
      %mul3A_486 = vector.broadcast %mul3A_485 : i32 to vector<16xi32>
      %mul3A_487 = arith.muli %iota3A, %mul3A_486 : vector<16xi32>
      %add3A_488 = arith.constant 44 : i32
      %add3A_489 = vector.broadcast %add3A_488 : i32 to vector<16xi32>
      %add3A_490 = arith.addi %mul3A_487, %add3A_489 : vector<16xi32>
      tpu.vector_store_idx %arg7[%add3A_490], %gather3A_484 : memref<4096xf32, #tpu.memory_space<vmem>>[vector<16xi32>], vector<16xf32>,
      %add3A_491 = arith.constant 13 : i32
      %add3A_492 = vector.broadcast %add3A_491 : i32 to vector<16xi32>
      %add3A_493 = arith.addi %add3A_360, %add3A_492 : vector<16xi32>
      %gather3A_494 = tpu.vector_load_idx %arg6[%add3A_493] : memref<65536xf32, #tpu.memory_space<vmem>>[vector<16xi32>], vector<16xf32>,
      %mul3A_495 = arith.constant 256 : i32
      %mul3A_496 = vector.broadcast %mul3A_495 : i32 to vector<16xi32>
      %mul3A_497 = arith.muli %iota3A, %mul3A_496 : vector<16xi32>
      %add3A_498 = arith.constant 45 : i32
      %add3A_499 = vector.broadcast %add3A_498 : i32 to vector<16xi32>
      %add3A_500 = arith.addi %mul3A_497, %add3A_499 : vector<16xi32>
      tpu.vector_store_idx %arg7[%add3A_500], %gather3A_494 : memref<4096xf32, #tpu.memory_space<vmem>>[vector<16xi32>], vector<16xf32>,
      %add3A_501 = arith.constant 14 : i32
      %add3A_502 = vector.broadcast %add3A_501 : i32 to vector<16xi32>
      %add3A_503 = arith.addi %add3A_360, %add3A_502 : vector<16xi32>
      %gather3A_504 = tpu.vector_load_idx %arg6[%add3A_503] : memref<65536xf32, #tpu.memory_space<vmem>>[vector<16xi32>], vector<16xf32>,
      %mul3A_505 = arith.constant 256 : i32
      %mul3A_506 = vector.broadcast %mul3A_505 : i32 to vector<16xi32>
      %mul3A_507 = arith.muli %iota3A, %mul3A_506 : vector<16xi32>
      %add3A_508 = arith.constant 46 : i32
      %add3A_509 = vector.broadcast %add3A_508 : i32 to vector<16xi32>
      %add3A_510 = arith.addi %mul3A_507, %add3A_509 : vector<16xi32>
      tpu.vector_store_idx %arg7[%add3A_510], %gather3A_504 : memref<4096xf32, #tpu.memory_space<vmem>>[vector<16xi32>], vector<16xf32>,
      %add3A_511 = arith.constant 15 : i32
      %add3A_512 = vector.broadcast %add3A_511 : i32 to vector<16xi32>
      %add3A_513 = arith.addi %add3A_360, %add3A_512 : vector<16xi32>
      %gather3A_514 = tpu.vector_load_idx %arg6[%add3A_513] : memref<65536xf32, #tpu.memory_space<vmem>>[vector<16xi32>], vector<16xf32>,
      %mul3A_515 = arith.constant 256 : i32
      %mul3A_516 = vector.broadcast %mul3A_515 : i32 to vector<16xi32>
      %mul3A_517 = arith.muli %iota3A, %mul3A_516 : vector<16xi32>
      %add3A_518 = arith.constant 47 : i32
      %add3A_519 = vector.broadcast %add3A_518 : i32 to vector<16xi32>
      %add3A_520 = arith.addi %mul3A_517, %add3A_519 : vector<16xi32>
      tpu.vector_store_idx %arg7[%add3A_520], %gather3A_514 : memref<4096xf32, #tpu.memory_space<vmem>>[vector<16xi32>], vector<16xf32>,
      %add3A_521 = arith.constant 16 : i32
      %add3A_522 = vector.broadcast %add3A_521 : i32 to vector<16xi32>
      %add3A_523 = arith.addi %add3A_360, %add3A_522 : vector<16xi32>
      %gather3A_524 = tpu.vector_load_idx %arg6[%add3A_523] : memref<65536xf32, #tpu.memory_space<vmem>>[vector<16xi32>], vector<16xf32>,
      %mul3A_525 = arith.constant 256 : i32
      %mul3A_526 = vector.broadcast %mul3A_525 : i32 to vector<16xi32>
      %mul3A_527 = arith.muli %iota3A, %mul3A_526 : vector<16xi32>
      %add3A_528 = arith.constant 48 : i32
      %add3A_529 = vector.broadcast %add3A_528 : i32 to vector<16xi32>
      %add3A_530 = arith.addi %mul3A_527, %add3A_529 : vector<16xi32>
      tpu.vector_store_idx %arg7[%add3A_530], %gather3A_524 : memref<4096xf32, #tpu.memory_space<vmem>>[vector<16xi32>], vector<16xf32>,
      %add3A_531 = arith.constant 17 : i32
      %add3A_532 = vector.broadcast %add3A_531 : i32 to vector<16xi32>
      %add3A_533 = arith.addi %add3A_360, %add3A_532 : vector<16xi32>
      %gather3A_534 = tpu.vector_load_idx %arg6[%add3A_533] : memref<65536xf32, #tpu.memory_space<vmem>>[vector<16xi32>], vector<16xf32>,
      %mul3A_535 = arith.constant 256 : i32
      %mul3A_536 = vector.broadcast %mul3A_535 : i32 to vector<16xi32>
      %mul3A_537 = arith.muli %iota3A, %mul3A_536 : vector<16xi32>
      %add3A_538 = arith.constant 49 : i32
      %add3A_539 = vector.broadcast %add3A_538 : i32 to vector<16xi32>
      %add3A_540 = arith.addi %mul3A_537, %add3A_539 : vector<16xi32>
      tpu.vector_store_idx %arg7[%add3A_540], %gather3A_534 : memref<4096xf32, #tpu.memory_space<vmem>>[vector<16xi32>], vector<16xf32>,
      %add3A_541 = arith.constant 18 : i32
      %add3A_542 = vector.broadcast %add3A_541 : i32 to vector<16xi32>
      %add3A_543 = arith.addi %add3A_360, %add3A_542 : vector<16xi32>
      %gather3A_544 = tpu.vector_load_idx %arg6[%add3A_543] : memref<65536xf32, #tpu.memory_space<vmem>>[vector<16xi32>], vector<16xf32>,
      %mul3A_545 = arith.constant 256 : i32
      %mul3A_546 = vector.broadcast %mul3A_545 : i32 to vector<16xi32>
      %mul3A_547 = arith.muli %iota3A, %mul3A_546 : vector<16xi32>
      %add3A_548 = arith.constant 50 : i32
      %add3A_549 = vector.broadcast %add3A_548 : i32 to vector<16xi32>
      %add3A_550 = arith.addi %mul3A_547, %add3A_549 : vector<16xi32>
      tpu.vector_store_idx %arg7[%add3A_550], %gather3A_544 : memref<4096xf32, #tpu.memory_space<vmem>>[vector<16xi32>], vector<16xf32>,
      %add3A_551 = arith.constant 19 : i32
      %add3A_552 = vector.broadcast %add3A_551 : i32 to vector<16xi32>
      %add3A_553 = arith.addi %add3A_360, %add3A_552 : vector<16xi32>
      %gather3A_554 = tpu.vector_load_idx %arg6[%add3A_553] : memref<65536xf32, #tpu.memory_space<vmem>>[vector<16xi32>], vector<16xf32>,
      %mul3A_555 = arith.constant 256 : i32
      %mul3A_556 = vector.broadcast %mul3A_555 : i32 to vector<16xi32>
      %mul3A_557 = arith.muli %iota3A, %mul3A_556 : vector<16xi32>
      %add3A_558 = arith.constant 51 : i32
      %add3A_559 = vector.broadcast %add3A_558 : i32 to vector<16xi32>
      %add3A_560 = arith.addi %mul3A_557, %add3A_559 : vector<16xi32>
      tpu.vector_store_idx %arg7[%add3A_560], %gather3A_554 : memref<4096xf32, #tpu.memory_space<vmem>>[vector<16xi32>], vector<16xf32>,
      %add3A_561 = arith.constant 20 : i32
      %add3A_562 = vector.broadcast %add3A_561 : i32 to vector<16xi32>
      %add3A_563 = arith.addi %add3A_360, %add3A_562 : vector<16xi32>
      %gather3A_564 = tpu.vector_load_idx %arg6[%add3A_563] : memref<65536xf32, #tpu.memory_space<vmem>>[vector<16xi32>], vector<16xf32>,
      %mul3A_565 = arith.constant 256 : i32
      %mul3A_566 = vector.broadcast %mul3A_565 : i32 to vector<16xi32>
      %mul3A_567 = arith.muli %iota3A, %mul3A_566 : vector<16xi32>
      %add3A_568 = arith.constant 52 : i32
      %add3A_569 = vector.broadcast %add3A_568 : i32 to vector<16xi32>
      %add3A_570 = arith.addi %mul3A_567, %add3A_569 : vector<16xi32>
      tpu.vector_store_idx %arg7[%add3A_570], %gather3A_564 : memref<4096xf32, #tpu.memory_space<vmem>>[vector<16xi32>], vector<16xf32>,
      %add3A_571 = arith.constant 21 : i32
      %add3A_572 = vector.broadcast %add3A_571 : i32 to vector<16xi32>
      %add3A_573 = arith.addi %add3A_360, %add3A_572 : vector<16xi32>
      %gather3A_574 = tpu.vector_load_idx %arg6[%add3A_573] : memref<65536xf32, #tpu.memory_space<vmem>>[vector<16xi32>], vector<16xf32>,
      %mul3A_575 = arith.constant 256 : i32
      %mul3A_576 = vector.broadcast %mul3A_575 : i32 to vector<16xi32>
      %mul3A_577 = arith.muli %iota3A, %mul3A_576 : vector<16xi32>
      %add3A_578 = arith.constant 53 : i32
      %add3A_579 = vector.broadcast %add3A_578 : i32 to vector<16xi32>
      %add3A_580 = arith.addi %mul3A_577, %add3A_579 : vector<16xi32>
      tpu.vector_store_idx %arg7[%add3A_580], %gather3A_574 : memref<4096xf32, #tpu.memory_space<vmem>>[vector<16xi32>], vector<16xf32>,
      %add3A_581 = arith.constant 22 : i32
      %add3A_582 = vector.broadcast %add3A_581 : i32 to vector<16xi32>
      %add3A_583 = arith.addi %add3A_360, %add3A_582 : vector<16xi32>
      %gather3A_584 = tpu.vector_load_idx %arg6[%add3A_583] : memref<65536xf32, #tpu.memory_space<vmem>>[vector<16xi32>], vector<16xf32>,
      %mul3A_585 = arith.constant 256 : i32
      %mul3A_586 = vector.broadcast %mul3A_585 : i32 to vector<16xi32>
      %mul3A_587 = arith.muli %iota3A, %mul3A_586 : vector<16xi32>
      %add3A_588 = arith.constant 54 : i32
      %add3A_589 = vector.broadcast %add3A_588 : i32 to vector<16xi32>
      %add3A_590 = arith.addi %mul3A_587, %add3A_589 : vector<16xi32>
      tpu.vector_store_idx %arg7[%add3A_590], %gather3A_584 : memref<4096xf32, #tpu.memory_space<vmem>>[vector<16xi32>], vector<16xf32>,
      %add3A_591 = arith.constant 23 : i32
      %add3A_592 = vector.broadcast %add3A_591 : i32 to vector<16xi32>
      %add3A_593 = arith.addi %add3A_360, %add3A_592 : vector<16xi32>
      %gather3A_594 = tpu.vector_load_idx %arg6[%add3A_593] : memref<65536xf32, #tpu.memory_space<vmem>>[vector<16xi32>], vector<16xf32>,
      %mul3A_595 = arith.constant 256 : i32
      %mul3A_596 = vector.broadcast %mul3A_595 : i32 to vector<16xi32>
      %mul3A_597 = arith.muli %iota3A, %mul3A_596 : vector<16xi32>
      %add3A_598 = arith.constant 55 : i32
      %add3A_599 = vector.broadcast %add3A_598 : i32 to vector<16xi32>
      %add3A_600 = arith.addi %mul3A_597, %add3A_599 : vector<16xi32>
      tpu.vector_store_idx %arg7[%add3A_600], %gather3A_594 : memref<4096xf32, #tpu.memory_space<vmem>>[vector<16xi32>], vector<16xf32>,
      %add3A_601 = arith.constant 24 : i32
      %add3A_602 = vector.broadcast %add3A_601 : i32 to vector<16xi32>
      %add3A_603 = arith.addi %add3A_360, %add3A_602 : vector<16xi32>
      %gather3A_604 = tpu.vector_load_idx %arg6[%add3A_603] : memref<65536xf32, #tpu.memory_space<vmem>>[vector<16xi32>], vector<16xf32>,
      %mul3A_605 = arith.constant 256 : i32
      %mul3A_606 = vector.broadcast %mul3A_605 : i32 to vector<16xi32>
      %mul3A_607 = arith.muli %iota3A, %mul3A_606 : vector<16xi32>
      %add3A_608 = arith.constant 56 : i32
      %add3A_609 = vector.broadcast %add3A_608 : i32 to vector<16xi32>
      %add3A_610 = arith.addi %mul3A_607, %add3A_609 : vector<16xi32>
      tpu.vector_store_idx %arg7[%add3A_610], %gather3A_604 : memref<4096xf32, #tpu.memory_space<vmem>>[vector<16xi32>], vector<16xf32>,
      %add3A_611 = arith.constant 25 : i32
      %add3A_612 = vector.broadcast %add3A_611 : i32 to vector<16xi32>
      %add3A_613 = arith.addi %add3A_360, %add3A_612 : vector<16xi32>
      %gather3A_614 = tpu.vector_load_idx %arg6[%add3A_613] : memref<65536xf32, #tpu.memory_space<vmem>>[vector<16xi32>], vector<16xf32>,
      %mul3A_615 = arith.constant 256 : i32
      %mul3A_616 = vector.broadcast %mul3A_615 : i32 to vector<16xi32>
      %mul3A_617 = arith.muli %iota3A, %mul3A_616 : vector<16xi32>
      %add3A_618 = arith.constant 57 : i32
      %add3A_619 = vector.broadcast %add3A_618 : i32 to vector<16xi32>
      %add3A_620 = arith.addi %mul3A_617, %add3A_619 : vector<16xi32>
      tpu.vector_store_idx %arg7[%add3A_620], %gather3A_614 : memref<4096xf32, #tpu.memory_space<vmem>>[vector<16xi32>], vector<16xf32>,
      %add3A_621 = arith.constant 26 : i32
      %add3A_622 = vector.broadcast %add3A_621 : i32 to vector<16xi32>
      %add3A_623 = arith.addi %add3A_360, %add3A_622 : vector<16xi32>
      %gather3A_624 = tpu.vector_load_idx %arg6[%add3A_623] : memref<65536xf32, #tpu.memory_space<vmem>>[vector<16xi32>], vector<16xf32>,
      %mul3A_625 = arith.constant 256 : i32
      %mul3A_626 = vector.broadcast %mul3A_625 : i32 to vector<16xi32>
      %mul3A_627 = arith.muli %iota3A, %mul3A_626 : vector<16xi32>
      %add3A_628 = arith.constant 58 : i32
      %add3A_629 = vector.broadcast %add3A_628 : i32 to vector<16xi32>
      %add3A_630 = arith.addi %mul3A_627, %add3A_629 : vector<16xi32>
      tpu.vector_store_idx %arg7[%add3A_630], %gather3A_624 : memref<4096xf32, #tpu.memory_space<vmem>>[vector<16xi32>], vector<16xf32>,
      %add3A_631 = arith.constant 27 : i32
      %add3A_632 = vector.broadcast %add3A_631 : i32 to vector<16xi32>
      %add3A_633 = arith.addi %add3A_360, %add3A_632 : vector<16xi32>
      %gather3A_634 = tpu.vector_load_idx %arg6[%add3A_633] : memref<65536xf32, #tpu.memory_space<vmem>>[vector<16xi32>], vector<16xf32>,
      %mul3A_635 = arith.constant 256 : i32
      %mul3A_636 = vector.broadcast %mul3A_635 : i32 to vector<16xi32>
      %mul3A_637 = arith.muli %iota3A, %mul3A_636 : vector<16xi32>
      %add3A_638 = arith.constant 59 : i32
      %add3A_639 = vector.broadcast %add3A_638 : i32 to vector<16xi32>
      %add3A_640 = arith.addi %mul3A_637, %add3A_639 : vector<16xi32>
      tpu.vector_store_idx %arg7[%add3A_640], %gather3A_634 : memref<4096xf32, #tpu.memory_space<vmem>>[vector<16xi32>], vector<16xf32>,
      %add3A_641 = arith.constant 28 : i32
      %add3A_642 = vector.broadcast %add3A_641 : i32 to vector<16xi32>
      %add3A_643 = arith.addi %add3A_360, %add3A_642 : vector<16xi32>
      %gather3A_644 = tpu.vector_load_idx %arg6[%add3A_643] : memref<65536xf32, #tpu.memory_space<vmem>>[vector<16xi32>], vector<16xf32>,
      %mul3A_645 = arith.constant 256 : i32
      %mul3A_646 = vector.broadcast %mul3A_645 : i32 to vector<16xi32>
      %mul3A_647 = arith.muli %iota3A, %mul3A_646 : vector<16xi32>
      %add3A_648 = arith.constant 60 : i32
      %add3A_649 = vector.broadcast %add3A_648 : i32 to vector<16xi32>
      %add3A_650 = arith.addi %mul3A_647, %add3A_649 : vector<16xi32>
      tpu.vector_store_idx %arg7[%add3A_650], %gather3A_644 : memref<4096xf32, #tpu.memory_space<vmem>>[vector<16xi32>], vector<16xf32>,
      %add3A_651 = arith.constant 29 : i32
      %add3A_652 = vector.broadcast %add3A_651 : i32 to vector<16xi32>
      %add3A_653 = arith.addi %add3A_360, %add3A_652 : vector<16xi32>
      %gather3A_654 = tpu.vector_load_idx %arg6[%add3A_653] : memref<65536xf32, #tpu.memory_space<vmem>>[vector<16xi32>], vector<16xf32>,
      %mul3A_655 = arith.constant 256 : i32
      %mul3A_656 = vector.broadcast %mul3A_655 : i32 to vector<16xi32>
      %mul3A_657 = arith.muli %iota3A, %mul3A_656 : vector<16xi32>
      %add3A_658 = arith.constant 61 : i32
      %add3A_659 = vector.broadcast %add3A_658 : i32 to vector<16xi32>
      %add3A_660 = arith.addi %mul3A_657, %add3A_659 : vector<16xi32>
      tpu.vector_store_idx %arg7[%add3A_660], %gather3A_654 : memref<4096xf32, #tpu.memory_space<vmem>>[vector<16xi32>], vector<16xf32>,
      %add3A_661 = arith.constant 30 : i32
      %add3A_662 = vector.broadcast %add3A_661 : i32 to vector<16xi32>
      %add3A_663 = arith.addi %add3A_360, %add3A_662 : vector<16xi32>
      %gather3A_664 = tpu.vector_load_idx %arg6[%add3A_663] : memref<65536xf32, #tpu.memory_space<vmem>>[vector<16xi32>], vector<16xf32>,
      %mul3A_665 = arith.constant 256 : i32
      %mul3A_666 = vector.broadcast %mul3A_665 : i32 to vector<16xi32>
      %mul3A_667 = arith.muli %iota3A, %mul3A_666 : vector<16xi32>
      %add3A_668 = arith.constant 62 : i32
      %add3A_669 = vector.broadcast %add3A_668 : i32 to vector<16xi32>
      %add3A_670 = arith.addi %mul3A_667, %add3A_669 : vector<16xi32>
      tpu.vector_store_idx %arg7[%add3A_670], %gather3A_664 : memref<4096xf32, #tpu.memory_space<vmem>>[vector<16xi32>], vector<16xf32>,
      %add3A_671 = arith.constant 31 : i32
      %add3A_672 = vector.broadcast %add3A_671 : i32 to vector<16xi32>
      %add3A_673 = arith.addi %add3A_360, %add3A_672 : vector<16xi32>
      %gather3A_674 = tpu.vector_load_idx %arg6[%add3A_673] : memref<65536xf32, #tpu.memory_space<vmem>>[vector<16xi32>], vector<16xf32>,
      %mul3A_675 = arith.constant 256 : i32
      %mul3A_676 = vector.broadcast %mul3A_675 : i32 to vector<16xi32>
      %mul3A_677 = arith.muli %iota3A, %mul3A_676 : vector<16xi32>
      %add3A_678 = arith.constant 63 : i32
      %add3A_679 = vector.broadcast %add3A_678 : i32 to vector<16xi32>
      %add3A_680 = arith.addi %mul3A_677, %add3A_679 : vector<16xi32>
      tpu.vector_store_idx %arg7[%add3A_680], %gather3A_674 : memref<4096xf32, #tpu.memory_space<vmem>>[vector<16xi32>], vector<16xf32>,
      %mul3A_681 = arith.constant 8 : i32
      %mul3A_682 = vector.broadcast %mul3A_681 : i32 to vector<16xi32>
      %mul3A_683 = arith.muli %add3A_15, %mul3A_682 : vector<16xi32>
      %add3A_684 = arith.constant 2 : i32
      %add3A_685 = vector.broadcast %add3A_684 : i32 to vector<16xi32>
      %add3A_686 = arith.addi %mul3A_683, %add3A_685 : vector<16xi32>
      %gather3A_687 = tpu.vector_load_idx %arg5[%add3A_686] : memref<4608xi32, #tpu.memory_space<vmem>>[vector<16xi32>], vector<16xi32>,
      %mul3A_688 = arith.constant 32 : i32
      %mul3A_689 = vector.broadcast %mul3A_688 : i32 to vector<16xi32>
      %mul3A_690 = arith.muli %gather3A_687, %mul3A_689 : vector<16xi32>
      %add3A_691 = arith.constant 16384 : i32
      %add3A_692 = vector.broadcast %add3A_691 : i32 to vector<16xi32>
      %add3A_693 = arith.addi %mul3A_690, %add3A_692 : vector<16xi32>
      %add3A_694 = arith.constant 0 : i32
      %add3A_695 = vector.broadcast %add3A_694 : i32 to vector<16xi32>
      %add3A_696 = arith.addi %add3A_693, %add3A_695 : vector<16xi32>
      %gather3A_697 = tpu.vector_load_idx %arg6[%add3A_696] : memref<65536xf32, #tpu.memory_space<vmem>>[vector<16xi32>], vector<16xf32>,
      %mul3A_698 = arith.constant 256 : i32
      %mul3A_699 = vector.broadcast %mul3A_698 : i32 to vector<16xi32>
      %mul3A_700 = arith.muli %iota3A, %mul3A_699 : vector<16xi32>
      %add3A_701 = arith.constant 64 : i32
      %add3A_702 = vector.broadcast %add3A_701 : i32 to vector<16xi32>
      %add3A_703 = arith.addi %mul3A_700, %add3A_702 : vector<16xi32>
      tpu.vector_store_idx %arg7[%add3A_703], %gather3A_697 : memref<4096xf32, #tpu.memory_space<vmem>>[vector<16xi32>], vector<16xf32>,
      %add3A_704 = arith.constant 1 : i32
      %add3A_705 = vector.broadcast %add3A_704 : i32 to vector<16xi32>
      %add3A_706 = arith.addi %add3A_693, %add3A_705 : vector<16xi32>
      %gather3A_707 = tpu.vector_load_idx %arg6[%add3A_706] : memref<65536xf32, #tpu.memory_space<vmem>>[vector<16xi32>], vector<16xf32>,
      %mul3A_708 = arith.constant 256 : i32
      %mul3A_709 = vector.broadcast %mul3A_708 : i32 to vector<16xi32>
      %mul3A_710 = arith.muli %iota3A, %mul3A_709 : vector<16xi32>
      %add3A_711 = arith.constant 65 : i32
      %add3A_712 = vector.broadcast %add3A_711 : i32 to vector<16xi32>
      %add3A_713 = arith.addi %mul3A_710, %add3A_712 : vector<16xi32>
      tpu.vector_store_idx %arg7[%add3A_713], %gather3A_707 : memref<4096xf32, #tpu.memory_space<vmem>>[vector<16xi32>], vector<16xf32>,
      %add3A_714 = arith.constant 2 : i32
      %add3A_715 = vector.broadcast %add3A_714 : i32 to vector<16xi32>
      %add3A_716 = arith.addi %add3A_693, %add3A_715 : vector<16xi32>
      %gather3A_717 = tpu.vector_load_idx %arg6[%add3A_716] : memref<65536xf32, #tpu.memory_space<vmem>>[vector<16xi32>], vector<16xf32>,
      %mul3A_718 = arith.constant 256 : i32
      %mul3A_719 = vector.broadcast %mul3A_718 : i32 to vector<16xi32>
      %mul3A_720 = arith.muli %iota3A, %mul3A_719 : vector<16xi32>
      %add3A_721 = arith.constant 66 : i32
      %add3A_722 = vector.broadcast %add3A_721 : i32 to vector<16xi32>
      %add3A_723 = arith.addi %mul3A_720, %add3A_722 : vector<16xi32>
      tpu.vector_store_idx %arg7[%add3A_723], %gather3A_717 : memref<4096xf32, #tpu.memory_space<vmem>>[vector<16xi32>], vector<16xf32>,
      %add3A_724 = arith.constant 3 : i32
      %add3A_725 = vector.broadcast %add3A_724 : i32 to vector<16xi32>
      %add3A_726 = arith.addi %add3A_693, %add3A_725 : vector<16xi32>
      %gather3A_727 = tpu.vector_load_idx %arg6[%add3A_726] : memref<65536xf32, #tpu.memory_space<vmem>>[vector<16xi32>], vector<16xf32>,
      %mul3A_728 = arith.constant 256 : i32
      %mul3A_729 = vector.broadcast %mul3A_728 : i32 to vector<16xi32>
      %mul3A_730 = arith.muli %iota3A, %mul3A_729 : vector<16xi32>
      %add3A_731 = arith.constant 67 : i32
      %add3A_732 = vector.broadcast %add3A_731 : i32 to vector<16xi32>
      %add3A_733 = arith.addi %mul3A_730, %add3A_732 : vector<16xi32>
      tpu.vector_store_idx %arg7[%add3A_733], %gather3A_727 : memref<4096xf32, #tpu.memory_space<vmem>>[vector<16xi32>], vector<16xf32>,
      %add3A_734 = arith.constant 4 : i32
      %add3A_735 = vector.broadcast %add3A_734 : i32 to vector<16xi32>
      %add3A_736 = arith.addi %add3A_693, %add3A_735 : vector<16xi32>
      %gather3A_737 = tpu.vector_load_idx %arg6[%add3A_736] : memref<65536xf32, #tpu.memory_space<vmem>>[vector<16xi32>], vector<16xf32>,
      %mul3A_738 = arith.constant 256 : i32
      %mul3A_739 = vector.broadcast %mul3A_738 : i32 to vector<16xi32>
      %mul3A_740 = arith.muli %iota3A, %mul3A_739 : vector<16xi32>
      %add3A_741 = arith.constant 68 : i32
      %add3A_742 = vector.broadcast %add3A_741 : i32 to vector<16xi32>
      %add3A_743 = arith.addi %mul3A_740, %add3A_742 : vector<16xi32>
      tpu.vector_store_idx %arg7[%add3A_743], %gather3A_737 : memref<4096xf32, #tpu.memory_space<vmem>>[vector<16xi32>], vector<16xf32>,
      %add3A_744 = arith.constant 5 : i32
      %add3A_745 = vector.broadcast %add3A_744 : i32 to vector<16xi32>
      %add3A_746 = arith.addi %add3A_693, %add3A_745 : vector<16xi32>
      %gather3A_747 = tpu.vector_load_idx %arg6[%add3A_746] : memref<65536xf32, #tpu.memory_space<vmem>>[vector<16xi32>], vector<16xf32>,
      %mul3A_748 = arith.constant 256 : i32
      %mul3A_749 = vector.broadcast %mul3A_748 : i32 to vector<16xi32>
      %mul3A_750 = arith.muli %iota3A, %mul3A_749 : vector<16xi32>
      %add3A_751 = arith.constant 69 : i32
      %add3A_752 = vector.broadcast %add3A_751 : i32 to vector<16xi32>
      %add3A_753 = arith.addi %mul3A_750, %add3A_752 : vector<16xi32>
      tpu.vector_store_idx %arg7[%add3A_753], %gather3A_747 : memref<4096xf32, #tpu.memory_space<vmem>>[vector<16xi32>], vector<16xf32>,
      %add3A_754 = arith.constant 6 : i32
      %add3A_755 = vector.broadcast %add3A_754 : i32 to vector<16xi32>
      %add3A_756 = arith.addi %add3A_693, %add3A_755 : vector<16xi32>
      %gather3A_757 = tpu.vector_load_idx %arg6[%add3A_756] : memref<65536xf32, #tpu.memory_space<vmem>>[vector<16xi32>], vector<16xf32>,
      %mul3A_758 = arith.constant 256 : i32
      %mul3A_759 = vector.broadcast %mul3A_758 : i32 to vector<16xi32>
      %mul3A_760 = arith.muli %iota3A, %mul3A_759 : vector<16xi32>
      %add3A_761 = arith.constant 70 : i32
      %add3A_762 = vector.broadcast %add3A_761 : i32 to vector<16xi32>
      %add3A_763 = arith.addi %mul3A_760, %add3A_762 : vector<16xi32>
      tpu.vector_store_idx %arg7[%add3A_763], %gather3A_757 : memref<4096xf32, #tpu.memory_space<vmem>>[vector<16xi32>], vector<16xf32>,
      %add3A_764 = arith.constant 7 : i32
      %add3A_765 = vector.broadcast %add3A_764 : i32 to vector<16xi32>
      %add3A_766 = arith.addi %add3A_693, %add3A_765 : vector<16xi32>
      %gather3A_767 = tpu.vector_load_idx %arg6[%add3A_766] : memref<65536xf32, #tpu.memory_space<vmem>>[vector<16xi32>], vector<16xf32>,
      %mul3A_768 = arith.constant 256 : i32
      %mul3A_769 = vector.broadcast %mul3A_768 : i32 to vector<16xi32>
      %mul3A_770 = arith.muli %iota3A, %mul3A_769 : vector<16xi32>
      %add3A_771 = arith.constant 71 : i32
      %add3A_772 = vector.broadcast %add3A_771 : i32 to vector<16xi32>
      %add3A_773 = arith.addi %mul3A_770, %add3A_772 : vector<16xi32>
      tpu.vector_store_idx %arg7[%add3A_773], %gather3A_767 : memref<4096xf32, #tpu.memory_space<vmem>>[vector<16xi32>], vector<16xf32>,
      %add3A_774 = arith.constant 8 : i32
      %add3A_775 = vector.broadcast %add3A_774 : i32 to vector<16xi32>
      %add3A_776 = arith.addi %add3A_693, %add3A_775 : vector<16xi32>
      %gather3A_777 = tpu.vector_load_idx %arg6[%add3A_776] : memref<65536xf32, #tpu.memory_space<vmem>>[vector<16xi32>], vector<16xf32>,
      %mul3A_778 = arith.constant 256 : i32
      %mul3A_779 = vector.broadcast %mul3A_778 : i32 to vector<16xi32>
      %mul3A_780 = arith.muli %iota3A, %mul3A_779 : vector<16xi32>
      %add3A_781 = arith.constant 72 : i32
      %add3A_782 = vector.broadcast %add3A_781 : i32 to vector<16xi32>
      %add3A_783 = arith.addi %mul3A_780, %add3A_782 : vector<16xi32>
      tpu.vector_store_idx %arg7[%add3A_783], %gather3A_777 : memref<4096xf32, #tpu.memory_space<vmem>>[vector<16xi32>], vector<16xf32>,
      %add3A_784 = arith.constant 9 : i32
      %add3A_785 = vector.broadcast %add3A_784 : i32 to vector<16xi32>
      %add3A_786 = arith.addi %add3A_693, %add3A_785 : vector<16xi32>
      %gather3A_787 = tpu.vector_load_idx %arg6[%add3A_786] : memref<65536xf32, #tpu.memory_space<vmem>>[vector<16xi32>], vector<16xf32>,
      %mul3A_788 = arith.constant 256 : i32
      %mul3A_789 = vector.broadcast %mul3A_788 : i32 to vector<16xi32>
      %mul3A_790 = arith.muli %iota3A, %mul3A_789 : vector<16xi32>
      %add3A_791 = arith.constant 73 : i32
      %add3A_792 = vector.broadcast %add3A_791 : i32 to vector<16xi32>
      %add3A_793 = arith.addi %mul3A_790, %add3A_792 : vector<16xi32>
      tpu.vector_store_idx %arg7[%add3A_793], %gather3A_787 : memref<4096xf32, #tpu.memory_space<vmem>>[vector<16xi32>], vector<16xf32>,
      %add3A_794 = arith.constant 10 : i32
      %add3A_795 = vector.broadcast %add3A_794 : i32 to vector<16xi32>
      %add3A_796 = arith.addi %add3A_693, %add3A_795 : vector<16xi32>
      %gather3A_797 = tpu.vector_load_idx %arg6[%add3A_796] : memref<65536xf32, #tpu.memory_space<vmem>>[vector<16xi32>], vector<16xf32>,
      %mul3A_798 = arith.constant 256 : i32
      %mul3A_799 = vector.broadcast %mul3A_798 : i32 to vector<16xi32>
      %mul3A_800 = arith.muli %iota3A, %mul3A_799 : vector<16xi32>
      %add3A_801 = arith.constant 74 : i32
      %add3A_802 = vector.broadcast %add3A_801 : i32 to vector<16xi32>
      %add3A_803 = arith.addi %mul3A_800, %add3A_802 : vector<16xi32>
      tpu.vector_store_idx %arg7[%add3A_803], %gather3A_797 : memref<4096xf32, #tpu.memory_space<vmem>>[vector<16xi32>], vector<16xf32>,
      %add3A_804 = arith.constant 11 : i32
      %add3A_805 = vector.broadcast %add3A_804 : i32 to vector<16xi32>
      %add3A_806 = arith.addi %add3A_693, %add3A_805 : vector<16xi32>
      %gather3A_807 = tpu.vector_load_idx %arg6[%add3A_806] : memref<65536xf32, #tpu.memory_space<vmem>>[vector<16xi32>], vector<16xf32>,
      %mul3A_808 = arith.constant 256 : i32
      %mul3A_809 = vector.broadcast %mul3A_808 : i32 to vector<16xi32>
      %mul3A_810 = arith.muli %iota3A, %mul3A_809 : vector<16xi32>
      %add3A_811 = arith.constant 75 : i32
      %add3A_812 = vector.broadcast %add3A_811 : i32 to vector<16xi32>
      %add3A_813 = arith.addi %mul3A_810, %add3A_812 : vector<16xi32>
      tpu.vector_store_idx %arg7[%add3A_813], %gather3A_807 : memref<4096xf32, #tpu.memory_space<vmem>>[vector<16xi32>], vector<16xf32>,
      %add3A_814 = arith.constant 12 : i32
      %add3A_815 = vector.broadcast %add3A_814 : i32 to vector<16xi32>
      %add3A_816 = arith.addi %add3A_693, %add3A_815 : vector<16xi32>
      %gather3A_817 = tpu.vector_load_idx %arg6[%add3A_816] : memref<65536xf32, #tpu.memory_space<vmem>>[vector<16xi32>], vector<16xf32>,
      %mul3A_818 = arith.constant 256 : i32
      %mul3A_819 = vector.broadcast %mul3A_818 : i32 to vector<16xi32>
      %mul3A_820 = arith.muli %iota3A, %mul3A_819 : vector<16xi32>
      %add3A_821 = arith.constant 76 : i32
      %add3A_822 = vector.broadcast %add3A_821 : i32 to vector<16xi32>
      %add3A_823 = arith.addi %mul3A_820, %add3A_822 : vector<16xi32>
      tpu.vector_store_idx %arg7[%add3A_823], %gather3A_817 : memref<4096xf32, #tpu.memory_space<vmem>>[vector<16xi32>], vector<16xf32>,
      %add3A_824 = arith.constant 13 : i32
      %add3A_825 = vector.broadcast %add3A_824 : i32 to vector<16xi32>
      %add3A_826 = arith.addi %add3A_693, %add3A_825 : vector<16xi32>
      %gather3A_827 = tpu.vector_load_idx %arg6[%add3A_826] : memref<65536xf32, #tpu.memory_space<vmem>>[vector<16xi32>], vector<16xf32>,
      %mul3A_828 = arith.constant 256 : i32
      %mul3A_829 = vector.broadcast %mul3A_828 : i32 to vector<16xi32>
      %mul3A_830 = arith.muli %iota3A, %mul3A_829 : vector<16xi32>
      %add3A_831 = arith.constant 77 : i32
      %add3A_832 = vector.broadcast %add3A_831 : i32 to vector<16xi32>
      %add3A_833 = arith.addi %mul3A_830, %add3A_832 : vector<16xi32>
      tpu.vector_store_idx %arg7[%add3A_833], %gather3A_827 : memref<4096xf32, #tpu.memory_space<vmem>>[vector<16xi32>], vector<16xf32>,
      %add3A_834 = arith.constant 14 : i32
      %add3A_835 = vector.broadcast %add3A_834 : i32 to vector<16xi32>
      %add3A_836 = arith.addi %add3A_693, %add3A_835 : vector<16xi32>
      %gather3A_837 = tpu.vector_load_idx %arg6[%add3A_836] : memref<65536xf32, #tpu.memory_space<vmem>>[vector<16xi32>], vector<16xf32>,
      %mul3A_838 = arith.constant 256 : i32
      %mul3A_839 = vector.broadcast %mul3A_838 : i32 to vector<16xi32>
      %mul3A_840 = arith.muli %iota3A, %mul3A_839 : vector<16xi32>
      %add3A_841 = arith.constant 78 : i32
      %add3A_842 = vector.broadcast %add3A_841 : i32 to vector<16xi32>
      %add3A_843 = arith.addi %mul3A_840, %add3A_842 : vector<16xi32>
      tpu.vector_store_idx %arg7[%add3A_843], %gather3A_837 : memref<4096xf32, #tpu.memory_space<vmem>>[vector<16xi32>], vector<16xf32>,
      %add3A_844 = arith.constant 15 : i32
      %add3A_845 = vector.broadcast %add3A_844 : i32 to vector<16xi32>
      %add3A_846 = arith.addi %add3A_693, %add3A_845 : vector<16xi32>
      %gather3A_847 = tpu.vector_load_idx %arg6[%add3A_846] : memref<65536xf32, #tpu.memory_space<vmem>>[vector<16xi32>], vector<16xf32>,
      %mul3A_848 = arith.constant 256 : i32
      %mul3A_849 = vector.broadcast %mul3A_848 : i32 to vector<16xi32>
      %mul3A_850 = arith.muli %iota3A, %mul3A_849 : vector<16xi32>
      %add3A_851 = arith.constant 79 : i32
      %add3A_852 = vector.broadcast %add3A_851 : i32 to vector<16xi32>
      %add3A_853 = arith.addi %mul3A_850, %add3A_852 : vector<16xi32>
      tpu.vector_store_idx %arg7[%add3A_853], %gather3A_847 : memref<4096xf32, #tpu.memory_space<vmem>>[vector<16xi32>], vector<16xf32>,
      %add3A_854 = arith.constant 16 : i32
      %add3A_855 = vector.broadcast %add3A_854 : i32 to vector<16xi32>
      %add3A_856 = arith.addi %add3A_693, %add3A_855 : vector<16xi32>
      %gather3A_857 = tpu.vector_load_idx %arg6[%add3A_856] : memref<65536xf32, #tpu.memory_space<vmem>>[vector<16xi32>], vector<16xf32>,
      %mul3A_858 = arith.constant 256 : i32
      %mul3A_859 = vector.broadcast %mul3A_858 : i32 to vector<16xi32>
      %mul3A_860 = arith.muli %iota3A, %mul3A_859 : vector<16xi32>
      %add3A_861 = arith.constant 80 : i32
      %add3A_862 = vector.broadcast %add3A_861 : i32 to vector<16xi32>
      %add3A_863 = arith.addi %mul3A_860, %add3A_862 : vector<16xi32>
      tpu.vector_store_idx %arg7[%add3A_863], %gather3A_857 : memref<4096xf32, #tpu.memory_space<vmem>>[vector<16xi32>], vector<16xf32>,
      %add3A_864 = arith.constant 17 : i32
      %add3A_865 = vector.broadcast %add3A_864 : i32 to vector<16xi32>
      %add3A_866 = arith.addi %add3A_693, %add3A_865 : vector<16xi32>
      %gather3A_867 = tpu.vector_load_idx %arg6[%add3A_866] : memref<65536xf32, #tpu.memory_space<vmem>>[vector<16xi32>], vector<16xf32>,
      %mul3A_868 = arith.constant 256 : i32
      %mul3A_869 = vector.broadcast %mul3A_868 : i32 to vector<16xi32>
      %mul3A_870 = arith.muli %iota3A, %mul3A_869 : vector<16xi32>
      %add3A_871 = arith.constant 81 : i32
      %add3A_872 = vector.broadcast %add3A_871 : i32 to vector<16xi32>
      %add3A_873 = arith.addi %mul3A_870, %add3A_872 : vector<16xi32>
      tpu.vector_store_idx %arg7[%add3A_873], %gather3A_867 : memref<4096xf32, #tpu.memory_space<vmem>>[vector<16xi32>], vector<16xf32>,
      %add3A_874 = arith.constant 18 : i32
      %add3A_875 = vector.broadcast %add3A_874 : i32 to vector<16xi32>
      %add3A_876 = arith.addi %add3A_693, %add3A_875 : vector<16xi32>
      %gather3A_877 = tpu.vector_load_idx %arg6[%add3A_876] : memref<65536xf32, #tpu.memory_space<vmem>>[vector<16xi32>], vector<16xf32>,
      %mul3A_878 = arith.constant 256 : i32
      %mul3A_879 = vector.broadcast %mul3A_878 : i32 to vector<16xi32>
      %mul3A_880 = arith.muli %iota3A, %mul3A_879 : vector<16xi32>
      %add3A_881 = arith.constant 82 : i32
      %add3A_882 = vector.broadcast %add3A_881 : i32 to vector<16xi32>
      %add3A_883 = arith.addi %mul3A_880, %add3A_882 : vector<16xi32>
      tpu.vector_store_idx %arg7[%add3A_883], %gather3A_877 : memref<4096xf32, #tpu.memory_space<vmem>>[vector<16xi32>], vector<16xf32>,
      %add3A_884 = arith.constant 19 : i32
      %add3A_885 = vector.broadcast %add3A_884 : i32 to vector<16xi32>
      %add3A_886 = arith.addi %add3A_693, %add3A_885 : vector<16xi32>
      %gather3A_887 = tpu.vector_load_idx %arg6[%add3A_886] : memref<65536xf32, #tpu.memory_space<vmem>>[vector<16xi32>], vector<16xf32>,
      %mul3A_888 = arith.constant 256 : i32
      %mul3A_889 = vector.broadcast %mul3A_888 : i32 to vector<16xi32>
      %mul3A_890 = arith.muli %iota3A, %mul3A_889 : vector<16xi32>
      %add3A_891 = arith.constant 83 : i32
      %add3A_892 = vector.broadcast %add3A_891 : i32 to vector<16xi32>
      %add3A_893 = arith.addi %mul3A_890, %add3A_892 : vector<16xi32>
      tpu.vector_store_idx %arg7[%add3A_893], %gather3A_887 : memref<4096xf32, #tpu.memory_space<vmem>>[vector<16xi32>], vector<16xf32>,
      %add3A_894 = arith.constant 20 : i32
      %add3A_895 = vector.broadcast %add3A_894 : i32 to vector<16xi32>
      %add3A_896 = arith.addi %add3A_693, %add3A_895 : vector<16xi32>
      %gather3A_897 = tpu.vector_load_idx %arg6[%add3A_896] : memref<65536xf32, #tpu.memory_space<vmem>>[vector<16xi32>], vector<16xf32>,
      %mul3A_898 = arith.constant 256 : i32
      %mul3A_899 = vector.broadcast %mul3A_898 : i32 to vector<16xi32>
      %mul3A_900 = arith.muli %iota3A, %mul3A_899 : vector<16xi32>
      %add3A_901 = arith.constant 84 : i32
      %add3A_902 = vector.broadcast %add3A_901 : i32 to vector<16xi32>
      %add3A_903 = arith.addi %mul3A_900, %add3A_902 : vector<16xi32>
      tpu.vector_store_idx %arg7[%add3A_903], %gather3A_897 : memref<4096xf32, #tpu.memory_space<vmem>>[vector<16xi32>], vector<16xf32>,
      %add3A_904 = arith.constant 21 : i32
      %add3A_905 = vector.broadcast %add3A_904 : i32 to vector<16xi32>
      %add3A_906 = arith.addi %add3A_693, %add3A_905 : vector<16xi32>
      %gather3A_907 = tpu.vector_load_idx %arg6[%add3A_906] : memref<65536xf32, #tpu.memory_space<vmem>>[vector<16xi32>], vector<16xf32>,
      %mul3A_908 = arith.constant 256 : i32
      %mul3A_909 = vector.broadcast %mul3A_908 : i32 to vector<16xi32>
      %mul3A_910 = arith.muli %iota3A, %mul3A_909 : vector<16xi32>
      %add3A_911 = arith.constant 85 : i32
      %add3A_912 = vector.broadcast %add3A_911 : i32 to vector<16xi32>
      %add3A_913 = arith.addi %mul3A_910, %add3A_912 : vector<16xi32>
      tpu.vector_store_idx %arg7[%add3A_913], %gather3A_907 : memref<4096xf32, #tpu.memory_space<vmem>>[vector<16xi32>], vector<16xf32>,
      %add3A_914 = arith.constant 22 : i32
      %add3A_915 = vector.broadcast %add3A_914 : i32 to vector<16xi32>
      %add3A_916 = arith.addi %add3A_693, %add3A_915 : vector<16xi32>
      %gather3A_917 = tpu.vector_load_idx %arg6[%add3A_916] : memref<65536xf32, #tpu.memory_space<vmem>>[vector<16xi32>], vector<16xf32>,
      %mul3A_918 = arith.constant 256 : i32
      %mul3A_919 = vector.broadcast %mul3A_918 : i32 to vector<16xi32>
      %mul3A_920 = arith.muli %iota3A, %mul3A_919 : vector<16xi32>
      %add3A_921 = arith.constant 86 : i32
      %add3A_922 = vector.broadcast %add3A_921 : i32 to vector<16xi32>
      %add3A_923 = arith.addi %mul3A_920, %add3A_922 : vector<16xi32>
      tpu.vector_store_idx %arg7[%add3A_923], %gather3A_917 : memref<4096xf32, #tpu.memory_space<vmem>>[vector<16xi32>], vector<16xf32>,
      %add3A_924 = arith.constant 23 : i32
      %add3A_925 = vector.broadcast %add3A_924 : i32 to vector<16xi32>
      %add3A_926 = arith.addi %add3A_693, %add3A_925 : vector<16xi32>
      %gather3A_927 = tpu.vector_load_idx %arg6[%add3A_926] : memref<65536xf32, #tpu.memory_space<vmem>>[vector<16xi32>], vector<16xf32>,
      %mul3A_928 = arith.constant 256 : i32
      %mul3A_929 = vector.broadcast %mul3A_928 : i32 to vector<16xi32>
      %mul3A_930 = arith.muli %iota3A, %mul3A_929 : vector<16xi32>
      %add3A_931 = arith.constant 87 : i32
      %add3A_932 = vector.broadcast %add3A_931 : i32 to vector<16xi32>
      %add3A_933 = arith.addi %mul3A_930, %add3A_932 : vector<16xi32>
      tpu.vector_store_idx %arg7[%add3A_933], %gather3A_927 : memref<4096xf32, #tpu.memory_space<vmem>>[vector<16xi32>], vector<16xf32>,
      %add3A_934 = arith.constant 24 : i32
      %add3A_935 = vector.broadcast %add3A_934 : i32 to vector<16xi32>
      %add3A_936 = arith.addi %add3A_693, %add3A_935 : vector<16xi32>
      %gather3A_937 = tpu.vector_load_idx %arg6[%add3A_936] : memref<65536xf32, #tpu.memory_space<vmem>>[vector<16xi32>], vector<16xf32>,
      %mul3A_938 = arith.constant 256 : i32
      %mul3A_939 = vector.broadcast %mul3A_938 : i32 to vector<16xi32>
      %mul3A_940 = arith.muli %iota3A, %mul3A_939 : vector<16xi32>
      %add3A_941 = arith.constant 88 : i32
      %add3A_942 = vector.broadcast %add3A_941 : i32 to vector<16xi32>
      %add3A_943 = arith.addi %mul3A_940, %add3A_942 : vector<16xi32>
      tpu.vector_store_idx %arg7[%add3A_943], %gather3A_937 : memref<4096xf32, #tpu.memory_space<vmem>>[vector<16xi32>], vector<16xf32>,
      %add3A_944 = arith.constant 25 : i32
      %add3A_945 = vector.broadcast %add3A_944 : i32 to vector<16xi32>
      %add3A_946 = arith.addi %add3A_693, %add3A_945 : vector<16xi32>
      %gather3A_947 = tpu.vector_load_idx %arg6[%add3A_946] : memref<65536xf32, #tpu.memory_space<vmem>>[vector<16xi32>], vector<16xf32>,
      %mul3A_948 = arith.constant 256 : i32
      %mul3A_949 = vector.broadcast %mul3A_948 : i32 to vector<16xi32>
      %mul3A_950 = arith.muli %iota3A, %mul3A_949 : vector<16xi32>
      %add3A_951 = arith.constant 89 : i32
      %add3A_952 = vector.broadcast %add3A_951 : i32 to vector<16xi32>
      %add3A_953 = arith.addi %mul3A_950, %add3A_952 : vector<16xi32>
      tpu.vector_store_idx %arg7[%add3A_953], %gather3A_947 : memref<4096xf32, #tpu.memory_space<vmem>>[vector<16xi32>], vector<16xf32>,
      %add3A_954 = arith.constant 26 : i32
      %add3A_955 = vector.broadcast %add3A_954 : i32 to vector<16xi32>
      %add3A_956 = arith.addi %add3A_693, %add3A_955 : vector<16xi32>
      %gather3A_957 = tpu.vector_load_idx %arg6[%add3A_956] : memref<65536xf32, #tpu.memory_space<vmem>>[vector<16xi32>], vector<16xf32>,
      %mul3A_958 = arith.constant 256 : i32
      %mul3A_959 = vector.broadcast %mul3A_958 : i32 to vector<16xi32>
      %mul3A_960 = arith.muli %iota3A, %mul3A_959 : vector<16xi32>
      %add3A_961 = arith.constant 90 : i32
      %add3A_962 = vector.broadcast %add3A_961 : i32 to vector<16xi32>
      %add3A_963 = arith.addi %mul3A_960, %add3A_962 : vector<16xi32>
      tpu.vector_store_idx %arg7[%add3A_963], %gather3A_957 : memref<4096xf32, #tpu.memory_space<vmem>>[vector<16xi32>], vector<16xf32>,
      %add3A_964 = arith.constant 27 : i32
      %add3A_965 = vector.broadcast %add3A_964 : i32 to vector<16xi32>
      %add3A_966 = arith.addi %add3A_693, %add3A_965 : vector<16xi32>
      %gather3A_967 = tpu.vector_load_idx %arg6[%add3A_966] : memref<65536xf32, #tpu.memory_space<vmem>>[vector<16xi32>], vector<16xf32>,
      %mul3A_968 = arith.constant 256 : i32
      %mul3A_969 = vector.broadcast %mul3A_968 : i32 to vector<16xi32>
      %mul3A_970 = arith.muli %iota3A, %mul3A_969 : vector<16xi32>
      %add3A_971 = arith.constant 91 : i32
      %add3A_972 = vector.broadcast %add3A_971 : i32 to vector<16xi32>
      %add3A_973 = arith.addi %mul3A_970, %add3A_972 : vector<16xi32>
      tpu.vector_store_idx %arg7[%add3A_973], %gather3A_967 : memref<4096xf32, #tpu.memory_space<vmem>>[vector<16xi32>], vector<16xf32>,
      %add3A_974 = arith.constant 28 : i32
      %add3A_975 = vector.broadcast %add3A_974 : i32 to vector<16xi32>
      %add3A_976 = arith.addi %add3A_693, %add3A_975 : vector<16xi32>
      %gather3A_977 = tpu.vector_load_idx %arg6[%add3A_976] : memref<65536xf32, #tpu.memory_space<vmem>>[vector<16xi32>], vector<16xf32>,
      %mul3A_978 = arith.constant 256 : i32
      %mul3A_979 = vector.broadcast %mul3A_978 : i32 to vector<16xi32>
      %mul3A_980 = arith.muli %iota3A, %mul3A_979 : vector<16xi32>
      %add3A_981 = arith.constant 92 : i32
      %add3A_982 = vector.broadcast %add3A_981 : i32 to vector<16xi32>
      %add3A_983 = arith.addi %mul3A_980, %add3A_982 : vector<16xi32>
      tpu.vector_store_idx %arg7[%add3A_983], %gather3A_977 : memref<4096xf32, #tpu.memory_space<vmem>>[vector<16xi32>], vector<16xf32>,
      %add3A_984 = arith.constant 29 : i32
      %add3A_985 = vector.broadcast %add3A_984 : i32 to vector<16xi32>
      %add3A_986 = arith.addi %add3A_693, %add3A_985 : vector<16xi32>
      %gather3A_987 = tpu.vector_load_idx %arg6[%add3A_986] : memref<65536xf32, #tpu.memory_space<vmem>>[vector<16xi32>], vector<16xf32>,
      %mul3A_988 = arith.constant 256 : i32
      %mul3A_989 = vector.broadcast %mul3A_988 : i32 to vector<16xi32>
      %mul3A_990 = arith.muli %iota3A, %mul3A_989 : vector<16xi32>
      %add3A_991 = arith.constant 93 : i32
      %add3A_992 = vector.broadcast %add3A_991 : i32 to vector<16xi32>
      %add3A_993 = arith.addi %mul3A_990, %add3A_992 : vector<16xi32>
      tpu.vector_store_idx %arg7[%add3A_993], %gather3A_987 : memref<4096xf32, #tpu.memory_space<vmem>>[vector<16xi32>], vector<16xf32>,
      %add3A_994 = arith.constant 30 : i32
      %add3A_995 = vector.broadcast %add3A_994 : i32 to vector<16xi32>
      %add3A_996 = arith.addi %add3A_693, %add3A_995 : vector<16xi32>
      %gather3A_997 = tpu.vector_load_idx %arg6[%add3A_996] : memref<65536xf32, #tpu.memory_space<vmem>>[vector<16xi32>], vector<16xf32>,
      %mul3A_998 = arith.constant 256 : i32
      %mul3A_999 = vector.broadcast %mul3A_998 : i32 to vector<16xi32>
      %mul3A_1000 = arith.muli %iota3A, %mul3A_999 : vector<16xi32>
      %add3A_1001 = arith.constant 94 : i32
      %add3A_1002 = vector.broadcast %add3A_1001 : i32 to vector<16xi32>
      %add3A_1003 = arith.addi %mul3A_1000, %add3A_1002 : vector<16xi32>
      tpu.vector_store_idx %arg7[%add3A_1003], %gather3A_997 : memref<4096xf32, #tpu.memory_space<vmem>>[vector<16xi32>], vector<16xf32>,
      %add3A_1004 = arith.constant 31 : i32
      %add3A_1005 = vector.broadcast %add3A_1004 : i32 to vector<16xi32>
      %add3A_1006 = arith.addi %add3A_693, %add3A_1005 : vector<16xi32>
      %gather3A_1007 = tpu.vector_load_idx %arg6[%add3A_1006] : memref<65536xf32, #tpu.memory_space<vmem>>[vector<16xi32>], vector<16xf32>,
      %mul3A_1008 = arith.constant 256 : i32
      %mul3A_1009 = vector.broadcast %mul3A_1008 : i32 to vector<16xi32>
      %mul3A_1010 = arith.muli %iota3A, %mul3A_1009 : vector<16xi32>
      %add3A_1011 = arith.constant 95 : i32
      %add3A_1012 = vector.broadcast %add3A_1011 : i32 to vector<16xi32>
      %add3A_1013 = arith.addi %mul3A_1010, %add3A_1012 : vector<16xi32>
      tpu.vector_store_idx %arg7[%add3A_1013], %gather3A_1007 : memref<4096xf32, #tpu.memory_space<vmem>>[vector<16xi32>], vector<16xf32>,
      %mul3A_1014 = arith.constant 8 : i32
      %mul3A_1015 = vector.broadcast %mul3A_1014 : i32 to vector<16xi32>
      %mul3A_1016 = arith.muli %add3A_15, %mul3A_1015 : vector<16xi32>
      %add3A_1017 = arith.constant 3 : i32
      %add3A_1018 = vector.broadcast %add3A_1017 : i32 to vector<16xi32>
      %add3A_1019 = arith.addi %mul3A_1016, %add3A_1018 : vector<16xi32>
      %gather3A_1020 = tpu.vector_load_idx %arg5[%add3A_1019] : memref<4608xi32, #tpu.memory_space<vmem>>[vector<16xi32>], vector<16xi32>,
      %mul3A_1021 = arith.constant 32 : i32
      %mul3A_1022 = vector.broadcast %mul3A_1021 : i32 to vector<16xi32>
      %mul3A_1023 = arith.muli %gather3A_1020, %mul3A_1022 : vector<16xi32>
      %add3A_1024 = arith.constant 24576 : i32
      %add3A_1025 = vector.broadcast %add3A_1024 : i32 to vector<16xi32>
      %add3A_1026 = arith.addi %mul3A_1023, %add3A_1025 : vector<16xi32>
      %add3A_1027 = arith.constant 0 : i32
      %add3A_1028 = vector.broadcast %add3A_1027 : i32 to vector<16xi32>
      %add3A_1029 = arith.addi %add3A_1026, %add3A_1028 : vector<16xi32>
      %gather3A_1030 = tpu.vector_load_idx %arg6[%add3A_1029] : memref<65536xf32, #tpu.memory_space<vmem>>[vector<16xi32>], vector<16xf32>,
      %mul3A_1031 = arith.constant 256 : i32
      %mul3A_1032 = vector.broadcast %mul3A_1031 : i32 to vector<16xi32>
      %mul3A_1033 = arith.muli %iota3A, %mul3A_1032 : vector<16xi32>
      %add3A_1034 = arith.constant 96 : i32
      %add3A_1035 = vector.broadcast %add3A_1034 : i32 to vector<16xi32>
      %add3A_1036 = arith.addi %mul3A_1033, %add3A_1035 : vector<16xi32>
      tpu.vector_store_idx %arg7[%add3A_1036], %gather3A_1030 : memref<4096xf32, #tpu.memory_space<vmem>>[vector<16xi32>], vector<16xf32>,
      %add3A_1037 = arith.constant 1 : i32
      %add3A_1038 = vector.broadcast %add3A_1037 : i32 to vector<16xi32>
      %add3A_1039 = arith.addi %add3A_1026, %add3A_1038 : vector<16xi32>
      %gather3A_1040 = tpu.vector_load_idx %arg6[%add3A_1039] : memref<65536xf32, #tpu.memory_space<vmem>>[vector<16xi32>], vector<16xf32>,
      %mul3A_1041 = arith.constant 256 : i32
      %mul3A_1042 = vector.broadcast %mul3A_1041 : i32 to vector<16xi32>
      %mul3A_1043 = arith.muli %iota3A, %mul3A_1042 : vector<16xi32>
      %add3A_1044 = arith.constant 97 : i32
      %add3A_1045 = vector.broadcast %add3A_1044 : i32 to vector<16xi32>
      %add3A_1046 = arith.addi %mul3A_1043, %add3A_1045 : vector<16xi32>
      tpu.vector_store_idx %arg7[%add3A_1046], %gather3A_1040 : memref<4096xf32, #tpu.memory_space<vmem>>[vector<16xi32>], vector<16xf32>,
      %add3A_1047 = arith.constant 2 : i32
      %add3A_1048 = vector.broadcast %add3A_1047 : i32 to vector<16xi32>
      %add3A_1049 = arith.addi %add3A_1026, %add3A_1048 : vector<16xi32>
      %gather3A_1050 = tpu.vector_load_idx %arg6[%add3A_1049] : memref<65536xf32, #tpu.memory_space<vmem>>[vector<16xi32>], vector<16xf32>,
      %mul3A_1051 = arith.constant 256 : i32
      %mul3A_1052 = vector.broadcast %mul3A_1051 : i32 to vector<16xi32>
      %mul3A_1053 = arith.muli %iota3A, %mul3A_1052 : vector<16xi32>
      %add3A_1054 = arith.constant 98 : i32
      %add3A_1055 = vector.broadcast %add3A_1054 : i32 to vector<16xi32>
      %add3A_1056 = arith.addi %mul3A_1053, %add3A_1055 : vector<16xi32>
      tpu.vector_store_idx %arg7[%add3A_1056], %gather3A_1050 : memref<4096xf32, #tpu.memory_space<vmem>>[vector<16xi32>], vector<16xf32>,
      %add3A_1057 = arith.constant 3 : i32
      %add3A_1058 = vector.broadcast %add3A_1057 : i32 to vector<16xi32>
      %add3A_1059 = arith.addi %add3A_1026, %add3A_1058 : vector<16xi32>
      %gather3A_1060 = tpu.vector_load_idx %arg6[%add3A_1059] : memref<65536xf32, #tpu.memory_space<vmem>>[vector<16xi32>], vector<16xf32>,
      %mul3A_1061 = arith.constant 256 : i32
      %mul3A_1062 = vector.broadcast %mul3A_1061 : i32 to vector<16xi32>
      %mul3A_1063 = arith.muli %iota3A, %mul3A_1062 : vector<16xi32>
      %add3A_1064 = arith.constant 99 : i32
      %add3A_1065 = vector.broadcast %add3A_1064 : i32 to vector<16xi32>
      %add3A_1066 = arith.addi %mul3A_1063, %add3A_1065 : vector<16xi32>
      tpu.vector_store_idx %arg7[%add3A_1066], %gather3A_1060 : memref<4096xf32, #tpu.memory_space<vmem>>[vector<16xi32>], vector<16xf32>,
      %add3A_1067 = arith.constant 4 : i32
      %add3A_1068 = vector.broadcast %add3A_1067 : i32 to vector<16xi32>
      %add3A_1069 = arith.addi %add3A_1026, %add3A_1068 : vector<16xi32>
      %gather3A_1070 = tpu.vector_load_idx %arg6[%add3A_1069] : memref<65536xf32, #tpu.memory_space<vmem>>[vector<16xi32>], vector<16xf32>,
      %mul3A_1071 = arith.constant 256 : i32
      %mul3A_1072 = vector.broadcast %mul3A_1071 : i32 to vector<16xi32>
      %mul3A_1073 = arith.muli %iota3A, %mul3A_1072 : vector<16xi32>
      %add3A_1074 = arith.constant 100 : i32
      %add3A_1075 = vector.broadcast %add3A_1074 : i32 to vector<16xi32>
      %add3A_1076 = arith.addi %mul3A_1073, %add3A_1075 : vector<16xi32>
      tpu.vector_store_idx %arg7[%add3A_1076], %gather3A_1070 : memref<4096xf32, #tpu.memory_space<vmem>>[vector<16xi32>], vector<16xf32>,
      %add3A_1077 = arith.constant 5 : i32
      %add3A_1078 = vector.broadcast %add3A_1077 : i32 to vector<16xi32>
      %add3A_1079 = arith.addi %add3A_1026, %add3A_1078 : vector<16xi32>
      %gather3A_1080 = tpu.vector_load_idx %arg6[%add3A_1079] : memref<65536xf32, #tpu.memory_space<vmem>>[vector<16xi32>], vector<16xf32>,
      %mul3A_1081 = arith.constant 256 : i32
      %mul3A_1082 = vector.broadcast %mul3A_1081 : i32 to vector<16xi32>
      %mul3A_1083 = arith.muli %iota3A, %mul3A_1082 : vector<16xi32>
      %add3A_1084 = arith.constant 101 : i32
      %add3A_1085 = vector.broadcast %add3A_1084 : i32 to vector<16xi32>
      %add3A_1086 = arith.addi %mul3A_1083, %add3A_1085 : vector<16xi32>
      tpu.vector_store_idx %arg7[%add3A_1086], %gather3A_1080 : memref<4096xf32, #tpu.memory_space<vmem>>[vector<16xi32>], vector<16xf32>,
      %add3A_1087 = arith.constant 6 : i32
      %add3A_1088 = vector.broadcast %add3A_1087 : i32 to vector<16xi32>
      %add3A_1089 = arith.addi %add3A_1026, %add3A_1088 : vector<16xi32>
      %gather3A_1090 = tpu.vector_load_idx %arg6[%add3A_1089] : memref<65536xf32, #tpu.memory_space<vmem>>[vector<16xi32>], vector<16xf32>,
      %mul3A_1091 = arith.constant 256 : i32
      %mul3A_1092 = vector.broadcast %mul3A_1091 : i32 to vector<16xi32>
      %mul3A_1093 = arith.muli %iota3A, %mul3A_1092 : vector<16xi32>
      %add3A_1094 = arith.constant 102 : i32
      %add3A_1095 = vector.broadcast %add3A_1094 : i32 to vector<16xi32>
      %add3A_1096 = arith.addi %mul3A_1093, %add3A_1095 : vector<16xi32>
      tpu.vector_store_idx %arg7[%add3A_1096], %gather3A_1090 : memref<4096xf32, #tpu.memory_space<vmem>>[vector<16xi32>], vector<16xf32>,
      %add3A_1097 = arith.constant 7 : i32
      %add3A_1098 = vector.broadcast %add3A_1097 : i32 to vector<16xi32>
      %add3A_1099 = arith.addi %add3A_1026, %add3A_1098 : vector<16xi32>
      %gather3A_1100 = tpu.vector_load_idx %arg6[%add3A_1099] : memref<65536xf32, #tpu.memory_space<vmem>>[vector<16xi32>], vector<16xf32>,
      %mul3A_1101 = arith.constant 256 : i32
      %mul3A_1102 = vector.broadcast %mul3A_1101 : i32 to vector<16xi32>
      %mul3A_1103 = arith.muli %iota3A, %mul3A_1102 : vector<16xi32>
      %add3A_1104 = arith.constant 103 : i32
      %add3A_1105 = vector.broadcast %add3A_1104 : i32 to vector<16xi32>
      %add3A_1106 = arith.addi %mul3A_1103, %add3A_1105 : vector<16xi32>
      tpu.vector_store_idx %arg7[%add3A_1106], %gather3A_1100 : memref<4096xf32, #tpu.memory_space<vmem>>[vector<16xi32>], vector<16xf32>,
      %add3A_1107 = arith.constant 8 : i32
      %add3A_1108 = vector.broadcast %add3A_1107 : i32 to vector<16xi32>
      %add3A_1109 = arith.addi %add3A_1026, %add3A_1108 : vector<16xi32>
      %gather3A_1110 = tpu.vector_load_idx %arg6[%add3A_1109] : memref<65536xf32, #tpu.memory_space<vmem>>[vector<16xi32>], vector<16xf32>,
      %mul3A_1111 = arith.constant 256 : i32
      %mul3A_1112 = vector.broadcast %mul3A_1111 : i32 to vector<16xi32>
      %mul3A_1113 = arith.muli %iota3A, %mul3A_1112 : vector<16xi32>
      %add3A_1114 = arith.constant 104 : i32
      %add3A_1115 = vector.broadcast %add3A_1114 : i32 to vector<16xi32>
      %add3A_1116 = arith.addi %mul3A_1113, %add3A_1115 : vector<16xi32>
      tpu.vector_store_idx %arg7[%add3A_1116], %gather3A_1110 : memref<4096xf32, #tpu.memory_space<vmem>>[vector<16xi32>], vector<16xf32>,
      %add3A_1117 = arith.constant 9 : i32
      %add3A_1118 = vector.broadcast %add3A_1117 : i32 to vector<16xi32>
      %add3A_1119 = arith.addi %add3A_1026, %add3A_1118 : vector<16xi32>
      %gather3A_1120 = tpu.vector_load_idx %arg6[%add3A_1119] : memref<65536xf32, #tpu.memory_space<vmem>>[vector<16xi32>], vector<16xf32>,
      %mul3A_1121 = arith.constant 256 : i32
      %mul3A_1122 = vector.broadcast %mul3A_1121 : i32 to vector<16xi32>
      %mul3A_1123 = arith.muli %iota3A, %mul3A_1122 : vector<16xi32>
      %add3A_1124 = arith.constant 105 : i32
      %add3A_1125 = vector.broadcast %add3A_1124 : i32 to vector<16xi32>
      %add3A_1126 = arith.addi %mul3A_1123, %add3A_1125 : vector<16xi32>
      tpu.vector_store_idx %arg7[%add3A_1126], %gather3A_1120 : memref<4096xf32, #tpu.memory_space<vmem>>[vector<16xi32>], vector<16xf32>,
      %add3A_1127 = arith.constant 10 : i32
      %add3A_1128 = vector.broadcast %add3A_1127 : i32 to vector<16xi32>
      %add3A_1129 = arith.addi %add3A_1026, %add3A_1128 : vector<16xi32>
      %gather3A_1130 = tpu.vector_load_idx %arg6[%add3A_1129] : memref<65536xf32, #tpu.memory_space<vmem>>[vector<16xi32>], vector<16xf32>,
      %mul3A_1131 = arith.constant 256 : i32
      %mul3A_1132 = vector.broadcast %mul3A_1131 : i32 to vector<16xi32>
      %mul3A_1133 = arith.muli %iota3A, %mul3A_1132 : vector<16xi32>
      %add3A_1134 = arith.constant 106 : i32
      %add3A_1135 = vector.broadcast %add3A_1134 : i32 to vector<16xi32>
      %add3A_1136 = arith.addi %mul3A_1133, %add3A_1135 : vector<16xi32>
      tpu.vector_store_idx %arg7[%add3A_1136], %gather3A_1130 : memref<4096xf32, #tpu.memory_space<vmem>>[vector<16xi32>], vector<16xf32>,
      %add3A_1137 = arith.constant 11 : i32
      %add3A_1138 = vector.broadcast %add3A_1137 : i32 to vector<16xi32>
      %add3A_1139 = arith.addi %add3A_1026, %add3A_1138 : vector<16xi32>
      %gather3A_1140 = tpu.vector_load_idx %arg6[%add3A_1139] : memref<65536xf32, #tpu.memory_space<vmem>>[vector<16xi32>], vector<16xf32>,
      %mul3A_1141 = arith.constant 256 : i32
      %mul3A_1142 = vector.broadcast %mul3A_1141 : i32 to vector<16xi32>
      %mul3A_1143 = arith.muli %iota3A, %mul3A_1142 : vector<16xi32>
      %add3A_1144 = arith.constant 107 : i32
      %add3A_1145 = vector.broadcast %add3A_1144 : i32 to vector<16xi32>
      %add3A_1146 = arith.addi %mul3A_1143, %add3A_1145 : vector<16xi32>
      tpu.vector_store_idx %arg7[%add3A_1146], %gather3A_1140 : memref<4096xf32, #tpu.memory_space<vmem>>[vector<16xi32>], vector<16xf32>,
      %add3A_1147 = arith.constant 12 : i32
      %add3A_1148 = vector.broadcast %add3A_1147 : i32 to vector<16xi32>
      %add3A_1149 = arith.addi %add3A_1026, %add3A_1148 : vector<16xi32>
      %gather3A_1150 = tpu.vector_load_idx %arg6[%add3A_1149] : memref<65536xf32, #tpu.memory_space<vmem>>[vector<16xi32>], vector<16xf32>,
      %mul3A_1151 = arith.constant 256 : i32
      %mul3A_1152 = vector.broadcast %mul3A_1151 : i32 to vector<16xi32>
      %mul3A_1153 = arith.muli %iota3A, %mul3A_1152 : vector<16xi32>
      %add3A_1154 = arith.constant 108 : i32
      %add3A_1155 = vector.broadcast %add3A_1154 : i32 to vector<16xi32>
      %add3A_1156 = arith.addi %mul3A_1153, %add3A_1155 : vector<16xi32>
      tpu.vector_store_idx %arg7[%add3A_1156], %gather3A_1150 : memref<4096xf32, #tpu.memory_space<vmem>>[vector<16xi32>], vector<16xf32>,
      %add3A_1157 = arith.constant 13 : i32
      %add3A_1158 = vector.broadcast %add3A_1157 : i32 to vector<16xi32>
      %add3A_1159 = arith.addi %add3A_1026, %add3A_1158 : vector<16xi32>
      %gather3A_1160 = tpu.vector_load_idx %arg6[%add3A_1159] : memref<65536xf32, #tpu.memory_space<vmem>>[vector<16xi32>], vector<16xf32>,
      %mul3A_1161 = arith.constant 256 : i32
      %mul3A_1162 = vector.broadcast %mul3A_1161 : i32 to vector<16xi32>
      %mul3A_1163 = arith.muli %iota3A, %mul3A_1162 : vector<16xi32>
      %add3A_1164 = arith.constant 109 : i32
      %add3A_1165 = vector.broadcast %add3A_1164 : i32 to vector<16xi32>
      %add3A_1166 = arith.addi %mul3A_1163, %add3A_1165 : vector<16xi32>
      tpu.vector_store_idx %arg7[%add3A_1166], %gather3A_1160 : memref<4096xf32, #tpu.memory_space<vmem>>[vector<16xi32>], vector<16xf32>,
      %add3A_1167 = arith.constant 14 : i32
      %add3A_1168 = vector.broadcast %add3A_1167 : i32 to vector<16xi32>
      %add3A_1169 = arith.addi %add3A_1026, %add3A_1168 : vector<16xi32>
      %gather3A_1170 = tpu.vector_load_idx %arg6[%add3A_1169] : memref<65536xf32, #tpu.memory_space<vmem>>[vector<16xi32>], vector<16xf32>,
      %mul3A_1171 = arith.constant 256 : i32
      %mul3A_1172 = vector.broadcast %mul3A_1171 : i32 to vector<16xi32>
      %mul3A_1173 = arith.muli %iota3A, %mul3A_1172 : vector<16xi32>
      %add3A_1174 = arith.constant 110 : i32
      %add3A_1175 = vector.broadcast %add3A_1174 : i32 to vector<16xi32>
      %add3A_1176 = arith.addi %mul3A_1173, %add3A_1175 : vector<16xi32>
      tpu.vector_store_idx %arg7[%add3A_1176], %gather3A_1170 : memref<4096xf32, #tpu.memory_space<vmem>>[vector<16xi32>], vector<16xf32>,
      %add3A_1177 = arith.constant 15 : i32
      %add3A_1178 = vector.broadcast %add3A_1177 : i32 to vector<16xi32>
      %add3A_1179 = arith.addi %add3A_1026, %add3A_1178 : vector<16xi32>
      %gather3A_1180 = tpu.vector_load_idx %arg6[%add3A_1179] : memref<65536xf32, #tpu.memory_space<vmem>>[vector<16xi32>], vector<16xf32>,
      %mul3A_1181 = arith.constant 256 : i32
      %mul3A_1182 = vector.broadcast %mul3A_1181 : i32 to vector<16xi32>
      %mul3A_1183 = arith.muli %iota3A, %mul3A_1182 : vector<16xi32>
      %add3A_1184 = arith.constant 111 : i32
      %add3A_1185 = vector.broadcast %add3A_1184 : i32 to vector<16xi32>
      %add3A_1186 = arith.addi %mul3A_1183, %add3A_1185 : vector<16xi32>
      tpu.vector_store_idx %arg7[%add3A_1186], %gather3A_1180 : memref<4096xf32, #tpu.memory_space<vmem>>[vector<16xi32>], vector<16xf32>,
      %add3A_1187 = arith.constant 16 : i32
      %add3A_1188 = vector.broadcast %add3A_1187 : i32 to vector<16xi32>
      %add3A_1189 = arith.addi %add3A_1026, %add3A_1188 : vector<16xi32>
      %gather3A_1190 = tpu.vector_load_idx %arg6[%add3A_1189] : memref<65536xf32, #tpu.memory_space<vmem>>[vector<16xi32>], vector<16xf32>,
      %mul3A_1191 = arith.constant 256 : i32
      %mul3A_1192 = vector.broadcast %mul3A_1191 : i32 to vector<16xi32>
      %mul3A_1193 = arith.muli %iota3A, %mul3A_1192 : vector<16xi32>
      %add3A_1194 = arith.constant 112 : i32
      %add3A_1195 = vector.broadcast %add3A_1194 : i32 to vector<16xi32>
      %add3A_1196 = arith.addi %mul3A_1193, %add3A_1195 : vector<16xi32>
      tpu.vector_store_idx %arg7[%add3A_1196], %gather3A_1190 : memref<4096xf32, #tpu.memory_space<vmem>>[vector<16xi32>], vector<16xf32>,
      %add3A_1197 = arith.constant 17 : i32
      %add3A_1198 = vector.broadcast %add3A_1197 : i32 to vector<16xi32>
      %add3A_1199 = arith.addi %add3A_1026, %add3A_1198 : vector<16xi32>
      %gather3A_1200 = tpu.vector_load_idx %arg6[%add3A_1199] : memref<65536xf32, #tpu.memory_space<vmem>>[vector<16xi32>], vector<16xf32>,
      %mul3A_1201 = arith.constant 256 : i32
      %mul3A_1202 = vector.broadcast %mul3A_1201 : i32 to vector<16xi32>
      %mul3A_1203 = arith.muli %iota3A, %mul3A_1202 : vector<16xi32>
      %add3A_1204 = arith.constant 113 : i32
      %add3A_1205 = vector.broadcast %add3A_1204 : i32 to vector<16xi32>
      %add3A_1206 = arith.addi %mul3A_1203, %add3A_1205 : vector<16xi32>
      tpu.vector_store_idx %arg7[%add3A_1206], %gather3A_1200 : memref<4096xf32, #tpu.memory_space<vmem>>[vector<16xi32>], vector<16xf32>,
      %add3A_1207 = arith.constant 18 : i32
      %add3A_1208 = vector.broadcast %add3A_1207 : i32 to vector<16xi32>
      %add3A_1209 = arith.addi %add3A_1026, %add3A_1208 : vector<16xi32>
      %gather3A_1210 = tpu.vector_load_idx %arg6[%add3A_1209] : memref<65536xf32, #tpu.memory_space<vmem>>[vector<16xi32>], vector<16xf32>,
      %mul3A_1211 = arith.constant 256 : i32
      %mul3A_1212 = vector.broadcast %mul3A_1211 : i32 to vector<16xi32>
      %mul3A_1213 = arith.muli %iota3A, %mul3A_1212 : vector<16xi32>
      %add3A_1214 = arith.constant 114 : i32
      %add3A_1215 = vector.broadcast %add3A_1214 : i32 to vector<16xi32>
      %add3A_1216 = arith.addi %mul3A_1213, %add3A_1215 : vector<16xi32>
      tpu.vector_store_idx %arg7[%add3A_1216], %gather3A_1210 : memref<4096xf32, #tpu.memory_space<vmem>>[vector<16xi32>], vector<16xf32>,
      %add3A_1217 = arith.constant 19 : i32
      %add3A_1218 = vector.broadcast %add3A_1217 : i32 to vector<16xi32>
      %add3A_1219 = arith.addi %add3A_1026, %add3A_1218 : vector<16xi32>
      %gather3A_1220 = tpu.vector_load_idx %arg6[%add3A_1219] : memref<65536xf32, #tpu.memory_space<vmem>>[vector<16xi32>], vector<16xf32>,
      %mul3A_1221 = arith.constant 256 : i32
      %mul3A_1222 = vector.broadcast %mul3A_1221 : i32 to vector<16xi32>
      %mul3A_1223 = arith.muli %iota3A, %mul3A_1222 : vector<16xi32>
      %add3A_1224 = arith.constant 115 : i32
      %add3A_1225 = vector.broadcast %add3A_1224 : i32 to vector<16xi32>
      %add3A_1226 = arith.addi %mul3A_1223, %add3A_1225 : vector<16xi32>
      tpu.vector_store_idx %arg7[%add3A_1226], %gather3A_1220 : memref<4096xf32, #tpu.memory_space<vmem>>[vector<16xi32>], vector<16xf32>,
      %add3A_1227 = arith.constant 20 : i32
      %add3A_1228 = vector.broadcast %add3A_1227 : i32 to vector<16xi32>
      %add3A_1229 = arith.addi %add3A_1026, %add3A_1228 : vector<16xi32>
      %gather3A_1230 = tpu.vector_load_idx %arg6[%add3A_1229] : memref<65536xf32, #tpu.memory_space<vmem>>[vector<16xi32>], vector<16xf32>,
      %mul3A_1231 = arith.constant 256 : i32
      %mul3A_1232 = vector.broadcast %mul3A_1231 : i32 to vector<16xi32>
      %mul3A_1233 = arith.muli %iota3A, %mul3A_1232 : vector<16xi32>
      %add3A_1234 = arith.constant 116 : i32
      %add3A_1235 = vector.broadcast %add3A_1234 : i32 to vector<16xi32>
      %add3A_1236 = arith.addi %mul3A_1233, %add3A_1235 : vector<16xi32>
      tpu.vector_store_idx %arg7[%add3A_1236], %gather3A_1230 : memref<4096xf32, #tpu.memory_space<vmem>>[vector<16xi32>], vector<16xf32>,
      %add3A_1237 = arith.constant 21 : i32
      %add3A_1238 = vector.broadcast %add3A_1237 : i32 to vector<16xi32>
      %add3A_1239 = arith.addi %add3A_1026, %add3A_1238 : vector<16xi32>
      %gather3A_1240 = tpu.vector_load_idx %arg6[%add3A_1239] : memref<65536xf32, #tpu.memory_space<vmem>>[vector<16xi32>], vector<16xf32>,
      %mul3A_1241 = arith.constant 256 : i32
      %mul3A_1242 = vector.broadcast %mul3A_1241 : i32 to vector<16xi32>
      %mul3A_1243 = arith.muli %iota3A, %mul3A_1242 : vector<16xi32>
      %add3A_1244 = arith.constant 117 : i32
      %add3A_1245 = vector.broadcast %add3A_1244 : i32 to vector<16xi32>
      %add3A_1246 = arith.addi %mul3A_1243, %add3A_1245 : vector<16xi32>
      tpu.vector_store_idx %arg7[%add3A_1246], %gather3A_1240 : memref<4096xf32, #tpu.memory_space<vmem>>[vector<16xi32>], vector<16xf32>,
      %add3A_1247 = arith.constant 22 : i32
      %add3A_1248 = vector.broadcast %add3A_1247 : i32 to vector<16xi32>
      %add3A_1249 = arith.addi %add3A_1026, %add3A_1248 : vector<16xi32>
      %gather3A_1250 = tpu.vector_load_idx %arg6[%add3A_1249] : memref<65536xf32, #tpu.memory_space<vmem>>[vector<16xi32>], vector<16xf32>,
      %mul3A_1251 = arith.constant 256 : i32
      %mul3A_1252 = vector.broadcast %mul3A_1251 : i32 to vector<16xi32>
      %mul3A_1253 = arith.muli %iota3A, %mul3A_1252 : vector<16xi32>
      %add3A_1254 = arith.constant 118 : i32
      %add3A_1255 = vector.broadcast %add3A_1254 : i32 to vector<16xi32>
      %add3A_1256 = arith.addi %mul3A_1253, %add3A_1255 : vector<16xi32>
      tpu.vector_store_idx %arg7[%add3A_1256], %gather3A_1250 : memref<4096xf32, #tpu.memory_space<vmem>>[vector<16xi32>], vector<16xf32>,
      %add3A_1257 = arith.constant 23 : i32
      %add3A_1258 = vector.broadcast %add3A_1257 : i32 to vector<16xi32>
      %add3A_1259 = arith.addi %add3A_1026, %add3A_1258 : vector<16xi32>
      %gather3A_1260 = tpu.vector_load_idx %arg6[%add3A_1259] : memref<65536xf32, #tpu.memory_space<vmem>>[vector<16xi32>], vector<16xf32>,
      %mul3A_1261 = arith.constant 256 : i32
      %mul3A_1262 = vector.broadcast %mul3A_1261 : i32 to vector<16xi32>
      %mul3A_1263 = arith.muli %iota3A, %mul3A_1262 : vector<16xi32>
      %add3A_1264 = arith.constant 119 : i32
      %add3A_1265 = vector.broadcast %add3A_1264 : i32 to vector<16xi32>
      %add3A_1266 = arith.addi %mul3A_1263, %add3A_1265 : vector<16xi32>
      tpu.vector_store_idx %arg7[%add3A_1266], %gather3A_1260 : memref<4096xf32, #tpu.memory_space<vmem>>[vector<16xi32>], vector<16xf32>,
      %add3A_1267 = arith.constant 24 : i32
      %add3A_1268 = vector.broadcast %add3A_1267 : i32 to vector<16xi32>
      %add3A_1269 = arith.addi %add3A_1026, %add3A_1268 : vector<16xi32>
      %gather3A_1270 = tpu.vector_load_idx %arg6[%add3A_1269] : memref<65536xf32, #tpu.memory_space<vmem>>[vector<16xi32>], vector<16xf32>,
      %mul3A_1271 = arith.constant 256 : i32
      %mul3A_1272 = vector.broadcast %mul3A_1271 : i32 to vector<16xi32>
      %mul3A_1273 = arith.muli %iota3A, %mul3A_1272 : vector<16xi32>
      %add3A_1274 = arith.constant 120 : i32
      %add3A_1275 = vector.broadcast %add3A_1274 : i32 to vector<16xi32>
      %add3A_1276 = arith.addi %mul3A_1273, %add3A_1275 : vector<16xi32>
      tpu.vector_store_idx %arg7[%add3A_1276], %gather3A_1270 : memref<4096xf32, #tpu.memory_space<vmem>>[vector<16xi32>], vector<16xf32>,
      %add3A_1277 = arith.constant 25 : i32
      %add3A_1278 = vector.broadcast %add3A_1277 : i32 to vector<16xi32>
      %add3A_1279 = arith.addi %add3A_1026, %add3A_1278 : vector<16xi32>
      %gather3A_1280 = tpu.vector_load_idx %arg6[%add3A_1279] : memref<65536xf32, #tpu.memory_space<vmem>>[vector<16xi32>], vector<16xf32>,
      %mul3A_1281 = arith.constant 256 : i32
      %mul3A_1282 = vector.broadcast %mul3A_1281 : i32 to vector<16xi32>
      %mul3A_1283 = arith.muli %iota3A, %mul3A_1282 : vector<16xi32>
      %add3A_1284 = arith.constant 121 : i32
      %add3A_1285 = vector.broadcast %add3A_1284 : i32 to vector<16xi32>
      %add3A_1286 = arith.addi %mul3A_1283, %add3A_1285 : vector<16xi32>
      tpu.vector_store_idx %arg7[%add3A_1286], %gather3A_1280 : memref<4096xf32, #tpu.memory_space<vmem>>[vector<16xi32>], vector<16xf32>,
      %add3A_1287 = arith.constant 26 : i32
      %add3A_1288 = vector.broadcast %add3A_1287 : i32 to vector<16xi32>
      %add3A_1289 = arith.addi %add3A_1026, %add3A_1288 : vector<16xi32>
      %gather3A_1290 = tpu.vector_load_idx %arg6[%add3A_1289] : memref<65536xf32, #tpu.memory_space<vmem>>[vector<16xi32>], vector<16xf32>,
      %mul3A_1291 = arith.constant 256 : i32
      %mul3A_1292 = vector.broadcast %mul3A_1291 : i32 to vector<16xi32>
      %mul3A_1293 = arith.muli %iota3A, %mul3A_1292 : vector<16xi32>
      %add3A_1294 = arith.constant 122 : i32
      %add3A_1295 = vector.broadcast %add3A_1294 : i32 to vector<16xi32>
      %add3A_1296 = arith.addi %mul3A_1293, %add3A_1295 : vector<16xi32>
      tpu.vector_store_idx %arg7[%add3A_1296], %gather3A_1290 : memref<4096xf32, #tpu.memory_space<vmem>>[vector<16xi32>], vector<16xf32>,
      %add3A_1297 = arith.constant 27 : i32
      %add3A_1298 = vector.broadcast %add3A_1297 : i32 to vector<16xi32>
      %add3A_1299 = arith.addi %add3A_1026, %add3A_1298 : vector<16xi32>
      %gather3A_1300 = tpu.vector_load_idx %arg6[%add3A_1299] : memref<65536xf32, #tpu.memory_space<vmem>>[vector<16xi32>], vector<16xf32>,
      %mul3A_1301 = arith.constant 256 : i32
      %mul3A_1302 = vector.broadcast %mul3A_1301 : i32 to vector<16xi32>
      %mul3A_1303 = arith.muli %iota3A, %mul3A_1302 : vector<16xi32>
      %add3A_1304 = arith.constant 123 : i32
      %add3A_1305 = vector.broadcast %add3A_1304 : i32 to vector<16xi32>
      %add3A_1306 = arith.addi %mul3A_1303, %add3A_1305 : vector<16xi32>
      tpu.vector_store_idx %arg7[%add3A_1306], %gather3A_1300 : memref<4096xf32, #tpu.memory_space<vmem>>[vector<16xi32>], vector<16xf32>,
      %add3A_1307 = arith.constant 28 : i32
      %add3A_1308 = vector.broadcast %add3A_1307 : i32 to vector<16xi32>
      %add3A_1309 = arith.addi %add3A_1026, %add3A_1308 : vector<16xi32>
      %gather3A_1310 = tpu.vector_load_idx %arg6[%add3A_1309] : memref<65536xf32, #tpu.memory_space<vmem>>[vector<16xi32>], vector<16xf32>,
      %mul3A_1311 = arith.constant 256 : i32
      %mul3A_1312 = vector.broadcast %mul3A_1311 : i32 to vector<16xi32>
      %mul3A_1313 = arith.muli %iota3A, %mul3A_1312 : vector<16xi32>
      %add3A_1314 = arith.constant 124 : i32
      %add3A_1315 = vector.broadcast %add3A_1314 : i32 to vector<16xi32>
      %add3A_1316 = arith.addi %mul3A_1313, %add3A_1315 : vector<16xi32>
      tpu.vector_store_idx %arg7[%add3A_1316], %gather3A_1310 : memref<4096xf32, #tpu.memory_space<vmem>>[vector<16xi32>], vector<16xf32>,
      %add3A_1317 = arith.constant 29 : i32
      %add3A_1318 = vector.broadcast %add3A_1317 : i32 to vector<16xi32>
      %add3A_1319 = arith.addi %add3A_1026, %add3A_1318 : vector<16xi32>
      %gather3A_1320 = tpu.vector_load_idx %arg6[%add3A_1319] : memref<65536xf32, #tpu.memory_space<vmem>>[vector<16xi32>], vector<16xf32>,
      %mul3A_1321 = arith.constant 256 : i32
      %mul3A_1322 = vector.broadcast %mul3A_1321 : i32 to vector<16xi32>
      %mul3A_1323 = arith.muli %iota3A, %mul3A_1322 : vector<16xi32>
      %add3A_1324 = arith.constant 125 : i32
      %add3A_1325 = vector.broadcast %add3A_1324 : i32 to vector<16xi32>
      %add3A_1326 = arith.addi %mul3A_1323, %add3A_1325 : vector<16xi32>
      tpu.vector_store_idx %arg7[%add3A_1326], %gather3A_1320 : memref<4096xf32, #tpu.memory_space<vmem>>[vector<16xi32>], vector<16xf32>,
      %add3A_1327 = arith.constant 30 : i32
      %add3A_1328 = vector.broadcast %add3A_1327 : i32 to vector<16xi32>
      %add3A_1329 = arith.addi %add3A_1026, %add3A_1328 : vector<16xi32>
      %gather3A_1330 = tpu.vector_load_idx %arg6[%add3A_1329] : memref<65536xf32, #tpu.memory_space<vmem>>[vector<16xi32>], vector<16xf32>,
      %mul3A_1331 = arith.constant 256 : i32
      %mul3A_1332 = vector.broadcast %mul3A_1331 : i32 to vector<16xi32>
      %mul3A_1333 = arith.muli %iota3A, %mul3A_1332 : vector<16xi32>
      %add3A_1334 = arith.constant 126 : i32
      %add3A_1335 = vector.broadcast %add3A_1334 : i32 to vector<16xi32>
      %add3A_1336 = arith.addi %mul3A_1333, %add3A_1335 : vector<16xi32>
      tpu.vector_store_idx %arg7[%add3A_1336], %gather3A_1330 : memref<4096xf32, #tpu.memory_space<vmem>>[vector<16xi32>], vector<16xf32>,
      %add3A_1337 = arith.constant 31 : i32
      %add3A_1338 = vector.broadcast %add3A_1337 : i32 to vector<16xi32>
      %add3A_1339 = arith.addi %add3A_1026, %add3A_1338 : vector<16xi32>
      %gather3A_1340 = tpu.vector_load_idx %arg6[%add3A_1339] : memref<65536xf32, #tpu.memory_space<vmem>>[vector<16xi32>], vector<16xf32>,
      %mul3A_1341 = arith.constant 256 : i32
      %mul3A_1342 = vector.broadcast %mul3A_1341 : i32 to vector<16xi32>
      %mul3A_1343 = arith.muli %iota3A, %mul3A_1342 : vector<16xi32>
      %add3A_1344 = arith.constant 127 : i32
      %add3A_1345 = vector.broadcast %add3A_1344 : i32 to vector<16xi32>
      %add3A_1346 = arith.addi %mul3A_1343, %add3A_1345 : vector<16xi32>
      tpu.vector_store_idx %arg7[%add3A_1346], %gather3A_1340 : memref<4096xf32, #tpu.memory_space<vmem>>[vector<16xi32>], vector<16xf32>,
      %mul3A_1347 = arith.constant 8 : i32
      %mul3A_1348 = vector.broadcast %mul3A_1347 : i32 to vector<16xi32>
      %mul3A_1349 = arith.muli %add3A_15, %mul3A_1348 : vector<16xi32>
      %add3A_1350 = arith.constant 4 : i32
      %add3A_1351 = vector.broadcast %add3A_1350 : i32 to vector<16xi32>
      %add3A_1352 = arith.addi %mul3A_1349, %add3A_1351 : vector<16xi32>
      %gather3A_1353 = tpu.vector_load_idx %arg5[%add3A_1352] : memref<4608xi32, #tpu.memory_space<vmem>>[vector<16xi32>], vector<16xi32>,
      %mul3A_1354 = arith.constant 32 : i32
      %mul3A_1355 = vector.broadcast %mul3A_1354 : i32 to vector<16xi32>
      %mul3A_1356 = arith.muli %gather3A_1353, %mul3A_1355 : vector<16xi32>
      %add3A_1357 = arith.constant 32768 : i32
      %add3A_1358 = vector.broadcast %add3A_1357 : i32 to vector<16xi32>
      %add3A_1359 = arith.addi %mul3A_1356, %add3A_1358 : vector<16xi32>
      %add3A_1360 = arith.constant 0 : i32
      %add3A_1361 = vector.broadcast %add3A_1360 : i32 to vector<16xi32>
      %add3A_1362 = arith.addi %add3A_1359, %add3A_1361 : vector<16xi32>
      %gather3A_1363 = tpu.vector_load_idx %arg6[%add3A_1362] : memref<65536xf32, #tpu.memory_space<vmem>>[vector<16xi32>], vector<16xf32>,
      %mul3A_1364 = arith.constant 256 : i32
      %mul3A_1365 = vector.broadcast %mul3A_1364 : i32 to vector<16xi32>
      %mul3A_1366 = arith.muli %iota3A, %mul3A_1365 : vector<16xi32>
      %add3A_1367 = arith.constant 128 : i32
      %add3A_1368 = vector.broadcast %add3A_1367 : i32 to vector<16xi32>
      %add3A_1369 = arith.addi %mul3A_1366, %add3A_1368 : vector<16xi32>
      tpu.vector_store_idx %arg7[%add3A_1369], %gather3A_1363 : memref<4096xf32, #tpu.memory_space<vmem>>[vector<16xi32>], vector<16xf32>,
      %add3A_1370 = arith.constant 1 : i32
      %add3A_1371 = vector.broadcast %add3A_1370 : i32 to vector<16xi32>
      %add3A_1372 = arith.addi %add3A_1359, %add3A_1371 : vector<16xi32>
      %gather3A_1373 = tpu.vector_load_idx %arg6[%add3A_1372] : memref<65536xf32, #tpu.memory_space<vmem>>[vector<16xi32>], vector<16xf32>,
      %mul3A_1374 = arith.constant 256 : i32
      %mul3A_1375 = vector.broadcast %mul3A_1374 : i32 to vector<16xi32>
      %mul3A_1376 = arith.muli %iota3A, %mul3A_1375 : vector<16xi32>
      %add3A_1377 = arith.constant 129 : i32
      %add3A_1378 = vector.broadcast %add3A_1377 : i32 to vector<16xi32>
      %add3A_1379 = arith.addi %mul3A_1376, %add3A_1378 : vector<16xi32>
      tpu.vector_store_idx %arg7[%add3A_1379], %gather3A_1373 : memref<4096xf32, #tpu.memory_space<vmem>>[vector<16xi32>], vector<16xf32>,
      %add3A_1380 = arith.constant 2 : i32
      %add3A_1381 = vector.broadcast %add3A_1380 : i32 to vector<16xi32>
      %add3A_1382 = arith.addi %add3A_1359, %add3A_1381 : vector<16xi32>
      %gather3A_1383 = tpu.vector_load_idx %arg6[%add3A_1382] : memref<65536xf32, #tpu.memory_space<vmem>>[vector<16xi32>], vector<16xf32>,
      %mul3A_1384 = arith.constant 256 : i32
      %mul3A_1385 = vector.broadcast %mul3A_1384 : i32 to vector<16xi32>
      %mul3A_1386 = arith.muli %iota3A, %mul3A_1385 : vector<16xi32>
      %add3A_1387 = arith.constant 130 : i32
      %add3A_1388 = vector.broadcast %add3A_1387 : i32 to vector<16xi32>
      %add3A_1389 = arith.addi %mul3A_1386, %add3A_1388 : vector<16xi32>
      tpu.vector_store_idx %arg7[%add3A_1389], %gather3A_1383 : memref<4096xf32, #tpu.memory_space<vmem>>[vector<16xi32>], vector<16xf32>,
      %add3A_1390 = arith.constant 3 : i32
      %add3A_1391 = vector.broadcast %add3A_1390 : i32 to vector<16xi32>
      %add3A_1392 = arith.addi %add3A_1359, %add3A_1391 : vector<16xi32>
      %gather3A_1393 = tpu.vector_load_idx %arg6[%add3A_1392] : memref<65536xf32, #tpu.memory_space<vmem>>[vector<16xi32>], vector<16xf32>,
      %mul3A_1394 = arith.constant 256 : i32
      %mul3A_1395 = vector.broadcast %mul3A_1394 : i32 to vector<16xi32>
      %mul3A_1396 = arith.muli %iota3A, %mul3A_1395 : vector<16xi32>
      %add3A_1397 = arith.constant 131 : i32
      %add3A_1398 = vector.broadcast %add3A_1397 : i32 to vector<16xi32>
      %add3A_1399 = arith.addi %mul3A_1396, %add3A_1398 : vector<16xi32>
      tpu.vector_store_idx %arg7[%add3A_1399], %gather3A_1393 : memref<4096xf32, #tpu.memory_space<vmem>>[vector<16xi32>], vector<16xf32>,
      %add3A_1400 = arith.constant 4 : i32
      %add3A_1401 = vector.broadcast %add3A_1400 : i32 to vector<16xi32>
      %add3A_1402 = arith.addi %add3A_1359, %add3A_1401 : vector<16xi32>
      %gather3A_1403 = tpu.vector_load_idx %arg6[%add3A_1402] : memref<65536xf32, #tpu.memory_space<vmem>>[vector<16xi32>], vector<16xf32>,
      %mul3A_1404 = arith.constant 256 : i32
      %mul3A_1405 = vector.broadcast %mul3A_1404 : i32 to vector<16xi32>
      %mul3A_1406 = arith.muli %iota3A, %mul3A_1405 : vector<16xi32>
      %add3A_1407 = arith.constant 132 : i32
      %add3A_1408 = vector.broadcast %add3A_1407 : i32 to vector<16xi32>
      %add3A_1409 = arith.addi %mul3A_1406, %add3A_1408 : vector<16xi32>
      tpu.vector_store_idx %arg7[%add3A_1409], %gather3A_1403 : memref<4096xf32, #tpu.memory_space<vmem>>[vector<16xi32>], vector<16xf32>,
      %add3A_1410 = arith.constant 5 : i32
      %add3A_1411 = vector.broadcast %add3A_1410 : i32 to vector<16xi32>
      %add3A_1412 = arith.addi %add3A_1359, %add3A_1411 : vector<16xi32>
      %gather3A_1413 = tpu.vector_load_idx %arg6[%add3A_1412] : memref<65536xf32, #tpu.memory_space<vmem>>[vector<16xi32>], vector<16xf32>,
      %mul3A_1414 = arith.constant 256 : i32
      %mul3A_1415 = vector.broadcast %mul3A_1414 : i32 to vector<16xi32>
      %mul3A_1416 = arith.muli %iota3A, %mul3A_1415 : vector<16xi32>
      %add3A_1417 = arith.constant 133 : i32
      %add3A_1418 = vector.broadcast %add3A_1417 : i32 to vector<16xi32>
      %add3A_1419 = arith.addi %mul3A_1416, %add3A_1418 : vector<16xi32>
      tpu.vector_store_idx %arg7[%add3A_1419], %gather3A_1413 : memref<4096xf32, #tpu.memory_space<vmem>>[vector<16xi32>], vector<16xf32>,
      %add3A_1420 = arith.constant 6 : i32
      %add3A_1421 = vector.broadcast %add3A_1420 : i32 to vector<16xi32>
      %add3A_1422 = arith.addi %add3A_1359, %add3A_1421 : vector<16xi32>
      %gather3A_1423 = tpu.vector_load_idx %arg6[%add3A_1422] : memref<65536xf32, #tpu.memory_space<vmem>>[vector<16xi32>], vector<16xf32>,
      %mul3A_1424 = arith.constant 256 : i32
      %mul3A_1425 = vector.broadcast %mul3A_1424 : i32 to vector<16xi32>
      %mul3A_1426 = arith.muli %iota3A, %mul3A_1425 : vector<16xi32>
      %add3A_1427 = arith.constant 134 : i32
      %add3A_1428 = vector.broadcast %add3A_1427 : i32 to vector<16xi32>
      %add3A_1429 = arith.addi %mul3A_1426, %add3A_1428 : vector<16xi32>
      tpu.vector_store_idx %arg7[%add3A_1429], %gather3A_1423 : memref<4096xf32, #tpu.memory_space<vmem>>[vector<16xi32>], vector<16xf32>,
      %add3A_1430 = arith.constant 7 : i32
      %add3A_1431 = vector.broadcast %add3A_1430 : i32 to vector<16xi32>
      %add3A_1432 = arith.addi %add3A_1359, %add3A_1431 : vector<16xi32>
      %gather3A_1433 = tpu.vector_load_idx %arg6[%add3A_1432] : memref<65536xf32, #tpu.memory_space<vmem>>[vector<16xi32>], vector<16xf32>,
      %mul3A_1434 = arith.constant 256 : i32
      %mul3A_1435 = vector.broadcast %mul3A_1434 : i32 to vector<16xi32>
      %mul3A_1436 = arith.muli %iota3A, %mul3A_1435 : vector<16xi32>
      %add3A_1437 = arith.constant 135 : i32
      %add3A_1438 = vector.broadcast %add3A_1437 : i32 to vector<16xi32>
      %add3A_1439 = arith.addi %mul3A_1436, %add3A_1438 : vector<16xi32>
      tpu.vector_store_idx %arg7[%add3A_1439], %gather3A_1433 : memref<4096xf32, #tpu.memory_space<vmem>>[vector<16xi32>], vector<16xf32>,
      %add3A_1440 = arith.constant 8 : i32
      %add3A_1441 = vector.broadcast %add3A_1440 : i32 to vector<16xi32>
      %add3A_1442 = arith.addi %add3A_1359, %add3A_1441 : vector<16xi32>
      %gather3A_1443 = tpu.vector_load_idx %arg6[%add3A_1442] : memref<65536xf32, #tpu.memory_space<vmem>>[vector<16xi32>], vector<16xf32>,
      %mul3A_1444 = arith.constant 256 : i32
      %mul3A_1445 = vector.broadcast %mul3A_1444 : i32 to vector<16xi32>
      %mul3A_1446 = arith.muli %iota3A, %mul3A_1445 : vector<16xi32>
      %add3A_1447 = arith.constant 136 : i32
      %add3A_1448 = vector.broadcast %add3A_1447 : i32 to vector<16xi32>
      %add3A_1449 = arith.addi %mul3A_1446, %add3A_1448 : vector<16xi32>
      tpu.vector_store_idx %arg7[%add3A_1449], %gather3A_1443 : memref<4096xf32, #tpu.memory_space<vmem>>[vector<16xi32>], vector<16xf32>,
      %add3A_1450 = arith.constant 9 : i32
      %add3A_1451 = vector.broadcast %add3A_1450 : i32 to vector<16xi32>
      %add3A_1452 = arith.addi %add3A_1359, %add3A_1451 : vector<16xi32>
      %gather3A_1453 = tpu.vector_load_idx %arg6[%add3A_1452] : memref<65536xf32, #tpu.memory_space<vmem>>[vector<16xi32>], vector<16xf32>,
      %mul3A_1454 = arith.constant 256 : i32
      %mul3A_1455 = vector.broadcast %mul3A_1454 : i32 to vector<16xi32>
      %mul3A_1456 = arith.muli %iota3A, %mul3A_1455 : vector<16xi32>
      %add3A_1457 = arith.constant 137 : i32
      %add3A_1458 = vector.broadcast %add3A_1457 : i32 to vector<16xi32>
      %add3A_1459 = arith.addi %mul3A_1456, %add3A_1458 : vector<16xi32>
      tpu.vector_store_idx %arg7[%add3A_1459], %gather3A_1453 : memref<4096xf32, #tpu.memory_space<vmem>>[vector<16xi32>], vector<16xf32>,
      %add3A_1460 = arith.constant 10 : i32
      %add3A_1461 = vector.broadcast %add3A_1460 : i32 to vector<16xi32>
      %add3A_1462 = arith.addi %add3A_1359, %add3A_1461 : vector<16xi32>
      %gather3A_1463 = tpu.vector_load_idx %arg6[%add3A_1462] : memref<65536xf32, #tpu.memory_space<vmem>>[vector<16xi32>], vector<16xf32>,
      %mul3A_1464 = arith.constant 256 : i32
      %mul3A_1465 = vector.broadcast %mul3A_1464 : i32 to vector<16xi32>
      %mul3A_1466 = arith.muli %iota3A, %mul3A_1465 : vector<16xi32>
      %add3A_1467 = arith.constant 138 : i32
      %add3A_1468 = vector.broadcast %add3A_1467 : i32 to vector<16xi32>
      %add3A_1469 = arith.addi %mul3A_1466, %add3A_1468 : vector<16xi32>
      tpu.vector_store_idx %arg7[%add3A_1469], %gather3A_1463 : memref<4096xf32, #tpu.memory_space<vmem>>[vector<16xi32>], vector<16xf32>,
      %add3A_1470 = arith.constant 11 : i32
      %add3A_1471 = vector.broadcast %add3A_1470 : i32 to vector<16xi32>
      %add3A_1472 = arith.addi %add3A_1359, %add3A_1471 : vector<16xi32>
      %gather3A_1473 = tpu.vector_load_idx %arg6[%add3A_1472] : memref<65536xf32, #tpu.memory_space<vmem>>[vector<16xi32>], vector<16xf32>,
      %mul3A_1474 = arith.constant 256 : i32
      %mul3A_1475 = vector.broadcast %mul3A_1474 : i32 to vector<16xi32>
      %mul3A_1476 = arith.muli %iota3A, %mul3A_1475 : vector<16xi32>
      %add3A_1477 = arith.constant 139 : i32
      %add3A_1478 = vector.broadcast %add3A_1477 : i32 to vector<16xi32>
      %add3A_1479 = arith.addi %mul3A_1476, %add3A_1478 : vector<16xi32>
      tpu.vector_store_idx %arg7[%add3A_1479], %gather3A_1473 : memref<4096xf32, #tpu.memory_space<vmem>>[vector<16xi32>], vector<16xf32>,
      %add3A_1480 = arith.constant 12 : i32
      %add3A_1481 = vector.broadcast %add3A_1480 : i32 to vector<16xi32>
      %add3A_1482 = arith.addi %add3A_1359, %add3A_1481 : vector<16xi32>
      %gather3A_1483 = tpu.vector_load_idx %arg6[%add3A_1482] : memref<65536xf32, #tpu.memory_space<vmem>>[vector<16xi32>], vector<16xf32>,
      %mul3A_1484 = arith.constant 256 : i32
      %mul3A_1485 = vector.broadcast %mul3A_1484 : i32 to vector<16xi32>
      %mul3A_1486 = arith.muli %iota3A, %mul3A_1485 : vector<16xi32>
      %add3A_1487 = arith.constant 140 : i32
      %add3A_1488 = vector.broadcast %add3A_1487 : i32 to vector<16xi32>
      %add3A_1489 = arith.addi %mul3A_1486, %add3A_1488 : vector<16xi32>
      tpu.vector_store_idx %arg7[%add3A_1489], %gather3A_1483 : memref<4096xf32, #tpu.memory_space<vmem>>[vector<16xi32>], vector<16xf32>,
      %add3A_1490 = arith.constant 13 : i32
      %add3A_1491 = vector.broadcast %add3A_1490 : i32 to vector<16xi32>
      %add3A_1492 = arith.addi %add3A_1359, %add3A_1491 : vector<16xi32>
      %gather3A_1493 = tpu.vector_load_idx %arg6[%add3A_1492] : memref<65536xf32, #tpu.memory_space<vmem>>[vector<16xi32>], vector<16xf32>,
      %mul3A_1494 = arith.constant 256 : i32
      %mul3A_1495 = vector.broadcast %mul3A_1494 : i32 to vector<16xi32>
      %mul3A_1496 = arith.muli %iota3A, %mul3A_1495 : vector<16xi32>
      %add3A_1497 = arith.constant 141 : i32
      %add3A_1498 = vector.broadcast %add3A_1497 : i32 to vector<16xi32>
      %add3A_1499 = arith.addi %mul3A_1496, %add3A_1498 : vector<16xi32>
      tpu.vector_store_idx %arg7[%add3A_1499], %gather3A_1493 : memref<4096xf32, #tpu.memory_space<vmem>>[vector<16xi32>], vector<16xf32>,
      %add3A_1500 = arith.constant 14 : i32
      %add3A_1501 = vector.broadcast %add3A_1500 : i32 to vector<16xi32>
      %add3A_1502 = arith.addi %add3A_1359, %add3A_1501 : vector<16xi32>
      %gather3A_1503 = tpu.vector_load_idx %arg6[%add3A_1502] : memref<65536xf32, #tpu.memory_space<vmem>>[vector<16xi32>], vector<16xf32>,
      %mul3A_1504 = arith.constant 256 : i32
      %mul3A_1505 = vector.broadcast %mul3A_1504 : i32 to vector<16xi32>
      %mul3A_1506 = arith.muli %iota3A, %mul3A_1505 : vector<16xi32>
      %add3A_1507 = arith.constant 142 : i32
      %add3A_1508 = vector.broadcast %add3A_1507 : i32 to vector<16xi32>
      %add3A_1509 = arith.addi %mul3A_1506, %add3A_1508 : vector<16xi32>
      tpu.vector_store_idx %arg7[%add3A_1509], %gather3A_1503 : memref<4096xf32, #tpu.memory_space<vmem>>[vector<16xi32>], vector<16xf32>,
      %add3A_1510 = arith.constant 15 : i32
      %add3A_1511 = vector.broadcast %add3A_1510 : i32 to vector<16xi32>
      %add3A_1512 = arith.addi %add3A_1359, %add3A_1511 : vector<16xi32>
      %gather3A_1513 = tpu.vector_load_idx %arg6[%add3A_1512] : memref<65536xf32, #tpu.memory_space<vmem>>[vector<16xi32>], vector<16xf32>,
      %mul3A_1514 = arith.constant 256 : i32
      %mul3A_1515 = vector.broadcast %mul3A_1514 : i32 to vector<16xi32>
      %mul3A_1516 = arith.muli %iota3A, %mul3A_1515 : vector<16xi32>
      %add3A_1517 = arith.constant 143 : i32
      %add3A_1518 = vector.broadcast %add3A_1517 : i32 to vector<16xi32>
      %add3A_1519 = arith.addi %mul3A_1516, %add3A_1518 : vector<16xi32>
      tpu.vector_store_idx %arg7[%add3A_1519], %gather3A_1513 : memref<4096xf32, #tpu.memory_space<vmem>>[vector<16xi32>], vector<16xf32>,
      %add3A_1520 = arith.constant 16 : i32
      %add3A_1521 = vector.broadcast %add3A_1520 : i32 to vector<16xi32>
      %add3A_1522 = arith.addi %add3A_1359, %add3A_1521 : vector<16xi32>
      %gather3A_1523 = tpu.vector_load_idx %arg6[%add3A_1522] : memref<65536xf32, #tpu.memory_space<vmem>>[vector<16xi32>], vector<16xf32>,
      %mul3A_1524 = arith.constant 256 : i32
      %mul3A_1525 = vector.broadcast %mul3A_1524 : i32 to vector<16xi32>
      %mul3A_1526 = arith.muli %iota3A, %mul3A_1525 : vector<16xi32>
      %add3A_1527 = arith.constant 144 : i32
      %add3A_1528 = vector.broadcast %add3A_1527 : i32 to vector<16xi32>
      %add3A_1529 = arith.addi %mul3A_1526, %add3A_1528 : vector<16xi32>
      tpu.vector_store_idx %arg7[%add3A_1529], %gather3A_1523 : memref<4096xf32, #tpu.memory_space<vmem>>[vector<16xi32>], vector<16xf32>,
      %add3A_1530 = arith.constant 17 : i32
      %add3A_1531 = vector.broadcast %add3A_1530 : i32 to vector<16xi32>
      %add3A_1532 = arith.addi %add3A_1359, %add3A_1531 : vector<16xi32>
      %gather3A_1533 = tpu.vector_load_idx %arg6[%add3A_1532] : memref<65536xf32, #tpu.memory_space<vmem>>[vector<16xi32>], vector<16xf32>,
      %mul3A_1534 = arith.constant 256 : i32
      %mul3A_1535 = vector.broadcast %mul3A_1534 : i32 to vector<16xi32>
      %mul3A_1536 = arith.muli %iota3A, %mul3A_1535 : vector<16xi32>
      %add3A_1537 = arith.constant 145 : i32
      %add3A_1538 = vector.broadcast %add3A_1537 : i32 to vector<16xi32>
      %add3A_1539 = arith.addi %mul3A_1536, %add3A_1538 : vector<16xi32>
      tpu.vector_store_idx %arg7[%add3A_1539], %gather3A_1533 : memref<4096xf32, #tpu.memory_space<vmem>>[vector<16xi32>], vector<16xf32>,
      %add3A_1540 = arith.constant 18 : i32
      %add3A_1541 = vector.broadcast %add3A_1540 : i32 to vector<16xi32>
      %add3A_1542 = arith.addi %add3A_1359, %add3A_1541 : vector<16xi32>
      %gather3A_1543 = tpu.vector_load_idx %arg6[%add3A_1542] : memref<65536xf32, #tpu.memory_space<vmem>>[vector<16xi32>], vector<16xf32>,
      %mul3A_1544 = arith.constant 256 : i32
      %mul3A_1545 = vector.broadcast %mul3A_1544 : i32 to vector<16xi32>
      %mul3A_1546 = arith.muli %iota3A, %mul3A_1545 : vector<16xi32>
      %add3A_1547 = arith.constant 146 : i32
      %add3A_1548 = vector.broadcast %add3A_1547 : i32 to vector<16xi32>
      %add3A_1549 = arith.addi %mul3A_1546, %add3A_1548 : vector<16xi32>
      tpu.vector_store_idx %arg7[%add3A_1549], %gather3A_1543 : memref<4096xf32, #tpu.memory_space<vmem>>[vector<16xi32>], vector<16xf32>,
      %add3A_1550 = arith.constant 19 : i32
      %add3A_1551 = vector.broadcast %add3A_1550 : i32 to vector<16xi32>
      %add3A_1552 = arith.addi %add3A_1359, %add3A_1551 : vector<16xi32>
      %gather3A_1553 = tpu.vector_load_idx %arg6[%add3A_1552] : memref<65536xf32, #tpu.memory_space<vmem>>[vector<16xi32>], vector<16xf32>,
      %mul3A_1554 = arith.constant 256 : i32
      %mul3A_1555 = vector.broadcast %mul3A_1554 : i32 to vector<16xi32>
      %mul3A_1556 = arith.muli %iota3A, %mul3A_1555 : vector<16xi32>
      %add3A_1557 = arith.constant 147 : i32
      %add3A_1558 = vector.broadcast %add3A_1557 : i32 to vector<16xi32>
      %add3A_1559 = arith.addi %mul3A_1556, %add3A_1558 : vector<16xi32>
      tpu.vector_store_idx %arg7[%add3A_1559], %gather3A_1553 : memref<4096xf32, #tpu.memory_space<vmem>>[vector<16xi32>], vector<16xf32>,
      %add3A_1560 = arith.constant 20 : i32
      %add3A_1561 = vector.broadcast %add3A_1560 : i32 to vector<16xi32>
      %add3A_1562 = arith.addi %add3A_1359, %add3A_1561 : vector<16xi32>
      %gather3A_1563 = tpu.vector_load_idx %arg6[%add3A_1562] : memref<65536xf32, #tpu.memory_space<vmem>>[vector<16xi32>], vector<16xf32>,
      %mul3A_1564 = arith.constant 256 : i32
      %mul3A_1565 = vector.broadcast %mul3A_1564 : i32 to vector<16xi32>
      %mul3A_1566 = arith.muli %iota3A, %mul3A_1565 : vector<16xi32>
      %add3A_1567 = arith.constant 148 : i32
      %add3A_1568 = vector.broadcast %add3A_1567 : i32 to vector<16xi32>
      %add3A_1569 = arith.addi %mul3A_1566, %add3A_1568 : vector<16xi32>
      tpu.vector_store_idx %arg7[%add3A_1569], %gather3A_1563 : memref<4096xf32, #tpu.memory_space<vmem>>[vector<16xi32>], vector<16xf32>,
      %add3A_1570 = arith.constant 21 : i32
      %add3A_1571 = vector.broadcast %add3A_1570 : i32 to vector<16xi32>
      %add3A_1572 = arith.addi %add3A_1359, %add3A_1571 : vector<16xi32>
      %gather3A_1573 = tpu.vector_load_idx %arg6[%add3A_1572] : memref<65536xf32, #tpu.memory_space<vmem>>[vector<16xi32>], vector<16xf32>,
      %mul3A_1574 = arith.constant 256 : i32
      %mul3A_1575 = vector.broadcast %mul3A_1574 : i32 to vector<16xi32>
      %mul3A_1576 = arith.muli %iota3A, %mul3A_1575 : vector<16xi32>
      %add3A_1577 = arith.constant 149 : i32
      %add3A_1578 = vector.broadcast %add3A_1577 : i32 to vector<16xi32>
      %add3A_1579 = arith.addi %mul3A_1576, %add3A_1578 : vector<16xi32>
      tpu.vector_store_idx %arg7[%add3A_1579], %gather3A_1573 : memref<4096xf32, #tpu.memory_space<vmem>>[vector<16xi32>], vector<16xf32>,
      %add3A_1580 = arith.constant 22 : i32
      %add3A_1581 = vector.broadcast %add3A_1580 : i32 to vector<16xi32>
      %add3A_1582 = arith.addi %add3A_1359, %add3A_1581 : vector<16xi32>
      %gather3A_1583 = tpu.vector_load_idx %arg6[%add3A_1582] : memref<65536xf32, #tpu.memory_space<vmem>>[vector<16xi32>], vector<16xf32>,
      %mul3A_1584 = arith.constant 256 : i32
      %mul3A_1585 = vector.broadcast %mul3A_1584 : i32 to vector<16xi32>
      %mul3A_1586 = arith.muli %iota3A, %mul3A_1585 : vector<16xi32>
      %add3A_1587 = arith.constant 150 : i32
      %add3A_1588 = vector.broadcast %add3A_1587 : i32 to vector<16xi32>
      %add3A_1589 = arith.addi %mul3A_1586, %add3A_1588 : vector<16xi32>
      tpu.vector_store_idx %arg7[%add3A_1589], %gather3A_1583 : memref<4096xf32, #tpu.memory_space<vmem>>[vector<16xi32>], vector<16xf32>,
      %add3A_1590 = arith.constant 23 : i32
      %add3A_1591 = vector.broadcast %add3A_1590 : i32 to vector<16xi32>
      %add3A_1592 = arith.addi %add3A_1359, %add3A_1591 : vector<16xi32>
      %gather3A_1593 = tpu.vector_load_idx %arg6[%add3A_1592] : memref<65536xf32, #tpu.memory_space<vmem>>[vector<16xi32>], vector<16xf32>,
      %mul3A_1594 = arith.constant 256 : i32
      %mul3A_1595 = vector.broadcast %mul3A_1594 : i32 to vector<16xi32>
      %mul3A_1596 = arith.muli %iota3A, %mul3A_1595 : vector<16xi32>
      %add3A_1597 = arith.constant 151 : i32
      %add3A_1598 = vector.broadcast %add3A_1597 : i32 to vector<16xi32>
      %add3A_1599 = arith.addi %mul3A_1596, %add3A_1598 : vector<16xi32>
      tpu.vector_store_idx %arg7[%add3A_1599], %gather3A_1593 : memref<4096xf32, #tpu.memory_space<vmem>>[vector<16xi32>], vector<16xf32>,
      %add3A_1600 = arith.constant 24 : i32
      %add3A_1601 = vector.broadcast %add3A_1600 : i32 to vector<16xi32>
      %add3A_1602 = arith.addi %add3A_1359, %add3A_1601 : vector<16xi32>
      %gather3A_1603 = tpu.vector_load_idx %arg6[%add3A_1602] : memref<65536xf32, #tpu.memory_space<vmem>>[vector<16xi32>], vector<16xf32>,
      %mul3A_1604 = arith.constant 256 : i32
      %mul3A_1605 = vector.broadcast %mul3A_1604 : i32 to vector<16xi32>
      %mul3A_1606 = arith.muli %iota3A, %mul3A_1605 : vector<16xi32>
      %add3A_1607 = arith.constant 152 : i32
      %add3A_1608 = vector.broadcast %add3A_1607 : i32 to vector<16xi32>
      %add3A_1609 = arith.addi %mul3A_1606, %add3A_1608 : vector<16xi32>
      tpu.vector_store_idx %arg7[%add3A_1609], %gather3A_1603 : memref<4096xf32, #tpu.memory_space<vmem>>[vector<16xi32>], vector<16xf32>,
      %add3A_1610 = arith.constant 25 : i32
      %add3A_1611 = vector.broadcast %add3A_1610 : i32 to vector<16xi32>
      %add3A_1612 = arith.addi %add3A_1359, %add3A_1611 : vector<16xi32>
      %gather3A_1613 = tpu.vector_load_idx %arg6[%add3A_1612] : memref<65536xf32, #tpu.memory_space<vmem>>[vector<16xi32>], vector<16xf32>,
      %mul3A_1614 = arith.constant 256 : i32
      %mul3A_1615 = vector.broadcast %mul3A_1614 : i32 to vector<16xi32>
      %mul3A_1616 = arith.muli %iota3A, %mul3A_1615 : vector<16xi32>
      %add3A_1617 = arith.constant 153 : i32
      %add3A_1618 = vector.broadcast %add3A_1617 : i32 to vector<16xi32>
      %add3A_1619 = arith.addi %mul3A_1616, %add3A_1618 : vector<16xi32>
      tpu.vector_store_idx %arg7[%add3A_1619], %gather3A_1613 : memref<4096xf32, #tpu.memory_space<vmem>>[vector<16xi32>], vector<16xf32>,
      %add3A_1620 = arith.constant 26 : i32
      %add3A_1621 = vector.broadcast %add3A_1620 : i32 to vector<16xi32>
      %add3A_1622 = arith.addi %add3A_1359, %add3A_1621 : vector<16xi32>
      %gather3A_1623 = tpu.vector_load_idx %arg6[%add3A_1622] : memref<65536xf32, #tpu.memory_space<vmem>>[vector<16xi32>], vector<16xf32>,
      %mul3A_1624 = arith.constant 256 : i32
      %mul3A_1625 = vector.broadcast %mul3A_1624 : i32 to vector<16xi32>
      %mul3A_1626 = arith.muli %iota3A, %mul3A_1625 : vector<16xi32>
      %add3A_1627 = arith.constant 154 : i32
      %add3A_1628 = vector.broadcast %add3A_1627 : i32 to vector<16xi32>
      %add3A_1629 = arith.addi %mul3A_1626, %add3A_1628 : vector<16xi32>
      tpu.vector_store_idx %arg7[%add3A_1629], %gather3A_1623 : memref<4096xf32, #tpu.memory_space<vmem>>[vector<16xi32>], vector<16xf32>,
      %add3A_1630 = arith.constant 27 : i32
      %add3A_1631 = vector.broadcast %add3A_1630 : i32 to vector<16xi32>
      %add3A_1632 = arith.addi %add3A_1359, %add3A_1631 : vector<16xi32>
      %gather3A_1633 = tpu.vector_load_idx %arg6[%add3A_1632] : memref<65536xf32, #tpu.memory_space<vmem>>[vector<16xi32>], vector<16xf32>,
      %mul3A_1634 = arith.constant 256 : i32
      %mul3A_1635 = vector.broadcast %mul3A_1634 : i32 to vector<16xi32>
      %mul3A_1636 = arith.muli %iota3A, %mul3A_1635 : vector<16xi32>
      %add3A_1637 = arith.constant 155 : i32
      %add3A_1638 = vector.broadcast %add3A_1637 : i32 to vector<16xi32>
      %add3A_1639 = arith.addi %mul3A_1636, %add3A_1638 : vector<16xi32>
      tpu.vector_store_idx %arg7[%add3A_1639], %gather3A_1633 : memref<4096xf32, #tpu.memory_space<vmem>>[vector<16xi32>], vector<16xf32>,
      %add3A_1640 = arith.constant 28 : i32
      %add3A_1641 = vector.broadcast %add3A_1640 : i32 to vector<16xi32>
      %add3A_1642 = arith.addi %add3A_1359, %add3A_1641 : vector<16xi32>
      %gather3A_1643 = tpu.vector_load_idx %arg6[%add3A_1642] : memref<65536xf32, #tpu.memory_space<vmem>>[vector<16xi32>], vector<16xf32>,
      %mul3A_1644 = arith.constant 256 : i32
      %mul3A_1645 = vector.broadcast %mul3A_1644 : i32 to vector<16xi32>
      %mul3A_1646 = arith.muli %iota3A, %mul3A_1645 : vector<16xi32>
      %add3A_1647 = arith.constant 156 : i32
      %add3A_1648 = vector.broadcast %add3A_1647 : i32 to vector<16xi32>
      %add3A_1649 = arith.addi %mul3A_1646, %add3A_1648 : vector<16xi32>
      tpu.vector_store_idx %arg7[%add3A_1649], %gather3A_1643 : memref<4096xf32, #tpu.memory_space<vmem>>[vector<16xi32>], vector<16xf32>,
      %add3A_1650 = arith.constant 29 : i32
      %add3A_1651 = vector.broadcast %add3A_1650 : i32 to vector<16xi32>
      %add3A_1652 = arith.addi %add3A_1359, %add3A_1651 : vector<16xi32>
      %gather3A_1653 = tpu.vector_load_idx %arg6[%add3A_1652] : memref<65536xf32, #tpu.memory_space<vmem>>[vector<16xi32>], vector<16xf32>,
      %mul3A_1654 = arith.constant 256 : i32
      %mul3A_1655 = vector.broadcast %mul3A_1654 : i32 to vector<16xi32>
      %mul3A_1656 = arith.muli %iota3A, %mul3A_1655 : vector<16xi32>
      %add3A_1657 = arith.constant 157 : i32
      %add3A_1658 = vector.broadcast %add3A_1657 : i32 to vector<16xi32>
      %add3A_1659 = arith.addi %mul3A_1656, %add3A_1658 : vector<16xi32>
      tpu.vector_store_idx %arg7[%add3A_1659], %gather3A_1653 : memref<4096xf32, #tpu.memory_space<vmem>>[vector<16xi32>], vector<16xf32>,
      %add3A_1660 = arith.constant 30 : i32
      %add3A_1661 = vector.broadcast %add3A_1660 : i32 to vector<16xi32>
      %add3A_1662 = arith.addi %add3A_1359, %add3A_1661 : vector<16xi32>
      %gather3A_1663 = tpu.vector_load_idx %arg6[%add3A_1662] : memref<65536xf32, #tpu.memory_space<vmem>>[vector<16xi32>], vector<16xf32>,
      %mul3A_1664 = arith.constant 256 : i32
      %mul3A_1665 = vector.broadcast %mul3A_1664 : i32 to vector<16xi32>
      %mul3A_1666 = arith.muli %iota3A, %mul3A_1665 : vector<16xi32>
      %add3A_1667 = arith.constant 158 : i32
      %add3A_1668 = vector.broadcast %add3A_1667 : i32 to vector<16xi32>
      %add3A_1669 = arith.addi %mul3A_1666, %add3A_1668 : vector<16xi32>
      tpu.vector_store_idx %arg7[%add3A_1669], %gather3A_1663 : memref<4096xf32, #tpu.memory_space<vmem>>[vector<16xi32>], vector<16xf32>,
      %add3A_1670 = arith.constant 31 : i32
      %add3A_1671 = vector.broadcast %add3A_1670 : i32 to vector<16xi32>
      %add3A_1672 = arith.addi %add3A_1359, %add3A_1671 : vector<16xi32>
      %gather3A_1673 = tpu.vector_load_idx %arg6[%add3A_1672] : memref<65536xf32, #tpu.memory_space<vmem>>[vector<16xi32>], vector<16xf32>,
      %mul3A_1674 = arith.constant 256 : i32
      %mul3A_1675 = vector.broadcast %mul3A_1674 : i32 to vector<16xi32>
      %mul3A_1676 = arith.muli %iota3A, %mul3A_1675 : vector<16xi32>
      %add3A_1677 = arith.constant 159 : i32
      %add3A_1678 = vector.broadcast %add3A_1677 : i32 to vector<16xi32>
      %add3A_1679 = arith.addi %mul3A_1676, %add3A_1678 : vector<16xi32>
      tpu.vector_store_idx %arg7[%add3A_1679], %gather3A_1673 : memref<4096xf32, #tpu.memory_space<vmem>>[vector<16xi32>], vector<16xf32>,
      %mul3A_1680 = arith.constant 8 : i32
      %mul3A_1681 = vector.broadcast %mul3A_1680 : i32 to vector<16xi32>
      %mul3A_1682 = arith.muli %add3A_15, %mul3A_1681 : vector<16xi32>
      %add3A_1683 = arith.constant 5 : i32
      %add3A_1684 = vector.broadcast %add3A_1683 : i32 to vector<16xi32>
      %add3A_1685 = arith.addi %mul3A_1682, %add3A_1684 : vector<16xi32>
      %gather3A_1686 = tpu.vector_load_idx %arg5[%add3A_1685] : memref<4608xi32, #tpu.memory_space<vmem>>[vector<16xi32>], vector<16xi32>,
      %mul3A_1687 = arith.constant 32 : i32
      %mul3A_1688 = vector.broadcast %mul3A_1687 : i32 to vector<16xi32>
      %mul3A_1689 = arith.muli %gather3A_1686, %mul3A_1688 : vector<16xi32>
      %add3A_1690 = arith.constant 40960 : i32
      %add3A_1691 = vector.broadcast %add3A_1690 : i32 to vector<16xi32>
      %add3A_1692 = arith.addi %mul3A_1689, %add3A_1691 : vector<16xi32>
      %add3A_1693 = arith.constant 0 : i32
      %add3A_1694 = vector.broadcast %add3A_1693 : i32 to vector<16xi32>
      %add3A_1695 = arith.addi %add3A_1692, %add3A_1694 : vector<16xi32>
      %gather3A_1696 = tpu.vector_load_idx %arg6[%add3A_1695] : memref<65536xf32, #tpu.memory_space<vmem>>[vector<16xi32>], vector<16xf32>,
      %mul3A_1697 = arith.constant 256 : i32
      %mul3A_1698 = vector.broadcast %mul3A_1697 : i32 to vector<16xi32>
      %mul3A_1699 = arith.muli %iota3A, %mul3A_1698 : vector<16xi32>
      %add3A_1700 = arith.constant 160 : i32
      %add3A_1701 = vector.broadcast %add3A_1700 : i32 to vector<16xi32>
      %add3A_1702 = arith.addi %mul3A_1699, %add3A_1701 : vector<16xi32>
      tpu.vector_store_idx %arg7[%add3A_1702], %gather3A_1696 : memref<4096xf32, #tpu.memory_space<vmem>>[vector<16xi32>], vector<16xf32>,
      %add3A_1703 = arith.constant 1 : i32
      %add3A_1704 = vector.broadcast %add3A_1703 : i32 to vector<16xi32>
      %add3A_1705 = arith.addi %add3A_1692, %add3A_1704 : vector<16xi32>
      %gather3A_1706 = tpu.vector_load_idx %arg6[%add3A_1705] : memref<65536xf32, #tpu.memory_space<vmem>>[vector<16xi32>], vector<16xf32>,
      %mul3A_1707 = arith.constant 256 : i32
      %mul3A_1708 = vector.broadcast %mul3A_1707 : i32 to vector<16xi32>
      %mul3A_1709 = arith.muli %iota3A, %mul3A_1708 : vector<16xi32>
      %add3A_1710 = arith.constant 161 : i32
      %add3A_1711 = vector.broadcast %add3A_1710 : i32 to vector<16xi32>
      %add3A_1712 = arith.addi %mul3A_1709, %add3A_1711 : vector<16xi32>
      tpu.vector_store_idx %arg7[%add3A_1712], %gather3A_1706 : memref<4096xf32, #tpu.memory_space<vmem>>[vector<16xi32>], vector<16xf32>,
      %add3A_1713 = arith.constant 2 : i32
      %add3A_1714 = vector.broadcast %add3A_1713 : i32 to vector<16xi32>
      %add3A_1715 = arith.addi %add3A_1692, %add3A_1714 : vector<16xi32>
      %gather3A_1716 = tpu.vector_load_idx %arg6[%add3A_1715] : memref<65536xf32, #tpu.memory_space<vmem>>[vector<16xi32>], vector<16xf32>,
      %mul3A_1717 = arith.constant 256 : i32
      %mul3A_1718 = vector.broadcast %mul3A_1717 : i32 to vector<16xi32>
      %mul3A_1719 = arith.muli %iota3A, %mul3A_1718 : vector<16xi32>
      %add3A_1720 = arith.constant 162 : i32
      %add3A_1721 = vector.broadcast %add3A_1720 : i32 to vector<16xi32>
      %add3A_1722 = arith.addi %mul3A_1719, %add3A_1721 : vector<16xi32>
      tpu.vector_store_idx %arg7[%add3A_1722], %gather3A_1716 : memref<4096xf32, #tpu.memory_space<vmem>>[vector<16xi32>], vector<16xf32>,
      %add3A_1723 = arith.constant 3 : i32
      %add3A_1724 = vector.broadcast %add3A_1723 : i32 to vector<16xi32>
      %add3A_1725 = arith.addi %add3A_1692, %add3A_1724 : vector<16xi32>
      %gather3A_1726 = tpu.vector_load_idx %arg6[%add3A_1725] : memref<65536xf32, #tpu.memory_space<vmem>>[vector<16xi32>], vector<16xf32>,
      %mul3A_1727 = arith.constant 256 : i32
      %mul3A_1728 = vector.broadcast %mul3A_1727 : i32 to vector<16xi32>
      %mul3A_1729 = arith.muli %iota3A, %mul3A_1728 : vector<16xi32>
      %add3A_1730 = arith.constant 163 : i32
      %add3A_1731 = vector.broadcast %add3A_1730 : i32 to vector<16xi32>
      %add3A_1732 = arith.addi %mul3A_1729, %add3A_1731 : vector<16xi32>
      tpu.vector_store_idx %arg7[%add3A_1732], %gather3A_1726 : memref<4096xf32, #tpu.memory_space<vmem>>[vector<16xi32>], vector<16xf32>,
      %add3A_1733 = arith.constant 4 : i32
      %add3A_1734 = vector.broadcast %add3A_1733 : i32 to vector<16xi32>
      %add3A_1735 = arith.addi %add3A_1692, %add3A_1734 : vector<16xi32>
      %gather3A_1736 = tpu.vector_load_idx %arg6[%add3A_1735] : memref<65536xf32, #tpu.memory_space<vmem>>[vector<16xi32>], vector<16xf32>,
      %mul3A_1737 = arith.constant 256 : i32
      %mul3A_1738 = vector.broadcast %mul3A_1737 : i32 to vector<16xi32>
      %mul3A_1739 = arith.muli %iota3A, %mul3A_1738 : vector<16xi32>
      %add3A_1740 = arith.constant 164 : i32
      %add3A_1741 = vector.broadcast %add3A_1740 : i32 to vector<16xi32>
      %add3A_1742 = arith.addi %mul3A_1739, %add3A_1741 : vector<16xi32>
      tpu.vector_store_idx %arg7[%add3A_1742], %gather3A_1736 : memref<4096xf32, #tpu.memory_space<vmem>>[vector<16xi32>], vector<16xf32>,
      %add3A_1743 = arith.constant 5 : i32
      %add3A_1744 = vector.broadcast %add3A_1743 : i32 to vector<16xi32>
      %add3A_1745 = arith.addi %add3A_1692, %add3A_1744 : vector<16xi32>
      %gather3A_1746 = tpu.vector_load_idx %arg6[%add3A_1745] : memref<65536xf32, #tpu.memory_space<vmem>>[vector<16xi32>], vector<16xf32>,
      %mul3A_1747 = arith.constant 256 : i32
      %mul3A_1748 = vector.broadcast %mul3A_1747 : i32 to vector<16xi32>
      %mul3A_1749 = arith.muli %iota3A, %mul3A_1748 : vector<16xi32>
      %add3A_1750 = arith.constant 165 : i32
      %add3A_1751 = vector.broadcast %add3A_1750 : i32 to vector<16xi32>
      %add3A_1752 = arith.addi %mul3A_1749, %add3A_1751 : vector<16xi32>
      tpu.vector_store_idx %arg7[%add3A_1752], %gather3A_1746 : memref<4096xf32, #tpu.memory_space<vmem>>[vector<16xi32>], vector<16xf32>,
      %add3A_1753 = arith.constant 6 : i32
      %add3A_1754 = vector.broadcast %add3A_1753 : i32 to vector<16xi32>
      %add3A_1755 = arith.addi %add3A_1692, %add3A_1754 : vector<16xi32>
      %gather3A_1756 = tpu.vector_load_idx %arg6[%add3A_1755] : memref<65536xf32, #tpu.memory_space<vmem>>[vector<16xi32>], vector<16xf32>,
      %mul3A_1757 = arith.constant 256 : i32
      %mul3A_1758 = vector.broadcast %mul3A_1757 : i32 to vector<16xi32>
      %mul3A_1759 = arith.muli %iota3A, %mul3A_1758 : vector<16xi32>
      %add3A_1760 = arith.constant 166 : i32
      %add3A_1761 = vector.broadcast %add3A_1760 : i32 to vector<16xi32>
      %add3A_1762 = arith.addi %mul3A_1759, %add3A_1761 : vector<16xi32>
      tpu.vector_store_idx %arg7[%add3A_1762], %gather3A_1756 : memref<4096xf32, #tpu.memory_space<vmem>>[vector<16xi32>], vector<16xf32>,
      %add3A_1763 = arith.constant 7 : i32
      %add3A_1764 = vector.broadcast %add3A_1763 : i32 to vector<16xi32>
      %add3A_1765 = arith.addi %add3A_1692, %add3A_1764 : vector<16xi32>
      %gather3A_1766 = tpu.vector_load_idx %arg6[%add3A_1765] : memref<65536xf32, #tpu.memory_space<vmem>>[vector<16xi32>], vector<16xf32>,
      %mul3A_1767 = arith.constant 256 : i32
      %mul3A_1768 = vector.broadcast %mul3A_1767 : i32 to vector<16xi32>
      %mul3A_1769 = arith.muli %iota3A, %mul3A_1768 : vector<16xi32>
      %add3A_1770 = arith.constant 167 : i32
      %add3A_1771 = vector.broadcast %add3A_1770 : i32 to vector<16xi32>
      %add3A_1772 = arith.addi %mul3A_1769, %add3A_1771 : vector<16xi32>
      tpu.vector_store_idx %arg7[%add3A_1772], %gather3A_1766 : memref<4096xf32, #tpu.memory_space<vmem>>[vector<16xi32>], vector<16xf32>,
      %add3A_1773 = arith.constant 8 : i32
      %add3A_1774 = vector.broadcast %add3A_1773 : i32 to vector<16xi32>
      %add3A_1775 = arith.addi %add3A_1692, %add3A_1774 : vector<16xi32>
      %gather3A_1776 = tpu.vector_load_idx %arg6[%add3A_1775] : memref<65536xf32, #tpu.memory_space<vmem>>[vector<16xi32>], vector<16xf32>,
      %mul3A_1777 = arith.constant 256 : i32
      %mul3A_1778 = vector.broadcast %mul3A_1777 : i32 to vector<16xi32>
      %mul3A_1779 = arith.muli %iota3A, %mul3A_1778 : vector<16xi32>
      %add3A_1780 = arith.constant 168 : i32
      %add3A_1781 = vector.broadcast %add3A_1780 : i32 to vector<16xi32>
      %add3A_1782 = arith.addi %mul3A_1779, %add3A_1781 : vector<16xi32>
      tpu.vector_store_idx %arg7[%add3A_1782], %gather3A_1776 : memref<4096xf32, #tpu.memory_space<vmem>>[vector<16xi32>], vector<16xf32>,
      %add3A_1783 = arith.constant 9 : i32
      %add3A_1784 = vector.broadcast %add3A_1783 : i32 to vector<16xi32>
      %add3A_1785 = arith.addi %add3A_1692, %add3A_1784 : vector<16xi32>
      %gather3A_1786 = tpu.vector_load_idx %arg6[%add3A_1785] : memref<65536xf32, #tpu.memory_space<vmem>>[vector<16xi32>], vector<16xf32>,
      %mul3A_1787 = arith.constant 256 : i32
      %mul3A_1788 = vector.broadcast %mul3A_1787 : i32 to vector<16xi32>
      %mul3A_1789 = arith.muli %iota3A, %mul3A_1788 : vector<16xi32>
      %add3A_1790 = arith.constant 169 : i32
      %add3A_1791 = vector.broadcast %add3A_1790 : i32 to vector<16xi32>
      %add3A_1792 = arith.addi %mul3A_1789, %add3A_1791 : vector<16xi32>
      tpu.vector_store_idx %arg7[%add3A_1792], %gather3A_1786 : memref<4096xf32, #tpu.memory_space<vmem>>[vector<16xi32>], vector<16xf32>,
      %add3A_1793 = arith.constant 10 : i32
      %add3A_1794 = vector.broadcast %add3A_1793 : i32 to vector<16xi32>
      %add3A_1795 = arith.addi %add3A_1692, %add3A_1794 : vector<16xi32>
      %gather3A_1796 = tpu.vector_load_idx %arg6[%add3A_1795] : memref<65536xf32, #tpu.memory_space<vmem>>[vector<16xi32>], vector<16xf32>,
      %mul3A_1797 = arith.constant 256 : i32
      %mul3A_1798 = vector.broadcast %mul3A_1797 : i32 to vector<16xi32>
      %mul3A_1799 = arith.muli %iota3A, %mul3A_1798 : vector<16xi32>
      %add3A_1800 = arith.constant 170 : i32
      %add3A_1801 = vector.broadcast %add3A_1800 : i32 to vector<16xi32>
      %add3A_1802 = arith.addi %mul3A_1799, %add3A_1801 : vector<16xi32>
      tpu.vector_store_idx %arg7[%add3A_1802], %gather3A_1796 : memref<4096xf32, #tpu.memory_space<vmem>>[vector<16xi32>], vector<16xf32>,
      %add3A_1803 = arith.constant 11 : i32
      %add3A_1804 = vector.broadcast %add3A_1803 : i32 to vector<16xi32>
      %add3A_1805 = arith.addi %add3A_1692, %add3A_1804 : vector<16xi32>
      %gather3A_1806 = tpu.vector_load_idx %arg6[%add3A_1805] : memref<65536xf32, #tpu.memory_space<vmem>>[vector<16xi32>], vector<16xf32>,
      %mul3A_1807 = arith.constant 256 : i32
      %mul3A_1808 = vector.broadcast %mul3A_1807 : i32 to vector<16xi32>
      %mul3A_1809 = arith.muli %iota3A, %mul3A_1808 : vector<16xi32>
      %add3A_1810 = arith.constant 171 : i32
      %add3A_1811 = vector.broadcast %add3A_1810 : i32 to vector<16xi32>
      %add3A_1812 = arith.addi %mul3A_1809, %add3A_1811 : vector<16xi32>
      tpu.vector_store_idx %arg7[%add3A_1812], %gather3A_1806 : memref<4096xf32, #tpu.memory_space<vmem>>[vector<16xi32>], vector<16xf32>,
      %add3A_1813 = arith.constant 12 : i32
      %add3A_1814 = vector.broadcast %add3A_1813 : i32 to vector<16xi32>
      %add3A_1815 = arith.addi %add3A_1692, %add3A_1814 : vector<16xi32>
      %gather3A_1816 = tpu.vector_load_idx %arg6[%add3A_1815] : memref<65536xf32, #tpu.memory_space<vmem>>[vector<16xi32>], vector<16xf32>,
      %mul3A_1817 = arith.constant 256 : i32
      %mul3A_1818 = vector.broadcast %mul3A_1817 : i32 to vector<16xi32>
      %mul3A_1819 = arith.muli %iota3A, %mul3A_1818 : vector<16xi32>
      %add3A_1820 = arith.constant 172 : i32
      %add3A_1821 = vector.broadcast %add3A_1820 : i32 to vector<16xi32>
      %add3A_1822 = arith.addi %mul3A_1819, %add3A_1821 : vector<16xi32>
      tpu.vector_store_idx %arg7[%add3A_1822], %gather3A_1816 : memref<4096xf32, #tpu.memory_space<vmem>>[vector<16xi32>], vector<16xf32>,
      %add3A_1823 = arith.constant 13 : i32
      %add3A_1824 = vector.broadcast %add3A_1823 : i32 to vector<16xi32>
      %add3A_1825 = arith.addi %add3A_1692, %add3A_1824 : vector<16xi32>
      %gather3A_1826 = tpu.vector_load_idx %arg6[%add3A_1825] : memref<65536xf32, #tpu.memory_space<vmem>>[vector<16xi32>], vector<16xf32>,
      %mul3A_1827 = arith.constant 256 : i32
      %mul3A_1828 = vector.broadcast %mul3A_1827 : i32 to vector<16xi32>
      %mul3A_1829 = arith.muli %iota3A, %mul3A_1828 : vector<16xi32>
      %add3A_1830 = arith.constant 173 : i32
      %add3A_1831 = vector.broadcast %add3A_1830 : i32 to vector<16xi32>
      %add3A_1832 = arith.addi %mul3A_1829, %add3A_1831 : vector<16xi32>
      tpu.vector_store_idx %arg7[%add3A_1832], %gather3A_1826 : memref<4096xf32, #tpu.memory_space<vmem>>[vector<16xi32>], vector<16xf32>,
      %add3A_1833 = arith.constant 14 : i32
      %add3A_1834 = vector.broadcast %add3A_1833 : i32 to vector<16xi32>
      %add3A_1835 = arith.addi %add3A_1692, %add3A_1834 : vector<16xi32>
      %gather3A_1836 = tpu.vector_load_idx %arg6[%add3A_1835] : memref<65536xf32, #tpu.memory_space<vmem>>[vector<16xi32>], vector<16xf32>,
      %mul3A_1837 = arith.constant 256 : i32
      %mul3A_1838 = vector.broadcast %mul3A_1837 : i32 to vector<16xi32>
      %mul3A_1839 = arith.muli %iota3A, %mul3A_1838 : vector<16xi32>
      %add3A_1840 = arith.constant 174 : i32
      %add3A_1841 = vector.broadcast %add3A_1840 : i32 to vector<16xi32>
      %add3A_1842 = arith.addi %mul3A_1839, %add3A_1841 : vector<16xi32>
      tpu.vector_store_idx %arg7[%add3A_1842], %gather3A_1836 : memref<4096xf32, #tpu.memory_space<vmem>>[vector<16xi32>], vector<16xf32>,
      %add3A_1843 = arith.constant 15 : i32
      %add3A_1844 = vector.broadcast %add3A_1843 : i32 to vector<16xi32>
      %add3A_1845 = arith.addi %add3A_1692, %add3A_1844 : vector<16xi32>
      %gather3A_1846 = tpu.vector_load_idx %arg6[%add3A_1845] : memref<65536xf32, #tpu.memory_space<vmem>>[vector<16xi32>], vector<16xf32>,
      %mul3A_1847 = arith.constant 256 : i32
      %mul3A_1848 = vector.broadcast %mul3A_1847 : i32 to vector<16xi32>
      %mul3A_1849 = arith.muli %iota3A, %mul3A_1848 : vector<16xi32>
      %add3A_1850 = arith.constant 175 : i32
      %add3A_1851 = vector.broadcast %add3A_1850 : i32 to vector<16xi32>
      %add3A_1852 = arith.addi %mul3A_1849, %add3A_1851 : vector<16xi32>
      tpu.vector_store_idx %arg7[%add3A_1852], %gather3A_1846 : memref<4096xf32, #tpu.memory_space<vmem>>[vector<16xi32>], vector<16xf32>,
      %add3A_1853 = arith.constant 16 : i32
      %add3A_1854 = vector.broadcast %add3A_1853 : i32 to vector<16xi32>
      %add3A_1855 = arith.addi %add3A_1692, %add3A_1854 : vector<16xi32>
      %gather3A_1856 = tpu.vector_load_idx %arg6[%add3A_1855] : memref<65536xf32, #tpu.memory_space<vmem>>[vector<16xi32>], vector<16xf32>,
      %mul3A_1857 = arith.constant 256 : i32
      %mul3A_1858 = vector.broadcast %mul3A_1857 : i32 to vector<16xi32>
      %mul3A_1859 = arith.muli %iota3A, %mul3A_1858 : vector<16xi32>
      %add3A_1860 = arith.constant 176 : i32
      %add3A_1861 = vector.broadcast %add3A_1860 : i32 to vector<16xi32>
      %add3A_1862 = arith.addi %mul3A_1859, %add3A_1861 : vector<16xi32>
      tpu.vector_store_idx %arg7[%add3A_1862], %gather3A_1856 : memref<4096xf32, #tpu.memory_space<vmem>>[vector<16xi32>], vector<16xf32>,
      %add3A_1863 = arith.constant 17 : i32
      %add3A_1864 = vector.broadcast %add3A_1863 : i32 to vector<16xi32>
      %add3A_1865 = arith.addi %add3A_1692, %add3A_1864 : vector<16xi32>
      %gather3A_1866 = tpu.vector_load_idx %arg6[%add3A_1865] : memref<65536xf32, #tpu.memory_space<vmem>>[vector<16xi32>], vector<16xf32>,
      %mul3A_1867 = arith.constant 256 : i32
      %mul3A_1868 = vector.broadcast %mul3A_1867 : i32 to vector<16xi32>
      %mul3A_1869 = arith.muli %iota3A, %mul3A_1868 : vector<16xi32>
      %add3A_1870 = arith.constant 177 : i32
      %add3A_1871 = vector.broadcast %add3A_1870 : i32 to vector<16xi32>
      %add3A_1872 = arith.addi %mul3A_1869, %add3A_1871 : vector<16xi32>
      tpu.vector_store_idx %arg7[%add3A_1872], %gather3A_1866 : memref<4096xf32, #tpu.memory_space<vmem>>[vector<16xi32>], vector<16xf32>,
      %add3A_1873 = arith.constant 18 : i32
      %add3A_1874 = vector.broadcast %add3A_1873 : i32 to vector<16xi32>
      %add3A_1875 = arith.addi %add3A_1692, %add3A_1874 : vector<16xi32>
      %gather3A_1876 = tpu.vector_load_idx %arg6[%add3A_1875] : memref<65536xf32, #tpu.memory_space<vmem>>[vector<16xi32>], vector<16xf32>,
      %mul3A_1877 = arith.constant 256 : i32
      %mul3A_1878 = vector.broadcast %mul3A_1877 : i32 to vector<16xi32>
      %mul3A_1879 = arith.muli %iota3A, %mul3A_1878 : vector<16xi32>
      %add3A_1880 = arith.constant 178 : i32
      %add3A_1881 = vector.broadcast %add3A_1880 : i32 to vector<16xi32>
      %add3A_1882 = arith.addi %mul3A_1879, %add3A_1881 : vector<16xi32>
      tpu.vector_store_idx %arg7[%add3A_1882], %gather3A_1876 : memref<4096xf32, #tpu.memory_space<vmem>>[vector<16xi32>], vector<16xf32>,
      %add3A_1883 = arith.constant 19 : i32
      %add3A_1884 = vector.broadcast %add3A_1883 : i32 to vector<16xi32>
      %add3A_1885 = arith.addi %add3A_1692, %add3A_1884 : vector<16xi32>
      %gather3A_1886 = tpu.vector_load_idx %arg6[%add3A_1885] : memref<65536xf32, #tpu.memory_space<vmem>>[vector<16xi32>], vector<16xf32>,
      %mul3A_1887 = arith.constant 256 : i32
      %mul3A_1888 = vector.broadcast %mul3A_1887 : i32 to vector<16xi32>
      %mul3A_1889 = arith.muli %iota3A, %mul3A_1888 : vector<16xi32>
      %add3A_1890 = arith.constant 179 : i32
      %add3A_1891 = vector.broadcast %add3A_1890 : i32 to vector<16xi32>
      %add3A_1892 = arith.addi %mul3A_1889, %add3A_1891 : vector<16xi32>
      tpu.vector_store_idx %arg7[%add3A_1892], %gather3A_1886 : memref<4096xf32, #tpu.memory_space<vmem>>[vector<16xi32>], vector<16xf32>,
      %add3A_1893 = arith.constant 20 : i32
      %add3A_1894 = vector.broadcast %add3A_1893 : i32 to vector<16xi32>
      %add3A_1895 = arith.addi %add3A_1692, %add3A_1894 : vector<16xi32>
      %gather3A_1896 = tpu.vector_load_idx %arg6[%add3A_1895] : memref<65536xf32, #tpu.memory_space<vmem>>[vector<16xi32>], vector<16xf32>,
      %mul3A_1897 = arith.constant 256 : i32
      %mul3A_1898 = vector.broadcast %mul3A_1897 : i32 to vector<16xi32>
      %mul3A_1899 = arith.muli %iota3A, %mul3A_1898 : vector<16xi32>
      %add3A_1900 = arith.constant 180 : i32
      %add3A_1901 = vector.broadcast %add3A_1900 : i32 to vector<16xi32>
      %add3A_1902 = arith.addi %mul3A_1899, %add3A_1901 : vector<16xi32>
      tpu.vector_store_idx %arg7[%add3A_1902], %gather3A_1896 : memref<4096xf32, #tpu.memory_space<vmem>>[vector<16xi32>], vector<16xf32>,
      %add3A_1903 = arith.constant 21 : i32
      %add3A_1904 = vector.broadcast %add3A_1903 : i32 to vector<16xi32>
      %add3A_1905 = arith.addi %add3A_1692, %add3A_1904 : vector<16xi32>
      %gather3A_1906 = tpu.vector_load_idx %arg6[%add3A_1905] : memref<65536xf32, #tpu.memory_space<vmem>>[vector<16xi32>], vector<16xf32>,
      %mul3A_1907 = arith.constant 256 : i32
      %mul3A_1908 = vector.broadcast %mul3A_1907 : i32 to vector<16xi32>
      %mul3A_1909 = arith.muli %iota3A, %mul3A_1908 : vector<16xi32>
      %add3A_1910 = arith.constant 181 : i32
      %add3A_1911 = vector.broadcast %add3A_1910 : i32 to vector<16xi32>
      %add3A_1912 = arith.addi %mul3A_1909, %add3A_1911 : vector<16xi32>
      tpu.vector_store_idx %arg7[%add3A_1912], %gather3A_1906 : memref<4096xf32, #tpu.memory_space<vmem>>[vector<16xi32>], vector<16xf32>,
      %add3A_1913 = arith.constant 22 : i32
      %add3A_1914 = vector.broadcast %add3A_1913 : i32 to vector<16xi32>
      %add3A_1915 = arith.addi %add3A_1692, %add3A_1914 : vector<16xi32>
      %gather3A_1916 = tpu.vector_load_idx %arg6[%add3A_1915] : memref<65536xf32, #tpu.memory_space<vmem>>[vector<16xi32>], vector<16xf32>,
      %mul3A_1917 = arith.constant 256 : i32
      %mul3A_1918 = vector.broadcast %mul3A_1917 : i32 to vector<16xi32>
      %mul3A_1919 = arith.muli %iota3A, %mul3A_1918 : vector<16xi32>
      %add3A_1920 = arith.constant 182 : i32
      %add3A_1921 = vector.broadcast %add3A_1920 : i32 to vector<16xi32>
      %add3A_1922 = arith.addi %mul3A_1919, %add3A_1921 : vector<16xi32>
      tpu.vector_store_idx %arg7[%add3A_1922], %gather3A_1916 : memref<4096xf32, #tpu.memory_space<vmem>>[vector<16xi32>], vector<16xf32>,
      %add3A_1923 = arith.constant 23 : i32
      %add3A_1924 = vector.broadcast %add3A_1923 : i32 to vector<16xi32>
      %add3A_1925 = arith.addi %add3A_1692, %add3A_1924 : vector<16xi32>
      %gather3A_1926 = tpu.vector_load_idx %arg6[%add3A_1925] : memref<65536xf32, #tpu.memory_space<vmem>>[vector<16xi32>], vector<16xf32>,
      %mul3A_1927 = arith.constant 256 : i32
      %mul3A_1928 = vector.broadcast %mul3A_1927 : i32 to vector<16xi32>
      %mul3A_1929 = arith.muli %iota3A, %mul3A_1928 : vector<16xi32>
      %add3A_1930 = arith.constant 183 : i32
      %add3A_1931 = vector.broadcast %add3A_1930 : i32 to vector<16xi32>
      %add3A_1932 = arith.addi %mul3A_1929, %add3A_1931 : vector<16xi32>
      tpu.vector_store_idx %arg7[%add3A_1932], %gather3A_1926 : memref<4096xf32, #tpu.memory_space<vmem>>[vector<16xi32>], vector<16xf32>,
      %add3A_1933 = arith.constant 24 : i32
      %add3A_1934 = vector.broadcast %add3A_1933 : i32 to vector<16xi32>
      %add3A_1935 = arith.addi %add3A_1692, %add3A_1934 : vector<16xi32>
      %gather3A_1936 = tpu.vector_load_idx %arg6[%add3A_1935] : memref<65536xf32, #tpu.memory_space<vmem>>[vector<16xi32>], vector<16xf32>,
      %mul3A_1937 = arith.constant 256 : i32
      %mul3A_1938 = vector.broadcast %mul3A_1937 : i32 to vector<16xi32>
      %mul3A_1939 = arith.muli %iota3A, %mul3A_1938 : vector<16xi32>
      %add3A_1940 = arith.constant 184 : i32
      %add3A_1941 = vector.broadcast %add3A_1940 : i32 to vector<16xi32>
      %add3A_1942 = arith.addi %mul3A_1939, %add3A_1941 : vector<16xi32>
      tpu.vector_store_idx %arg7[%add3A_1942], %gather3A_1936 : memref<4096xf32, #tpu.memory_space<vmem>>[vector<16xi32>], vector<16xf32>,
      %add3A_1943 = arith.constant 25 : i32
      %add3A_1944 = vector.broadcast %add3A_1943 : i32 to vector<16xi32>
      %add3A_1945 = arith.addi %add3A_1692, %add3A_1944 : vector<16xi32>
      %gather3A_1946 = tpu.vector_load_idx %arg6[%add3A_1945] : memref<65536xf32, #tpu.memory_space<vmem>>[vector<16xi32>], vector<16xf32>,
      %mul3A_1947 = arith.constant 256 : i32
      %mul3A_1948 = vector.broadcast %mul3A_1947 : i32 to vector<16xi32>
      %mul3A_1949 = arith.muli %iota3A, %mul3A_1948 : vector<16xi32>
      %add3A_1950 = arith.constant 185 : i32
      %add3A_1951 = vector.broadcast %add3A_1950 : i32 to vector<16xi32>
      %add3A_1952 = arith.addi %mul3A_1949, %add3A_1951 : vector<16xi32>
      tpu.vector_store_idx %arg7[%add3A_1952], %gather3A_1946 : memref<4096xf32, #tpu.memory_space<vmem>>[vector<16xi32>], vector<16xf32>,
      %add3A_1953 = arith.constant 26 : i32
      %add3A_1954 = vector.broadcast %add3A_1953 : i32 to vector<16xi32>
      %add3A_1955 = arith.addi %add3A_1692, %add3A_1954 : vector<16xi32>
      %gather3A_1956 = tpu.vector_load_idx %arg6[%add3A_1955] : memref<65536xf32, #tpu.memory_space<vmem>>[vector<16xi32>], vector<16xf32>,
      %mul3A_1957 = arith.constant 256 : i32
      %mul3A_1958 = vector.broadcast %mul3A_1957 : i32 to vector<16xi32>
      %mul3A_1959 = arith.muli %iota3A, %mul3A_1958 : vector<16xi32>
      %add3A_1960 = arith.constant 186 : i32
      %add3A_1961 = vector.broadcast %add3A_1960 : i32 to vector<16xi32>
      %add3A_1962 = arith.addi %mul3A_1959, %add3A_1961 : vector<16xi32>
      tpu.vector_store_idx %arg7[%add3A_1962], %gather3A_1956 : memref<4096xf32, #tpu.memory_space<vmem>>[vector<16xi32>], vector<16xf32>,
      %add3A_1963 = arith.constant 27 : i32
      %add3A_1964 = vector.broadcast %add3A_1963 : i32 to vector<16xi32>
      %add3A_1965 = arith.addi %add3A_1692, %add3A_1964 : vector<16xi32>
      %gather3A_1966 = tpu.vector_load_idx %arg6[%add3A_1965] : memref<65536xf32, #tpu.memory_space<vmem>>[vector<16xi32>], vector<16xf32>,
      %mul3A_1967 = arith.constant 256 : i32
      %mul3A_1968 = vector.broadcast %mul3A_1967 : i32 to vector<16xi32>
      %mul3A_1969 = arith.muli %iota3A, %mul3A_1968 : vector<16xi32>
      %add3A_1970 = arith.constant 187 : i32
      %add3A_1971 = vector.broadcast %add3A_1970 : i32 to vector<16xi32>
      %add3A_1972 = arith.addi %mul3A_1969, %add3A_1971 : vector<16xi32>
      tpu.vector_store_idx %arg7[%add3A_1972], %gather3A_1966 : memref<4096xf32, #tpu.memory_space<vmem>>[vector<16xi32>], vector<16xf32>,
      %add3A_1973 = arith.constant 28 : i32
      %add3A_1974 = vector.broadcast %add3A_1973 : i32 to vector<16xi32>
      %add3A_1975 = arith.addi %add3A_1692, %add3A_1974 : vector<16xi32>
      %gather3A_1976 = tpu.vector_load_idx %arg6[%add3A_1975] : memref<65536xf32, #tpu.memory_space<vmem>>[vector<16xi32>], vector<16xf32>,
      %mul3A_1977 = arith.constant 256 : i32
      %mul3A_1978 = vector.broadcast %mul3A_1977 : i32 to vector<16xi32>
      %mul3A_1979 = arith.muli %iota3A, %mul3A_1978 : vector<16xi32>
      %add3A_1980 = arith.constant 188 : i32
      %add3A_1981 = vector.broadcast %add3A_1980 : i32 to vector<16xi32>
      %add3A_1982 = arith.addi %mul3A_1979, %add3A_1981 : vector<16xi32>
      tpu.vector_store_idx %arg7[%add3A_1982], %gather3A_1976 : memref<4096xf32, #tpu.memory_space<vmem>>[vector<16xi32>], vector<16xf32>,
      %add3A_1983 = arith.constant 29 : i32
      %add3A_1984 = vector.broadcast %add3A_1983 : i32 to vector<16xi32>
      %add3A_1985 = arith.addi %add3A_1692, %add3A_1984 : vector<16xi32>
      %gather3A_1986 = tpu.vector_load_idx %arg6[%add3A_1985] : memref<65536xf32, #tpu.memory_space<vmem>>[vector<16xi32>], vector<16xf32>,
      %mul3A_1987 = arith.constant 256 : i32
      %mul3A_1988 = vector.broadcast %mul3A_1987 : i32 to vector<16xi32>
      %mul3A_1989 = arith.muli %iota3A, %mul3A_1988 : vector<16xi32>
      %add3A_1990 = arith.constant 189 : i32
      %add3A_1991 = vector.broadcast %add3A_1990 : i32 to vector<16xi32>
      %add3A_1992 = arith.addi %mul3A_1989, %add3A_1991 : vector<16xi32>
      tpu.vector_store_idx %arg7[%add3A_1992], %gather3A_1986 : memref<4096xf32, #tpu.memory_space<vmem>>[vector<16xi32>], vector<16xf32>,
      %add3A_1993 = arith.constant 30 : i32
      %add3A_1994 = vector.broadcast %add3A_1993 : i32 to vector<16xi32>
      %add3A_1995 = arith.addi %add3A_1692, %add3A_1994 : vector<16xi32>
      %gather3A_1996 = tpu.vector_load_idx %arg6[%add3A_1995] : memref<65536xf32, #tpu.memory_space<vmem>>[vector<16xi32>], vector<16xf32>,
      %mul3A_1997 = arith.constant 256 : i32
      %mul3A_1998 = vector.broadcast %mul3A_1997 : i32 to vector<16xi32>
      %mul3A_1999 = arith.muli %iota3A, %mul3A_1998 : vector<16xi32>
      %add3A_2000 = arith.constant 190 : i32
      %add3A_2001 = vector.broadcast %add3A_2000 : i32 to vector<16xi32>
      %add3A_2002 = arith.addi %mul3A_1999, %add3A_2001 : vector<16xi32>
      tpu.vector_store_idx %arg7[%add3A_2002], %gather3A_1996 : memref<4096xf32, #tpu.memory_space<vmem>>[vector<16xi32>], vector<16xf32>,
      %add3A_2003 = arith.constant 31 : i32
      %add3A_2004 = vector.broadcast %add3A_2003 : i32 to vector<16xi32>
      %add3A_2005 = arith.addi %add3A_1692, %add3A_2004 : vector<16xi32>
      %gather3A_2006 = tpu.vector_load_idx %arg6[%add3A_2005] : memref<65536xf32, #tpu.memory_space<vmem>>[vector<16xi32>], vector<16xf32>,
      %mul3A_2007 = arith.constant 256 : i32
      %mul3A_2008 = vector.broadcast %mul3A_2007 : i32 to vector<16xi32>
      %mul3A_2009 = arith.muli %iota3A, %mul3A_2008 : vector<16xi32>
      %add3A_2010 = arith.constant 191 : i32
      %add3A_2011 = vector.broadcast %add3A_2010 : i32 to vector<16xi32>
      %add3A_2012 = arith.addi %mul3A_2009, %add3A_2011 : vector<16xi32>
      tpu.vector_store_idx %arg7[%add3A_2012], %gather3A_2006 : memref<4096xf32, #tpu.memory_space<vmem>>[vector<16xi32>], vector<16xf32>,
      %mul3A_2013 = arith.constant 8 : i32
      %mul3A_2014 = vector.broadcast %mul3A_2013 : i32 to vector<16xi32>
      %mul3A_2015 = arith.muli %add3A_15, %mul3A_2014 : vector<16xi32>
      %add3A_2016 = arith.constant 6 : i32
      %add3A_2017 = vector.broadcast %add3A_2016 : i32 to vector<16xi32>
      %add3A_2018 = arith.addi %mul3A_2015, %add3A_2017 : vector<16xi32>
      %gather3A_2019 = tpu.vector_load_idx %arg5[%add3A_2018] : memref<4608xi32, #tpu.memory_space<vmem>>[vector<16xi32>], vector<16xi32>,
      %mul3A_2020 = arith.constant 32 : i32
      %mul3A_2021 = vector.broadcast %mul3A_2020 : i32 to vector<16xi32>
      %mul3A_2022 = arith.muli %gather3A_2019, %mul3A_2021 : vector<16xi32>
      %add3A_2023 = arith.constant 49152 : i32
      %add3A_2024 = vector.broadcast %add3A_2023 : i32 to vector<16xi32>
      %add3A_2025 = arith.addi %mul3A_2022, %add3A_2024 : vector<16xi32>
      %add3A_2026 = arith.constant 0 : i32
      %add3A_2027 = vector.broadcast %add3A_2026 : i32 to vector<16xi32>
      %add3A_2028 = arith.addi %add3A_2025, %add3A_2027 : vector<16xi32>
      %gather3A_2029 = tpu.vector_load_idx %arg6[%add3A_2028] : memref<65536xf32, #tpu.memory_space<vmem>>[vector<16xi32>], vector<16xf32>,
      %mul3A_2030 = arith.constant 256 : i32
      %mul3A_2031 = vector.broadcast %mul3A_2030 : i32 to vector<16xi32>
      %mul3A_2032 = arith.muli %iota3A, %mul3A_2031 : vector<16xi32>
      %add3A_2033 = arith.constant 192 : i32
      %add3A_2034 = vector.broadcast %add3A_2033 : i32 to vector<16xi32>
      %add3A_2035 = arith.addi %mul3A_2032, %add3A_2034 : vector<16xi32>
      tpu.vector_store_idx %arg7[%add3A_2035], %gather3A_2029 : memref<4096xf32, #tpu.memory_space<vmem>>[vector<16xi32>], vector<16xf32>,
      %add3A_2036 = arith.constant 1 : i32
      %add3A_2037 = vector.broadcast %add3A_2036 : i32 to vector<16xi32>
      %add3A_2038 = arith.addi %add3A_2025, %add3A_2037 : vector<16xi32>
      %gather3A_2039 = tpu.vector_load_idx %arg6[%add3A_2038] : memref<65536xf32, #tpu.memory_space<vmem>>[vector<16xi32>], vector<16xf32>,
      %mul3A_2040 = arith.constant 256 : i32
      %mul3A_2041 = vector.broadcast %mul3A_2040 : i32 to vector<16xi32>
      %mul3A_2042 = arith.muli %iota3A, %mul3A_2041 : vector<16xi32>
      %add3A_2043 = arith.constant 193 : i32
      %add3A_2044 = vector.broadcast %add3A_2043 : i32 to vector<16xi32>
      %add3A_2045 = arith.addi %mul3A_2042, %add3A_2044 : vector<16xi32>
      tpu.vector_store_idx %arg7[%add3A_2045], %gather3A_2039 : memref<4096xf32, #tpu.memory_space<vmem>>[vector<16xi32>], vector<16xf32>,
      %add3A_2046 = arith.constant 2 : i32
      %add3A_2047 = vector.broadcast %add3A_2046 : i32 to vector<16xi32>
      %add3A_2048 = arith.addi %add3A_2025, %add3A_2047 : vector<16xi32>
      %gather3A_2049 = tpu.vector_load_idx %arg6[%add3A_2048] : memref<65536xf32, #tpu.memory_space<vmem>>[vector<16xi32>], vector<16xf32>,
      %mul3A_2050 = arith.constant 256 : i32
      %mul3A_2051 = vector.broadcast %mul3A_2050 : i32 to vector<16xi32>
      %mul3A_2052 = arith.muli %iota3A, %mul3A_2051 : vector<16xi32>
      %add3A_2053 = arith.constant 194 : i32
      %add3A_2054 = vector.broadcast %add3A_2053 : i32 to vector<16xi32>
      %add3A_2055 = arith.addi %mul3A_2052, %add3A_2054 : vector<16xi32>
      tpu.vector_store_idx %arg7[%add3A_2055], %gather3A_2049 : memref<4096xf32, #tpu.memory_space<vmem>>[vector<16xi32>], vector<16xf32>,
      %add3A_2056 = arith.constant 3 : i32
      %add3A_2057 = vector.broadcast %add3A_2056 : i32 to vector<16xi32>
      %add3A_2058 = arith.addi %add3A_2025, %add3A_2057 : vector<16xi32>
      %gather3A_2059 = tpu.vector_load_idx %arg6[%add3A_2058] : memref<65536xf32, #tpu.memory_space<vmem>>[vector<16xi32>], vector<16xf32>,
      %mul3A_2060 = arith.constant 256 : i32
      %mul3A_2061 = vector.broadcast %mul3A_2060 : i32 to vector<16xi32>
      %mul3A_2062 = arith.muli %iota3A, %mul3A_2061 : vector<16xi32>
      %add3A_2063 = arith.constant 195 : i32
      %add3A_2064 = vector.broadcast %add3A_2063 : i32 to vector<16xi32>
      %add3A_2065 = arith.addi %mul3A_2062, %add3A_2064 : vector<16xi32>
      tpu.vector_store_idx %arg7[%add3A_2065], %gather3A_2059 : memref<4096xf32, #tpu.memory_space<vmem>>[vector<16xi32>], vector<16xf32>,
      %add3A_2066 = arith.constant 4 : i32
      %add3A_2067 = vector.broadcast %add3A_2066 : i32 to vector<16xi32>
      %add3A_2068 = arith.addi %add3A_2025, %add3A_2067 : vector<16xi32>
      %gather3A_2069 = tpu.vector_load_idx %arg6[%add3A_2068] : memref<65536xf32, #tpu.memory_space<vmem>>[vector<16xi32>], vector<16xf32>,
      %mul3A_2070 = arith.constant 256 : i32
      %mul3A_2071 = vector.broadcast %mul3A_2070 : i32 to vector<16xi32>
      %mul3A_2072 = arith.muli %iota3A, %mul3A_2071 : vector<16xi32>
      %add3A_2073 = arith.constant 196 : i32
      %add3A_2074 = vector.broadcast %add3A_2073 : i32 to vector<16xi32>
      %add3A_2075 = arith.addi %mul3A_2072, %add3A_2074 : vector<16xi32>
      tpu.vector_store_idx %arg7[%add3A_2075], %gather3A_2069 : memref<4096xf32, #tpu.memory_space<vmem>>[vector<16xi32>], vector<16xf32>,
      %add3A_2076 = arith.constant 5 : i32
      %add3A_2077 = vector.broadcast %add3A_2076 : i32 to vector<16xi32>
      %add3A_2078 = arith.addi %add3A_2025, %add3A_2077 : vector<16xi32>
      %gather3A_2079 = tpu.vector_load_idx %arg6[%add3A_2078] : memref<65536xf32, #tpu.memory_space<vmem>>[vector<16xi32>], vector<16xf32>,
      %mul3A_2080 = arith.constant 256 : i32
      %mul3A_2081 = vector.broadcast %mul3A_2080 : i32 to vector<16xi32>
      %mul3A_2082 = arith.muli %iota3A, %mul3A_2081 : vector<16xi32>
      %add3A_2083 = arith.constant 197 : i32
      %add3A_2084 = vector.broadcast %add3A_2083 : i32 to vector<16xi32>
      %add3A_2085 = arith.addi %mul3A_2082, %add3A_2084 : vector<16xi32>
      tpu.vector_store_idx %arg7[%add3A_2085], %gather3A_2079 : memref<4096xf32, #tpu.memory_space<vmem>>[vector<16xi32>], vector<16xf32>,
      %add3A_2086 = arith.constant 6 : i32
      %add3A_2087 = vector.broadcast %add3A_2086 : i32 to vector<16xi32>
      %add3A_2088 = arith.addi %add3A_2025, %add3A_2087 : vector<16xi32>
      %gather3A_2089 = tpu.vector_load_idx %arg6[%add3A_2088] : memref<65536xf32, #tpu.memory_space<vmem>>[vector<16xi32>], vector<16xf32>,
      %mul3A_2090 = arith.constant 256 : i32
      %mul3A_2091 = vector.broadcast %mul3A_2090 : i32 to vector<16xi32>
      %mul3A_2092 = arith.muli %iota3A, %mul3A_2091 : vector<16xi32>
      %add3A_2093 = arith.constant 198 : i32
      %add3A_2094 = vector.broadcast %add3A_2093 : i32 to vector<16xi32>
      %add3A_2095 = arith.addi %mul3A_2092, %add3A_2094 : vector<16xi32>
      tpu.vector_store_idx %arg7[%add3A_2095], %gather3A_2089 : memref<4096xf32, #tpu.memory_space<vmem>>[vector<16xi32>], vector<16xf32>,
      %add3A_2096 = arith.constant 7 : i32
      %add3A_2097 = vector.broadcast %add3A_2096 : i32 to vector<16xi32>
      %add3A_2098 = arith.addi %add3A_2025, %add3A_2097 : vector<16xi32>
      %gather3A_2099 = tpu.vector_load_idx %arg6[%add3A_2098] : memref<65536xf32, #tpu.memory_space<vmem>>[vector<16xi32>], vector<16xf32>,
      %mul3A_2100 = arith.constant 256 : i32
      %mul3A_2101 = vector.broadcast %mul3A_2100 : i32 to vector<16xi32>
      %mul3A_2102 = arith.muli %iota3A, %mul3A_2101 : vector<16xi32>
      %add3A_2103 = arith.constant 199 : i32
      %add3A_2104 = vector.broadcast %add3A_2103 : i32 to vector<16xi32>
      %add3A_2105 = arith.addi %mul3A_2102, %add3A_2104 : vector<16xi32>
      tpu.vector_store_idx %arg7[%add3A_2105], %gather3A_2099 : memref<4096xf32, #tpu.memory_space<vmem>>[vector<16xi32>], vector<16xf32>,
      %add3A_2106 = arith.constant 8 : i32
      %add3A_2107 = vector.broadcast %add3A_2106 : i32 to vector<16xi32>
      %add3A_2108 = arith.addi %add3A_2025, %add3A_2107 : vector<16xi32>
      %gather3A_2109 = tpu.vector_load_idx %arg6[%add3A_2108] : memref<65536xf32, #tpu.memory_space<vmem>>[vector<16xi32>], vector<16xf32>,
      %mul3A_2110 = arith.constant 256 : i32
      %mul3A_2111 = vector.broadcast %mul3A_2110 : i32 to vector<16xi32>
      %mul3A_2112 = arith.muli %iota3A, %mul3A_2111 : vector<16xi32>
      %add3A_2113 = arith.constant 200 : i32
      %add3A_2114 = vector.broadcast %add3A_2113 : i32 to vector<16xi32>
      %add3A_2115 = arith.addi %mul3A_2112, %add3A_2114 : vector<16xi32>
      tpu.vector_store_idx %arg7[%add3A_2115], %gather3A_2109 : memref<4096xf32, #tpu.memory_space<vmem>>[vector<16xi32>], vector<16xf32>,
      %add3A_2116 = arith.constant 9 : i32
      %add3A_2117 = vector.broadcast %add3A_2116 : i32 to vector<16xi32>
      %add3A_2118 = arith.addi %add3A_2025, %add3A_2117 : vector<16xi32>
      %gather3A_2119 = tpu.vector_load_idx %arg6[%add3A_2118] : memref<65536xf32, #tpu.memory_space<vmem>>[vector<16xi32>], vector<16xf32>,
      %mul3A_2120 = arith.constant 256 : i32
      %mul3A_2121 = vector.broadcast %mul3A_2120 : i32 to vector<16xi32>
      %mul3A_2122 = arith.muli %iota3A, %mul3A_2121 : vector<16xi32>
      %add3A_2123 = arith.constant 201 : i32
      %add3A_2124 = vector.broadcast %add3A_2123 : i32 to vector<16xi32>
      %add3A_2125 = arith.addi %mul3A_2122, %add3A_2124 : vector<16xi32>
      tpu.vector_store_idx %arg7[%add3A_2125], %gather3A_2119 : memref<4096xf32, #tpu.memory_space<vmem>>[vector<16xi32>], vector<16xf32>,
      %add3A_2126 = arith.constant 10 : i32
      %add3A_2127 = vector.broadcast %add3A_2126 : i32 to vector<16xi32>
      %add3A_2128 = arith.addi %add3A_2025, %add3A_2127 : vector<16xi32>
      %gather3A_2129 = tpu.vector_load_idx %arg6[%add3A_2128] : memref<65536xf32, #tpu.memory_space<vmem>>[vector<16xi32>], vector<16xf32>,
      %mul3A_2130 = arith.constant 256 : i32
      %mul3A_2131 = vector.broadcast %mul3A_2130 : i32 to vector<16xi32>
      %mul3A_2132 = arith.muli %iota3A, %mul3A_2131 : vector<16xi32>
      %add3A_2133 = arith.constant 202 : i32
      %add3A_2134 = vector.broadcast %add3A_2133 : i32 to vector<16xi32>
      %add3A_2135 = arith.addi %mul3A_2132, %add3A_2134 : vector<16xi32>
      tpu.vector_store_idx %arg7[%add3A_2135], %gather3A_2129 : memref<4096xf32, #tpu.memory_space<vmem>>[vector<16xi32>], vector<16xf32>,
      %add3A_2136 = arith.constant 11 : i32
      %add3A_2137 = vector.broadcast %add3A_2136 : i32 to vector<16xi32>
      %add3A_2138 = arith.addi %add3A_2025, %add3A_2137 : vector<16xi32>
      %gather3A_2139 = tpu.vector_load_idx %arg6[%add3A_2138] : memref<65536xf32, #tpu.memory_space<vmem>>[vector<16xi32>], vector<16xf32>,
      %mul3A_2140 = arith.constant 256 : i32
      %mul3A_2141 = vector.broadcast %mul3A_2140 : i32 to vector<16xi32>
      %mul3A_2142 = arith.muli %iota3A, %mul3A_2141 : vector<16xi32>
      %add3A_2143 = arith.constant 203 : i32
      %add3A_2144 = vector.broadcast %add3A_2143 : i32 to vector<16xi32>
      %add3A_2145 = arith.addi %mul3A_2142, %add3A_2144 : vector<16xi32>
      tpu.vector_store_idx %arg7[%add3A_2145], %gather3A_2139 : memref<4096xf32, #tpu.memory_space<vmem>>[vector<16xi32>], vector<16xf32>,
      %add3A_2146 = arith.constant 12 : i32
      %add3A_2147 = vector.broadcast %add3A_2146 : i32 to vector<16xi32>
      %add3A_2148 = arith.addi %add3A_2025, %add3A_2147 : vector<16xi32>
      %gather3A_2149 = tpu.vector_load_idx %arg6[%add3A_2148] : memref<65536xf32, #tpu.memory_space<vmem>>[vector<16xi32>], vector<16xf32>,
      %mul3A_2150 = arith.constant 256 : i32
      %mul3A_2151 = vector.broadcast %mul3A_2150 : i32 to vector<16xi32>
      %mul3A_2152 = arith.muli %iota3A, %mul3A_2151 : vector<16xi32>
      %add3A_2153 = arith.constant 204 : i32
      %add3A_2154 = vector.broadcast %add3A_2153 : i32 to vector<16xi32>
      %add3A_2155 = arith.addi %mul3A_2152, %add3A_2154 : vector<16xi32>
      tpu.vector_store_idx %arg7[%add3A_2155], %gather3A_2149 : memref<4096xf32, #tpu.memory_space<vmem>>[vector<16xi32>], vector<16xf32>,
      %add3A_2156 = arith.constant 13 : i32
      %add3A_2157 = vector.broadcast %add3A_2156 : i32 to vector<16xi32>
      %add3A_2158 = arith.addi %add3A_2025, %add3A_2157 : vector<16xi32>
      %gather3A_2159 = tpu.vector_load_idx %arg6[%add3A_2158] : memref<65536xf32, #tpu.memory_space<vmem>>[vector<16xi32>], vector<16xf32>,
      %mul3A_2160 = arith.constant 256 : i32
      %mul3A_2161 = vector.broadcast %mul3A_2160 : i32 to vector<16xi32>
      %mul3A_2162 = arith.muli %iota3A, %mul3A_2161 : vector<16xi32>
      %add3A_2163 = arith.constant 205 : i32
      %add3A_2164 = vector.broadcast %add3A_2163 : i32 to vector<16xi32>
      %add3A_2165 = arith.addi %mul3A_2162, %add3A_2164 : vector<16xi32>
      tpu.vector_store_idx %arg7[%add3A_2165], %gather3A_2159 : memref<4096xf32, #tpu.memory_space<vmem>>[vector<16xi32>], vector<16xf32>,
      %add3A_2166 = arith.constant 14 : i32
      %add3A_2167 = vector.broadcast %add3A_2166 : i32 to vector<16xi32>
      %add3A_2168 = arith.addi %add3A_2025, %add3A_2167 : vector<16xi32>
      %gather3A_2169 = tpu.vector_load_idx %arg6[%add3A_2168] : memref<65536xf32, #tpu.memory_space<vmem>>[vector<16xi32>], vector<16xf32>,
      %mul3A_2170 = arith.constant 256 : i32
      %mul3A_2171 = vector.broadcast %mul3A_2170 : i32 to vector<16xi32>
      %mul3A_2172 = arith.muli %iota3A, %mul3A_2171 : vector<16xi32>
      %add3A_2173 = arith.constant 206 : i32
      %add3A_2174 = vector.broadcast %add3A_2173 : i32 to vector<16xi32>
      %add3A_2175 = arith.addi %mul3A_2172, %add3A_2174 : vector<16xi32>
      tpu.vector_store_idx %arg7[%add3A_2175], %gather3A_2169 : memref<4096xf32, #tpu.memory_space<vmem>>[vector<16xi32>], vector<16xf32>,
      %add3A_2176 = arith.constant 15 : i32
      %add3A_2177 = vector.broadcast %add3A_2176 : i32 to vector<16xi32>
      %add3A_2178 = arith.addi %add3A_2025, %add3A_2177 : vector<16xi32>
      %gather3A_2179 = tpu.vector_load_idx %arg6[%add3A_2178] : memref<65536xf32, #tpu.memory_space<vmem>>[vector<16xi32>], vector<16xf32>,
      %mul3A_2180 = arith.constant 256 : i32
      %mul3A_2181 = vector.broadcast %mul3A_2180 : i32 to vector<16xi32>
      %mul3A_2182 = arith.muli %iota3A, %mul3A_2181 : vector<16xi32>
      %add3A_2183 = arith.constant 207 : i32
      %add3A_2184 = vector.broadcast %add3A_2183 : i32 to vector<16xi32>
      %add3A_2185 = arith.addi %mul3A_2182, %add3A_2184 : vector<16xi32>
      tpu.vector_store_idx %arg7[%add3A_2185], %gather3A_2179 : memref<4096xf32, #tpu.memory_space<vmem>>[vector<16xi32>], vector<16xf32>,
      %add3A_2186 = arith.constant 16 : i32
      %add3A_2187 = vector.broadcast %add3A_2186 : i32 to vector<16xi32>
      %add3A_2188 = arith.addi %add3A_2025, %add3A_2187 : vector<16xi32>
      %gather3A_2189 = tpu.vector_load_idx %arg6[%add3A_2188] : memref<65536xf32, #tpu.memory_space<vmem>>[vector<16xi32>], vector<16xf32>,
      %mul3A_2190 = arith.constant 256 : i32
      %mul3A_2191 = vector.broadcast %mul3A_2190 : i32 to vector<16xi32>
      %mul3A_2192 = arith.muli %iota3A, %mul3A_2191 : vector<16xi32>
      %add3A_2193 = arith.constant 208 : i32
      %add3A_2194 = vector.broadcast %add3A_2193 : i32 to vector<16xi32>
      %add3A_2195 = arith.addi %mul3A_2192, %add3A_2194 : vector<16xi32>
      tpu.vector_store_idx %arg7[%add3A_2195], %gather3A_2189 : memref<4096xf32, #tpu.memory_space<vmem>>[vector<16xi32>], vector<16xf32>,
      %add3A_2196 = arith.constant 17 : i32
      %add3A_2197 = vector.broadcast %add3A_2196 : i32 to vector<16xi32>
      %add3A_2198 = arith.addi %add3A_2025, %add3A_2197 : vector<16xi32>
      %gather3A_2199 = tpu.vector_load_idx %arg6[%add3A_2198] : memref<65536xf32, #tpu.memory_space<vmem>>[vector<16xi32>], vector<16xf32>,
      %mul3A_2200 = arith.constant 256 : i32
      %mul3A_2201 = vector.broadcast %mul3A_2200 : i32 to vector<16xi32>
      %mul3A_2202 = arith.muli %iota3A, %mul3A_2201 : vector<16xi32>
      %add3A_2203 = arith.constant 209 : i32
      %add3A_2204 = vector.broadcast %add3A_2203 : i32 to vector<16xi32>
      %add3A_2205 = arith.addi %mul3A_2202, %add3A_2204 : vector<16xi32>
      tpu.vector_store_idx %arg7[%add3A_2205], %gather3A_2199 : memref<4096xf32, #tpu.memory_space<vmem>>[vector<16xi32>], vector<16xf32>,
      %add3A_2206 = arith.constant 18 : i32
      %add3A_2207 = vector.broadcast %add3A_2206 : i32 to vector<16xi32>
      %add3A_2208 = arith.addi %add3A_2025, %add3A_2207 : vector<16xi32>
      %gather3A_2209 = tpu.vector_load_idx %arg6[%add3A_2208] : memref<65536xf32, #tpu.memory_space<vmem>>[vector<16xi32>], vector<16xf32>,
      %mul3A_2210 = arith.constant 256 : i32
      %mul3A_2211 = vector.broadcast %mul3A_2210 : i32 to vector<16xi32>
      %mul3A_2212 = arith.muli %iota3A, %mul3A_2211 : vector<16xi32>
      %add3A_2213 = arith.constant 210 : i32
      %add3A_2214 = vector.broadcast %add3A_2213 : i32 to vector<16xi32>
      %add3A_2215 = arith.addi %mul3A_2212, %add3A_2214 : vector<16xi32>
      tpu.vector_store_idx %arg7[%add3A_2215], %gather3A_2209 : memref<4096xf32, #tpu.memory_space<vmem>>[vector<16xi32>], vector<16xf32>,
      %add3A_2216 = arith.constant 19 : i32
      %add3A_2217 = vector.broadcast %add3A_2216 : i32 to vector<16xi32>
      %add3A_2218 = arith.addi %add3A_2025, %add3A_2217 : vector<16xi32>
      %gather3A_2219 = tpu.vector_load_idx %arg6[%add3A_2218] : memref<65536xf32, #tpu.memory_space<vmem>>[vector<16xi32>], vector<16xf32>,
      %mul3A_2220 = arith.constant 256 : i32
      %mul3A_2221 = vector.broadcast %mul3A_2220 : i32 to vector<16xi32>
      %mul3A_2222 = arith.muli %iota3A, %mul3A_2221 : vector<16xi32>
      %add3A_2223 = arith.constant 211 : i32
      %add3A_2224 = vector.broadcast %add3A_2223 : i32 to vector<16xi32>
      %add3A_2225 = arith.addi %mul3A_2222, %add3A_2224 : vector<16xi32>
      tpu.vector_store_idx %arg7[%add3A_2225], %gather3A_2219 : memref<4096xf32, #tpu.memory_space<vmem>>[vector<16xi32>], vector<16xf32>,
      %add3A_2226 = arith.constant 20 : i32
      %add3A_2227 = vector.broadcast %add3A_2226 : i32 to vector<16xi32>
      %add3A_2228 = arith.addi %add3A_2025, %add3A_2227 : vector<16xi32>
      %gather3A_2229 = tpu.vector_load_idx %arg6[%add3A_2228] : memref<65536xf32, #tpu.memory_space<vmem>>[vector<16xi32>], vector<16xf32>,
      %mul3A_2230 = arith.constant 256 : i32
      %mul3A_2231 = vector.broadcast %mul3A_2230 : i32 to vector<16xi32>
      %mul3A_2232 = arith.muli %iota3A, %mul3A_2231 : vector<16xi32>
      %add3A_2233 = arith.constant 212 : i32
      %add3A_2234 = vector.broadcast %add3A_2233 : i32 to vector<16xi32>
      %add3A_2235 = arith.addi %mul3A_2232, %add3A_2234 : vector<16xi32>
      tpu.vector_store_idx %arg7[%add3A_2235], %gather3A_2229 : memref<4096xf32, #tpu.memory_space<vmem>>[vector<16xi32>], vector<16xf32>,
      %add3A_2236 = arith.constant 21 : i32
      %add3A_2237 = vector.broadcast %add3A_2236 : i32 to vector<16xi32>
      %add3A_2238 = arith.addi %add3A_2025, %add3A_2237 : vector<16xi32>
      %gather3A_2239 = tpu.vector_load_idx %arg6[%add3A_2238] : memref<65536xf32, #tpu.memory_space<vmem>>[vector<16xi32>], vector<16xf32>,
      %mul3A_2240 = arith.constant 256 : i32
      %mul3A_2241 = vector.broadcast %mul3A_2240 : i32 to vector<16xi32>
      %mul3A_2242 = arith.muli %iota3A, %mul3A_2241 : vector<16xi32>
      %add3A_2243 = arith.constant 213 : i32
      %add3A_2244 = vector.broadcast %add3A_2243 : i32 to vector<16xi32>
      %add3A_2245 = arith.addi %mul3A_2242, %add3A_2244 : vector<16xi32>
      tpu.vector_store_idx %arg7[%add3A_2245], %gather3A_2239 : memref<4096xf32, #tpu.memory_space<vmem>>[vector<16xi32>], vector<16xf32>,
      %add3A_2246 = arith.constant 22 : i32
      %add3A_2247 = vector.broadcast %add3A_2246 : i32 to vector<16xi32>
      %add3A_2248 = arith.addi %add3A_2025, %add3A_2247 : vector<16xi32>
      %gather3A_2249 = tpu.vector_load_idx %arg6[%add3A_2248] : memref<65536xf32, #tpu.memory_space<vmem>>[vector<16xi32>], vector<16xf32>,
      %mul3A_2250 = arith.constant 256 : i32
      %mul3A_2251 = vector.broadcast %mul3A_2250 : i32 to vector<16xi32>
      %mul3A_2252 = arith.muli %iota3A, %mul3A_2251 : vector<16xi32>
      %add3A_2253 = arith.constant 214 : i32
      %add3A_2254 = vector.broadcast %add3A_2253 : i32 to vector<16xi32>
      %add3A_2255 = arith.addi %mul3A_2252, %add3A_2254 : vector<16xi32>
      tpu.vector_store_idx %arg7[%add3A_2255], %gather3A_2249 : memref<4096xf32, #tpu.memory_space<vmem>>[vector<16xi32>], vector<16xf32>,
      %add3A_2256 = arith.constant 23 : i32
      %add3A_2257 = vector.broadcast %add3A_2256 : i32 to vector<16xi32>
      %add3A_2258 = arith.addi %add3A_2025, %add3A_2257 : vector<16xi32>
      %gather3A_2259 = tpu.vector_load_idx %arg6[%add3A_2258] : memref<65536xf32, #tpu.memory_space<vmem>>[vector<16xi32>], vector<16xf32>,
      %mul3A_2260 = arith.constant 256 : i32
      %mul3A_2261 = vector.broadcast %mul3A_2260 : i32 to vector<16xi32>
      %mul3A_2262 = arith.muli %iota3A, %mul3A_2261 : vector<16xi32>
      %add3A_2263 = arith.constant 215 : i32
      %add3A_2264 = vector.broadcast %add3A_2263 : i32 to vector<16xi32>
      %add3A_2265 = arith.addi %mul3A_2262, %add3A_2264 : vector<16xi32>
      tpu.vector_store_idx %arg7[%add3A_2265], %gather3A_2259 : memref<4096xf32, #tpu.memory_space<vmem>>[vector<16xi32>], vector<16xf32>,
      %add3A_2266 = arith.constant 24 : i32
      %add3A_2267 = vector.broadcast %add3A_2266 : i32 to vector<16xi32>
      %add3A_2268 = arith.addi %add3A_2025, %add3A_2267 : vector<16xi32>
      %gather3A_2269 = tpu.vector_load_idx %arg6[%add3A_2268] : memref<65536xf32, #tpu.memory_space<vmem>>[vector<16xi32>], vector<16xf32>,
      %mul3A_2270 = arith.constant 256 : i32
      %mul3A_2271 = vector.broadcast %mul3A_2270 : i32 to vector<16xi32>
      %mul3A_2272 = arith.muli %iota3A, %mul3A_2271 : vector<16xi32>
      %add3A_2273 = arith.constant 216 : i32
      %add3A_2274 = vector.broadcast %add3A_2273 : i32 to vector<16xi32>
      %add3A_2275 = arith.addi %mul3A_2272, %add3A_2274 : vector<16xi32>
      tpu.vector_store_idx %arg7[%add3A_2275], %gather3A_2269 : memref<4096xf32, #tpu.memory_space<vmem>>[vector<16xi32>], vector<16xf32>,
      %add3A_2276 = arith.constant 25 : i32
      %add3A_2277 = vector.broadcast %add3A_2276 : i32 to vector<16xi32>
      %add3A_2278 = arith.addi %add3A_2025, %add3A_2277 : vector<16xi32>
      %gather3A_2279 = tpu.vector_load_idx %arg6[%add3A_2278] : memref<65536xf32, #tpu.memory_space<vmem>>[vector<16xi32>], vector<16xf32>,
      %mul3A_2280 = arith.constant 256 : i32
      %mul3A_2281 = vector.broadcast %mul3A_2280 : i32 to vector<16xi32>
      %mul3A_2282 = arith.muli %iota3A, %mul3A_2281 : vector<16xi32>
      %add3A_2283 = arith.constant 217 : i32
      %add3A_2284 = vector.broadcast %add3A_2283 : i32 to vector<16xi32>
      %add3A_2285 = arith.addi %mul3A_2282, %add3A_2284 : vector<16xi32>
      tpu.vector_store_idx %arg7[%add3A_2285], %gather3A_2279 : memref<4096xf32, #tpu.memory_space<vmem>>[vector<16xi32>], vector<16xf32>,
      %add3A_2286 = arith.constant 26 : i32
      %add3A_2287 = vector.broadcast %add3A_2286 : i32 to vector<16xi32>
      %add3A_2288 = arith.addi %add3A_2025, %add3A_2287 : vector<16xi32>
      %gather3A_2289 = tpu.vector_load_idx %arg6[%add3A_2288] : memref<65536xf32, #tpu.memory_space<vmem>>[vector<16xi32>], vector<16xf32>,
      %mul3A_2290 = arith.constant 256 : i32
      %mul3A_2291 = vector.broadcast %mul3A_2290 : i32 to vector<16xi32>
      %mul3A_2292 = arith.muli %iota3A, %mul3A_2291 : vector<16xi32>
      %add3A_2293 = arith.constant 218 : i32
      %add3A_2294 = vector.broadcast %add3A_2293 : i32 to vector<16xi32>
      %add3A_2295 = arith.addi %mul3A_2292, %add3A_2294 : vector<16xi32>
      tpu.vector_store_idx %arg7[%add3A_2295], %gather3A_2289 : memref<4096xf32, #tpu.memory_space<vmem>>[vector<16xi32>], vector<16xf32>,
      %add3A_2296 = arith.constant 27 : i32
      %add3A_2297 = vector.broadcast %add3A_2296 : i32 to vector<16xi32>
      %add3A_2298 = arith.addi %add3A_2025, %add3A_2297 : vector<16xi32>
      %gather3A_2299 = tpu.vector_load_idx %arg6[%add3A_2298] : memref<65536xf32, #tpu.memory_space<vmem>>[vector<16xi32>], vector<16xf32>,
      %mul3A_2300 = arith.constant 256 : i32
      %mul3A_2301 = vector.broadcast %mul3A_2300 : i32 to vector<16xi32>
      %mul3A_2302 = arith.muli %iota3A, %mul3A_2301 : vector<16xi32>
      %add3A_2303 = arith.constant 219 : i32
      %add3A_2304 = vector.broadcast %add3A_2303 : i32 to vector<16xi32>
      %add3A_2305 = arith.addi %mul3A_2302, %add3A_2304 : vector<16xi32>
      tpu.vector_store_idx %arg7[%add3A_2305], %gather3A_2299 : memref<4096xf32, #tpu.memory_space<vmem>>[vector<16xi32>], vector<16xf32>,
      %add3A_2306 = arith.constant 28 : i32
      %add3A_2307 = vector.broadcast %add3A_2306 : i32 to vector<16xi32>
      %add3A_2308 = arith.addi %add3A_2025, %add3A_2307 : vector<16xi32>
      %gather3A_2309 = tpu.vector_load_idx %arg6[%add3A_2308] : memref<65536xf32, #tpu.memory_space<vmem>>[vector<16xi32>], vector<16xf32>,
      %mul3A_2310 = arith.constant 256 : i32
      %mul3A_2311 = vector.broadcast %mul3A_2310 : i32 to vector<16xi32>
      %mul3A_2312 = arith.muli %iota3A, %mul3A_2311 : vector<16xi32>
      %add3A_2313 = arith.constant 220 : i32
      %add3A_2314 = vector.broadcast %add3A_2313 : i32 to vector<16xi32>
      %add3A_2315 = arith.addi %mul3A_2312, %add3A_2314 : vector<16xi32>
      tpu.vector_store_idx %arg7[%add3A_2315], %gather3A_2309 : memref<4096xf32, #tpu.memory_space<vmem>>[vector<16xi32>], vector<16xf32>,
      %add3A_2316 = arith.constant 29 : i32
      %add3A_2317 = vector.broadcast %add3A_2316 : i32 to vector<16xi32>
      %add3A_2318 = arith.addi %add3A_2025, %add3A_2317 : vector<16xi32>
      %gather3A_2319 = tpu.vector_load_idx %arg6[%add3A_2318] : memref<65536xf32, #tpu.memory_space<vmem>>[vector<16xi32>], vector<16xf32>,
      %mul3A_2320 = arith.constant 256 : i32
      %mul3A_2321 = vector.broadcast %mul3A_2320 : i32 to vector<16xi32>
      %mul3A_2322 = arith.muli %iota3A, %mul3A_2321 : vector<16xi32>
      %add3A_2323 = arith.constant 221 : i32
      %add3A_2324 = vector.broadcast %add3A_2323 : i32 to vector<16xi32>
      %add3A_2325 = arith.addi %mul3A_2322, %add3A_2324 : vector<16xi32>
      tpu.vector_store_idx %arg7[%add3A_2325], %gather3A_2319 : memref<4096xf32, #tpu.memory_space<vmem>>[vector<16xi32>], vector<16xf32>,
      %add3A_2326 = arith.constant 30 : i32
      %add3A_2327 = vector.broadcast %add3A_2326 : i32 to vector<16xi32>
      %add3A_2328 = arith.addi %add3A_2025, %add3A_2327 : vector<16xi32>
      %gather3A_2329 = tpu.vector_load_idx %arg6[%add3A_2328] : memref<65536xf32, #tpu.memory_space<vmem>>[vector<16xi32>], vector<16xf32>,
      %mul3A_2330 = arith.constant 256 : i32
      %mul3A_2331 = vector.broadcast %mul3A_2330 : i32 to vector<16xi32>
      %mul3A_2332 = arith.muli %iota3A, %mul3A_2331 : vector<16xi32>
      %add3A_2333 = arith.constant 222 : i32
      %add3A_2334 = vector.broadcast %add3A_2333 : i32 to vector<16xi32>
      %add3A_2335 = arith.addi %mul3A_2332, %add3A_2334 : vector<16xi32>
      tpu.vector_store_idx %arg7[%add3A_2335], %gather3A_2329 : memref<4096xf32, #tpu.memory_space<vmem>>[vector<16xi32>], vector<16xf32>,
      %add3A_2336 = arith.constant 31 : i32
      %add3A_2337 = vector.broadcast %add3A_2336 : i32 to vector<16xi32>
      %add3A_2338 = arith.addi %add3A_2025, %add3A_2337 : vector<16xi32>
      %gather3A_2339 = tpu.vector_load_idx %arg6[%add3A_2338] : memref<65536xf32, #tpu.memory_space<vmem>>[vector<16xi32>], vector<16xf32>,
      %mul3A_2340 = arith.constant 256 : i32
      %mul3A_2341 = vector.broadcast %mul3A_2340 : i32 to vector<16xi32>
      %mul3A_2342 = arith.muli %iota3A, %mul3A_2341 : vector<16xi32>
      %add3A_2343 = arith.constant 223 : i32
      %add3A_2344 = vector.broadcast %add3A_2343 : i32 to vector<16xi32>
      %add3A_2345 = arith.addi %mul3A_2342, %add3A_2344 : vector<16xi32>
      tpu.vector_store_idx %arg7[%add3A_2345], %gather3A_2339 : memref<4096xf32, #tpu.memory_space<vmem>>[vector<16xi32>], vector<16xf32>,
      %mul3A_2346 = arith.constant 8 : i32
      %mul3A_2347 = vector.broadcast %mul3A_2346 : i32 to vector<16xi32>
      %mul3A_2348 = arith.muli %add3A_15, %mul3A_2347 : vector<16xi32>
      %add3A_2349 = arith.constant 7 : i32
      %add3A_2350 = vector.broadcast %add3A_2349 : i32 to vector<16xi32>
      %add3A_2351 = arith.addi %mul3A_2348, %add3A_2350 : vector<16xi32>
      %gather3A_2352 = tpu.vector_load_idx %arg5[%add3A_2351] : memref<4608xi32, #tpu.memory_space<vmem>>[vector<16xi32>], vector<16xi32>,
      %mul3A_2353 = arith.constant 32 : i32
      %mul3A_2354 = vector.broadcast %mul3A_2353 : i32 to vector<16xi32>
      %mul3A_2355 = arith.muli %gather3A_2352, %mul3A_2354 : vector<16xi32>
      %add3A_2356 = arith.constant 57344 : i32
      %add3A_2357 = vector.broadcast %add3A_2356 : i32 to vector<16xi32>
      %add3A_2358 = arith.addi %mul3A_2355, %add3A_2357 : vector<16xi32>
      %add3A_2359 = arith.constant 0 : i32
      %add3A_2360 = vector.broadcast %add3A_2359 : i32 to vector<16xi32>
      %add3A_2361 = arith.addi %add3A_2358, %add3A_2360 : vector<16xi32>
      %gather3A_2362 = tpu.vector_load_idx %arg6[%add3A_2361] : memref<65536xf32, #tpu.memory_space<vmem>>[vector<16xi32>], vector<16xf32>,
      %mul3A_2363 = arith.constant 256 : i32
      %mul3A_2364 = vector.broadcast %mul3A_2363 : i32 to vector<16xi32>
      %mul3A_2365 = arith.muli %iota3A, %mul3A_2364 : vector<16xi32>
      %add3A_2366 = arith.constant 224 : i32
      %add3A_2367 = vector.broadcast %add3A_2366 : i32 to vector<16xi32>
      %add3A_2368 = arith.addi %mul3A_2365, %add3A_2367 : vector<16xi32>
      tpu.vector_store_idx %arg7[%add3A_2368], %gather3A_2362 : memref<4096xf32, #tpu.memory_space<vmem>>[vector<16xi32>], vector<16xf32>,
      %add3A_2369 = arith.constant 1 : i32
      %add3A_2370 = vector.broadcast %add3A_2369 : i32 to vector<16xi32>
      %add3A_2371 = arith.addi %add3A_2358, %add3A_2370 : vector<16xi32>
      %gather3A_2372 = tpu.vector_load_idx %arg6[%add3A_2371] : memref<65536xf32, #tpu.memory_space<vmem>>[vector<16xi32>], vector<16xf32>,
      %mul3A_2373 = arith.constant 256 : i32
      %mul3A_2374 = vector.broadcast %mul3A_2373 : i32 to vector<16xi32>
      %mul3A_2375 = arith.muli %iota3A, %mul3A_2374 : vector<16xi32>
      %add3A_2376 = arith.constant 225 : i32
      %add3A_2377 = vector.broadcast %add3A_2376 : i32 to vector<16xi32>
      %add3A_2378 = arith.addi %mul3A_2375, %add3A_2377 : vector<16xi32>
      tpu.vector_store_idx %arg7[%add3A_2378], %gather3A_2372 : memref<4096xf32, #tpu.memory_space<vmem>>[vector<16xi32>], vector<16xf32>,
      %add3A_2379 = arith.constant 2 : i32
      %add3A_2380 = vector.broadcast %add3A_2379 : i32 to vector<16xi32>
      %add3A_2381 = arith.addi %add3A_2358, %add3A_2380 : vector<16xi32>
      %gather3A_2382 = tpu.vector_load_idx %arg6[%add3A_2381] : memref<65536xf32, #tpu.memory_space<vmem>>[vector<16xi32>], vector<16xf32>,
      %mul3A_2383 = arith.constant 256 : i32
      %mul3A_2384 = vector.broadcast %mul3A_2383 : i32 to vector<16xi32>
      %mul3A_2385 = arith.muli %iota3A, %mul3A_2384 : vector<16xi32>
      %add3A_2386 = arith.constant 226 : i32
      %add3A_2387 = vector.broadcast %add3A_2386 : i32 to vector<16xi32>
      %add3A_2388 = arith.addi %mul3A_2385, %add3A_2387 : vector<16xi32>
      tpu.vector_store_idx %arg7[%add3A_2388], %gather3A_2382 : memref<4096xf32, #tpu.memory_space<vmem>>[vector<16xi32>], vector<16xf32>,
      %add3A_2389 = arith.constant 3 : i32
      %add3A_2390 = vector.broadcast %add3A_2389 : i32 to vector<16xi32>
      %add3A_2391 = arith.addi %add3A_2358, %add3A_2390 : vector<16xi32>
      %gather3A_2392 = tpu.vector_load_idx %arg6[%add3A_2391] : memref<65536xf32, #tpu.memory_space<vmem>>[vector<16xi32>], vector<16xf32>,
      %mul3A_2393 = arith.constant 256 : i32
      %mul3A_2394 = vector.broadcast %mul3A_2393 : i32 to vector<16xi32>
      %mul3A_2395 = arith.muli %iota3A, %mul3A_2394 : vector<16xi32>
      %add3A_2396 = arith.constant 227 : i32
      %add3A_2397 = vector.broadcast %add3A_2396 : i32 to vector<16xi32>
      %add3A_2398 = arith.addi %mul3A_2395, %add3A_2397 : vector<16xi32>
      tpu.vector_store_idx %arg7[%add3A_2398], %gather3A_2392 : memref<4096xf32, #tpu.memory_space<vmem>>[vector<16xi32>], vector<16xf32>,
      %add3A_2399 = arith.constant 4 : i32
      %add3A_2400 = vector.broadcast %add3A_2399 : i32 to vector<16xi32>
      %add3A_2401 = arith.addi %add3A_2358, %add3A_2400 : vector<16xi32>
      %gather3A_2402 = tpu.vector_load_idx %arg6[%add3A_2401] : memref<65536xf32, #tpu.memory_space<vmem>>[vector<16xi32>], vector<16xf32>,
      %mul3A_2403 = arith.constant 256 : i32
      %mul3A_2404 = vector.broadcast %mul3A_2403 : i32 to vector<16xi32>
      %mul3A_2405 = arith.muli %iota3A, %mul3A_2404 : vector<16xi32>
      %add3A_2406 = arith.constant 228 : i32
      %add3A_2407 = vector.broadcast %add3A_2406 : i32 to vector<16xi32>
      %add3A_2408 = arith.addi %mul3A_2405, %add3A_2407 : vector<16xi32>
      tpu.vector_store_idx %arg7[%add3A_2408], %gather3A_2402 : memref<4096xf32, #tpu.memory_space<vmem>>[vector<16xi32>], vector<16xf32>,
      %add3A_2409 = arith.constant 5 : i32
      %add3A_2410 = vector.broadcast %add3A_2409 : i32 to vector<16xi32>
      %add3A_2411 = arith.addi %add3A_2358, %add3A_2410 : vector<16xi32>
      %gather3A_2412 = tpu.vector_load_idx %arg6[%add3A_2411] : memref<65536xf32, #tpu.memory_space<vmem>>[vector<16xi32>], vector<16xf32>,
      %mul3A_2413 = arith.constant 256 : i32
      %mul3A_2414 = vector.broadcast %mul3A_2413 : i32 to vector<16xi32>
      %mul3A_2415 = arith.muli %iota3A, %mul3A_2414 : vector<16xi32>
      %add3A_2416 = arith.constant 229 : i32
      %add3A_2417 = vector.broadcast %add3A_2416 : i32 to vector<16xi32>
      %add3A_2418 = arith.addi %mul3A_2415, %add3A_2417 : vector<16xi32>
      tpu.vector_store_idx %arg7[%add3A_2418], %gather3A_2412 : memref<4096xf32, #tpu.memory_space<vmem>>[vector<16xi32>], vector<16xf32>,
      %add3A_2419 = arith.constant 6 : i32
      %add3A_2420 = vector.broadcast %add3A_2419 : i32 to vector<16xi32>
      %add3A_2421 = arith.addi %add3A_2358, %add3A_2420 : vector<16xi32>
      %gather3A_2422 = tpu.vector_load_idx %arg6[%add3A_2421] : memref<65536xf32, #tpu.memory_space<vmem>>[vector<16xi32>], vector<16xf32>,
      %mul3A_2423 = arith.constant 256 : i32
      %mul3A_2424 = vector.broadcast %mul3A_2423 : i32 to vector<16xi32>
      %mul3A_2425 = arith.muli %iota3A, %mul3A_2424 : vector<16xi32>
      %add3A_2426 = arith.constant 230 : i32
      %add3A_2427 = vector.broadcast %add3A_2426 : i32 to vector<16xi32>
      %add3A_2428 = arith.addi %mul3A_2425, %add3A_2427 : vector<16xi32>
      tpu.vector_store_idx %arg7[%add3A_2428], %gather3A_2422 : memref<4096xf32, #tpu.memory_space<vmem>>[vector<16xi32>], vector<16xf32>,
      %add3A_2429 = arith.constant 7 : i32
      %add3A_2430 = vector.broadcast %add3A_2429 : i32 to vector<16xi32>
      %add3A_2431 = arith.addi %add3A_2358, %add3A_2430 : vector<16xi32>
      %gather3A_2432 = tpu.vector_load_idx %arg6[%add3A_2431] : memref<65536xf32, #tpu.memory_space<vmem>>[vector<16xi32>], vector<16xf32>,
      %mul3A_2433 = arith.constant 256 : i32
      %mul3A_2434 = vector.broadcast %mul3A_2433 : i32 to vector<16xi32>
      %mul3A_2435 = arith.muli %iota3A, %mul3A_2434 : vector<16xi32>
      %add3A_2436 = arith.constant 231 : i32
      %add3A_2437 = vector.broadcast %add3A_2436 : i32 to vector<16xi32>
      %add3A_2438 = arith.addi %mul3A_2435, %add3A_2437 : vector<16xi32>
      tpu.vector_store_idx %arg7[%add3A_2438], %gather3A_2432 : memref<4096xf32, #tpu.memory_space<vmem>>[vector<16xi32>], vector<16xf32>,
      %add3A_2439 = arith.constant 8 : i32
      %add3A_2440 = vector.broadcast %add3A_2439 : i32 to vector<16xi32>
      %add3A_2441 = arith.addi %add3A_2358, %add3A_2440 : vector<16xi32>
      %gather3A_2442 = tpu.vector_load_idx %arg6[%add3A_2441] : memref<65536xf32, #tpu.memory_space<vmem>>[vector<16xi32>], vector<16xf32>,
      %mul3A_2443 = arith.constant 256 : i32
      %mul3A_2444 = vector.broadcast %mul3A_2443 : i32 to vector<16xi32>
      %mul3A_2445 = arith.muli %iota3A, %mul3A_2444 : vector<16xi32>
      %add3A_2446 = arith.constant 232 : i32
      %add3A_2447 = vector.broadcast %add3A_2446 : i32 to vector<16xi32>
      %add3A_2448 = arith.addi %mul3A_2445, %add3A_2447 : vector<16xi32>
      tpu.vector_store_idx %arg7[%add3A_2448], %gather3A_2442 : memref<4096xf32, #tpu.memory_space<vmem>>[vector<16xi32>], vector<16xf32>,
      %add3A_2449 = arith.constant 9 : i32
      %add3A_2450 = vector.broadcast %add3A_2449 : i32 to vector<16xi32>
      %add3A_2451 = arith.addi %add3A_2358, %add3A_2450 : vector<16xi32>
      %gather3A_2452 = tpu.vector_load_idx %arg6[%add3A_2451] : memref<65536xf32, #tpu.memory_space<vmem>>[vector<16xi32>], vector<16xf32>,
      %mul3A_2453 = arith.constant 256 : i32
      %mul3A_2454 = vector.broadcast %mul3A_2453 : i32 to vector<16xi32>
      %mul3A_2455 = arith.muli %iota3A, %mul3A_2454 : vector<16xi32>
      %add3A_2456 = arith.constant 233 : i32
      %add3A_2457 = vector.broadcast %add3A_2456 : i32 to vector<16xi32>
      %add3A_2458 = arith.addi %mul3A_2455, %add3A_2457 : vector<16xi32>
      tpu.vector_store_idx %arg7[%add3A_2458], %gather3A_2452 : memref<4096xf32, #tpu.memory_space<vmem>>[vector<16xi32>], vector<16xf32>,
      %add3A_2459 = arith.constant 10 : i32
      %add3A_2460 = vector.broadcast %add3A_2459 : i32 to vector<16xi32>
      %add3A_2461 = arith.addi %add3A_2358, %add3A_2460 : vector<16xi32>
      %gather3A_2462 = tpu.vector_load_idx %arg6[%add3A_2461] : memref<65536xf32, #tpu.memory_space<vmem>>[vector<16xi32>], vector<16xf32>,
      %mul3A_2463 = arith.constant 256 : i32
      %mul3A_2464 = vector.broadcast %mul3A_2463 : i32 to vector<16xi32>
      %mul3A_2465 = arith.muli %iota3A, %mul3A_2464 : vector<16xi32>
      %add3A_2466 = arith.constant 234 : i32
      %add3A_2467 = vector.broadcast %add3A_2466 : i32 to vector<16xi32>
      %add3A_2468 = arith.addi %mul3A_2465, %add3A_2467 : vector<16xi32>
      tpu.vector_store_idx %arg7[%add3A_2468], %gather3A_2462 : memref<4096xf32, #tpu.memory_space<vmem>>[vector<16xi32>], vector<16xf32>,
      %add3A_2469 = arith.constant 11 : i32
      %add3A_2470 = vector.broadcast %add3A_2469 : i32 to vector<16xi32>
      %add3A_2471 = arith.addi %add3A_2358, %add3A_2470 : vector<16xi32>
      %gather3A_2472 = tpu.vector_load_idx %arg6[%add3A_2471] : memref<65536xf32, #tpu.memory_space<vmem>>[vector<16xi32>], vector<16xf32>,
      %mul3A_2473 = arith.constant 256 : i32
      %mul3A_2474 = vector.broadcast %mul3A_2473 : i32 to vector<16xi32>
      %mul3A_2475 = arith.muli %iota3A, %mul3A_2474 : vector<16xi32>
      %add3A_2476 = arith.constant 235 : i32
      %add3A_2477 = vector.broadcast %add3A_2476 : i32 to vector<16xi32>
      %add3A_2478 = arith.addi %mul3A_2475, %add3A_2477 : vector<16xi32>
      tpu.vector_store_idx %arg7[%add3A_2478], %gather3A_2472 : memref<4096xf32, #tpu.memory_space<vmem>>[vector<16xi32>], vector<16xf32>,
      %add3A_2479 = arith.constant 12 : i32
      %add3A_2480 = vector.broadcast %add3A_2479 : i32 to vector<16xi32>
      %add3A_2481 = arith.addi %add3A_2358, %add3A_2480 : vector<16xi32>
      %gather3A_2482 = tpu.vector_load_idx %arg6[%add3A_2481] : memref<65536xf32, #tpu.memory_space<vmem>>[vector<16xi32>], vector<16xf32>,
      %mul3A_2483 = arith.constant 256 : i32
      %mul3A_2484 = vector.broadcast %mul3A_2483 : i32 to vector<16xi32>
      %mul3A_2485 = arith.muli %iota3A, %mul3A_2484 : vector<16xi32>
      %add3A_2486 = arith.constant 236 : i32
      %add3A_2487 = vector.broadcast %add3A_2486 : i32 to vector<16xi32>
      %add3A_2488 = arith.addi %mul3A_2485, %add3A_2487 : vector<16xi32>
      tpu.vector_store_idx %arg7[%add3A_2488], %gather3A_2482 : memref<4096xf32, #tpu.memory_space<vmem>>[vector<16xi32>], vector<16xf32>,
      %add3A_2489 = arith.constant 13 : i32
      %add3A_2490 = vector.broadcast %add3A_2489 : i32 to vector<16xi32>
      %add3A_2491 = arith.addi %add3A_2358, %add3A_2490 : vector<16xi32>
      %gather3A_2492 = tpu.vector_load_idx %arg6[%add3A_2491] : memref<65536xf32, #tpu.memory_space<vmem>>[vector<16xi32>], vector<16xf32>,
      %mul3A_2493 = arith.constant 256 : i32
      %mul3A_2494 = vector.broadcast %mul3A_2493 : i32 to vector<16xi32>
      %mul3A_2495 = arith.muli %iota3A, %mul3A_2494 : vector<16xi32>
      %add3A_2496 = arith.constant 237 : i32
      %add3A_2497 = vector.broadcast %add3A_2496 : i32 to vector<16xi32>
      %add3A_2498 = arith.addi %mul3A_2495, %add3A_2497 : vector<16xi32>
      tpu.vector_store_idx %arg7[%add3A_2498], %gather3A_2492 : memref<4096xf32, #tpu.memory_space<vmem>>[vector<16xi32>], vector<16xf32>,
      %add3A_2499 = arith.constant 14 : i32
      %add3A_2500 = vector.broadcast %add3A_2499 : i32 to vector<16xi32>
      %add3A_2501 = arith.addi %add3A_2358, %add3A_2500 : vector<16xi32>
      %gather3A_2502 = tpu.vector_load_idx %arg6[%add3A_2501] : memref<65536xf32, #tpu.memory_space<vmem>>[vector<16xi32>], vector<16xf32>,
      %mul3A_2503 = arith.constant 256 : i32
      %mul3A_2504 = vector.broadcast %mul3A_2503 : i32 to vector<16xi32>
      %mul3A_2505 = arith.muli %iota3A, %mul3A_2504 : vector<16xi32>
      %add3A_2506 = arith.constant 238 : i32
      %add3A_2507 = vector.broadcast %add3A_2506 : i32 to vector<16xi32>
      %add3A_2508 = arith.addi %mul3A_2505, %add3A_2507 : vector<16xi32>
      tpu.vector_store_idx %arg7[%add3A_2508], %gather3A_2502 : memref<4096xf32, #tpu.memory_space<vmem>>[vector<16xi32>], vector<16xf32>,
      %add3A_2509 = arith.constant 15 : i32
      %add3A_2510 = vector.broadcast %add3A_2509 : i32 to vector<16xi32>
      %add3A_2511 = arith.addi %add3A_2358, %add3A_2510 : vector<16xi32>
      %gather3A_2512 = tpu.vector_load_idx %arg6[%add3A_2511] : memref<65536xf32, #tpu.memory_space<vmem>>[vector<16xi32>], vector<16xf32>,
      %mul3A_2513 = arith.constant 256 : i32
      %mul3A_2514 = vector.broadcast %mul3A_2513 : i32 to vector<16xi32>
      %mul3A_2515 = arith.muli %iota3A, %mul3A_2514 : vector<16xi32>
      %add3A_2516 = arith.constant 239 : i32
      %add3A_2517 = vector.broadcast %add3A_2516 : i32 to vector<16xi32>
      %add3A_2518 = arith.addi %mul3A_2515, %add3A_2517 : vector<16xi32>
      tpu.vector_store_idx %arg7[%add3A_2518], %gather3A_2512 : memref<4096xf32, #tpu.memory_space<vmem>>[vector<16xi32>], vector<16xf32>,
      %add3A_2519 = arith.constant 16 : i32
      %add3A_2520 = vector.broadcast %add3A_2519 : i32 to vector<16xi32>
      %add3A_2521 = arith.addi %add3A_2358, %add3A_2520 : vector<16xi32>
      %gather3A_2522 = tpu.vector_load_idx %arg6[%add3A_2521] : memref<65536xf32, #tpu.memory_space<vmem>>[vector<16xi32>], vector<16xf32>,
      %mul3A_2523 = arith.constant 256 : i32
      %mul3A_2524 = vector.broadcast %mul3A_2523 : i32 to vector<16xi32>
      %mul3A_2525 = arith.muli %iota3A, %mul3A_2524 : vector<16xi32>
      %add3A_2526 = arith.constant 240 : i32
      %add3A_2527 = vector.broadcast %add3A_2526 : i32 to vector<16xi32>
      %add3A_2528 = arith.addi %mul3A_2525, %add3A_2527 : vector<16xi32>
      tpu.vector_store_idx %arg7[%add3A_2528], %gather3A_2522 : memref<4096xf32, #tpu.memory_space<vmem>>[vector<16xi32>], vector<16xf32>,
      %add3A_2529 = arith.constant 17 : i32
      %add3A_2530 = vector.broadcast %add3A_2529 : i32 to vector<16xi32>
      %add3A_2531 = arith.addi %add3A_2358, %add3A_2530 : vector<16xi32>
      %gather3A_2532 = tpu.vector_load_idx %arg6[%add3A_2531] : memref<65536xf32, #tpu.memory_space<vmem>>[vector<16xi32>], vector<16xf32>,
      %mul3A_2533 = arith.constant 256 : i32
      %mul3A_2534 = vector.broadcast %mul3A_2533 : i32 to vector<16xi32>
      %mul3A_2535 = arith.muli %iota3A, %mul3A_2534 : vector<16xi32>
      %add3A_2536 = arith.constant 241 : i32
      %add3A_2537 = vector.broadcast %add3A_2536 : i32 to vector<16xi32>
      %add3A_2538 = arith.addi %mul3A_2535, %add3A_2537 : vector<16xi32>
      tpu.vector_store_idx %arg7[%add3A_2538], %gather3A_2532 : memref<4096xf32, #tpu.memory_space<vmem>>[vector<16xi32>], vector<16xf32>,
      %add3A_2539 = arith.constant 18 : i32
      %add3A_2540 = vector.broadcast %add3A_2539 : i32 to vector<16xi32>
      %add3A_2541 = arith.addi %add3A_2358, %add3A_2540 : vector<16xi32>
      %gather3A_2542 = tpu.vector_load_idx %arg6[%add3A_2541] : memref<65536xf32, #tpu.memory_space<vmem>>[vector<16xi32>], vector<16xf32>,
      %mul3A_2543 = arith.constant 256 : i32
      %mul3A_2544 = vector.broadcast %mul3A_2543 : i32 to vector<16xi32>
      %mul3A_2545 = arith.muli %iota3A, %mul3A_2544 : vector<16xi32>
      %add3A_2546 = arith.constant 242 : i32
      %add3A_2547 = vector.broadcast %add3A_2546 : i32 to vector<16xi32>
      %add3A_2548 = arith.addi %mul3A_2545, %add3A_2547 : vector<16xi32>
      tpu.vector_store_idx %arg7[%add3A_2548], %gather3A_2542 : memref<4096xf32, #tpu.memory_space<vmem>>[vector<16xi32>], vector<16xf32>,
      %add3A_2549 = arith.constant 19 : i32
      %add3A_2550 = vector.broadcast %add3A_2549 : i32 to vector<16xi32>
      %add3A_2551 = arith.addi %add3A_2358, %add3A_2550 : vector<16xi32>
      %gather3A_2552 = tpu.vector_load_idx %arg6[%add3A_2551] : memref<65536xf32, #tpu.memory_space<vmem>>[vector<16xi32>], vector<16xf32>,
      %mul3A_2553 = arith.constant 256 : i32
      %mul3A_2554 = vector.broadcast %mul3A_2553 : i32 to vector<16xi32>
      %mul3A_2555 = arith.muli %iota3A, %mul3A_2554 : vector<16xi32>
      %add3A_2556 = arith.constant 243 : i32
      %add3A_2557 = vector.broadcast %add3A_2556 : i32 to vector<16xi32>
      %add3A_2558 = arith.addi %mul3A_2555, %add3A_2557 : vector<16xi32>
      tpu.vector_store_idx %arg7[%add3A_2558], %gather3A_2552 : memref<4096xf32, #tpu.memory_space<vmem>>[vector<16xi32>], vector<16xf32>,
      %add3A_2559 = arith.constant 20 : i32
      %add3A_2560 = vector.broadcast %add3A_2559 : i32 to vector<16xi32>
      %add3A_2561 = arith.addi %add3A_2358, %add3A_2560 : vector<16xi32>
      %gather3A_2562 = tpu.vector_load_idx %arg6[%add3A_2561] : memref<65536xf32, #tpu.memory_space<vmem>>[vector<16xi32>], vector<16xf32>,
      %mul3A_2563 = arith.constant 256 : i32
      %mul3A_2564 = vector.broadcast %mul3A_2563 : i32 to vector<16xi32>
      %mul3A_2565 = arith.muli %iota3A, %mul3A_2564 : vector<16xi32>
      %add3A_2566 = arith.constant 244 : i32
      %add3A_2567 = vector.broadcast %add3A_2566 : i32 to vector<16xi32>
      %add3A_2568 = arith.addi %mul3A_2565, %add3A_2567 : vector<16xi32>
      tpu.vector_store_idx %arg7[%add3A_2568], %gather3A_2562 : memref<4096xf32, #tpu.memory_space<vmem>>[vector<16xi32>], vector<16xf32>,
      %add3A_2569 = arith.constant 21 : i32
      %add3A_2570 = vector.broadcast %add3A_2569 : i32 to vector<16xi32>
      %add3A_2571 = arith.addi %add3A_2358, %add3A_2570 : vector<16xi32>
      %gather3A_2572 = tpu.vector_load_idx %arg6[%add3A_2571] : memref<65536xf32, #tpu.memory_space<vmem>>[vector<16xi32>], vector<16xf32>,
      %mul3A_2573 = arith.constant 256 : i32
      %mul3A_2574 = vector.broadcast %mul3A_2573 : i32 to vector<16xi32>
      %mul3A_2575 = arith.muli %iota3A, %mul3A_2574 : vector<16xi32>
      %add3A_2576 = arith.constant 245 : i32
      %add3A_2577 = vector.broadcast %add3A_2576 : i32 to vector<16xi32>
      %add3A_2578 = arith.addi %mul3A_2575, %add3A_2577 : vector<16xi32>
      tpu.vector_store_idx %arg7[%add3A_2578], %gather3A_2572 : memref<4096xf32, #tpu.memory_space<vmem>>[vector<16xi32>], vector<16xf32>,
      %add3A_2579 = arith.constant 22 : i32
      %add3A_2580 = vector.broadcast %add3A_2579 : i32 to vector<16xi32>
      %add3A_2581 = arith.addi %add3A_2358, %add3A_2580 : vector<16xi32>
      %gather3A_2582 = tpu.vector_load_idx %arg6[%add3A_2581] : memref<65536xf32, #tpu.memory_space<vmem>>[vector<16xi32>], vector<16xf32>,
      %mul3A_2583 = arith.constant 256 : i32
      %mul3A_2584 = vector.broadcast %mul3A_2583 : i32 to vector<16xi32>
      %mul3A_2585 = arith.muli %iota3A, %mul3A_2584 : vector<16xi32>
      %add3A_2586 = arith.constant 246 : i32
      %add3A_2587 = vector.broadcast %add3A_2586 : i32 to vector<16xi32>
      %add3A_2588 = arith.addi %mul3A_2585, %add3A_2587 : vector<16xi32>
      tpu.vector_store_idx %arg7[%add3A_2588], %gather3A_2582 : memref<4096xf32, #tpu.memory_space<vmem>>[vector<16xi32>], vector<16xf32>,
      %add3A_2589 = arith.constant 23 : i32
      %add3A_2590 = vector.broadcast %add3A_2589 : i32 to vector<16xi32>
      %add3A_2591 = arith.addi %add3A_2358, %add3A_2590 : vector<16xi32>
      %gather3A_2592 = tpu.vector_load_idx %arg6[%add3A_2591] : memref<65536xf32, #tpu.memory_space<vmem>>[vector<16xi32>], vector<16xf32>,
      %mul3A_2593 = arith.constant 256 : i32
      %mul3A_2594 = vector.broadcast %mul3A_2593 : i32 to vector<16xi32>
      %mul3A_2595 = arith.muli %iota3A, %mul3A_2594 : vector<16xi32>
      %add3A_2596 = arith.constant 247 : i32
      %add3A_2597 = vector.broadcast %add3A_2596 : i32 to vector<16xi32>
      %add3A_2598 = arith.addi %mul3A_2595, %add3A_2597 : vector<16xi32>
      tpu.vector_store_idx %arg7[%add3A_2598], %gather3A_2592 : memref<4096xf32, #tpu.memory_space<vmem>>[vector<16xi32>], vector<16xf32>,
      %add3A_2599 = arith.constant 24 : i32
      %add3A_2600 = vector.broadcast %add3A_2599 : i32 to vector<16xi32>
      %add3A_2601 = arith.addi %add3A_2358, %add3A_2600 : vector<16xi32>
      %gather3A_2602 = tpu.vector_load_idx %arg6[%add3A_2601] : memref<65536xf32, #tpu.memory_space<vmem>>[vector<16xi32>], vector<16xf32>,
      %mul3A_2603 = arith.constant 256 : i32
      %mul3A_2604 = vector.broadcast %mul3A_2603 : i32 to vector<16xi32>
      %mul3A_2605 = arith.muli %iota3A, %mul3A_2604 : vector<16xi32>
      %add3A_2606 = arith.constant 248 : i32
      %add3A_2607 = vector.broadcast %add3A_2606 : i32 to vector<16xi32>
      %add3A_2608 = arith.addi %mul3A_2605, %add3A_2607 : vector<16xi32>
      tpu.vector_store_idx %arg7[%add3A_2608], %gather3A_2602 : memref<4096xf32, #tpu.memory_space<vmem>>[vector<16xi32>], vector<16xf32>,
      %add3A_2609 = arith.constant 25 : i32
      %add3A_2610 = vector.broadcast %add3A_2609 : i32 to vector<16xi32>
      %add3A_2611 = arith.addi %add3A_2358, %add3A_2610 : vector<16xi32>
      %gather3A_2612 = tpu.vector_load_idx %arg6[%add3A_2611] : memref<65536xf32, #tpu.memory_space<vmem>>[vector<16xi32>], vector<16xf32>,
      %mul3A_2613 = arith.constant 256 : i32
      %mul3A_2614 = vector.broadcast %mul3A_2613 : i32 to vector<16xi32>
      %mul3A_2615 = arith.muli %iota3A, %mul3A_2614 : vector<16xi32>
      %add3A_2616 = arith.constant 249 : i32
      %add3A_2617 = vector.broadcast %add3A_2616 : i32 to vector<16xi32>
      %add3A_2618 = arith.addi %mul3A_2615, %add3A_2617 : vector<16xi32>
      tpu.vector_store_idx %arg7[%add3A_2618], %gather3A_2612 : memref<4096xf32, #tpu.memory_space<vmem>>[vector<16xi32>], vector<16xf32>,
      %add3A_2619 = arith.constant 26 : i32
      %add3A_2620 = vector.broadcast %add3A_2619 : i32 to vector<16xi32>
      %add3A_2621 = arith.addi %add3A_2358, %add3A_2620 : vector<16xi32>
      %gather3A_2622 = tpu.vector_load_idx %arg6[%add3A_2621] : memref<65536xf32, #tpu.memory_space<vmem>>[vector<16xi32>], vector<16xf32>,
      %mul3A_2623 = arith.constant 256 : i32
      %mul3A_2624 = vector.broadcast %mul3A_2623 : i32 to vector<16xi32>
      %mul3A_2625 = arith.muli %iota3A, %mul3A_2624 : vector<16xi32>
      %add3A_2626 = arith.constant 250 : i32
      %add3A_2627 = vector.broadcast %add3A_2626 : i32 to vector<16xi32>
      %add3A_2628 = arith.addi %mul3A_2625, %add3A_2627 : vector<16xi32>
      tpu.vector_store_idx %arg7[%add3A_2628], %gather3A_2622 : memref<4096xf32, #tpu.memory_space<vmem>>[vector<16xi32>], vector<16xf32>,
      %add3A_2629 = arith.constant 27 : i32
      %add3A_2630 = vector.broadcast %add3A_2629 : i32 to vector<16xi32>
      %add3A_2631 = arith.addi %add3A_2358, %add3A_2630 : vector<16xi32>
      %gather3A_2632 = tpu.vector_load_idx %arg6[%add3A_2631] : memref<65536xf32, #tpu.memory_space<vmem>>[vector<16xi32>], vector<16xf32>,
      %mul3A_2633 = arith.constant 256 : i32
      %mul3A_2634 = vector.broadcast %mul3A_2633 : i32 to vector<16xi32>
      %mul3A_2635 = arith.muli %iota3A, %mul3A_2634 : vector<16xi32>
      %add3A_2636 = arith.constant 251 : i32
      %add3A_2637 = vector.broadcast %add3A_2636 : i32 to vector<16xi32>
      %add3A_2638 = arith.addi %mul3A_2635, %add3A_2637 : vector<16xi32>
      tpu.vector_store_idx %arg7[%add3A_2638], %gather3A_2632 : memref<4096xf32, #tpu.memory_space<vmem>>[vector<16xi32>], vector<16xf32>,
      %add3A_2639 = arith.constant 28 : i32
      %add3A_2640 = vector.broadcast %add3A_2639 : i32 to vector<16xi32>
      %add3A_2641 = arith.addi %add3A_2358, %add3A_2640 : vector<16xi32>
      %gather3A_2642 = tpu.vector_load_idx %arg6[%add3A_2641] : memref<65536xf32, #tpu.memory_space<vmem>>[vector<16xi32>], vector<16xf32>,
      %mul3A_2643 = arith.constant 256 : i32
      %mul3A_2644 = vector.broadcast %mul3A_2643 : i32 to vector<16xi32>
      %mul3A_2645 = arith.muli %iota3A, %mul3A_2644 : vector<16xi32>
      %add3A_2646 = arith.constant 252 : i32
      %add3A_2647 = vector.broadcast %add3A_2646 : i32 to vector<16xi32>
      %add3A_2648 = arith.addi %mul3A_2645, %add3A_2647 : vector<16xi32>
      tpu.vector_store_idx %arg7[%add3A_2648], %gather3A_2642 : memref<4096xf32, #tpu.memory_space<vmem>>[vector<16xi32>], vector<16xf32>,
      %add3A_2649 = arith.constant 29 : i32
      %add3A_2650 = vector.broadcast %add3A_2649 : i32 to vector<16xi32>
      %add3A_2651 = arith.addi %add3A_2358, %add3A_2650 : vector<16xi32>
      %gather3A_2652 = tpu.vector_load_idx %arg6[%add3A_2651] : memref<65536xf32, #tpu.memory_space<vmem>>[vector<16xi32>], vector<16xf32>,
      %mul3A_2653 = arith.constant 256 : i32
      %mul3A_2654 = vector.broadcast %mul3A_2653 : i32 to vector<16xi32>
      %mul3A_2655 = arith.muli %iota3A, %mul3A_2654 : vector<16xi32>
      %add3A_2656 = arith.constant 253 : i32
      %add3A_2657 = vector.broadcast %add3A_2656 : i32 to vector<16xi32>
      %add3A_2658 = arith.addi %mul3A_2655, %add3A_2657 : vector<16xi32>
      tpu.vector_store_idx %arg7[%add3A_2658], %gather3A_2652 : memref<4096xf32, #tpu.memory_space<vmem>>[vector<16xi32>], vector<16xf32>,
      %add3A_2659 = arith.constant 30 : i32
      %add3A_2660 = vector.broadcast %add3A_2659 : i32 to vector<16xi32>
      %add3A_2661 = arith.addi %add3A_2358, %add3A_2660 : vector<16xi32>
      %gather3A_2662 = tpu.vector_load_idx %arg6[%add3A_2661] : memref<65536xf32, #tpu.memory_space<vmem>>[vector<16xi32>], vector<16xf32>,
      %mul3A_2663 = arith.constant 256 : i32
      %mul3A_2664 = vector.broadcast %mul3A_2663 : i32 to vector<16xi32>
      %mul3A_2665 = arith.muli %iota3A, %mul3A_2664 : vector<16xi32>
      %add3A_2666 = arith.constant 254 : i32
      %add3A_2667 = vector.broadcast %add3A_2666 : i32 to vector<16xi32>
      %add3A_2668 = arith.addi %mul3A_2665, %add3A_2667 : vector<16xi32>
      tpu.vector_store_idx %arg7[%add3A_2668], %gather3A_2662 : memref<4096xf32, #tpu.memory_space<vmem>>[vector<16xi32>], vector<16xf32>,
      %add3A_2669 = arith.constant 31 : i32
      %add3A_2670 = vector.broadcast %add3A_2669 : i32 to vector<16xi32>
      %add3A_2671 = arith.addi %add3A_2358, %add3A_2670 : vector<16xi32>
      %gather3A_2672 = tpu.vector_load_idx %arg6[%add3A_2671] : memref<65536xf32, #tpu.memory_space<vmem>>[vector<16xi32>], vector<16xf32>,
      %mul3A_2673 = arith.constant 256 : i32
      %mul3A_2674 = vector.broadcast %mul3A_2673 : i32 to vector<16xi32>
      %mul3A_2675 = arith.muli %iota3A, %mul3A_2674 : vector<16xi32>
      %add3A_2676 = arith.constant 255 : i32
      %add3A_2677 = vector.broadcast %add3A_2676 : i32 to vector<16xi32>
      %add3A_2678 = arith.addi %mul3A_2675, %add3A_2677 : vector<16xi32>
      tpu.vector_store_idx %arg7[%add3A_2678], %gather3A_2672 : memref<4096xf32, #tpu.memory_space<vmem>>[vector<16xi32>], vector<16xf32>,
      %add3A_2679 = arith.addi %mul3A_2, %mul3A_13 : i32
      %mul3A_2680 = arith.constant 256 : i32
      %mul3A_2681 = arith.muli %add3A_2679, %mul3A_2680 : i32
      %dma_start3A_2682 = tpu.memref_slice %arg4[%mul3A_2681] : memref<4718592xf32, #tpu.memory_space<hbm>> -> memref<4096xf32, #tpu.memory_space<hbm>>
      %dma_start3A_2683 = tpu.memref_slice %arg4[%mul3A_2681] : memref<4718592xf32, #tpu.memory_space<hbm>> -> memref<4096xf32, #tpu.memory_space<hbm>>
      tpu.enqueue_dma source(%arg7 : memref<4096xf32, #tpu.memory_space<vmem>>) target(%dma_start3A_2683 : memref<4096xf32, #tpu.memory_space<hbm>>) target_semaphore(%arg10 : memref<!tpu.dma_semaphore, #tpu.memory_space<semaphore_mem>>)
      %dma_wait3A_2684 = tpu.memref_slice %arg4[%mul3A_2681] : memref<4718592xf32, #tpu.memory_space<hbm>> -> memref<4096xf32, #tpu.memory_space<hbm>>
      %dma_wait3A_2685 = tpu.memref_slice %arg4[%mul3A_2681] : memref<4718592xf32, #tpu.memory_space<hbm>> -> memref<4096xf32, #tpu.memory_space<hbm>>
      tpu.wait_dma2 semaphore(%arg10 : memref<!tpu.dma_semaphore, #tpu.memory_space<semaphore_mem>>) src(%arg7 : memref<4096xf32, #tpu.memory_space<vmem>>) dst(%dma_wait3A_2685 : memref<4096xf32, #tpu.memory_space<hbm>>)
    }
    %scan3A_10 = arith.constant 36 : i32
    return
  }
}

module attributes {stable_mosaic.version = 14 : i64} {
  func.func @_enc_body(%arg0: i32, %arg1: memref<2048x256xf32, #tpu.memory_space<vmem>>, %arg2: memref<256x2048xf32, #tpu.memory_space<vmem>>, %arg3: memref<1x2048xf32, #tpu.memory_space<vmem>>, %arg4: memref<2048x8xi32, #tpu.memory_space<vmem>>) attributes {dimension_semantics = [#tpu.dimension_semantics<arbitrary>], iteration_bounds = array<i64: 9>, scalar_prefetch = 0 : i64, scratch_operands = 0 : i64, tpu.core_type = #tpu.core_type<tc>, window_params = [{transform_indices = @transform_0, window_bounds = array<i64: 2048, 256>}, {pipeline_mode = #tpu.pipeline_mode<synchronous>, transform_indices = @transform_1, window_bounds = array<i64: 256, 2048>}, {pipeline_mode = #tpu.pipeline_mode<synchronous>, transform_indices = @transform_2, window_bounds = array<i64: 1, 2048>}, {transform_indices = @transform_3, window_bounds = array<i64: 2048, 8>}]} {
    %iota3A = tpu.iota {dimensions = array<i32: 1>} : vector<1024x256xi32>
    %get3A = arith.constant 0 : index
    %get3A_0 = arith.constant 0 : index
    %get3A_1 = vector.load %arg1[%get3A, %get3A_0] : memref<2048x256xf32, #tpu.memory_space<vmem>>, vector<1024x256xf32>
    %get3A_2 = arith.constant 0 : index
    %get3A_3 = arith.constant 0 : index
    %get3A_4 = vector.load %arg2[%get3A_2, %get3A_3] : memref<256x2048xf32, #tpu.memory_space<vmem>>, vector<256x256xf32>
    %dot_general3A = arith.constant dense<0.000000e+00> : vector<1024x256xf32>
    %dot_general3A_5 = tpu.matmul %get3A_1, %get3A_4, %dot_general3A {dimension_numbers = #tpu.dot_dimension_numbers<[1], [0], [0], [1], [0, 0, 1, 1], [], []>, transpose_lhs_hint = false} : vector<1024x256xf32>, vector<256x256xf32>, vector<1024x256xf32> -> vector<1024x256xf32>
    %get3A_6 = arith.constant 0 : index
    %get3A_7 = arith.constant 0 : index
    %get3A_8 = vector.load %arg3[%get3A_6, %get3A_7] : memref<1x2048xf32, #tpu.memory_space<vmem>>, vector<1x256xf32>
    %add3A = vector.broadcast %get3A_8 : vector<1x256xf32> to vector<1024x256xf32>
    %add3A_9 = arith.addf %dot_general3A_5, %add3A : vector<1024x256xf32>
    %reduce_min3A = arith.constant dense<0x7F800000> : vector<1024xf32>
    %reduce_min3A_10 = vector.multi_reduction <minimumf>, %add3A_9, %reduce_min3A [1] : vector<1024x256xf32> to vector<1024xf32>
    %broadcast_in_dim3A = vector.shape_cast %reduce_min3A_10 : vector<1024xf32> to vector<1024x1xf32>
    %eq3A = vector.broadcast %broadcast_in_dim3A : vector<1024x1xf32> to vector<1024x256xf32>
    %eq3A_11 = arith.cmpf oeq, %add3A_9, %eq3A : vector<1024x256xf32>
    %jit3A = arith.constant 256 : i32
    %broadcast_in_dim3A_12 = vector.broadcast %jit3A : i32 to vector<1024x256xi32>
    %select_n3A = arith.select %eq3A_11, %iota3A, %broadcast_in_dim3A_12 : vector<1024x256xi1>, vector<1024x256xi32>
    %reduce_min3A_13 = arith.constant dense<2147483647> : vector<1024xi32>
    %reduce_min3A_14 = vector.multi_reduction <minsi>, %select_n3A, %reduce_min3A_13 [1] : vector<1024x256xi32> to vector<1024xi32>
    %broadcast_in_dim3A_15 = vector.shape_cast %reduce_min3A_14 : vector<1024xi32> to vector<1024x1xi32>
    %get3A_16 = arith.constant 0 : index
    %get3A_17 = arith.constant 256 : index
    %get3A_18 = vector.load %arg2[%get3A_16, %get3A_17] : memref<256x2048xf32, #tpu.memory_space<vmem>>, vector<256x256xf32>
    %dot_general3A_19 = arith.constant dense<0.000000e+00> : vector<1024x256xf32>
    %dot_general3A_20 = tpu.matmul %get3A_1, %get3A_18, %dot_general3A_19 {dimension_numbers = #tpu.dot_dimension_numbers<[1], [0], [0], [1], [0, 0, 1, 1], [], []>, transpose_lhs_hint = false} : vector<1024x256xf32>, vector<256x256xf32>, vector<1024x256xf32> -> vector<1024x256xf32>
    %get3A_21 = arith.constant 0 : index
    %get3A_22 = arith.constant 256 : index
    %get3A_23 = vector.load %arg3[%get3A_21, %get3A_22] : memref<1x2048xf32, #tpu.memory_space<vmem>>, vector<1x256xf32>
    %add3A_24 = vector.broadcast %get3A_23 : vector<1x256xf32> to vector<1024x256xf32>
    %add3A_25 = arith.addf %dot_general3A_20, %add3A_24 : vector<1024x256xf32>
    %reduce_min3A_26 = arith.constant dense<0x7F800000> : vector<1024xf32>
    %reduce_min3A_27 = vector.multi_reduction <minimumf>, %add3A_25, %reduce_min3A_26 [1] : vector<1024x256xf32> to vector<1024xf32>
    %broadcast_in_dim3A_28 = vector.shape_cast %reduce_min3A_27 : vector<1024xf32> to vector<1024x1xf32>
    %eq3A_29 = vector.broadcast %broadcast_in_dim3A_28 : vector<1024x1xf32> to vector<1024x256xf32>
    %eq3A_30 = arith.cmpf oeq, %add3A_25, %eq3A_29 : vector<1024x256xf32>
    %jit3A_31 = arith.constant 256 : i32
    %broadcast_in_dim3A_32 = vector.broadcast %jit3A_31 : i32 to vector<1024x256xi32>
    %select_n3A_33 = arith.select %eq3A_30, %iota3A, %broadcast_in_dim3A_32 : vector<1024x256xi1>, vector<1024x256xi32>
    %reduce_min3A_34 = arith.constant dense<2147483647> : vector<1024xi32>
    %reduce_min3A_35 = vector.multi_reduction <minsi>, %select_n3A_33, %reduce_min3A_34 [1] : vector<1024x256xi32> to vector<1024xi32>
    %broadcast_in_dim3A_36 = vector.shape_cast %reduce_min3A_35 : vector<1024xi32> to vector<1024x1xi32>
    %get3A_37 = arith.constant 0 : index
    %get3A_38 = arith.constant 512 : index
    %get3A_39 = vector.load %arg2[%get3A_37, %get3A_38] : memref<256x2048xf32, #tpu.memory_space<vmem>>, vector<256x256xf32>
    %dot_general3A_40 = arith.constant dense<0.000000e+00> : vector<1024x256xf32>
    %dot_general3A_41 = tpu.matmul %get3A_1, %get3A_39, %dot_general3A_40 {dimension_numbers = #tpu.dot_dimension_numbers<[1], [0], [0], [1], [0, 0, 1, 1], [], []>, transpose_lhs_hint = false} : vector<1024x256xf32>, vector<256x256xf32>, vector<1024x256xf32> -> vector<1024x256xf32>
    %get3A_42 = arith.constant 0 : index
    %get3A_43 = arith.constant 512 : index
    %get3A_44 = vector.load %arg3[%get3A_42, %get3A_43] : memref<1x2048xf32, #tpu.memory_space<vmem>>, vector<1x256xf32>
    %add3A_45 = vector.broadcast %get3A_44 : vector<1x256xf32> to vector<1024x256xf32>
    %add3A_46 = arith.addf %dot_general3A_41, %add3A_45 : vector<1024x256xf32>
    %reduce_min3A_47 = arith.constant dense<0x7F800000> : vector<1024xf32>
    %reduce_min3A_48 = vector.multi_reduction <minimumf>, %add3A_46, %reduce_min3A_47 [1] : vector<1024x256xf32> to vector<1024xf32>
    %broadcast_in_dim3A_49 = vector.shape_cast %reduce_min3A_48 : vector<1024xf32> to vector<1024x1xf32>
    %eq3A_50 = vector.broadcast %broadcast_in_dim3A_49 : vector<1024x1xf32> to vector<1024x256xf32>
    %eq3A_51 = arith.cmpf oeq, %add3A_46, %eq3A_50 : vector<1024x256xf32>
    %jit3A_52 = arith.constant 256 : i32
    %broadcast_in_dim3A_53 = vector.broadcast %jit3A_52 : i32 to vector<1024x256xi32>
    %select_n3A_54 = arith.select %eq3A_51, %iota3A, %broadcast_in_dim3A_53 : vector<1024x256xi1>, vector<1024x256xi32>
    %reduce_min3A_55 = arith.constant dense<2147483647> : vector<1024xi32>
    %reduce_min3A_56 = vector.multi_reduction <minsi>, %select_n3A_54, %reduce_min3A_55 [1] : vector<1024x256xi32> to vector<1024xi32>
    %broadcast_in_dim3A_57 = vector.shape_cast %reduce_min3A_56 : vector<1024xi32> to vector<1024x1xi32>
    %get3A_58 = arith.constant 0 : index
    %get3A_59 = arith.constant 768 : index
    %get3A_60 = vector.load %arg2[%get3A_58, %get3A_59] : memref<256x2048xf32, #tpu.memory_space<vmem>>, vector<256x256xf32>
    %dot_general3A_61 = arith.constant dense<0.000000e+00> : vector<1024x256xf32>
    %dot_general3A_62 = tpu.matmul %get3A_1, %get3A_60, %dot_general3A_61 {dimension_numbers = #tpu.dot_dimension_numbers<[1], [0], [0], [1], [0, 0, 1, 1], [], []>, transpose_lhs_hint = false} : vector<1024x256xf32>, vector<256x256xf32>, vector<1024x256xf32> -> vector<1024x256xf32>
    %get3A_63 = arith.constant 0 : index
    %get3A_64 = arith.constant 768 : index
    %get3A_65 = vector.load %arg3[%get3A_63, %get3A_64] : memref<1x2048xf32, #tpu.memory_space<vmem>>, vector<1x256xf32>
    %add3A_66 = vector.broadcast %get3A_65 : vector<1x256xf32> to vector<1024x256xf32>
    %add3A_67 = arith.addf %dot_general3A_62, %add3A_66 : vector<1024x256xf32>
    %reduce_min3A_68 = arith.constant dense<0x7F800000> : vector<1024xf32>
    %reduce_min3A_69 = vector.multi_reduction <minimumf>, %add3A_67, %reduce_min3A_68 [1] : vector<1024x256xf32> to vector<1024xf32>
    %broadcast_in_dim3A_70 = vector.shape_cast %reduce_min3A_69 : vector<1024xf32> to vector<1024x1xf32>
    %eq3A_71 = vector.broadcast %broadcast_in_dim3A_70 : vector<1024x1xf32> to vector<1024x256xf32>
    %eq3A_72 = arith.cmpf oeq, %add3A_67, %eq3A_71 : vector<1024x256xf32>
    %jit3A_73 = arith.constant 256 : i32
    %broadcast_in_dim3A_74 = vector.broadcast %jit3A_73 : i32 to vector<1024x256xi32>
    %select_n3A_75 = arith.select %eq3A_72, %iota3A, %broadcast_in_dim3A_74 : vector<1024x256xi1>, vector<1024x256xi32>
    %reduce_min3A_76 = arith.constant dense<2147483647> : vector<1024xi32>
    %reduce_min3A_77 = vector.multi_reduction <minsi>, %select_n3A_75, %reduce_min3A_76 [1] : vector<1024x256xi32> to vector<1024xi32>
    %broadcast_in_dim3A_78 = vector.shape_cast %reduce_min3A_77 : vector<1024xi32> to vector<1024x1xi32>
    %get3A_79 = arith.constant 0 : index
    %get3A_80 = arith.constant 1024 : index
    %get3A_81 = vector.load %arg2[%get3A_79, %get3A_80] : memref<256x2048xf32, #tpu.memory_space<vmem>>, vector<256x256xf32>
    %dot_general3A_82 = arith.constant dense<0.000000e+00> : vector<1024x256xf32>
    %dot_general3A_83 = tpu.matmul %get3A_1, %get3A_81, %dot_general3A_82 {dimension_numbers = #tpu.dot_dimension_numbers<[1], [0], [0], [1], [0, 0, 1, 1], [], []>, transpose_lhs_hint = false} : vector<1024x256xf32>, vector<256x256xf32>, vector<1024x256xf32> -> vector<1024x256xf32>
    %get3A_84 = arith.constant 0 : index
    %get3A_85 = arith.constant 1024 : index
    %get3A_86 = vector.load %arg3[%get3A_84, %get3A_85] : memref<1x2048xf32, #tpu.memory_space<vmem>>, vector<1x256xf32>
    %add3A_87 = vector.broadcast %get3A_86 : vector<1x256xf32> to vector<1024x256xf32>
    %add3A_88 = arith.addf %dot_general3A_83, %add3A_87 : vector<1024x256xf32>
    %reduce_min3A_89 = arith.constant dense<0x7F800000> : vector<1024xf32>
    %reduce_min3A_90 = vector.multi_reduction <minimumf>, %add3A_88, %reduce_min3A_89 [1] : vector<1024x256xf32> to vector<1024xf32>
    %broadcast_in_dim3A_91 = vector.shape_cast %reduce_min3A_90 : vector<1024xf32> to vector<1024x1xf32>
    %eq3A_92 = vector.broadcast %broadcast_in_dim3A_91 : vector<1024x1xf32> to vector<1024x256xf32>
    %eq3A_93 = arith.cmpf oeq, %add3A_88, %eq3A_92 : vector<1024x256xf32>
    %jit3A_94 = arith.constant 256 : i32
    %broadcast_in_dim3A_95 = vector.broadcast %jit3A_94 : i32 to vector<1024x256xi32>
    %select_n3A_96 = arith.select %eq3A_93, %iota3A, %broadcast_in_dim3A_95 : vector<1024x256xi1>, vector<1024x256xi32>
    %reduce_min3A_97 = arith.constant dense<2147483647> : vector<1024xi32>
    %reduce_min3A_98 = vector.multi_reduction <minsi>, %select_n3A_96, %reduce_min3A_97 [1] : vector<1024x256xi32> to vector<1024xi32>
    %broadcast_in_dim3A_99 = vector.shape_cast %reduce_min3A_98 : vector<1024xi32> to vector<1024x1xi32>
    %get3A_100 = arith.constant 0 : index
    %get3A_101 = arith.constant 1280 : index
    %get3A_102 = vector.load %arg2[%get3A_100, %get3A_101] : memref<256x2048xf32, #tpu.memory_space<vmem>>, vector<256x256xf32>
    %dot_general3A_103 = arith.constant dense<0.000000e+00> : vector<1024x256xf32>
    %dot_general3A_104 = tpu.matmul %get3A_1, %get3A_102, %dot_general3A_103 {dimension_numbers = #tpu.dot_dimension_numbers<[1], [0], [0], [1], [0, 0, 1, 1], [], []>, transpose_lhs_hint = false} : vector<1024x256xf32>, vector<256x256xf32>, vector<1024x256xf32> -> vector<1024x256xf32>
    %get3A_105 = arith.constant 0 : index
    %get3A_106 = arith.constant 1280 : index
    %get3A_107 = vector.load %arg3[%get3A_105, %get3A_106] : memref<1x2048xf32, #tpu.memory_space<vmem>>, vector<1x256xf32>
    %add3A_108 = vector.broadcast %get3A_107 : vector<1x256xf32> to vector<1024x256xf32>
    %add3A_109 = arith.addf %dot_general3A_104, %add3A_108 : vector<1024x256xf32>
    %reduce_min3A_110 = arith.constant dense<0x7F800000> : vector<1024xf32>
    %reduce_min3A_111 = vector.multi_reduction <minimumf>, %add3A_109, %reduce_min3A_110 [1] : vector<1024x256xf32> to vector<1024xf32>
    %broadcast_in_dim3A_112 = vector.shape_cast %reduce_min3A_111 : vector<1024xf32> to vector<1024x1xf32>
    %eq3A_113 = vector.broadcast %broadcast_in_dim3A_112 : vector<1024x1xf32> to vector<1024x256xf32>
    %eq3A_114 = arith.cmpf oeq, %add3A_109, %eq3A_113 : vector<1024x256xf32>
    %jit3A_115 = arith.constant 256 : i32
    %broadcast_in_dim3A_116 = vector.broadcast %jit3A_115 : i32 to vector<1024x256xi32>
    %select_n3A_117 = arith.select %eq3A_114, %iota3A, %broadcast_in_dim3A_116 : vector<1024x256xi1>, vector<1024x256xi32>
    %reduce_min3A_118 = arith.constant dense<2147483647> : vector<1024xi32>
    %reduce_min3A_119 = vector.multi_reduction <minsi>, %select_n3A_117, %reduce_min3A_118 [1] : vector<1024x256xi32> to vector<1024xi32>
    %broadcast_in_dim3A_120 = vector.shape_cast %reduce_min3A_119 : vector<1024xi32> to vector<1024x1xi32>
    %get3A_121 = arith.constant 0 : index
    %get3A_122 = arith.constant 1536 : index
    %get3A_123 = vector.load %arg2[%get3A_121, %get3A_122] : memref<256x2048xf32, #tpu.memory_space<vmem>>, vector<256x256xf32>
    %dot_general3A_124 = arith.constant dense<0.000000e+00> : vector<1024x256xf32>
    %dot_general3A_125 = tpu.matmul %get3A_1, %get3A_123, %dot_general3A_124 {dimension_numbers = #tpu.dot_dimension_numbers<[1], [0], [0], [1], [0, 0, 1, 1], [], []>, transpose_lhs_hint = false} : vector<1024x256xf32>, vector<256x256xf32>, vector<1024x256xf32> -> vector<1024x256xf32>
    %get3A_126 = arith.constant 0 : index
    %get3A_127 = arith.constant 1536 : index
    %get3A_128 = vector.load %arg3[%get3A_126, %get3A_127] : memref<1x2048xf32, #tpu.memory_space<vmem>>, vector<1x256xf32>
    %add3A_129 = vector.broadcast %get3A_128 : vector<1x256xf32> to vector<1024x256xf32>
    %add3A_130 = arith.addf %dot_general3A_125, %add3A_129 : vector<1024x256xf32>
    %reduce_min3A_131 = arith.constant dense<0x7F800000> : vector<1024xf32>
    %reduce_min3A_132 = vector.multi_reduction <minimumf>, %add3A_130, %reduce_min3A_131 [1] : vector<1024x256xf32> to vector<1024xf32>
    %broadcast_in_dim3A_133 = vector.shape_cast %reduce_min3A_132 : vector<1024xf32> to vector<1024x1xf32>
    %eq3A_134 = vector.broadcast %broadcast_in_dim3A_133 : vector<1024x1xf32> to vector<1024x256xf32>
    %eq3A_135 = arith.cmpf oeq, %add3A_130, %eq3A_134 : vector<1024x256xf32>
    %jit3A_136 = arith.constant 256 : i32
    %broadcast_in_dim3A_137 = vector.broadcast %jit3A_136 : i32 to vector<1024x256xi32>
    %select_n3A_138 = arith.select %eq3A_135, %iota3A, %broadcast_in_dim3A_137 : vector<1024x256xi1>, vector<1024x256xi32>
    %reduce_min3A_139 = arith.constant dense<2147483647> : vector<1024xi32>
    %reduce_min3A_140 = vector.multi_reduction <minsi>, %select_n3A_138, %reduce_min3A_139 [1] : vector<1024x256xi32> to vector<1024xi32>
    %broadcast_in_dim3A_141 = vector.shape_cast %reduce_min3A_140 : vector<1024xi32> to vector<1024x1xi32>
    %get3A_142 = arith.constant 0 : index
    %get3A_143 = arith.constant 1792 : index
    %get3A_144 = vector.load %arg2[%get3A_142, %get3A_143] : memref<256x2048xf32, #tpu.memory_space<vmem>>, vector<256x256xf32>
    %dot_general3A_145 = arith.constant dense<0.000000e+00> : vector<1024x256xf32>
    %dot_general3A_146 = tpu.matmul %get3A_1, %get3A_144, %dot_general3A_145 {dimension_numbers = #tpu.dot_dimension_numbers<[1], [0], [0], [1], [0, 0, 1, 1], [], []>, transpose_lhs_hint = false} : vector<1024x256xf32>, vector<256x256xf32>, vector<1024x256xf32> -> vector<1024x256xf32>
    %get3A_147 = arith.constant 0 : index
    %get3A_148 = arith.constant 1792 : index
    %get3A_149 = vector.load %arg3[%get3A_147, %get3A_148] : memref<1x2048xf32, #tpu.memory_space<vmem>>, vector<1x256xf32>
    %add3A_150 = vector.broadcast %get3A_149 : vector<1x256xf32> to vector<1024x256xf32>
    %add3A_151 = arith.addf %dot_general3A_146, %add3A_150 : vector<1024x256xf32>
    %reduce_min3A_152 = arith.constant dense<0x7F800000> : vector<1024xf32>
    %reduce_min3A_153 = vector.multi_reduction <minimumf>, %add3A_151, %reduce_min3A_152 [1] : vector<1024x256xf32> to vector<1024xf32>
    %broadcast_in_dim3A_154 = vector.shape_cast %reduce_min3A_153 : vector<1024xf32> to vector<1024x1xf32>
    %eq3A_155 = vector.broadcast %broadcast_in_dim3A_154 : vector<1024x1xf32> to vector<1024x256xf32>
    %eq3A_156 = arith.cmpf oeq, %add3A_151, %eq3A_155 : vector<1024x256xf32>
    %jit3A_157 = arith.constant 256 : i32
    %broadcast_in_dim3A_158 = vector.broadcast %jit3A_157 : i32 to vector<1024x256xi32>
    %select_n3A_159 = arith.select %eq3A_156, %iota3A, %broadcast_in_dim3A_158 : vector<1024x256xi1>, vector<1024x256xi32>
    %reduce_min3A_160 = arith.constant dense<2147483647> : vector<1024xi32>
    %reduce_min3A_161 = vector.multi_reduction <minsi>, %select_n3A_159, %reduce_min3A_160 [1] : vector<1024x256xi32> to vector<1024xi32>
    %broadcast_in_dim3A_162 = vector.shape_cast %reduce_min3A_161 : vector<1024xi32> to vector<1024x1xi32>
    %concatenate3A = tpu.concatenate %broadcast_in_dim3A_15, %broadcast_in_dim3A_36, %broadcast_in_dim3A_57, %broadcast_in_dim3A_78, %broadcast_in_dim3A_99, %broadcast_in_dim3A_120, %broadcast_in_dim3A_141, %broadcast_in_dim3A_162 in 1 : vector<1024x1xi32>, vector<1024x1xi32>, vector<1024x1xi32>, vector<1024x1xi32>, vector<1024x1xi32>, vector<1024x1xi32>, vector<1024x1xi32>, vector<1024x1xi32> -> vector<1024x8xi32>
    %swap3A = arith.constant 0 : index
    %swap3A_163 = arith.constant 0 : index
    %swap3A_164 = vector.load %arg4[%swap3A, %swap3A_163] : memref<2048x8xi32, #tpu.memory_space<vmem>>, vector<1024x8xi32>
    tpu.vector_store %arg4[%swap3A, %swap3A_163], %concatenate3A {strides = array<i32>} : memref<2048x8xi32, #tpu.memory_space<vmem>>, vector<1024x8xi32>,
    %get3A_165 = arith.constant 1024 : index
    %get3A_166 = arith.constant 0 : index
    %get3A_167 = vector.load %arg1[%get3A_165, %get3A_166] : memref<2048x256xf32, #tpu.memory_space<vmem>>, vector<1024x256xf32>
    %get3A_168 = arith.constant 0 : index
    %get3A_169 = arith.constant 0 : index
    %get3A_170 = vector.load %arg2[%get3A_168, %get3A_169] : memref<256x2048xf32, #tpu.memory_space<vmem>>, vector<256x256xf32>
    %dot_general3A_171 = arith.constant dense<0.000000e+00> : vector<1024x256xf32>
    %dot_general3A_172 = tpu.matmul %get3A_167, %get3A_170, %dot_general3A_171 {dimension_numbers = #tpu.dot_dimension_numbers<[1], [0], [0], [1], [0, 0, 1, 1], [], []>, transpose_lhs_hint = false} : vector<1024x256xf32>, vector<256x256xf32>, vector<1024x256xf32> -> vector<1024x256xf32>
    %get3A_173 = arith.constant 0 : index
    %get3A_174 = arith.constant 0 : index
    %get3A_175 = vector.load %arg3[%get3A_173, %get3A_174] : memref<1x2048xf32, #tpu.memory_space<vmem>>, vector<1x256xf32>
    %add3A_176 = vector.broadcast %get3A_175 : vector<1x256xf32> to vector<1024x256xf32>
    %add3A_177 = arith.addf %dot_general3A_172, %add3A_176 : vector<1024x256xf32>
    %reduce_min3A_178 = arith.constant dense<0x7F800000> : vector<1024xf32>
    %reduce_min3A_179 = vector.multi_reduction <minimumf>, %add3A_177, %reduce_min3A_178 [1] : vector<1024x256xf32> to vector<1024xf32>
    %broadcast_in_dim3A_180 = vector.shape_cast %reduce_min3A_179 : vector<1024xf32> to vector<1024x1xf32>
    %eq3A_181 = vector.broadcast %broadcast_in_dim3A_180 : vector<1024x1xf32> to vector<1024x256xf32>
    %eq3A_182 = arith.cmpf oeq, %add3A_177, %eq3A_181 : vector<1024x256xf32>
    %jit3A_183 = arith.constant 256 : i32
    %broadcast_in_dim3A_184 = vector.broadcast %jit3A_183 : i32 to vector<1024x256xi32>
    %select_n3A_185 = arith.select %eq3A_182, %iota3A, %broadcast_in_dim3A_184 : vector<1024x256xi1>, vector<1024x256xi32>
    %reduce_min3A_186 = arith.constant dense<2147483647> : vector<1024xi32>
    %reduce_min3A_187 = vector.multi_reduction <minsi>, %select_n3A_185, %reduce_min3A_186 [1] : vector<1024x256xi32> to vector<1024xi32>
    %broadcast_in_dim3A_188 = vector.shape_cast %reduce_min3A_187 : vector<1024xi32> to vector<1024x1xi32>
    %get3A_189 = arith.constant 0 : index
    %get3A_190 = arith.constant 256 : index
    %get3A_191 = vector.load %arg2[%get3A_189, %get3A_190] : memref<256x2048xf32, #tpu.memory_space<vmem>>, vector<256x256xf32>
    %dot_general3A_192 = arith.constant dense<0.000000e+00> : vector<1024x256xf32>
    %dot_general3A_193 = tpu.matmul %get3A_167, %get3A_191, %dot_general3A_192 {dimension_numbers = #tpu.dot_dimension_numbers<[1], [0], [0], [1], [0, 0, 1, 1], [], []>, transpose_lhs_hint = false} : vector<1024x256xf32>, vector<256x256xf32>, vector<1024x256xf32> -> vector<1024x256xf32>
    %get3A_194 = arith.constant 0 : index
    %get3A_195 = arith.constant 256 : index
    %get3A_196 = vector.load %arg3[%get3A_194, %get3A_195] : memref<1x2048xf32, #tpu.memory_space<vmem>>, vector<1x256xf32>
    %add3A_197 = vector.broadcast %get3A_196 : vector<1x256xf32> to vector<1024x256xf32>
    %add3A_198 = arith.addf %dot_general3A_193, %add3A_197 : vector<1024x256xf32>
    %reduce_min3A_199 = arith.constant dense<0x7F800000> : vector<1024xf32>
    %reduce_min3A_200 = vector.multi_reduction <minimumf>, %add3A_198, %reduce_min3A_199 [1] : vector<1024x256xf32> to vector<1024xf32>
    %broadcast_in_dim3A_201 = vector.shape_cast %reduce_min3A_200 : vector<1024xf32> to vector<1024x1xf32>
    %eq3A_202 = vector.broadcast %broadcast_in_dim3A_201 : vector<1024x1xf32> to vector<1024x256xf32>
    %eq3A_203 = arith.cmpf oeq, %add3A_198, %eq3A_202 : vector<1024x256xf32>
    %jit3A_204 = arith.constant 256 : i32
    %broadcast_in_dim3A_205 = vector.broadcast %jit3A_204 : i32 to vector<1024x256xi32>
    %select_n3A_206 = arith.select %eq3A_203, %iota3A, %broadcast_in_dim3A_205 : vector<1024x256xi1>, vector<1024x256xi32>
    %reduce_min3A_207 = arith.constant dense<2147483647> : vector<1024xi32>
    %reduce_min3A_208 = vector.multi_reduction <minsi>, %select_n3A_206, %reduce_min3A_207 [1] : vector<1024x256xi32> to vector<1024xi32>
    %broadcast_in_dim3A_209 = vector.shape_cast %reduce_min3A_208 : vector<1024xi32> to vector<1024x1xi32>
    %get3A_210 = arith.constant 0 : index
    %get3A_211 = arith.constant 512 : index
    %get3A_212 = vector.load %arg2[%get3A_210, %get3A_211] : memref<256x2048xf32, #tpu.memory_space<vmem>>, vector<256x256xf32>
    %dot_general3A_213 = arith.constant dense<0.000000e+00> : vector<1024x256xf32>
    %dot_general3A_214 = tpu.matmul %get3A_167, %get3A_212, %dot_general3A_213 {dimension_numbers = #tpu.dot_dimension_numbers<[1], [0], [0], [1], [0, 0, 1, 1], [], []>, transpose_lhs_hint = false} : vector<1024x256xf32>, vector<256x256xf32>, vector<1024x256xf32> -> vector<1024x256xf32>
    %get3A_215 = arith.constant 0 : index
    %get3A_216 = arith.constant 512 : index
    %get3A_217 = vector.load %arg3[%get3A_215, %get3A_216] : memref<1x2048xf32, #tpu.memory_space<vmem>>, vector<1x256xf32>
    %add3A_218 = vector.broadcast %get3A_217 : vector<1x256xf32> to vector<1024x256xf32>
    %add3A_219 = arith.addf %dot_general3A_214, %add3A_218 : vector<1024x256xf32>
    %reduce_min3A_220 = arith.constant dense<0x7F800000> : vector<1024xf32>
    %reduce_min3A_221 = vector.multi_reduction <minimumf>, %add3A_219, %reduce_min3A_220 [1] : vector<1024x256xf32> to vector<1024xf32>
    %broadcast_in_dim3A_222 = vector.shape_cast %reduce_min3A_221 : vector<1024xf32> to vector<1024x1xf32>
    %eq3A_223 = vector.broadcast %broadcast_in_dim3A_222 : vector<1024x1xf32> to vector<1024x256xf32>
    %eq3A_224 = arith.cmpf oeq, %add3A_219, %eq3A_223 : vector<1024x256xf32>
    %jit3A_225 = arith.constant 256 : i32
    %broadcast_in_dim3A_226 = vector.broadcast %jit3A_225 : i32 to vector<1024x256xi32>
    %select_n3A_227 = arith.select %eq3A_224, %iota3A, %broadcast_in_dim3A_226 : vector<1024x256xi1>, vector<1024x256xi32>
    %reduce_min3A_228 = arith.constant dense<2147483647> : vector<1024xi32>
    %reduce_min3A_229 = vector.multi_reduction <minsi>, %select_n3A_227, %reduce_min3A_228 [1] : vector<1024x256xi32> to vector<1024xi32>
    %broadcast_in_dim3A_230 = vector.shape_cast %reduce_min3A_229 : vector<1024xi32> to vector<1024x1xi32>
    %get3A_231 = arith.constant 0 : index
    %get3A_232 = arith.constant 768 : index
    %get3A_233 = vector.load %arg2[%get3A_231, %get3A_232] : memref<256x2048xf32, #tpu.memory_space<vmem>>, vector<256x256xf32>
    %dot_general3A_234 = arith.constant dense<0.000000e+00> : vector<1024x256xf32>
    %dot_general3A_235 = tpu.matmul %get3A_167, %get3A_233, %dot_general3A_234 {dimension_numbers = #tpu.dot_dimension_numbers<[1], [0], [0], [1], [0, 0, 1, 1], [], []>, transpose_lhs_hint = false} : vector<1024x256xf32>, vector<256x256xf32>, vector<1024x256xf32> -> vector<1024x256xf32>
    %get3A_236 = arith.constant 0 : index
    %get3A_237 = arith.constant 768 : index
    %get3A_238 = vector.load %arg3[%get3A_236, %get3A_237] : memref<1x2048xf32, #tpu.memory_space<vmem>>, vector<1x256xf32>
    %add3A_239 = vector.broadcast %get3A_238 : vector<1x256xf32> to vector<1024x256xf32>
    %add3A_240 = arith.addf %dot_general3A_235, %add3A_239 : vector<1024x256xf32>
    %reduce_min3A_241 = arith.constant dense<0x7F800000> : vector<1024xf32>
    %reduce_min3A_242 = vector.multi_reduction <minimumf>, %add3A_240, %reduce_min3A_241 [1] : vector<1024x256xf32> to vector<1024xf32>
    %broadcast_in_dim3A_243 = vector.shape_cast %reduce_min3A_242 : vector<1024xf32> to vector<1024x1xf32>
    %eq3A_244 = vector.broadcast %broadcast_in_dim3A_243 : vector<1024x1xf32> to vector<1024x256xf32>
    %eq3A_245 = arith.cmpf oeq, %add3A_240, %eq3A_244 : vector<1024x256xf32>
    %jit3A_246 = arith.constant 256 : i32
    %broadcast_in_dim3A_247 = vector.broadcast %jit3A_246 : i32 to vector<1024x256xi32>
    %select_n3A_248 = arith.select %eq3A_245, %iota3A, %broadcast_in_dim3A_247 : vector<1024x256xi1>, vector<1024x256xi32>
    %reduce_min3A_249 = arith.constant dense<2147483647> : vector<1024xi32>
    %reduce_min3A_250 = vector.multi_reduction <minsi>, %select_n3A_248, %reduce_min3A_249 [1] : vector<1024x256xi32> to vector<1024xi32>
    %broadcast_in_dim3A_251 = vector.shape_cast %reduce_min3A_250 : vector<1024xi32> to vector<1024x1xi32>
    %get3A_252 = arith.constant 0 : index
    %get3A_253 = arith.constant 1024 : index
    %get3A_254 = vector.load %arg2[%get3A_252, %get3A_253] : memref<256x2048xf32, #tpu.memory_space<vmem>>, vector<256x256xf32>
    %dot_general3A_255 = arith.constant dense<0.000000e+00> : vector<1024x256xf32>
    %dot_general3A_256 = tpu.matmul %get3A_167, %get3A_254, %dot_general3A_255 {dimension_numbers = #tpu.dot_dimension_numbers<[1], [0], [0], [1], [0, 0, 1, 1], [], []>, transpose_lhs_hint = false} : vector<1024x256xf32>, vector<256x256xf32>, vector<1024x256xf32> -> vector<1024x256xf32>
    %get3A_257 = arith.constant 0 : index
    %get3A_258 = arith.constant 1024 : index
    %get3A_259 = vector.load %arg3[%get3A_257, %get3A_258] : memref<1x2048xf32, #tpu.memory_space<vmem>>, vector<1x256xf32>
    %add3A_260 = vector.broadcast %get3A_259 : vector<1x256xf32> to vector<1024x256xf32>
    %add3A_261 = arith.addf %dot_general3A_256, %add3A_260 : vector<1024x256xf32>
    %reduce_min3A_262 = arith.constant dense<0x7F800000> : vector<1024xf32>
    %reduce_min3A_263 = vector.multi_reduction <minimumf>, %add3A_261, %reduce_min3A_262 [1] : vector<1024x256xf32> to vector<1024xf32>
    %broadcast_in_dim3A_264 = vector.shape_cast %reduce_min3A_263 : vector<1024xf32> to vector<1024x1xf32>
    %eq3A_265 = vector.broadcast %broadcast_in_dim3A_264 : vector<1024x1xf32> to vector<1024x256xf32>
    %eq3A_266 = arith.cmpf oeq, %add3A_261, %eq3A_265 : vector<1024x256xf32>
    %jit3A_267 = arith.constant 256 : i32
    %broadcast_in_dim3A_268 = vector.broadcast %jit3A_267 : i32 to vector<1024x256xi32>
    %select_n3A_269 = arith.select %eq3A_266, %iota3A, %broadcast_in_dim3A_268 : vector<1024x256xi1>, vector<1024x256xi32>
    %reduce_min3A_270 = arith.constant dense<2147483647> : vector<1024xi32>
    %reduce_min3A_271 = vector.multi_reduction <minsi>, %select_n3A_269, %reduce_min3A_270 [1] : vector<1024x256xi32> to vector<1024xi32>
    %broadcast_in_dim3A_272 = vector.shape_cast %reduce_min3A_271 : vector<1024xi32> to vector<1024x1xi32>
    %get3A_273 = arith.constant 0 : index
    %get3A_274 = arith.constant 1280 : index
    %get3A_275 = vector.load %arg2[%get3A_273, %get3A_274] : memref<256x2048xf32, #tpu.memory_space<vmem>>, vector<256x256xf32>
    %dot_general3A_276 = arith.constant dense<0.000000e+00> : vector<1024x256xf32>
    %dot_general3A_277 = tpu.matmul %get3A_167, %get3A_275, %dot_general3A_276 {dimension_numbers = #tpu.dot_dimension_numbers<[1], [0], [0], [1], [0, 0, 1, 1], [], []>, transpose_lhs_hint = false} : vector<1024x256xf32>, vector<256x256xf32>, vector<1024x256xf32> -> vector<1024x256xf32>
    %get3A_278 = arith.constant 0 : index
    %get3A_279 = arith.constant 1280 : index
    %get3A_280 = vector.load %arg3[%get3A_278, %get3A_279] : memref<1x2048xf32, #tpu.memory_space<vmem>>, vector<1x256xf32>
    %add3A_281 = vector.broadcast %get3A_280 : vector<1x256xf32> to vector<1024x256xf32>
    %add3A_282 = arith.addf %dot_general3A_277, %add3A_281 : vector<1024x256xf32>
    %reduce_min3A_283 = arith.constant dense<0x7F800000> : vector<1024xf32>
    %reduce_min3A_284 = vector.multi_reduction <minimumf>, %add3A_282, %reduce_min3A_283 [1] : vector<1024x256xf32> to vector<1024xf32>
    %broadcast_in_dim3A_285 = vector.shape_cast %reduce_min3A_284 : vector<1024xf32> to vector<1024x1xf32>
    %eq3A_286 = vector.broadcast %broadcast_in_dim3A_285 : vector<1024x1xf32> to vector<1024x256xf32>
    %eq3A_287 = arith.cmpf oeq, %add3A_282, %eq3A_286 : vector<1024x256xf32>
    %jit3A_288 = arith.constant 256 : i32
    %broadcast_in_dim3A_289 = vector.broadcast %jit3A_288 : i32 to vector<1024x256xi32>
    %select_n3A_290 = arith.select %eq3A_287, %iota3A, %broadcast_in_dim3A_289 : vector<1024x256xi1>, vector<1024x256xi32>
    %reduce_min3A_291 = arith.constant dense<2147483647> : vector<1024xi32>
    %reduce_min3A_292 = vector.multi_reduction <minsi>, %select_n3A_290, %reduce_min3A_291 [1] : vector<1024x256xi32> to vector<1024xi32>
    %broadcast_in_dim3A_293 = vector.shape_cast %reduce_min3A_292 : vector<1024xi32> to vector<1024x1xi32>
    %get3A_294 = arith.constant 0 : index
    %get3A_295 = arith.constant 1536 : index
    %get3A_296 = vector.load %arg2[%get3A_294, %get3A_295] : memref<256x2048xf32, #tpu.memory_space<vmem>>, vector<256x256xf32>
    %dot_general3A_297 = arith.constant dense<0.000000e+00> : vector<1024x256xf32>
    %dot_general3A_298 = tpu.matmul %get3A_167, %get3A_296, %dot_general3A_297 {dimension_numbers = #tpu.dot_dimension_numbers<[1], [0], [0], [1], [0, 0, 1, 1], [], []>, transpose_lhs_hint = false} : vector<1024x256xf32>, vector<256x256xf32>, vector<1024x256xf32> -> vector<1024x256xf32>
    %get3A_299 = arith.constant 0 : index
    %get3A_300 = arith.constant 1536 : index
    %get3A_301 = vector.load %arg3[%get3A_299, %get3A_300] : memref<1x2048xf32, #tpu.memory_space<vmem>>, vector<1x256xf32>
    %add3A_302 = vector.broadcast %get3A_301 : vector<1x256xf32> to vector<1024x256xf32>
    %add3A_303 = arith.addf %dot_general3A_298, %add3A_302 : vector<1024x256xf32>
    %reduce_min3A_304 = arith.constant dense<0x7F800000> : vector<1024xf32>
    %reduce_min3A_305 = vector.multi_reduction <minimumf>, %add3A_303, %reduce_min3A_304 [1] : vector<1024x256xf32> to vector<1024xf32>
    %broadcast_in_dim3A_306 = vector.shape_cast %reduce_min3A_305 : vector<1024xf32> to vector<1024x1xf32>
    %eq3A_307 = vector.broadcast %broadcast_in_dim3A_306 : vector<1024x1xf32> to vector<1024x256xf32>
    %eq3A_308 = arith.cmpf oeq, %add3A_303, %eq3A_307 : vector<1024x256xf32>
    %jit3A_309 = arith.constant 256 : i32
    %broadcast_in_dim3A_310 = vector.broadcast %jit3A_309 : i32 to vector<1024x256xi32>
    %select_n3A_311 = arith.select %eq3A_308, %iota3A, %broadcast_in_dim3A_310 : vector<1024x256xi1>, vector<1024x256xi32>
    %reduce_min3A_312 = arith.constant dense<2147483647> : vector<1024xi32>
    %reduce_min3A_313 = vector.multi_reduction <minsi>, %select_n3A_311, %reduce_min3A_312 [1] : vector<1024x256xi32> to vector<1024xi32>
    %broadcast_in_dim3A_314 = vector.shape_cast %reduce_min3A_313 : vector<1024xi32> to vector<1024x1xi32>
    %get3A_315 = arith.constant 0 : index
    %get3A_316 = arith.constant 1792 : index
    %get3A_317 = vector.load %arg2[%get3A_315, %get3A_316] : memref<256x2048xf32, #tpu.memory_space<vmem>>, vector<256x256xf32>
    %dot_general3A_318 = arith.constant dense<0.000000e+00> : vector<1024x256xf32>
    %dot_general3A_319 = tpu.matmul %get3A_167, %get3A_317, %dot_general3A_318 {dimension_numbers = #tpu.dot_dimension_numbers<[1], [0], [0], [1], [0, 0, 1, 1], [], []>, transpose_lhs_hint = false} : vector<1024x256xf32>, vector<256x256xf32>, vector<1024x256xf32> -> vector<1024x256xf32>
    %get3A_320 = arith.constant 0 : index
    %get3A_321 = arith.constant 1792 : index
    %get3A_322 = vector.load %arg3[%get3A_320, %get3A_321] : memref<1x2048xf32, #tpu.memory_space<vmem>>, vector<1x256xf32>
    %add3A_323 = vector.broadcast %get3A_322 : vector<1x256xf32> to vector<1024x256xf32>
    %add3A_324 = arith.addf %dot_general3A_319, %add3A_323 : vector<1024x256xf32>
    %reduce_min3A_325 = arith.constant dense<0x7F800000> : vector<1024xf32>
    %reduce_min3A_326 = vector.multi_reduction <minimumf>, %add3A_324, %reduce_min3A_325 [1] : vector<1024x256xf32> to vector<1024xf32>
    %broadcast_in_dim3A_327 = vector.shape_cast %reduce_min3A_326 : vector<1024xf32> to vector<1024x1xf32>
    %eq3A_328 = vector.broadcast %broadcast_in_dim3A_327 : vector<1024x1xf32> to vector<1024x256xf32>
    %eq3A_329 = arith.cmpf oeq, %add3A_324, %eq3A_328 : vector<1024x256xf32>
    %jit3A_330 = arith.constant 256 : i32
    %broadcast_in_dim3A_331 = vector.broadcast %jit3A_330 : i32 to vector<1024x256xi32>
    %select_n3A_332 = arith.select %eq3A_329, %iota3A, %broadcast_in_dim3A_331 : vector<1024x256xi1>, vector<1024x256xi32>
    %reduce_min3A_333 = arith.constant dense<2147483647> : vector<1024xi32>
    %reduce_min3A_334 = vector.multi_reduction <minsi>, %select_n3A_332, %reduce_min3A_333 [1] : vector<1024x256xi32> to vector<1024xi32>
    %broadcast_in_dim3A_335 = vector.shape_cast %reduce_min3A_334 : vector<1024xi32> to vector<1024x1xi32>
    %concatenate3A_336 = tpu.concatenate %broadcast_in_dim3A_188, %broadcast_in_dim3A_209, %broadcast_in_dim3A_230, %broadcast_in_dim3A_251, %broadcast_in_dim3A_272, %broadcast_in_dim3A_293, %broadcast_in_dim3A_314, %broadcast_in_dim3A_335 in 1 : vector<1024x1xi32>, vector<1024x1xi32>, vector<1024x1xi32>, vector<1024x1xi32>, vector<1024x1xi32>, vector<1024x1xi32>, vector<1024x1xi32>, vector<1024x1xi32> -> vector<1024x8xi32>
    %swap3A_337 = arith.constant 1024 : index
    %swap3A_338 = arith.constant 0 : index
    %swap3A_339 = vector.load %arg4[%swap3A_337, %swap3A_338] : memref<2048x8xi32, #tpu.memory_space<vmem>>, vector<1024x8xi32>
    tpu.vector_store %arg4[%swap3A_337, %swap3A_338], %concatenate3A_336 {strides = array<i32>} : memref<2048x8xi32, #tpu.memory_space<vmem>>, vector<1024x8xi32>,
    return
  }
  func.func @transform_0(%arg0: i32) -> (i32, i32) {
    %c0_i32 = arith.constant 0 : i32
    %c0_i32_0 = arith.constant 0 : i32
    return %arg0, %c0_i32 : i32, i32
  }
  func.func @transform_1(%arg0: i32) -> (i32, i32) {
    %c0_i32 = arith.constant 0 : i32
    %c0_i32_0 = arith.constant 0 : i32
    %c0_i32_1 = arith.constant 0 : i32
    return %c0_i32, %c0_i32_0 : i32, i32
  }
  func.func @transform_2(%arg0: i32) -> (i32, i32) {
    %c0_i32 = arith.constant 0 : i32
    %c0_i32_0 = arith.constant 0 : i32
    %c0_i32_1 = arith.constant 0 : i32
    return %c0_i32, %c0_i32_0 : i32, i32
  }
  func.func @transform_3(%arg0: i32) -> (i32, i32) {
    %c0_i32 = arith.constant 0 : i32
    %c0_i32_0 = arith.constant 0 : i32
    return %arg0, %c0_i32 : i32, i32
  }
}

module attributes {stable_mosaic.version = 14 : i64} {
  func.func @_mlp_body(%arg0: i32, %arg1: memref<2048x256xf32, #tpu.memory_space<vmem>>, %arg2: memref<256x1024xbf16, #tpu.memory_space<vmem>>, %arg3: memref<1x1024xf32, #tpu.memory_space<vmem>>, %arg4: memref<1024x1000xbf16, #tpu.memory_space<vmem>>, %arg5: memref<1x1000xf32, #tpu.memory_space<vmem>>, %arg6: memref<2048x1000xf32, #tpu.memory_space<vmem>>) attributes {dimension_semantics = [#tpu.dimension_semantics<arbitrary>], iteration_bounds = array<i64: 9>, scalar_prefetch = 0 : i64, scratch_operands = 0 : i64, tpu.core_type = #tpu.core_type<tc>, window_params = [{transform_indices = @transform_0, window_bounds = array<i64: 2048, 256>}, {pipeline_mode = #tpu.pipeline_mode<synchronous>, transform_indices = @transform_1, window_bounds = array<i64: 256, 1024>}, {pipeline_mode = #tpu.pipeline_mode<synchronous>, transform_indices = @transform_2, window_bounds = array<i64: 1, 1024>}, {pipeline_mode = #tpu.pipeline_mode<synchronous>, transform_indices = @transform_3, window_bounds = array<i64: 1024, 1000>}, {pipeline_mode = #tpu.pipeline_mode<synchronous>, transform_indices = @transform_4, window_bounds = array<i64: 1, 1000>}, {transform_indices = @transform_5, window_bounds = array<i64: 2048, 1000>}]} {
    %get3A = arith.constant 0 : index
    %get3A_0 = arith.constant 0 : index
    %get3A_1 = vector.load %arg1[%get3A, %get3A_0] : memref<2048x256xf32, #tpu.memory_space<vmem>>, vector<1024x256xf32>
    %convert_element_type3A = arith.truncf %get3A_1 : vector<1024x256xf32> to vector<1024x256xbf16>
    %get3A_2 = arith.constant 0 : index
    %get3A_3 = arith.constant 0 : index
    %get3A_4 = vector.load %arg2[%get3A_2, %get3A_3] : memref<256x1024xbf16, #tpu.memory_space<vmem>>, vector<256x1024xbf16>
    %dot_general3A = arith.constant dense<0.000000e+00> : vector<1024x1024xf32>
    %dot_general3A_5 = tpu.matmul %convert_element_type3A, %get3A_4, %dot_general3A {dimension_numbers = #tpu.dot_dimension_numbers<[1], [0], [0], [1], [0, 0, 1, 1], [], []>, transpose_lhs_hint = false} : vector<1024x256xbf16>, vector<256x1024xbf16>, vector<1024x1024xf32> -> vector<1024x1024xf32>
    %get3A_6 = arith.constant 0 : index
    %get3A_7 = arith.constant 0 : index
    %get3A_8 = vector.load %arg3[%get3A_6, %get3A_7] : memref<1x1024xf32, #tpu.memory_space<vmem>>, vector<1x1024xf32>
    %add3A = vector.broadcast %get3A_8 : vector<1x1024xf32> to vector<1024x1024xf32>
    %add3A_9 = arith.addf %dot_general3A_5, %add3A : vector<1024x1024xf32>
    %max3A = arith.constant 0.000000e+00 : f32
    %max3A_10 = vector.broadcast %max3A : f32 to vector<1024x1024xf32>
    %max3A_11 = arith.maximumf %add3A_9, %max3A_10 : vector<1024x1024xf32>
    %convert_element_type3A_12 = arith.truncf %max3A_11 : vector<1024x1024xf32> to vector<1024x1024xbf16>
    %get3A_13 = arith.constant 0 : index
    %get3A_14 = arith.constant 0 : index
    %get3A_15 = vector.load %arg4[%get3A_13, %get3A_14] : memref<1024x1000xbf16, #tpu.memory_space<vmem>>, vector<1024x1000xbf16>
    %dot_general3A_16 = arith.constant dense<0.000000e+00> : vector<1024x1000xf32>
    %dot_general3A_17 = tpu.matmul %convert_element_type3A_12, %get3A_15, %dot_general3A_16 {dimension_numbers = #tpu.dot_dimension_numbers<[1], [0], [0], [1], [0, 0, 1, 1], [], []>, transpose_lhs_hint = false} : vector<1024x1024xbf16>, vector<1024x1000xbf16>, vector<1024x1000xf32> -> vector<1024x1000xf32>
    %get3A_18 = arith.constant 0 : index
    %get3A_19 = arith.constant 0 : index
    %get3A_20 = vector.load %arg5[%get3A_18, %get3A_19] : memref<1x1000xf32, #tpu.memory_space<vmem>>, vector<1x1000xf32>
    %add3A_21 = vector.broadcast %get3A_20 : vector<1x1000xf32> to vector<1024x1000xf32>
    %add3A_22 = arith.addf %dot_general3A_17, %add3A_21 : vector<1024x1000xf32>
    %swap3A = arith.constant 0 : index
    %swap3A_23 = arith.constant 0 : index
    %swap3A_24 = vector.load %arg6[%swap3A, %swap3A_23] : memref<2048x1000xf32, #tpu.memory_space<vmem>>, vector<1024x1000xf32>
    tpu.vector_store %arg6[%swap3A, %swap3A_23], %add3A_22 {strides = array<i32>} : memref<2048x1000xf32, #tpu.memory_space<vmem>>, vector<1024x1000xf32>,
    %get3A_25 = arith.constant 1024 : index
    %get3A_26 = arith.constant 0 : index
    %get3A_27 = vector.load %arg1[%get3A_25, %get3A_26] : memref<2048x256xf32, #tpu.memory_space<vmem>>, vector<1024x256xf32>
    %convert_element_type3A_28 = arith.truncf %get3A_27 : vector<1024x256xf32> to vector<1024x256xbf16>
    %get3A_29 = arith.constant 0 : index
    %get3A_30 = arith.constant 0 : index
    %get3A_31 = vector.load %arg2[%get3A_29, %get3A_30] : memref<256x1024xbf16, #tpu.memory_space<vmem>>, vector<256x1024xbf16>
    %dot_general3A_32 = arith.constant dense<0.000000e+00> : vector<1024x1024xf32>
    %dot_general3A_33 = tpu.matmul %convert_element_type3A_28, %get3A_31, %dot_general3A_32 {dimension_numbers = #tpu.dot_dimension_numbers<[1], [0], [0], [1], [0, 0, 1, 1], [], []>, transpose_lhs_hint = false} : vector<1024x256xbf16>, vector<256x1024xbf16>, vector<1024x1024xf32> -> vector<1024x1024xf32>
    %get3A_34 = arith.constant 0 : index
    %get3A_35 = arith.constant 0 : index
    %get3A_36 = vector.load %arg3[%get3A_34, %get3A_35] : memref<1x1024xf32, #tpu.memory_space<vmem>>, vector<1x1024xf32>
    %add3A_37 = vector.broadcast %get3A_36 : vector<1x1024xf32> to vector<1024x1024xf32>
    %add3A_38 = arith.addf %dot_general3A_33, %add3A_37 : vector<1024x1024xf32>
    %max3A_39 = arith.constant 0.000000e+00 : f32
    %max3A_40 = vector.broadcast %max3A_39 : f32 to vector<1024x1024xf32>
    %max3A_41 = arith.maximumf %add3A_38, %max3A_40 : vector<1024x1024xf32>
    %convert_element_type3A_42 = arith.truncf %max3A_41 : vector<1024x1024xf32> to vector<1024x1024xbf16>
    %get3A_43 = arith.constant 0 : index
    %get3A_44 = arith.constant 0 : index
    %get3A_45 = vector.load %arg4[%get3A_43, %get3A_44] : memref<1024x1000xbf16, #tpu.memory_space<vmem>>, vector<1024x1000xbf16>
    %dot_general3A_46 = arith.constant dense<0.000000e+00> : vector<1024x1000xf32>
    %dot_general3A_47 = tpu.matmul %convert_element_type3A_42, %get3A_45, %dot_general3A_46 {dimension_numbers = #tpu.dot_dimension_numbers<[1], [0], [0], [1], [0, 0, 1, 1], [], []>, transpose_lhs_hint = false} : vector<1024x1024xbf16>, vector<1024x1000xbf16>, vector<1024x1000xf32> -> vector<1024x1000xf32>
    %get3A_48 = arith.constant 0 : index
    %get3A_49 = arith.constant 0 : index
    %get3A_50 = vector.load %arg5[%get3A_48, %get3A_49] : memref<1x1000xf32, #tpu.memory_space<vmem>>, vector<1x1000xf32>
    %add3A_51 = vector.broadcast %get3A_50 : vector<1x1000xf32> to vector<1024x1000xf32>
    %add3A_52 = arith.addf %dot_general3A_47, %add3A_51 : vector<1024x1000xf32>
    %swap3A_53 = arith.constant 1024 : index
    %swap3A_54 = arith.constant 0 : index
    %swap3A_55 = vector.load %arg6[%swap3A_53, %swap3A_54] : memref<2048x1000xf32, #tpu.memory_space<vmem>>, vector<1024x1000xf32>
    tpu.vector_store %arg6[%swap3A_53, %swap3A_54], %add3A_52 {strides = array<i32>} : memref<2048x1000xf32, #tpu.memory_space<vmem>>, vector<1024x1000xf32>,
    return
  }
  func.func @transform_0(%arg0: i32) -> (i32, i32) {
    %c0_i32 = arith.constant 0 : i32
    %c0_i32_0 = arith.constant 0 : i32
    return %arg0, %c0_i32 : i32, i32
  }
  func.func @transform_1(%arg0: i32) -> (i32, i32) {
    %c0_i32 = arith.constant 0 : i32
    %c0_i32_0 = arith.constant 0 : i32
    %c0_i32_1 = arith.constant 0 : i32
    return %c0_i32, %c0_i32_0 : i32, i32
  }
  func.func @transform_2(%arg0: i32) -> (i32, i32) {
    %c0_i32 = arith.constant 0 : i32
    %c0_i32_0 = arith.constant 0 : i32
    %c0_i32_1 = arith.constant 0 : i32
    return %c0_i32, %c0_i32_0 : i32, i32
  }
  func.func @transform_3(%arg0: i32) -> (i32, i32) {
    %c0_i32 = arith.constant 0 : i32
    %c0_i32_0 = arith.constant 0 : i32
    %c0_i32_1 = arith.constant 0 : i32
    return %c0_i32, %c0_i32_0 : i32, i32
  }
  func.func @transform_4(%arg0: i32) -> (i32, i32) {
    %c0_i32 = arith.constant 0 : i32
    %c0_i32_0 = arith.constant 0 : i32
    %c0_i32_1 = arith.constant 0 : i32
    return %c0_i32, %c0_i32_0 : i32, i32
  }
  func.func @transform_5(%arg0: i32) -> (i32, i32) {
    %c0_i32 = arith.constant 0 : i32
    %c0_i32_0 = arith.constant 0 : i32
    return %arg0, %c0_i32 : i32, i32
  }
}

</mosaic_0001>

<sc_bundles>
// kernel: kernel.5.cloned.1.call-start
scs
__scs_entry_jumppad:
0x0: {  	(pc) =	sbr.rel $0x88, $3  }
0x1: {  	(tag) =	ssettag $0x0;
	lr =	simm.s32 $0x1  }
0x2: {  	[smem:$0x3F9B] =	sst lr;
	_ =	strace $0xD0000000  }
0x3: {  	_ = 	snop  }
0x4: {  	_ = 	snop  }
0x5: {  	_ = 	snop  }
0x6: {  	_ = 	snop  }
0x7: {  	_ = 	snop  }
__scs_overlays_trampoline_lowered:
0x8: {  	[smem:$0x3FAA] =	sst s0  }
0x9: {  	[smem:$0x3FAB] =	sst s1  }
0xa: {  	[smem:$0x3FAC] =	sst s2  }
0xb: {  	[smem:$0x3FAD] =	sst s3  }
0xc: {  	[smem:$0x3FAE] =	sst s4  }
0xd: {  	[smem:$0x3FAF] =	sst s5  }
0xe: {  	[smem:$0x3FB0] =	sst s6  }
0xf: {  	[smem:$0x3FB1] =	sst s7  }
0x10: {  	[smem:$0x3FB2] =	sst s8  }
0x11: {  	[smem:$0x3FB3] =	sst s9;
	s0 =	simm.s32 @!p0 $0x0  }
0x12: {  	s1 =	sld [smem:$0x3F99];
	s0 =	simm.s32 @p0 $0x1  }
0x13: {  	[smem:$0x3FB4] =	sst s0;
	s0 =	simm.s32 @!p1 $0x0  }
0x14: {  	s2 =	sld [smem:$0x3F98];
	s0 =	simm.s32 @p1 $0x1  }
0x15: {  	[smem:$0x3FB5] =	sst s0;
	s0 =	simm.s32 @!p2 $0x0  }
0x16: {  	s3 =	sld [smem:$0x3FDB];
	s0 =	simm.s32 @p2 $0x1  }
0x17: {  	s4 =	simm.s32 $0x1BF5;
	[smem:$0x3FB7] =	sst s0  }
0x18: {  	s0 =	sld [smem:$0x3F9A];
	_ =	swait.ge [sflag:s4], $0x0  }
0x19: {  	s7 =	sld [smem:$0x3F9B]  }
0x1a: {  	s8 =	sadd.s32 $0xFFFFE003, lr  }
0x1b: {  	s9 =	sadd.s32 $0xFFFFFEF7, lr;
	s5 =	simm.s32 $0xFFFFFFFF;
	p2 =	slt.u32 s8, $0xFFFFF086  }
0x1c: {  	p1 =	slt.u32 s9, $0xF7A;
	s5 =	simm.s32 @!p2 $0x0  }
0x1d: {  	s5 =	simm.s32 @p1 $0x1;
	p0 =	seq.s32 s7, s2  }
0x1e: {  	s7 =	smul.u32 @!p0 $0xF7A, s2;
	p2 =	seq.s32 @!p0 s5, $0x0  }
0x1f: {  	s9 =	smul.u32 $0xF7A, s1;
	s8 =	simm.s32 @!p0 $0x1BF5;
	p2 =	por !p2, p0  }
0x20: {  	[sflag:s8] =	ssyncset.s32 @!p0 $0xFFFFF086;
	s6 =	sadd.s32 @!p0 s3, s7;
	s7 =	simm.s32 @!p0 $0x108  }
0x21: {  	s3 =	sadd.s32 s3, s9;
	s6 =	sadd.s32 @!p0 $0x88, s6;
	s7 =	simm.s32 @p2 $0x1082  }
0x22: {  	[simem:s7], [sflag:s8] =	dma.local @!p0 [hbm:s6], $0xF7A  }
0x23: {  	s9 =	sor.u32 $0xD0000000, s2;
	s6 =	simm.s32 $0x108;
	_ =	swait.ge @!p0 [sflag:s8], $0x0  }
0x24: {  	s3 =	sadd.s32 $0x88, s3;
	s6 =	simm.s32 @!p1 $0x1082;
	[sflag:s4] =	ssyncset.s32 $0xFFFFF086  }
0x25: {  	[simem:s6], [sflag:s4] =	dma.local [hbm:s3], $0xF7A  }
0x26: {  	[smem:$0x3F9B] =	sst s1;
	(tag) =	ssettag s2;
	_ =	strace s9  }
0x27: {  	s1 =	sld [smem:$0x3FAB]  }
0x28: {  	s2 =	sld [smem:$0x3FAC]  }
0x29: {  	s4 =	sld [smem:$0x3FAE]  }
0x2a: {  	p0 =	seq.s32 s5, $0x0;
	s5 =	sld [smem:$0x3FAF]  }
0x2b: {  	s6 =	sld [smem:$0x3FB0]  }
0x2c: {  	s7 =	sld [smem:$0x3FB1]  }
0x2d: {  	s3 =	simm.s32 $0x108;
	s8 =	sld [smem:$0x3FB2]  }
0x2e: {  	s3 =	simm.s32 @!p0 $0x1082;
	s9 =	sld [smem:$0x3FB3]  }
0x2f: {  	lr =	sadd.s32 s0, s3;
	s0 =	sld [smem:$0x3FAA]  }
0x30: {  	s3 =	sld [smem:$0x3FAD]  }
0x31: {  	[smem:$0x3FB6] =	sst s10  }
0x32: {  	s10 =	sld [smem:$0x3FB4];
	_ =	sdelay $0x3  }
0x33: {  	p0 =	seq.s32 s10, $0x1;
	s10 =	sld [smem:$0x3FB6];
	_ =	sdelay $0x3  }
0x34: {  	[smem:$0x3FB6] =	sst s10  }
0x35: {  	s10 =	sld [smem:$0x3FB5];
	_ =	sdelay $0x3  }
0x36: {  	p1 =	seq.s32 s10, $0x1;
	s10 =	sld [smem:$0x3FB6];
	_ =	sdelay $0x3  }
0x37: {  	[smem:$0x3FB6] =	sst s10  }
0x38: {  	s10 =	sld [smem:$0x3FB7]  }
0x39: {  	_ = 	snop;
	(pc) =	sbr.ind lr, $3  }
0x3a: {  	_ = 	snop  }
0x3b: {  	_ = 	snop  }
0x3c: {  	p2 =	seq.s32 s10, $0x1;
	s10 =	sld [smem:$0x3FB6]  }
0x3d: {  	_ =	shalt  }
0x3e: {  	_ =	shalt  }
0x3f: {  	_ =	shalt  }
0x40: {  	_ =	shalt  }
0x41: {  	_ =	shalt  }
0x42: {  	_ =	shalt  }
0x43: {  	_ =	shalt  }
0x44: {  	_ =	shalt  }
0x45: {  	_ =	shalt  }
0x46: {  	_ =	shalt  }
0x47: {  	_ =	shalt  }
0x48: {  	_ =	shalt  }
0x49: {  	_ =	shalt  }
0x4a: {  	_ =	shalt  }
0x4b: {  	_ =	shalt  }
0x4c: {  	_ =	shalt  }
0x4d: {  	_ =	shalt  }
0x4e: {  	_ =	shalt  }
0x4f: {  	_ =	shalt  }
0x50: {  	_ =	shalt  }
0x51: {  	_ =	shalt  }
0x52: {  	_ =	shalt  }
0x53: {  	_ =	shalt  }
0x54: {  	_ =	shalt  }
0x55: {  	_ =	shalt  }
0x56: {  	_ =	shalt  }
0x57: {  	_ =	shalt  }
0x58: {  	_ =	shalt  }
0x59: {  	_ =	shalt  }
0x5a: {  	_ =	shalt  }
0x5b: {  	_ =	shalt  }
0x5c: {  	_ =	shalt  }
0x5d: {  	_ =	shalt  }
0x5e: {  	_ =	shalt  }
0x5f: {  	_ =	shalt  }
0x60: {  	_ =	shalt  }
0x61: {  	_ =	shalt  }
0x62: {  	_ =	shalt  }
0x63: {  	_ =	shalt  }
0x64: {  	_ =	shalt  }
0x65: {  	_ =	shalt  }
0x66: {  	_ =	shalt  }
0x67: {  	_ =	shalt  }
0x68: {  	_ =	shalt  }
0x69: {  	_ =	shalt  }
0x6a: {  	_ =	shalt  }
0x6b: {  	_ =	shalt  }
0x6c: {  	_ =	shalt  }
0x6d: {  	_ =	shalt  }
0x6e: {  	_ =	shalt  }
0x6f: {  	_ =	shalt  }
0x70: {  	_ =	shalt  }
0x71: {  	_ =	shalt  }
0x72: {  	_ =	shalt  }
0x73: {  	_ =	shalt  }
0x74: {  	_ =	shalt  }
0x75: {  	_ =	shalt  }
0x76: {  	_ =	shalt  }
0x77: {  	_ =	shalt  }
0x78: {  	_ =	shalt  }
0x79: {  	_ =	shalt  }
0x7a: {  	_ =	shalt  }
0x7b: {  	_ =	shalt  }
0x7c: {  	_ =	shalt  }
0x7d: {  	_ =	shalt  }
0x7e: {  	_ =	shalt  }
0x7f: {  	_ =	shalt  }
0x80: {  	_ =	shalt  }
0x81: {  	_ =	shalt  }
0x82: {  	_ =	shalt  }
0x83: {  	_ =	shalt  }
0x84: {  	_ =	shalt  }
0x85: {  	_ =	shalt  }
0x86: {  	_ =	shalt  }
0x87: {  	_ =	shalt  }
.Lfunc_end0:
.L_simem_size_0:
called_computation_lowered:
.L_overlay_start_0:
0x88: {  	s2 =	sld [smem:$0x3FD9]  }
0x89: {  	s3 =	sld [smem:$0x3FFE];
	_ =	sdelay $0x1  }
0x8a: {  	s1 =	srdreg.scid  }
0x8b: {  	s0 =	sand.u32 $0x1, s1  }
0x8c: {  	s17 =	sshll.u32 s0, $0xA;
	s2 =	sadd.s32 s3, s2  }
0x8d: {  	s2 =	sadd.s32 s2, s17  }
0x8e: {  	[smem:$0x3FC2] =	sst s2  }
0x8f: {  	_ = 	snop  }
0x90: {  	s2 =	sld [smem:$0x3FD0];
	(tm) =	ssettm $0x1  }
0x91: {  	s18 =	sld [smem:$0x3FFB];
	_ =	sdelay $0x3  }
0x92: {  	_ =	strace s18  }
0x93: {  	s3 =	sld [smem:$0x3FFC];
	_ =	sdelay $0x3  }
0x94: {  	_ =	strace s3  }
0x95: {  	s3 =	sld [smem:$0x3FFD];
	_ =	sdelay $0x3  }
0x96: {  	_ =	strace s3  }
0x97: {  	_ =	strace $0x8FFFFFFF  }
0x98: {  	s19 =	sld [smem:$0x3FDB];
	_ =	sdelay $0x1  }
0x99: {  	s4 =	simm.s32 $_scs_section_size  }
0x9a: {  	s5 =	simm.s32 $_size__tile_overlayer_lowered;
	s6 =	simm.s32 $_tile_overlayer_lowered  }
0x9b: {  	s22 =	simm.s32 $0x1BFF;
	s21 =	sshll.u32 s6, $0x1;
	s3 =	sadd.s32 s4, s19  }
0x9c: {  	s7 =	simm.s32 $0x0;
	s20 =	sshll.u32 s5, $0x1;
	s5 =	sadd.s32 s21, s3  }
0x9d: {  	[timem:s7], [sflag:s22] =	dma.local [hbm:s5], s20  }
0x9e: {  	_ =	swait.ge [sflag:s22], s20  }
0x9f: {  	s4 =	ssub.s32 $0x0, s20;
	[sflag:s22] =	ssyncset.done $0x0  }
0xa0: {  	[sflag:s22] =	ssyncadd.s32 s4;
	_ =	sdelay $0x1  }
0xa1: {  	s23 =	simm.s32 $0x1B8B  }
0xa2: {  	_ =	swait.ge [sflag:s23], $0x1  }
0xa3: {  	[sflag:s23] =	ssyncset.done $0x0  }
0xa4: {  	s25 =	simm.s32 $0x1B8E;
	s24 =	sld [smem:$0x3FFE];
	[sflag:s23] =	ssyncadd.s32 $0xFFFFFFFF  }
0xa5: {  	s26 =	simm.s32 $execute0_lowered;
	[smem:$0x3FD2] =	sst s25  }
0xa6: {  	s5 =	sshll.u32 s26, $0x1;
	_ =	strace $0x80000046;
	[dreg:$0x1] =	wrdreg $0xFFFFFFFF  }
0xa7: {  	s28 =	simm.s32 $_size_execute0_lowered;
	s3 =	sadd.s32 s3, s5;
	[dreg:$0x0] =	wrdreg $0x0  }
0xa8: {  	s5 =	sshll.u32 s28, $0x1;
	[dreg:$0x2] =	wrdreg s3  }
0xa9: {  	[dreg:$0x3] =	wrdreg s5  }
0xaa: {  	[dreg:$0x4] =	wrdreg $0xC0  }
0xab: {  	_ =	task [dreg:s7], $0x5FFFF  }
0xac: {  	[dreg:$0x1] =	wrdreg $0xFFFFFFFF  }
0xad: {  	[dreg:$0x0] =	wrdreg $0x60  }
0xae: {  	[dreg:$0x2] =	wrdreg s24  }
0xaf: {  	[dreg:$0x3] =	wrdreg s2  }
0xb0: {  	[dreg:$0x4] =	wrdreg $0x9  }
0xb1: {  	_ =	task.clear_ibuf [dreg:s7], $0x5FFFF;
	_ =	strace $0x90000046  }
0xb2: {  	s29 =	simm.s32 $0x9;
	_ =	strace $0x80000048  }
0xb3: {  	_ =	swait.ge [sflag:s29], $0x1  }
0xb4: {  	[sflag:s29] =	ssyncadd.s32 $0xFFFFFFFF  }
0xb5: {  	_ =	strace $0x90000048  }
0xb6: {  	_ =	sfence  }
0xb7: {  	s30 =	sld [smem:$0x0];
	_ =	sdelay $0x2  }
0xb8: {  	s31 =	sshll.u32 s1, $0xD;
	s1 =	sshrl.u32 s1, $0x2  }
0xb9: {  	s3 =	sand.u32 $0x4000, s31;
	s1 =	sadd.s32 s1, s30  }
0xba: {  	s0 =	sor.u32 s3, s0;
	s1 =	sshll.u32 s1, $0x11  }
0xbb: {  	s0 =	sor.u32 s1, s0  }
0xbc: {  	s0 =	sadd.s32 $0x8F2B, s0  }
0xbd: {  	[sflag:s0] =	ssyncadd.remote.s32 $0x1  }
0xbe: {  	_ =	sfence.sel $0xFFFF  }
0xbf: {  	[dreg:$0x0] =	wrdreg $0xFFFFFFFF;
	(pc) =	sbr.abs _section_cstart, $3  }
0xc0: {  	[dreg:$0x1] =	wrdreg $0xFFFFFFFF  }
0xc1: {  	_ =	task.clear_ibuf [dreg:s7], $0x2FFFF;
	_ =	strace $0x9FFFFFFF  }
0xc2: {  	(tm) =	ssettm $0x7FFFFFFF  }
0xc3: {  	_ =	shalt  }
tec
execute0_lowered:
.L_overlay_start_1:
0x0: {  	(tag) =	ssettag $0x1  }
0x1: {  	v1 =	vlaneseq.u32  }
0x2: {  	v0 =	vmul.u32 $0x100, v1;
	_ =	sdelay $0x1  }
0x3: {  	v1 =	vmul.u32 $0x8, v1;
	v4 =	vor.u32 $0x1, v0  }
0x4: {  	v7 =	vor.u32 $0x2, v0;
	v8 =	vor.u32 $0x3, v0;
	v9 =	vor.u32 $0x4, v0  }
0x5: {  	v10 =	vor.u32 $0x5, v0;
	v11 =	vor.u32 $0x6, v0;
	v12 =	vor.u32 $0x7, v0  }
0x6: {  	v13 =	vor.u32 $0x8, v0;
	v14 =	vor.u32 $0x9, v0;
	v15 =	vor.u32 $0xA, v0  }
0x7: {  	v16 =	vor.u32 $0xB, v0;
	v17 =	vor.u32 $0xC, v0;
	v18 =	vor.u32 $0xD, v0  }
0x8: {  	v19 =	vor.u32 $0xE, v0;
	v20 =	vor.u32 $0xF, v0;
	v21 =	vor.u32 $0x10, v0  }
0x9: {  	v22 =	vor.u32 $0x11, v0;
	v23 =	vor.u32 $0x12, v0;
	v24 =	vor.u32 $0x13, v0  }
0xa: {  	v25 =	vor.u32 $0x14, v0;
	v26 =	vor.u32 $0x15, v0;
	v27 =	vor.u32 $0x16, v0  }
0xb: {  	v28 =	vor.u32 $0x17, v0;
	v29 =	vor.u32 $0x18, v0;
	v30 =	vor.u32 $0x19, v0  }
0xc: {  	v31 =	vor.u32 $0x1A, v0;
	v32 =	vor.u32 $0x1B, v0;
	v33 =	vor.u32 $0x1C, v0  }
0xd: {  	s3 =	rddreg [dreg:$0x0];
	v34 =	vor.u32 $0x1D, v0;
	v35 =	vor.u32 $0x1E, v0;
	v36 =	vor.u32 $0x1F, v0  }
0xe: {  	s5 =	rddreg [dreg:$0x1];
	v37 =	vor.u32 $0x20, v0;
	v38 =	vor.u32 $0x21, v0;
	v39 =	vor.u32 $0x22, v0  }
0xf: {  	s0 =	srdreg.scid;
	s1 =	rddreg [dreg:$0x2];
	s2 =	simm.s32 $0x0;
	v40 =	vor.u32 $0x23, v0;
	v41 =	vor.u32 $0x24, v0;
	v42 =	vor.u32 $0x25, v0  }
0x10: {  	s10 =	simm.s32 $0x11200;
	s11 =	simm.s32 $0x3;
	s4 =	sand.u32 $0x1, s0;
	v43 =	vor.u32 $0x26, v0;
	v44 =	vor.u32 $0x27, v0;
	v45 =	vor.u32 $0x28, v0  }
0x11: {  	s0 =	stileid.u32;
	[smem:$0x7FF] =	sst s2;
	s6 =	sshll.u32 s4, $0x4;
	v46 =	vor.u32 $0x29, v0;
	v47 =	vor.u32 $0x2A, v0;
	v48 =	vor.u32 $0x2B, v0  }
0x12: {  	_ =	strace $0x80000047;
	s7 =	ssub.s32 $0x2, s4;
	s4 =	smul.u32 $0x48000, s4;
	v49 =	vor.u32 $0x2C, v0;
	v50 =	vor.u32 $0x2D, v0;
	v51 =	vor.u32 $0x2E, v0  }
0x13: {  	s9 =	smul.u32 $0x4800, s0;
	s6 =	sor.u32 s0, s6;
	s8 =	sshrl.u32 s7, $0x1;
	v52 =	vor.u32 $0x2F, v0;
	v53 =	vor.u32 $0x30, v0;
	v54 =	vor.u32 $0x31, v0  }
0x14: {  	s12 =	simm.s32 $0x0;
	v55 =	vor.u32 $0x32, v0;
	v56 =	vor.u32 $0x33, v0;
	v2 =	vor.u32 $0x3C, v0;
	[tilespmem:$0x1FFE0] =	vst v1;
	s6 =	smul.u32 $0x240, s6;
	s7 =	ssub.s32 s7, s8  }
0x15: {  	v57 =	vor.u32 $0x34, v0;
	v58 =	vor.u32 $0x35, v0;
	v59 =	vor.u32 $0x36, v0;
	s31 =	sadd.s32 s4, s5;
	s8 =	simm.s32 $0x2;
	[tilespmem:$0x1FFC0] =	vst v2;
	s5 =	smax.u32 s7, $0x1  }
0x16: {  	v60 =	vor.u32 $0x37, v0;
	v61 =	vor.u32 $0x38, v0;
	v2 =	vor.u32 $0x3D, v0;
	[tilespmem:$0x1FFF0] =	vst v4;
	s7 =	simm.s32 $0x1200;
	s6 =	sadd.s32 s6, s3;
	s3 =	sadd.s32 $0xA00, s3  }
0x17: {  	v62 =	vor.u32 $0x39, v0;
	v6 =	vor.u32 $0x3A, v0;
	v5 =	vor.u32 $0x3B, v0;
	[tilespmem:$0x1FFD0] =	vst v2;
	s4 =	sadd.s32 $0x2A00, s6;
	s6 =	sadd.s32 s9, s31;
	s9 =	simm.s32 $0x1  }
.LBB2_1:
0x18: {  	[tilespmem:s7], [sflag:$0x2] =	stream.linear.gather [hbm4b:s3+s2], $0x10000, $0x38;
	[tilespmem:$0x12200] =	vst v63  }
0x19: {  	_ = 	snop  }
0x1a: {  	[tilespmem:s2], [sflag:$0x1] =	stream.linear.gather [hbm4b:s4+s2], $0x1200, $0x38;
	[tilespmem:$0x12200] =	vst v63  }
0x1b: {  	_ =	swait.ge [sflag:s8], $0x10000  }
0x1c: {  	[sflag:s8] =	ssyncset.done $0x0  }
0x1d: {  	[sflag:s8] =	ssyncadd.s32 $0xFFFF0000  }
0x1e: {  	_ =	swait.ge [sflag:s9], $0x1200  }
0x1f: {  	[sflag:s9] =	ssyncset.done $0x0  }
0x20: {  	s13 =	smov.u32 s6;
	s14 =	simm.s32 $0x0;
	[sflag:s9] =	ssyncadd.s32 $0xFFFFEE00  }
.LBB2_2:
0x21: {  	v63 =	vmov s14  }
0x22: {  	v63 =	vshll.u32 v63, $0x3  }
0x23: {  	v63 =	vor.u32 v1, v63;
	_ =	sdelay $0x4  }
0x24: {  	v1 =	vld.idx.msk [tilespmem:v63+s2+$0x0], $0xffff;
	_ =	sdelay $0x4  }
0x25: {  	v1 =	vshll.u32 v1, $0x5;
	_ =	sdelay $0x4  }
0x26: {  	v2 =	vld.idx.msk [tilespmem:v1+s7+$0x0], $0xffff  }
0x27: {  	v3 =	vor.u32 $0x1, v1;
	_ =	sdelay $0x3  }
0x28: {  	[tilespmem:v0+s10+$0x0] =	vst.idx.msk $0xffff, v2  }
0x29: {  	v2 =	vld.idx.msk [tilespmem:v3+s7+$0x0], $0xffff  }
0x2a: {  	v3 =	vor.u32 $0x2, v1;
	_ =	sdelay $0x3  }
0x2b: {  	[tilespmem:v4+s10+$0x0] =	vst.idx.msk $0xffff, v2  }
0x2c: {  	v2 =	vld.idx.msk [tilespmem:v3+s7+$0x0], $0xffff  }
0x2d: {  	v3 =	vor.u32 $0x3, v1;
	_ =	sdelay $0x3  }
0x2e: {  	[tilespmem:v7+s10+$0x0] =	vst.idx.msk $0xffff, v2  }
0x2f: {  	v2 =	vld.idx.msk [tilespmem:v3+s7+$0x0], $0xffff  }
0x30: {  	v3 =	vor.u32 $0x4, v1;
	_ =	sdelay $0x3  }
0x31: {  	[tilespmem:v8+s10+$0x0] =	vst.idx.msk $0xffff, v2  }
0x32: {  	v2 =	vld.idx.msk [tilespmem:v3+s7+$0x0], $0xffff  }
0x33: {  	v3 =	vor.u32 $0x5, v1;
	_ =	sdelay $0x3  }
0x34: {  	[tilespmem:v9+s10+$0x0] =	vst.idx.msk $0xffff, v2  }
0x35: {  	v2 =	vld.idx.msk [tilespmem:v3+s7+$0x0], $0xffff  }
0x36: {  	v3 =	vor.u32 $0x6, v1;
	_ =	sdelay $0x3  }
0x37: {  	[tilespmem:v10+s10+$0x0] =	vst.idx.msk $0xffff, v2  }
0x38: {  	v2 =	vld.idx.msk [tilespmem:v3+s7+$0x0], $0xffff  }
0x39: {  	v3 =	vor.u32 $0x7, v1;
	_ =	sdelay $0x3  }
0x3a: {  	[tilespmem:v11+s10+$0x0] =	vst.idx.msk $0xffff, v2  }
0x3b: {  	v2 =	vld.idx.msk [tilespmem:v3+s7+$0x0], $0xffff  }
0x3c: {  	v3 =	vor.u32 $0x8, v1;
	_ =	sdelay $0x3  }
0x3d: {  	[tilespmem:v12+s10+$0x0] =	vst.idx.msk $0xffff, v2  }
0x3e: {  	v2 =	vld.idx.msk [tilespmem:v3+s7+$0x0], $0xffff  }
0x3f: {  	v3 =	vor.u32 $0x9, v1;
	_ =	sdelay $0x3  }
0x40: {  	[tilespmem:v13+s10+$0x0] =	vst.idx.msk $0xffff, v2  }
0x41: {  	v2 =	vld.idx.msk [tilespmem:v3+s7+$0x0], $0xffff  }
0x42: {  	v3 =	vor.u32 $0xA, v1;
	_ =	sdelay $0x3  }
0x43: {  	[tilespmem:v14+s10+$0x0] =	vst.idx.msk $0xffff, v2  }
0x44: {  	v2 =	vld.idx.msk [tilespmem:v3+s7+$0x0], $0xffff  }
0x45: {  	v3 =	vor.u32 $0xB, v1;
	_ =	sdelay $0x3  }
0x46: {  	[tilespmem:v15+s10+$0x0] =	vst.idx.msk $0xffff, v2  }
0x47: {  	v2 =	vld.idx.msk [tilespmem:v3+s7+$0x0], $0xffff  }
0x48: {  	v3 =	vor.u32 $0xC, v1;
	_ =	sdelay $0x3  }
0x49: {  	[tilespmem:v16+s10+$0x0] =	vst.idx.msk $0xffff, v2  }
0x4a: {  	v2 =	vld.idx.msk [tilespmem:v3+s7+$0x0], $0xffff  }
0x4b: {  	v3 =	vor.u32 $0xD, v1;
	_ =	sdelay $0x3  }
0x4c: {  	[tilespmem:v17+s10+$0x0] =	vst.idx.msk $0xffff, v2  }
0x4d: {  	v2 =	vld.idx.msk [tilespmem:v3+s7+$0x0], $0xffff  }
0x4e: {  	v3 =	vor.u32 $0xE, v1;
	_ =	sdelay $0x3  }
0x4f: {  	[tilespmem:v18+s10+$0x0] =	vst.idx.msk $0xffff, v2  }
0x50: {  	v2 =	vld.idx.msk [tilespmem:v3+s7+$0x0], $0xffff  }
0x51: {  	v3 =	vor.u32 $0xF, v1;
	_ =	sdelay $0x3  }
0x52: {  	[tilespmem:v19+s10+$0x0] =	vst.idx.msk $0xffff, v2  }
0x53: {  	v2 =	vld.idx.msk [tilespmem:v3+s7+$0x0], $0xffff  }
0x54: {  	v3 =	vor.u32 $0x10, v1;
	_ =	sdelay $0x3  }
0x55: {  	[tilespmem:v20+s10+$0x0] =	vst.idx.msk $0xffff, v2  }
0x56: {  	v2 =	vld.idx.msk [tilespmem:v3+s7+$0x0], $0xffff  }
0x57: {  	v3 =	vor.u32 $0x11, v1;
	_ =	sdelay $0x3  }
0x58: {  	[tilespmem:v21+s10+$0x0] =	vst.idx.msk $0xffff, v2  }
0x59: {  	v2 =	vld.idx.msk [tilespmem:v3+s7+$0x0], $0xffff  }
0x5a: {  	v3 =	vor.u32 $0x12, v1;
	_ =	sdelay $0x3  }
0x5b: {  	[tilespmem:v22+s10+$0x0] =	vst.idx.msk $0xffff, v2  }
0x5c: {  	v2 =	vld.idx.msk [tilespmem:v3+s7+$0x0], $0xffff  }
0x5d: {  	v3 =	vor.u32 $0x13, v1;
	_ =	sdelay $0x3  }
0x5e: {  	[tilespmem:v23+s10+$0x0] =	vst.idx.msk $0xffff, v2  }
0x5f: {  	v2 =	vld.idx.msk [tilespmem:v3+s7+$0x0], $0xffff  }
0x60: {  	v3 =	vor.u32 $0x14, v1;
	_ =	sdelay $0x3  }
0x61: {  	[tilespmem:v24+s10+$0x0] =	vst.idx.msk $0xffff, v2  }
0x62: {  	v2 =	vld.idx.msk [tilespmem:v3+s7+$0x0], $0xffff  }
0x63: {  	v3 =	vor.u32 $0x15, v1;
	_ =	sdelay $0x3  }
0x64: {  	[tilespmem:v25+s10+$0x0] =	vst.idx.msk $0xffff, v2  }
0x65: {  	v2 =	vld.idx.msk [tilespmem:v3+s7+$0x0], $0xffff  }
0x66: {  	v3 =	vor.u32 $0x16, v1;
	_ =	sdelay $0x3  }
0x67: {  	[tilespmem:v26+s10+$0x0] =	vst.idx.msk $0xffff, v2  }
0x68: {  	v2 =	vld.idx.msk [tilespmem:v3+s7+$0x0], $0xffff  }
0x69: {  	v3 =	vor.u32 $0x17, v1;
	_ =	sdelay $0x3  }
0x6a: {  	[tilespmem:v27+s10+$0x0] =	vst.idx.msk $0xffff, v2  }
0x6b: {  	v2 =	vld.idx.msk [tilespmem:v3+s7+$0x0], $0xffff  }
0x6c: {  	v3 =	vor.u32 $0x18, v1;
	_ =	sdelay $0x3  }
0x6d: {  	[tilespmem:v28+s10+$0x0] =	vst.idx.msk $0xffff, v2  }
0x6e: {  	v2 =	vld.idx.msk [tilespmem:v3+s7+$0x0], $0xffff  }
0x6f: {  	v3 =	vor.u32 $0x19, v1;
	_ =	sdelay $0x3  }
0x70: {  	[tilespmem:v29+s10+$0x0] =	vst.idx.msk $0xffff, v2  }
0x71: {  	v2 =	vld.idx.msk [tilespmem:v3+s7+$0x0], $0xffff  }
0x72: {  	v3 =	vor.u32 $0x1A, v1;
	_ =	sdelay $0x3  }
0x73: {  	[tilespmem:v30+s10+$0x0] =	vst.idx.msk $0xffff, v2  }
0x74: {  	v2 =	vld.idx.msk [tilespmem:v3+s7+$0x0], $0xffff  }
0x75: {  	v3 =	vor.u32 $0x1B, v1;
	_ =	sdelay $0x3  }
0x76: {  	[tilespmem:v31+s10+$0x0] =	vst.idx.msk $0xffff, v2  }
0x77: {  	v2 =	vld.idx.msk [tilespmem:v3+s7+$0x0], $0xffff  }
0x78: {  	v3 =	vor.u32 $0x1C, v1;
	_ =	sdelay $0x3  }
0x79: {  	[tilespmem:v32+s10+$0x0] =	vst.idx.msk $0xffff, v2  }
0x7a: {  	v2 =	vld.idx.msk [tilespmem:v3+s7+$0x0], $0xffff  }
0x7b: {  	v3 =	vor.u32 $0x1D, v1;
	_ =	sdelay $0x3  }
0x7c: {  	[tilespmem:v33+s10+$0x0] =	vst.idx.msk $0xffff, v2  }
0x7d: {  	v2 =	vld.idx.msk [tilespmem:v3+s7+$0x0], $0xffff  }
0x7e: {  	v3 =	vor.u32 $0x1E, v1;
	_ =	sdelay $0x3  }
0x7f: {  	[tilespmem:v34+s10+$0x0] =	vst.idx.msk $0xffff, v2  }
0x80: {  	v2 =	vld.idx.msk [tilespmem:v3+s7+$0x0], $0xffff  }
0x81: {  	v1 =	vor.u32 $0x1F, v1;
	_ =	sdelay $0x3  }
0x82: {  	[tilespmem:v35+s10+$0x0] =	vst.idx.msk $0xffff, v2  }
0x83: {  	v1 =	vld.idx.msk [tilespmem:v1+s7+$0x0], $0xffff  }
0x84: {  	v2 =	vor.u32 $0x1, v63;
	_ =	sdelay $0x3  }
0x85: {  	[tilespmem:v36+s10+$0x0] =	vst.idx.msk $0xffff, v1  }
0x86: {  	v1 =	vld.idx.msk [tilespmem:v2+s2+$0x0], $0xffff;
	_ =	sdelay $0x4  }
0x87: {  	v1 =	vshll.u32 v1, $0x5  }
0x88: {  	v2 =	vadd.s32 $0x2000, v1;
	_ =	sdelay $0x4  }
0x89: {  	v2 =	vld.idx.msk [tilespmem:v2+s7+$0x0], $0xffff  }
0x8a: {  	v3 =	vadd.s32 $0x2001, v1;
	_ =	sdelay $0x3  }
0x8b: {  	[tilespmem:v37+s10+$0x0] =	vst.idx.msk $0xffff, v2  }
0x8c: {  	v2 =	vld.idx.msk [tilespmem:v3+s7+$0x0], $0xffff  }
0x8d: {  	v3 =	vadd.s32 $0x2002, v1;
	_ =	sdelay $0x3  }
0x8e: {  	[tilespmem:v38+s10+$0x0] =	vst.idx.msk $0xffff, v2  }
0x8f: {  	v2 =	vld.idx.msk [tilespmem:v3+s7+$0x0], $0xffff  }
0x90: {  	v3 =	vadd.s32 $0x2003, v1;
	_ =	sdelay $0x3  }
0x91: {  	[tilespmem:v39+s10+$0x0] =	vst.idx.msk $0xffff, v2  }
0x92: {  	v2 =	vld.idx.msk [tilespmem:v3+s7+$0x0], $0xffff  }
0x93: {  	v3 =	vadd.s32 $0x2004, v1;
	_ =	sdelay $0x3  }
0x94: {  	[tilespmem:v40+s10+$0x0] =	vst.idx.msk $0xffff, v2  }
0x95: {  	v2 =	vld.idx.msk [tilespmem:v3+s7+$0x0], $0xffff  }
0x96: {  	v3 =	vadd.s32 $0x2005, v1;
	_ =	sdelay $0x3  }
0x97: {  	[tilespmem:v41+s10+$0x0] =	vst.idx.msk $0xffff, v2  }
0x98: {  	v2 =	vld.idx.msk [tilespmem:v3+s7+$0x0], $0xffff  }
0x99: {  	v3 =	vadd.s32 $0x2006, v1;
	_ =	sdelay $0x3  }
0x9a: {  	[tilespmem:v42+s10+$0x0] =	vst.idx.msk $0xffff, v2  }
0x9b: {  	v2 =	vld.idx.msk [tilespmem:v3+s7+$0x0], $0xffff  }
0x9c: {  	v3 =	vadd.s32 $0x2007, v1;
	_ =	sdelay $0x3  }
0x9d: {  	[tilespmem:v43+s10+$0x0] =	vst.idx.msk $0xffff, v2  }
0x9e: {  	v2 =	vld.idx.msk [tilespmem:v3+s7+$0x0], $0xffff  }
0x9f: {  	v3 =	vadd.s32 $0x2008, v1;
	_ =	sdelay $0x3  }
0xa0: {  	[tilespmem:v44+s10+$0x0] =	vst.idx.msk $0xffff, v2  }
0xa1: {  	v2 =	vld.idx.msk [tilespmem:v3+s7+$0x0], $0xffff  }
0xa2: {  	v3 =	vadd.s32 $0x2009, v1;
	_ =	sdelay $0x3  }
0xa3: {  	[tilespmem:v45+s10+$0x0] =	vst.idx.msk $0xffff, v2  }
0xa4: {  	v2 =	vld.idx.msk [tilespmem:v3+s7+$0x0], $0xffff  }
0xa5: {  	v3 =	vadd.s32 $0x200A, v1;
	_ =	sdelay $0x3  }
0xa6: {  	[tilespmem:v46+s10+$0x0] =	vst.idx.msk $0xffff, v2  }
0xa7: {  	v2 =	vld.idx.msk [tilespmem:v3+s7+$0x0], $0xffff  }
0xa8: {  	v3 =	vadd.s32 $0x200B, v1;
	_ =	sdelay $0x3  }
0xa9: {  	[tilespmem:v47+s10+$0x0] =	vst.idx.msk $0xffff, v2  }
0xaa: {  	v2 =	vld.idx.msk [tilespmem:v3+s7+$0x0], $0xffff  }
0xab: {  	v3 =	vadd.s32 $0x200C, v1;
	_ =	sdelay $0x3  }
0xac: {  	[tilespmem:v48+s10+$0x0] =	vst.idx.msk $0xffff, v2  }
0xad: {  	v2 =	vld.idx.msk [tilespmem:v3+s7+$0x0], $0xffff  }
0xae: {  	v3 =	vadd.s32 $0x200D, v1;
	_ =	sdelay $0x3  }
0xaf: {  	[tilespmem:v49+s10+$0x0] =	vst.idx.msk $0xffff, v2  }
0xb0: {  	v2 =	vld.idx.msk [tilespmem:v3+s7+$0x0], $0xffff  }
0xb1: {  	v3 =	vadd.s32 $0x200E, v1;
	_ =	sdelay $0x3  }
0xb2: {  	[tilespmem:v50+s10+$0x0] =	vst.idx.msk $0xffff, v2  }
0xb3: {  	v2 =	vld.idx.msk [tilespmem:v3+s7+$0x0], $0xffff  }
0xb4: {  	v3 =	vadd.s32 $0x200F, v1;
	_ =	sdelay $0x3  }
0xb5: {  	[tilespmem:v51+s10+$0x0] =	vst.idx.msk $0xffff, v2  }
0xb6: {  	v2 =	vld.idx.msk [tilespmem:v3+s7+$0x0], $0xffff  }
0xb7: {  	v3 =	vadd.s32 $0x2010, v1;
	_ =	sdelay $0x3  }
0xb8: {  	[tilespmem:v52+s10+$0x0] =	vst.idx.msk $0xffff, v2  }
0xb9: {  	v2 =	vld.idx.msk [tilespmem:v3+s7+$0x0], $0xffff  }
0xba: {  	v3 =	vadd.s32 $0x2011, v1;
	_ =	sdelay $0x3  }
0xbb: {  	[tilespmem:v53+s10+$0x0] =	vst.idx.msk $0xffff, v2  }
0xbc: {  	v2 =	vld.idx.msk [tilespmem:v3+s7+$0x0], $0xffff  }
0xbd: {  	v3 =	vadd.s32 $0x2012, v1;
	_ =	sdelay $0x3  }
0xbe: {  	[tilespmem:v54+s10+$0x0] =	vst.idx.msk $0xffff, v2  }
0xbf: {  	v2 =	vld.idx.msk [tilespmem:v3+s7+$0x0], $0xffff  }
0xc0: {  	v3 =	vadd.s32 $0x2013, v1;
	_ =	sdelay $0x3  }
0xc1: {  	[tilespmem:v55+s10+$0x0] =	vst.idx.msk $0xffff, v2  }
0xc2: {  	v2 =	vld.idx.msk [tilespmem:v3+s7+$0x0], $0xffff  }
0xc3: {  	v3 =	vadd.s32 $0x2014, v1;
	_ =	sdelay $0x3  }
0xc4: {  	[tilespmem:v56+s10+$0x0] =	vst.idx.msk $0xffff, v2  }
0xc5: {  	v2 =	vld.idx.msk [tilespmem:v3+s7+$0x0], $0xffff  }
0xc6: {  	v3 =	vadd.s32 $0x2015, v1;
	_ =	sdelay $0x3  }
0xc7: {  	[tilespmem:v57+s10+$0x0] =	vst.idx.msk $0xffff, v2  }
0xc8: {  	v2 =	vld.idx.msk [tilespmem:v3+s7+$0x0], $0xffff  }
0xc9: {  	v3 =	vadd.s32 $0x2016, v1;
	_ =	sdelay $0x3  }
0xca: {  	[tilespmem:v58+s10+$0x0] =	vst.idx.msk $0xffff, v2  }
0xcb: {  	v2 =	vld.idx.msk [tilespmem:v3+s7+$0x0], $0xffff  }
0xcc: {  	v3 =	vadd.s32 $0x2017, v1;
	_ =	sdelay $0x3  }
0xcd: {  	[tilespmem:v59+s10+$0x0] =	vst.idx.msk $0xffff, v2  }
0xce: {  	v2 =	vld.idx.msk [tilespmem:v3+s7+$0x0], $0xffff  }
0xcf: {  	v3 =	vadd.s32 $0x2018, v1;
	_ =	sdelay $0x3  }
0xd0: {  	[tilespmem:v60+s10+$0x0] =	vst.idx.msk $0xffff, v2  }
0xd1: {  	v2 =	vld.idx.msk [tilespmem:v3+s7+$0x0], $0xffff  }
0xd2: {  	v3 =	vadd.s32 $0x2019, v1;
	_ =	sdelay $0x3  }
0xd3: {  	[tilespmem:v61+s10+$0x0] =	vst.idx.msk $0xffff, v2  }
0xd4: {  	v2 =	vld.idx.msk [tilespmem:v3+s7+$0x0], $0xffff  }
0xd5: {  	v3 =	vadd.s32 $0x201A, v1;
	_ =	sdelay $0x3  }
0xd6: {  	[tilespmem:v62+s10+$0x0] =	vst.idx.msk $0xffff, v2  }
0xd7: {  	v2 =	vld.idx.msk [tilespmem:v3+s7+$0x0], $0xffff  }
0xd8: {  	v3 =	vadd.s32 $0x201B, v1;
	_ =	sdelay $0x3  }
0xd9: {  	[tilespmem:v6+s10+$0x0] =	vst.idx.msk $0xffff, v2  }
0xda: {  	v2 =	vld.idx.msk [tilespmem:v3+s7+$0x0], $0xffff  }
0xdb: {  	v3 =	vadd.s32 $0x201C, v1;
	_ =	sdelay $0x1  }
0xdc: {  	v4 =	vld [tilespmem:$0x1FFC0];
	_ =	sdelay $0x1  }
0xdd: {  	[tilespmem:v5+s10+$0x0] =	vst.idx.msk $0xffff, v2  }
0xde: {  	v2 =	vld.idx.msk [tilespmem:v3+s7+$0x0], $0xffff;
	_ =	sdelay $0x2  }
0xdf: {  	v3 =	vadd.s32 $0x201D, v1;
	_ =	sdelay $0x1  }
0xe0: {  	[tilespmem:v4+s10+$0x0] =	vst.idx.msk $0xffff, v2;
	v4 =	vld [tilespmem:$0x1FFD0];
	_ =	sdelay $0x2  }
0xe1: {  	v2 =	vld.idx.msk [tilespmem:v3+s7+$0x0], $0xffff  }
0xe2: {  	v3 =	vadd.s32 $0x201E, v1;
	_ =	sdelay $0x3  }
0xe3: {  	[tilespmem:v4+s10+$0x0] =	vst.idx.msk $0xffff, v2  }
0xe4: {  	v2 =	vld.idx.msk [tilespmem:v3+s7+$0x0], $0xffff;
	v3 =	vor.u32 $0x3E, v0  }
0xe5: {  	v1 =	vadd.s32 $0x201F, v1;
	_ =	sdelay $0x3  }
0xe6: {  	[tilespmem:v3+s10+$0x0] =	vst.idx.msk $0xffff, v2  }
0xe7: {  	v2 =	vor.u32 $0x3F, v0;
	v1 =	vld.idx.msk [tilespmem:v1+s7+$0x0], $0xffff  }
0xe8: {  	v3 =	vor.u32 $0x2, v63;
	_ =	sdelay $0x3  }
0xe9: {  	[tilespmem:v2+s10+$0x0] =	vst.idx.msk $0xffff, v1  }
0xea: {  	v1 =	vld.idx.msk [tilespmem:v3+s2+$0x0], $0xffff;
	_ =	sdelay $0x4  }
0xeb: {  	v1 =	vshll.u32 v1, $0x5  }
0xec: {  	v2 =	vadd.s32 $0x4000, v1;
	_ =	sdelay $0x4  }
0xed: {  	v3 =	vor.u32 $0x40, v0;
	v2 =	vld.idx.msk [tilespmem:v2+s7+$0x0], $0xffff  }
0xee: {  	v4 =	vadd.s32 $0x4001, v1;
	_ =	sdelay $0x3  }
0xef: {  	[tilespmem:v3+s10+$0x0] =	vst.idx.msk $0xffff, v2  }
0xf0: {  	v3 =	vor.u32 $0x41, v0;
	v2 =	vld.idx.msk [tilespmem:v4+s7+$0x0], $0xffff  }
0xf1: {  	v4 =	vadd.s32 $0x4002, v1;
	_ =	sdelay $0x3  }
0xf2: {  	[tilespmem:v3+s10+$0x0] =	vst.idx.msk $0xffff, v2  }
0xf3: {  	v3 =	vor.u32 $0x42, v0;
	v2 =	vld.idx.msk [tilespmem:v4+s7+$0x0], $0xffff  }
0xf4: {  	v4 =	vadd.s32 $0x4003, v1;
	_ =	sdelay $0x3  }
0xf5: {  	[tilespmem:v3+s10+$0x0] =	vst.idx.msk $0xffff, v2  }
0xf6: {  	v3 =	vor.u32 $0x43, v0;
	v2 =	vld.idx.msk [tilespmem:v4+s7+$0x0], $0xffff  }
0xf7: {  	v4 =	vadd.s32 $0x4004, v1;
	_ =	sdelay $0x3  }
0xf8: {  	[tilespmem:v3+s10+$0x0] =	vst.idx.msk $0xffff, v2  }
0xf9: {  	v3 =	vor.u32 $0x44, v0;
	v2 =	vld.idx.msk [tilespmem:v4+s7+$0x0], $0xffff  }
0xfa: {  	v4 =	vadd.s32 $0x4005, v1;
	_ =	sdelay $0x3  }
0xfb: {  	[tilespmem:v3+s10+$0x0] =	vst.idx.msk $0xffff, v2  }
0xfc: {  	v3 =	vor.u32 $0x45, v0;
	v2 =	vld.idx.msk [tilespmem:v4+s7+$0x0], $0xffff  }
0xfd: {  	v4 =	vadd.s32 $0x4006, v1;
	_ =	sdelay $0x3  }
0xfe: {  	[tilespmem:v3+s10+$0x0] =	vst.idx.msk $0xffff, v2  }
0xff: {  	v3 =	vor.u32 $0x46, v0;
	v2 =	vld.idx.msk [tilespmem:v4+s7+$0x0], $0xffff  }
0x100: {  	v4 =	vadd.s32 $0x4007, v1;
	_ =	sdelay $0x3  }
0x101: {  	[tilespmem:v3+s10+$0x0] =	vst.idx.msk $0xffff, v2  }
0x102: {  	v3 =	vor.u32 $0x47, v0;
	v2 =	vld.idx.msk [tilespmem:v4+s7+$0x0], $0xffff  }
0x103: {  	v4 =	vadd.s32 $0x4008, v1;
	_ =	sdelay $0x3  }
0x104: {  	[tilespmem:v3+s10+$0x0] =	vst.idx.msk $0xffff, v2  }
0x105: {  	v3 =	vor.u32 $0x48, v0;
	v2 =	vld.idx.msk [tilespmem:v4+s7+$0x0], $0xffff  }
0x106: {  	v4 =	vadd.s32 $0x4009, v1;
	_ =	sdelay $0x3  }
0x107: {  	[tilespmem:v3+s10+$0x0] =	vst.idx.msk $0xffff, v2  }
0x108: {  	v3 =	vor.u32 $0x49, v0;
	v2 =	vld.idx.msk [tilespmem:v4+s7+$0x0], $0xffff  }
0x109: {  	v4 =	vadd.s32 $0x400A, v1;
	_ =	sdelay $0x3  }
0x10a: {  	[tilespmem:v3+s10+$0x0] =	vst.idx.msk $0xffff, v2  }
0x10b: {  	v3 =	vor.u32 $0x4A, v0;
	v2 =	vld.idx.msk [tilespmem:v4+s7+$0x0], $0xffff  }
0x10c: {  	v4 =	vadd.s32 $0x400B, v1;
	_ =	sdelay $0x3  }
0x10d: {  	[tilespmem:v3+s10+$0x0] =	vst.idx.msk $0xffff, v2  }
0x10e: {  	v3 =	vor.u32 $0x4B, v0;
	v2 =	vld.idx.msk [tilespmem:v4+s7+$0x0], $0xffff  }
0x10f: {  	v4 =	vadd.s32 $0x400C, v1;
	_ =	sdelay $0x3  }
0x110: {  	[tilespmem:v3+s10+$0x0] =	vst.idx.msk $0xffff, v2  }
0x111: {  	v3 =	vor.u32 $0x4C, v0;
	v2 =	vld.idx.msk [tilespmem:v4+s7+$0x0], $0xffff  }
0x112: {  	v4 =	vadd.s32 $0x400D, v1;
	_ =	sdelay $0x3  }
0x113: {  	[tilespmem:v3+s10+$0x0] =	vst.idx.msk $0xffff, v2  }
0x114: {  	v3 =	vor.u32 $0x4D, v0;
	v2 =	vld.idx.msk [tilespmem:v4+s7+$0x0], $0xffff  }
0x115: {  	v4 =	vadd.s32 $0x400E, v1;
	_ =	sdelay $0x3  }
0x116: {  	[tilespmem:v3+s10+$0x0] =	vst.idx.msk $0xffff, v2  }
0x117: {  	v3 =	vor.u32 $0x4E, v0;
	v2 =	vld.idx.msk [tilespmem:v4+s7+$0x0], $0xffff  }
0x118: {  	v4 =	vadd.s32 $0x400F, v1;
	_ =	sdelay $0x3  }
0x119: {  	[tilespmem:v3+s10+$0x0] =	vst.idx.msk $0xffff, v2  }
0x11a: {  	v3 =	vor.u32 $0x4F, v0;
	v2 =	vld.idx.msk [tilespmem:v4+s7+$0x0], $0xffff  }
0x11b: {  	v4 =	vadd.s32 $0x4010, v1;
	_ =	sdelay $0x3  }
0x11c: {  	[tilespmem:v3+s10+$0x0] =	vst.idx.msk $0xffff, v2  }
0x11d: {  	v3 =	vor.u32 $0x50, v0;
	v2 =	vld.idx.msk [tilespmem:v4+s7+$0x0], $0xffff  }
0x11e: {  	v4 =	vadd.s32 $0x4011, v1;
	_ =	sdelay $0x3  }
0x11f: {  	[tilespmem:v3+s10+$0x0] =	vst.idx.msk $0xffff, v2  }
0x120: {  	v3 =	vor.u32 $0x51, v0;
	v2 =	vld.idx.msk [tilespmem:v4+s7+$0x0], $0xffff  }
0x121: {  	v4 =	vadd.s32 $0x4012, v1;
	_ =	sdelay $0x3  }
0x122: {  	[tilespmem:v3+s10+$0x0] =	vst.idx.msk $0xffff, v2  }
0x123: {  	v3 =	vor.u32 $0x52, v0;
	v2 =	vld.idx.msk [tilespmem:v4+s7+$0x0], $0xffff  }
0x124: {  	v4 =	vadd.s32 $0x4013, v1;
	_ =	sdelay $0x3  }
0x125: {  	[tilespmem:v3+s10+$0x0] =	vst.idx.msk $0xffff, v2  }
0x126: {  	v3 =	vor.u32 $0x53, v0;
	v2 =	vld.idx.msk [tilespmem:v4+s7+$0x0], $0xffff  }
0x127: {  	v4 =	vadd.s32 $0x4014, v1;
	_ =	sdelay $0x3  }
0x128: {  	[tilespmem:v3+s10+$0x0] =	vst.idx.msk $0xffff, v2  }
0x129: {  	v3 =	vor.u32 $0x54, v0;
	v2 =	vld.idx.msk [tilespmem:v4+s7+$0x0], $0xffff  }
0x12a: {  	v4 =	vadd.s32 $0x4015, v1;
	_ =	sdelay $0x3  }
0x12b: {  	[tilespmem:v3+s10+$0x0] =	vst.idx.msk $0xffff, v2  }
0x12c: {  	v3 =	vor.u32 $0x55, v0;
	v2 =	vld.idx.msk [tilespmem:v4+s7+$0x0], $0xffff  }
0x12d: {  	v4 =	vadd.s32 $0x4016, v1;
	_ =	sdelay $0x3  }
0x12e: {  	[tilespmem:v3+s10+$0x0] =	vst.idx.msk $0xffff, v2  }
0x12f: {  	v3 =	vor.u32 $0x56, v0;
	v2 =	vld.idx.msk [tilespmem:v4+s7+$0x0], $0xffff  }
0x130: {  	v4 =	vadd.s32 $0x4017, v1;
	_ =	sdelay $0x3  }
0x131: {  	[tilespmem:v3+s10+$0x0] =	vst.idx.msk $0xffff, v2  }
0x132: {  	v3 =	vor.u32 $0x57, v0;
	v2 =	vld.idx.msk [tilespmem:v4+s7+$0x0], $0xffff  }
0x133: {  	v4 =	vadd.s32 $0x4018, v1;
	_ =	sdelay $0x3  }
0x134: {  	[tilespmem:v3+s10+$0x0] =	vst.idx.msk $0xffff, v2  }
0x135: {  	v3 =	vor.u32 $0x58, v0;
	v2 =	vld.idx.msk [tilespmem:v4+s7+$0x0], $0xffff  }
0x136: {  	v4 =	vadd.s32 $0x4019, v1;
	_ =	sdelay $0x3  }
0x137: {  	[tilespmem:v3+s10+$0x0] =	vst.idx.msk $0xffff, v2  }
0x138: {  	v3 =	vor.u32 $0x59, v0;
	v2 =	vld.idx.msk [tilespmem:v4+s7+$0x0], $0xffff  }
0x139: {  	v4 =	vadd.s32 $0x401A, v1;
	_ =	sdelay $0x3  }
0x13a: {  	[tilespmem:v3+s10+$0x0] =	vst.idx.msk $0xffff, v2  }
0x13b: {  	v3 =	vor.u32 $0x5A, v0;
	v2 =	vld.idx.msk [tilespmem:v4+s7+$0x0], $0xffff  }
0x13c: {  	v4 =	vadd.s32 $0x401B, v1;
	_ =	sdelay $0x3  }
0x13d: {  	[tilespmem:v3+s10+$0x0] =	vst.idx.msk $0xffff, v2  }
0x13e: {  	v3 =	vor.u32 $0x5B, v0;
	v2 =	vld.idx.msk [tilespmem:v4+s7+$0x0], $0xffff  }
0x13f: {  	v4 =	vadd.s32 $0x401C, v1;
	_ =	sdelay $0x3  }
0x140: {  	[tilespmem:v3+s10+$0x0] =	vst.idx.msk $0xffff, v2  }
0x141: {  	v3 =	vor.u32 $0x5C, v0;
	v2 =	vld.idx.msk [tilespmem:v4+s7+$0x0], $0xffff  }
0x142: {  	v4 =	vadd.s32 $0x401D, v1;
	_ =	sdelay $0x3  }
0x143: {  	[tilespmem:v3+s10+$0x0] =	vst.idx.msk $0xffff, v2  }
0x144: {  	v3 =	vor.u32 $0x5D, v0;
	v2 =	vld.idx.msk [tilespmem:v4+s7+$0x0], $0xffff  }
0x145: {  	v4 =	vadd.s32 $0x401E, v1;
	_ =	sdelay $0x3  }
0x146: {  	[tilespmem:v3+s10+$0x0] =	vst.idx.msk $0xffff, v2  }
0x147: {  	v3 =	vor.u32 $0x5E, v0;
	v2 =	vld.idx.msk [tilespmem:v4+s7+$0x0], $0xffff  }
0x148: {  	v1 =	vadd.s32 $0x401F, v1;
	_ =	sdelay $0x3  }
0x149: {  	[tilespmem:v3+s10+$0x0] =	vst.idx.msk $0xffff, v2  }
0x14a: {  	v2 =	vor.u32 $0x5F, v0;
	v1 =	vld.idx.msk [tilespmem:v1+s7+$0x0], $0xffff  }
0x14b: {  	v3 =	vor.u32 $0x3, v63;
	_ =	sdelay $0x3  }
0x14c: {  	[tilespmem:v2+s10+$0x0] =	vst.idx.msk $0xffff, v1  }
0x14d: {  	v1 =	vld.idx.msk [tilespmem:v3+s2+$0x0], $0xffff;
	_ =	sdelay $0x4  }
0x14e: {  	v1 =	vshll.u32 v1, $0x5  }
0x14f: {  	v2 =	vadd.s32 $0x6000, v1;
	_ =	sdelay $0x4  }
0x150: {  	v3 =	vor.u32 $0x60, v0;
	v2 =	vld.idx.msk [tilespmem:v2+s7+$0x0], $0xffff  }
0x151: {  	v4 =	vadd.s32 $0x6001, v1;
	_ =	sdelay $0x3  }
0x152: {  	[tilespmem:v3+s10+$0x0] =	vst.idx.msk $0xffff, v2  }
0x153: {  	v3 =	vor.u32 $0x61, v0;
	v2 =	vld.idx.msk [tilespmem:v4+s7+$0x0], $0xffff  }
0x154: {  	v4 =	vadd.s32 $0x6002, v1;
	_ =	sdelay $0x3  }
0x155: {  	[tilespmem:v3+s10+$0x0] =	vst.idx.msk $0xffff, v2  }
0x156: {  	v3 =	vor.u32 $0x62, v0;
	v2 =	vld.idx.msk [tilespmem:v4+s7+$0x0], $0xffff  }
0x157: {  	v4 =	vadd.s32 $0x6003, v1;
	_ =	sdelay $0x3  }
0x158: {  	[tilespmem:v3+s10+$0x0] =	vst.idx.msk $0xffff, v2  }
0x159: {  	v3 =	vor.u32 $0x63, v0;
	v2 =	vld.idx.msk [tilespmem:v4+s7+$0x0], $0xffff  }
0x15a: {  	v4 =	vadd.s32 $0x6004, v1;
	_ =	sdelay $0x3  }
0x15b: {  	[tilespmem:v3+s10+$0x0] =	vst.idx.msk $0xffff, v2  }
0x15c: {  	v3 =	vor.u32 $0x64, v0;
	v2 =	vld.idx.msk [tilespmem:v4+s7+$0x0], $0xffff  }
0x15d: {  	v4 =	vadd.s32 $0x6005, v1;
	_ =	sdelay $0x3  }
0x15e: {  	[tilespmem:v3+s10+$0x0] =	vst.idx.msk $0xffff, v2  }
0x15f: {  	v3 =	vor.u32 $0x65, v0;
	v2 =	vld.idx.msk [tilespmem:v4+s7+$0x0], $0xffff  }
0x160: {  	v4 =	vadd.s32 $0x6006, v1;
	_ =	sdelay $0x3  }
0x161: {  	[tilespmem:v3+s10+$0x0] =	vst.idx.msk $0xffff, v2  }
0x162: {  	v3 =	vor.u32 $0x66, v0;
	v2 =	vld.idx.msk [tilespmem:v4+s7+$0x0], $0xffff  }
0x163: {  	v4 =	vadd.s32 $0x6007, v1;
	_ =	sdelay $0x3  }
0x164: {  	[tilespmem:v3+s10+$0x0] =	vst.idx.msk $0xffff, v2  }
0x165: {  	v3 =	vor.u32 $0x67, v0;
	v2 =	vld.idx.msk [tilespmem:v4+s7+$0x0], $0xffff  }
0x166: {  	v4 =	vadd.s32 $0x6008, v1;
	_ =	sdelay $0x3  }
0x167: {  	[tilespmem:v3+s10+$0x0] =	vst.idx.msk $0xffff, v2  }
0x168: {  	v3 =	vor.u32 $0x68, v0;
	v2 =	vld.idx.msk [tilespmem:v4+s7+$0x0], $0xffff  }
0x169: {  	v4 =	vadd.s32 $0x6009, v1;
	_ =	sdelay $0x3  }
0x16a: {  	[tilespmem:v3+s10+$0x0] =	vst.idx.msk $0xffff, v2  }
0x16b: {  	v3 =	vor.u32 $0x69, v0;
	v2 =	vld.idx.msk [tilespmem:v4+s7+$0x0], $0xffff  }
0x16c: {  	v4 =	vadd.s32 $0x600A, v1;
	_ =	sdelay $0x3  }
0x16d: {  	[tilespmem:v3+s10+$0x0] =	vst.idx.msk $0xffff, v2  }
0x16e: {  	v3 =	vor.u32 $0x6A, v0;
	v2 =	vld.idx.msk [tilespmem:v4+s7+$0x0], $0xffff  }
0x16f: {  	v4 =	vadd.s32 $0x600B, v1;
	_ =	sdelay $0x3  }
0x170: {  	[tilespmem:v3+s10+$0x0] =	vst.idx.msk $0xffff, v2  }
0x171: {  	v3 =	vor.u32 $0x6B, v0;
	v2 =	vld.idx.msk [tilespmem:v4+s7+$0x0], $0xffff  }
0x172: {  	v4 =	vadd.s32 $0x600C, v1;
	_ =	sdelay $0x3  }
0x173: {  	[tilespmem:v3+s10+$0x0] =	vst.idx.msk $0xffff, v2  }
0x174: {  	v3 =	vor.u32 $0x6C, v0;
	v2 =	vld.idx.msk [tilespmem:v4+s7+$0x0], $0xffff  }
0x175: {  	v4 =	vadd.s32 $0x600D, v1;
	_ =	sdelay $0x3  }
0x176: {  	[tilespmem:v3+s10+$0x0] =	vst.idx.msk $0xffff, v2  }
0x177: {  	v3 =	vor.u32 $0x6D, v0;
	v2 =	vld.idx.msk [tilespmem:v4+s7+$0x0], $0xffff  }
0x178: {  	v4 =	vadd.s32 $0x600E, v1;
	_ =	sdelay $0x3  }
0x179: {  	[tilespmem:v3+s10+$0x0] =	vst.idx.msk $0xffff, v2  }
0x17a: {  	v3 =	vor.u32 $0x6E, v0;
	v2 =	vld.idx.msk [tilespmem:v4+s7+$0x0], $0xffff  }
0x17b: {  	v4 =	vadd.s32 $0x600F, v1;
	_ =	sdelay $0x3  }
0x17c: {  	[tilespmem:v3+s10+$0x0] =	vst.idx.msk $0xffff, v2  }
0x17d: {  	v3 =	vor.u32 $0x6F, v0;
	v2 =	vld.idx.msk [tilespmem:v4+s7+$0x0], $0xffff  }
0x17e: {  	v4 =	vadd.s32 $0x6010, v1;
	_ =	sdelay $0x3  }
0x17f: {  	[tilespmem:v3+s10+$0x0] =	vst.idx.msk $0xffff, v2  }
0x180: {  	v3 =	vor.u32 $0x70, v0;
	v2 =	vld.idx.msk [tilespmem:v4+s7+$0x0], $0xffff  }
0x181: {  	v4 =	vadd.s32 $0x6011, v1;
	_ =	sdelay $0x3  }
0x182: {  	[tilespmem:v3+s10+$0x0] =	vst.idx.msk $0xffff, v2  }
0x183: {  	v3 =	vor.u32 $0x71, v0;
	v2 =	vld.idx.msk [tilespmem:v4+s7+$0x0], $0xffff  }
0x184: {  	v4 =	vadd.s32 $0x6012, v1;
	_ =	sdelay $0x3  }
0x185: {  	[tilespmem:v3+s10+$0x0] =	vst.idx.msk $0xffff, v2  }
0x186: {  	v3 =	vor.u32 $0x72, v0;
	v2 =	vld.idx.msk [tilespmem:v4+s7+$0x0], $0xffff  }
0x187: {  	v4 =	vadd.s32 $0x6013, v1;
	_ =	sdelay $0x3  }
0x188: {  	[tilespmem:v3+s10+$0x0] =	vst.idx.msk $0xffff, v2  }
0x189: {  	v3 =	vor.u32 $0x73, v0;
	v2 =	vld.idx.msk [tilespmem:v4+s7+$0x0], $0xffff  }
0x18a: {  	v4 =	vadd.s32 $0x6014, v1;
	_ =	sdelay $0x3  }
0x18b: {  	[tilespmem:v3+s10+$0x0] =	vst.idx.msk $0xffff, v2  }
0x18c: {  	v3 =	vor.u32 $0x74, v0;
	v2 =	vld.idx.msk [tilespmem:v4+s7+$0x0], $0xffff  }
0x18d: {  	v4 =	vadd.s32 $0x6015, v1;
	_ =	sdelay $0x3  }
0x18e: {  	[tilespmem:v3+s10+$0x0] =	vst.idx.msk $0xffff, v2  }
0x18f: {  	v3 =	vor.u32 $0x75, v0;
	v2 =	vld.idx.msk [tilespmem:v4+s7+$0x0], $0xffff  }
0x190: {  	v4 =	vadd.s32 $0x6016, v1;
	_ =	sdelay $0x3  }
0x191: {  	[tilespmem:v3+s10+$0x0] =	vst.idx.msk $0xffff, v2  }
0x192: {  	v3 =	vor.u32 $0x76, v0;
	v2 =	vld.idx.msk [tilespmem:v4+s7+$0x0], $0xffff  }
0x193: {  	v4 =	vadd.s32 $0x6017, v1;
	_ =	sdelay $0x3  }
0x194: {  	[tilespmem:v3+s10+$0x0] =	vst.idx.msk $0xffff, v2  }
0x195: {  	v3 =	vor.u32 $0x77, v0;
	v2 =	vld.idx.msk [tilespmem:v4+s7+$0x0], $0xffff  }
0x196: {  	v4 =	vadd.s32 $0x6018, v1;
	_ =	sdelay $0x3  }
0x197: {  	[tilespmem:v3+s10+$0x0] =	vst.idx.msk $0xffff, v2  }
0x198: {  	v3 =	vor.u32 $0x78, v0;
	v2 =	vld.idx.msk [tilespmem:v4+s7+$0x0], $0xffff  }
0x199: {  	v4 =	vadd.s32 $0x6019, v1;
	_ =	sdelay $0x3  }
0x19a: {  	[tilespmem:v3+s10+$0x0] =	vst.idx.msk $0xffff, v2  }
0x19b: {  	v3 =	vor.u32 $0x79, v0;
	v2 =	vld.idx.msk [tilespmem:v4+s7+$0x0], $0xffff  }
0x19c: {  	v4 =	vadd.s32 $0x601A, v1;
	_ =	sdelay $0x3  }
0x19d: {  	[tilespmem:v3+s10+$0x0] =	vst.idx.msk $0xffff, v2  }
0x19e: {  	v3 =	vor.u32 $0x7A, v0;
	v2 =	vld.idx.msk [tilespmem:v4+s7+$0x0], $0xffff  }
0x19f: {  	v4 =	vadd.s32 $0x601B, v1;
	_ =	sdelay $0x3  }
0x1a0: {  	[tilespmem:v3+s10+$0x0] =	vst.idx.msk $0xffff, v2  }
0x1a1: {  	v3 =	vor.u32 $0x7B, v0;
	v2 =	vld.idx.msk [tilespmem:v4+s7+$0x0], $0xffff  }
0x1a2: {  	v4 =	vadd.s32 $0x601C, v1;
	_ =	sdelay $0x3  }
0x1a3: {  	[tilespmem:v3+s10+$0x0] =	vst.idx.msk $0xffff, v2  }
0x1a4: {  	v3 =	vor.u32 $0x7C, v0;
	v2 =	vld.idx.msk [tilespmem:v4+s7+$0x0], $0xffff  }
0x1a5: {  	v4 =	vadd.s32 $0x601D, v1;
	_ =	sdelay $0x3  }
0x1a6: {  	[tilespmem:v3+s10+$0x0] =	vst.idx.msk $0xffff, v2  }
0x1a7: {  	v3 =	vor.u32 $0x7D, v0;
	v2 =	vld.idx.msk [tilespmem:v4+s7+$0x0], $0xffff  }
0x1a8: {  	v4 =	vadd.s32 $0x601E, v1;
	_ =	sdelay $0x3  }
0x1a9: {  	[tilespmem:v3+s10+$0x0] =	vst.idx.msk $0xffff, v2  }
0x1aa: {  	v3 =	vor.u32 $0x7E, v0;
	v2 =	vld.idx.msk [tilespmem:v4+s7+$0x0], $0xffff  }
0x1ab: {  	v1 =	vadd.s32 $0x601F, v1;
	_ =	sdelay $0x3  }
0x1ac: {  	[tilespmem:v3+s10+$0x0] =	vst.idx.msk $0xffff, v2  }
0x1ad: {  	v2 =	vor.u32 $0x7F, v0;
	v1 =	vld.idx.msk [tilespmem:v1+s7+$0x0], $0xffff  }
0x1ae: {  	v3 =	vor.u32 $0x4, v63;
	_ =	sdelay $0x3  }
0x1af: {  	[tilespmem:v2+s10+$0x0] =	vst.idx.msk $0xffff, v1  }
0x1b0: {  	v1 =	vld.idx.msk [tilespmem:v3+s2+$0x0], $0xffff;
	_ =	sdelay $0x4  }
0x1b1: {  	v1 =	vshll.u32 v1, $0x5  }
0x1b2: {  	v2 =	vadd.s32 $0x8000, v1;
	_ =	sdelay $0x4  }
0x1b3: {  	v3 =	vor.u32 $0x80, v0;
	v2 =	vld.idx.msk [tilespmem:v2+s7+$0x0], $0xffff  }
0x1b4: {  	v4 =	vadd.s32 $0x8001, v1;
	_ =	sdelay $0x3  }
0x1b5: {  	[tilespmem:v3+s10+$0x0] =	vst.idx.msk $0xffff, v2  }
0x1b6: {  	v3 =	vor.u32 $0x81, v0;
	v2 =	vld.idx.msk [tilespmem:v4+s7+$0x0], $0xffff  }
0x1b7: {  	v4 =	vadd.s32 $0x8002, v1;
	_ =	sdelay $0x3  }
0x1b8: {  	[tilespmem:v3+s10+$0x0] =	vst.idx.msk $0xffff, v2  }
0x1b9: {  	v3 =	vor.u32 $0x82, v0;
	v2 =	vld.idx.msk [tilespmem:v4+s7+$0x0], $0xffff  }
0x1ba: {  	v4 =	vadd.s32 $0x8003, v1;
	_ =	sdelay $0x3  }
0x1bb: {  	[tilespmem:v3+s10+$0x0] =	vst.idx.msk $0xffff, v2  }
0x1bc: {  	v3 =	vor.u32 $0x83, v0;
	v2 =	vld.idx.msk [tilespmem:v4+s7+$0x0], $0xffff  }
0x1bd: {  	v4 =	vadd.s32 $0x8004, v1;
	_ =	sdelay $0x3  }
0x1be: {  	[tilespmem:v3+s10+$0x0] =	vst.idx.msk $0xffff, v2  }
0x1bf: {  	v3 =	vor.u32 $0x84, v0;
	v2 =	vld.idx.msk [tilespmem:v4+s7+$0x0], $0xffff  }
0x1c0: {  	v4 =	vadd.s32 $0x8005, v1;
	_ =	sdelay $0x3  }
0x1c1: {  	[tilespmem:v3+s10+$0x0] =	vst.idx.msk $0xffff, v2  }
0x1c2: {  	v3 =	vor.u32 $0x85, v0;
	v2 =	vld.idx.msk [tilespmem:v4+s7+$0x0], $0xffff  }
0x1c3: {  	v4 =	vadd.s32 $0x8006, v1;
	_ =	sdelay $0x3  }
0x1c4: {  	[tilespmem:v3+s10+$0x0] =	vst.idx.msk $0xffff, v2  }
0x1c5: {  	v3 =	vor.u32 $0x86, v0;
	v2 =	vld.idx.msk [tilespmem:v4+s7+$0x0], $0xffff  }
0x1c6: {  	v4 =	vadd.s32 $0x8007, v1;
	_ =	sdelay $0x3  }
0x1c7: {  	[tilespmem:v3+s10+$0x0] =	vst.idx.msk $0xffff, v2  }
0x1c8: {  	v3 =	vor.u32 $0x87, v0;
	v2 =	vld.idx.msk [tilespmem:v4+s7+$0x0], $0xffff  }
0x1c9: {  	v4 =	vadd.s32 $0x8008, v1;
	_ =	sdelay $0x3  }
0x1ca: {  	[tilespmem:v3+s10+$0x0] =	vst.idx.msk $0xffff, v2  }
0x1cb: {  	v3 =	vor.u32 $0x88, v0;
	v2 =	vld.idx.msk [tilespmem:v4+s7+$0x0], $0xffff  }
0x1cc: {  	v4 =	vadd.s32 $0x8009, v1;
	_ =	sdelay $0x3  }
0x1cd: {  	[tilespmem:v3+s10+$0x0] =	vst.idx.msk $0xffff, v2  }
0x1ce: {  	v3 =	vor.u32 $0x89, v0;
	v2 =	vld.idx.msk [tilespmem:v4+s7+$0x0], $0xffff  }
0x1cf: {  	v4 =	vadd.s32 $0x800A, v1;
	_ =	sdelay $0x3  }
0x1d0: {  	[tilespmem:v3+s10+$0x0] =	vst.idx.msk $0xffff, v2  }
0x1d1: {  	v3 =	vor.u32 $0x8A, v0;
	v2 =	vld.idx.msk [tilespmem:v4+s7+$0x0], $0xffff  }
0x1d2: {  	v4 =	vadd.s32 $0x800B, v1;
	_ =	sdelay $0x3  }
0x1d3: {  	[tilespmem:v3+s10+$0x0] =	vst.idx.msk $0xffff, v2  }
0x1d4: {  	v3 =	vor.u32 $0x8B, v0;
	v2 =	vld.idx.msk [tilespmem:v4+s7+$0x0], $0xffff  }
0x1d5: {  	v4 =	vadd.s32 $0x800C, v1;
	_ =	sdelay $0x3  }
0x1d6: {  	[tilespmem:v3+s10+$0x0] =	vst.idx.msk $0xffff, v2  }
0x1d7: {  	v3 =	vor.u32 $0x8C, v0;
	v2 =	vld.idx.msk [tilespmem:v4+s7+$0x0], $0xffff  }
0x1d8: {  	v4 =	vadd.s32 $0x800D, v1;
	_ =	sdelay $0x3  }
0x1d9: {  	[tilespmem:v3+s10+$0x0] =	vst.idx.msk $0xffff, v2  }
0x1da: {  	v3 =	vor.u32 $0x8D, v0;
	v2 =	vld.idx.msk [tilespmem:v4+s7+$0x0], $0xffff  }
0x1db: {  	v4 =	vadd.s32 $0x800E, v1;
	_ =	sdelay $0x3  }
0x1dc: {  	[tilespmem:v3+s10+$0x0] =	vst.idx.msk $0xffff, v2  }
0x1dd: {  	v3 =	vor.u32 $0x8E, v0;
	v2 =	vld.idx.msk [tilespmem:v4+s7+$0x0], $0xffff  }
0x1de: {  	v4 =	vadd.s32 $0x800F, v1;
	_ =	sdelay $0x3  }
0x1df: {  	[tilespmem:v3+s10+$0x0] =	vst.idx.msk $0xffff, v2  }
0x1e0: {  	v3 =	vor.u32 $0x8F, v0;
	v2 =	vld.idx.msk [tilespmem:v4+s7+$0x0], $0xffff  }
0x1e1: {  	v4 =	vadd.s32 $0x8010, v1;
	_ =	sdelay $0x3  }
0x1e2: {  	[tilespmem:v3+s10+$0x0] =	vst.idx.msk $0xffff, v2  }
0x1e3: {  	v3 =	vor.u32 $0x90, v0;
	v2 =	vld.idx.msk [tilespmem:v4+s7+$0x0], $0xffff  }
0x1e4: {  	v4 =	vadd.s32 $0x8011, v1;
	_ =	sdelay $0x3  }
0x1e5: {  	[tilespmem:v3+s10+$0x0] =	vst.idx.msk $0xffff, v2  }
0x1e6: {  	v3 =	vor.u32 $0x91, v0;
	v2 =	vld.idx.msk [tilespmem:v4+s7+$0x0], $0xffff  }
0x1e7: {  	v4 =	vadd.s32 $0x8012, v1;
	_ =	sdelay $0x3  }
0x1e8: {  	[tilespmem:v3+s10+$0x0] =	vst.idx.msk $0xffff, v2  }
0x1e9: {  	v3 =	vor.u32 $0x92, v0;
	v2 =	vld.idx.msk [tilespmem:v4+s7+$0x0], $0xffff  }
0x1ea: {  	v4 =	vadd.s32 $0x8013, v1;
	_ =	sdelay $0x3  }
0x1eb: {  	[tilespmem:v3+s10+$0x0] =	vst.idx.msk $0xffff, v2  }
0x1ec: {  	v3 =	vor.u32 $0x93, v0;
	v2 =	vld.idx.msk [tilespmem:v4+s7+$0x0], $0xffff  }
0x1ed: {  	v4 =	vadd.s32 $0x8014, v1;
	_ =	sdelay $0x3  }
0x1ee: {  	[tilespmem:v3+s10+$0x0] =	vst.idx.msk $0xffff, v2  }
0x1ef: {  	v3 =	vor.u32 $0x94, v0;
	v2 =	vld.idx.msk [tilespmem:v4+s7+$0x0], $0xffff  }
0x1f0: {  	v4 =	vadd.s32 $0x8015, v1;
	_ =	sdelay $0x3  }
0x1f1: {  	[tilespmem:v3+s10+$0x0] =	vst.idx.msk $0xffff, v2  }
0x1f2: {  	v3 =	vor.u32 $0x95, v0;
	v2 =	vld.idx.msk [tilespmem:v4+s7+$0x0], $0xffff  }
0x1f3: {  	v4 =	vadd.s32 $0x8016, v1;
	_ =	sdelay $0x3  }
0x1f4: {  	[tilespmem:v3+s10+$0x0] =	vst.idx.msk $0xffff, v2  }
0x1f5: {  	v3 =	vor.u32 $0x96, v0;
	v2 =	vld.idx.msk [tilespmem:v4+s7+$0x0], $0xffff  }
0x1f6: {  	v4 =	vadd.s32 $0x8017, v1;
	_ =	sdelay $0x3  }
0x1f7: {  	[tilespmem:v3+s10+$0x0] =	vst.idx.msk $0xffff, v2  }
0x1f8: {  	v3 =	vor.u32 $0x97, v0;
	v2 =	vld.idx.msk [tilespmem:v4+s7+$0x0], $0xffff  }
0x1f9: {  	v4 =	vadd.s32 $0x8018, v1;
	_ =	sdelay $0x3  }
0x1fa: {  	[tilespmem:v3+s10+$0x0] =	vst.idx.msk $0xffff, v2  }
0x1fb: {  	v3 =	vor.u32 $0x98, v0;
	v2 =	vld.idx.msk [tilespmem:v4+s7+$0x0], $0xffff  }
0x1fc: {  	v4 =	vadd.s32 $0x8019, v1;
	_ =	sdelay $0x3  }
0x1fd: {  	[tilespmem:v3+s10+$0x0] =	vst.idx.msk $0xffff, v2  }
0x1fe: {  	v3 =	vor.u32 $0x99, v0;
	v2 =	vld.idx.msk [tilespmem:v4+s7+$0x0], $0xffff  }
0x1ff: {  	v4 =	vadd.s32 $0x801A, v1;
	_ =	sdelay $0x3  }
0x200: {  	[tilespmem:v3+s10+$0x0] =	vst.idx.msk $0xffff, v2  }
0x201: {  	v3 =	vor.u32 $0x9A, v0;
	v2 =	vld.idx.msk [tilespmem:v4+s7+$0x0], $0xffff  }
0x202: {  	v4 =	vadd.s32 $0x801B, v1;
	_ =	sdelay $0x3  }
0x203: {  	[tilespmem:v3+s10+$0x0] =	vst.idx.msk $0xffff, v2  }
0x204: {  	v3 =	vor.u32 $0x9B, v0;
	v2 =	vld.idx.msk [tilespmem:v4+s7+$0x0], $0xffff  }
0x205: {  	v4 =	vadd.s32 $0x801C, v1;
	_ =	sdelay $0x3  }
0x206: {  	[tilespmem:v3+s10+$0x0] =	vst.idx.msk $0xffff, v2  }
0x207: {  	v3 =	vor.u32 $0x9C, v0;
	v2 =	vld.idx.msk [tilespmem:v4+s7+$0x0], $0xffff  }
0x208: {  	v4 =	vadd.s32 $0x801D, v1;
	_ =	sdelay $0x3  }
0x209: {  	[tilespmem:v3+s10+$0x0] =	vst.idx.msk $0xffff, v2  }
0x20a: {  	v3 =	vor.u32 $0x9D, v0;
	v2 =	vld.idx.msk [tilespmem:v4+s7+$0x0], $0xffff  }
0x20b: {  	v4 =	vadd.s32 $0x801E, v1;
	_ =	sdelay $0x3  }
0x20c: {  	[tilespmem:v3+s10+$0x0] =	vst.idx.msk $0xffff, v2  }
0x20d: {  	v3 =	vor.u32 $0x9E, v0;
	v2 =	vld.idx.msk [tilespmem:v4+s7+$0x0], $0xffff  }
0x20e: {  	v1 =	vadd.s32 $0x801F, v1;
	_ =	sdelay $0x3  }
0x20f: {  	[tilespmem:v3+s10+$0x0] =	vst.idx.msk $0xffff, v2  }
0x210: {  	v2 =	vor.u32 $0x9F, v0;
	v1 =	vld.idx.msk [tilespmem:v1+s7+$0x0], $0xffff  }
0x211: {  	v3 =	vor.u32 $0x5, v63;
	_ =	sdelay $0x3  }
0x212: {  	[tilespmem:v2+s10+$0x0] =	vst.idx.msk $0xffff, v1  }
0x213: {  	v1 =	vld.idx.msk [tilespmem:v3+s2+$0x0], $0xffff;
	_ =	sdelay $0x4  }
0x214: {  	v1 =	vshll.u32 v1, $0x5  }
0x215: {  	v2 =	vadd.s32 $0xA000, v1;
	_ =	sdelay $0x4  }
0x216: {  	v3 =	vor.u32 $0xA0, v0;
	v2 =	vld.idx.msk [tilespmem:v2+s7+$0x0], $0xffff  }
0x217: {  	v4 =	vadd.s32 $0xA001, v1;
	_ =	sdelay $0x3  }
0x218: {  	[tilespmem:v3+s10+$0x0] =	vst.idx.msk $0xffff, v2  }
0x219: {  	v3 =	vor.u32 $0xA1, v0;
	v2 =	vld.idx.msk [tilespmem:v4+s7+$0x0], $0xffff  }
0x21a: {  	v4 =	vadd.s32 $0xA002, v1;
	_ =	sdelay $0x3  }
0x21b: {  	[tilespmem:v3+s10+$0x0] =	vst.idx.msk $0xffff, v2  }
0x21c: {  	v3 =	vor.u32 $0xA2, v0;
	v2 =	vld.idx.msk [tilespmem:v4+s7+$0x0], $0xffff  }
0x21d: {  	v4 =	vadd.s32 $0xA003, v1;
	_ =	sdelay $0x3  }
0x21e: {  	[tilespmem:v3+s10+$0x0] =	vst.idx.msk $0xffff, v2  }
0x21f: {  	v3 =	vor.u32 $0xA3, v0;
	v2 =	vld.idx.msk [tilespmem:v4+s7+$0x0], $0xffff  }
0x220: {  	v4 =	vadd.s32 $0xA004, v1;
	_ =	sdelay $0x3  }
0x221: {  	[tilespmem:v3+s10+$0x0] =	vst.idx.msk $0xffff, v2  }
0x222: {  	v3 =	vor.u32 $0xA4, v0;
	v2 =	vld.idx.msk [tilespmem:v4+s7+$0x0], $0xffff  }
0x223: {  	v4 =	vadd.s32 $0xA005, v1;
	_ =	sdelay $0x3  }
0x224: {  	[tilespmem:v3+s10+$0x0] =	vst.idx.msk $0xffff, v2  }
0x225: {  	v3 =	vor.u32 $0xA5, v0;
	v2 =	vld.idx.msk [tilespmem:v4+s7+$0x0], $0xffff  }
0x226: {  	v4 =	vadd.s32 $0xA006, v1;
	_ =	sdelay $0x3  }
0x227: {  	[tilespmem:v3+s10+$0x0] =	vst.idx.msk $0xffff, v2  }
0x228: {  	v3 =	vor.u32 $0xA6, v0;
	v2 =	vld.idx.msk [tilespmem:v4+s7+$0x0], $0xffff  }
0x229: {  	v4 =	vadd.s32 $0xA007, v1;
	_ =	sdelay $0x3  }
0x22a: {  	[tilespmem:v3+s10+$0x0] =	vst.idx.msk $0xffff, v2  }
0x22b: {  	v3 =	vor.u32 $0xA7, v0;
	v2 =	vld.idx.msk [tilespmem:v4+s7+$0x0], $0xffff  }
0x22c: {  	v4 =	vadd.s32 $0xA008, v1;
	_ =	sdelay $0x3  }
0x22d: {  	[tilespmem:v3+s10+$0x0] =	vst.idx.msk $0xffff, v2  }
0x22e: {  	v3 =	vor.u32 $0xA8, v0;
	v2 =	vld.idx.msk [tilespmem:v4+s7+$0x0], $0xffff  }
0x22f: {  	v4 =	vadd.s32 $0xA009, v1;
	_ =	sdelay $0x3  }
0x230: {  	[tilespmem:v3+s10+$0x0] =	vst.idx.msk $0xffff, v2  }
0x231: {  	v3 =	vor.u32 $0xA9, v0;
	v2 =	vld.idx.msk [tilespmem:v4+s7+$0x0], $0xffff  }
0x232: {  	v4 =	vadd.s32 $0xA00A, v1;
	_ =	sdelay $0x3  }
0x233: {  	[tilespmem:v3+s10+$0x0] =	vst.idx.msk $0xffff, v2  }
0x234: {  	v3 =	vor.u32 $0xAA, v0;
	v2 =	vld.idx.msk [tilespmem:v4+s7+$0x0], $0xffff  }
0x235: {  	v4 =	vadd.s32 $0xA00B, v1;
	_ =	sdelay $0x3  }
0x236: {  	[tilespmem:v3+s10+$0x0] =	vst.idx.msk $0xffff, v2  }
0x237: {  	v3 =	vor.u32 $0xAB, v0;
	v2 =	vld.idx.msk [tilespmem:v4+s7+$0x0], $0xffff  }
0x238: {  	v4 =	vadd.s32 $0xA00C, v1;
	_ =	sdelay $0x3  }
0x239: {  	[tilespmem:v3+s10+$0x0] =	vst.idx.msk $0xffff, v2  }
0x23a: {  	v3 =	vor.u32 $0xAC, v0;
	v2 =	vld.idx.msk [tilespmem:v4+s7+$0x0], $0xffff  }
0x23b: {  	v4 =	vadd.s32 $0xA00D, v1;
	_ =	sdelay $0x3  }
0x23c: {  	[tilespmem:v3+s10+$0x0] =	vst.idx.msk $0xffff, v2  }
0x23d: {  	v3 =	vor.u32 $0xAD, v0;
	v2 =	vld.idx.msk [tilespmem:v4+s7+$0x0], $0xffff  }
0x23e: {  	v4 =	vadd.s32 $0xA00E, v1;
	_ =	sdelay $0x3  }
0x23f: {  	[tilespmem:v3+s10+$0x0] =	vst.idx.msk $0xffff, v2  }
0x240: {  	v3 =	vor.u32 $0xAE, v0;
	v2 =	vld.idx.msk [tilespmem:v4+s7+$0x0], $0xffff  }
0x241: {  	v4 =	vadd.s32 $0xA00F, v1;
	_ =	sdelay $0x3  }
0x242: {  	[tilespmem:v3+s10+$0x0] =	vst.idx.msk $0xffff, v2  }
0x243: {  	v3 =	vor.u32 $0xAF, v0;
	v2 =	vld.idx.msk [tilespmem:v4+s7+$0x0], $0xffff  }
0x244: {  	v4 =	vadd.s32 $0xA010, v1;
	_ =	sdelay $0x3  }
0x245: {  	[tilespmem:v3+s10+$0x0] =	vst.idx.msk $0xffff, v2  }
0x246: {  	v3 =	vor.u32 $0xB0, v0;
	v2 =	vld.idx.msk [tilespmem:v4+s7+$0x0], $0xffff  }
0x247: {  	v4 =	vadd.s32 $0xA011, v1;
	_ =	sdelay $0x3  }
0x248: {  	[tilespmem:v3+s10+$0x0] =	vst.idx.msk $0xffff, v2  }
0x249: {  	v3 =	vor.u32 $0xB1, v0;
	v2 =	vld.idx.msk [tilespmem:v4+s7+$0x0], $0xffff  }
0x24a: {  	v4 =	vadd.s32 $0xA012, v1;
	_ =	sdelay $0x3  }
0x24b: {  	[tilespmem:v3+s10+$0x0] =	vst.idx.msk $0xffff, v2  }
0x24c: {  	v3 =	vor.u32 $0xB2, v0;
	v2 =	vld.idx.msk [tilespmem:v4+s7+$0x0], $0xffff  }
0x24d: {  	v4 =	vadd.s32 $0xA013, v1;
	_ =	sdelay $0x3  }
0x24e: {  	[tilespmem:v3+s10+$0x0] =	vst.idx.msk $0xffff, v2  }
0x24f: {  	v3 =	vor.u32 $0xB3, v0;
	v2 =	vld.idx.msk [tilespmem:v4+s7+$0x0], $0xffff  }
0x250: {  	v4 =	vadd.s32 $0xA014, v1;
	_ =	sdelay $0x3  }
0x251: {  	[tilespmem:v3+s10+$0x0] =	vst.idx.msk $0xffff, v2  }
0x252: {  	v3 =	vor.u32 $0xB4, v0;
	v2 =	vld.idx.msk [tilespmem:v4+s7+$0x0], $0xffff  }
0x253: {  	v4 =	vadd.s32 $0xA015, v1;
	_ =	sdelay $0x3  }
0x254: {  	[tilespmem:v3+s10+$0x0] =	vst.idx.msk $0xffff, v2  }
0x255: {  	v3 =	vor.u32 $0xB5, v0;
	v2 =	vld.idx.msk [tilespmem:v4+s7+$0x0], $0xffff  }
0x256: {  	v4 =	vadd.s32 $0xA016, v1;
	_ =	sdelay $0x3  }
0x257: {  	[tilespmem:v3+s10+$0x0] =	vst.idx.msk $0xffff, v2  }
0x258: {  	v3 =	vor.u32 $0xB6, v0;
	v2 =	vld.idx.msk [tilespmem:v4+s7+$0x0], $0xffff  }
0x259: {  	v4 =	vadd.s32 $0xA017, v1;
	_ =	sdelay $0x3  }
0x25a: {  	[tilespmem:v3+s10+$0x0] =	vst.idx.msk $0xffff, v2  }
0x25b: {  	v3 =	vor.u32 $0xB7, v0;
	v2 =	vld.idx.msk [tilespmem:v4+s7+$0x0], $0xffff  }
0x25c: {  	v4 =	vadd.s32 $0xA018, v1;
	_ =	sdelay $0x3  }
0x25d: {  	[tilespmem:v3+s10+$0x0] =	vst.idx.msk $0xffff, v2  }
0x25e: {  	v3 =	vor.u32 $0xB8, v0;
	v2 =	vld.idx.msk [tilespmem:v4+s7+$0x0], $0xffff  }
0x25f: {  	v4 =	vadd.s32 $0xA019, v1;
	_ =	sdelay $0x3  }
0x260: {  	[tilespmem:v3+s10+$0x0] =	vst.idx.msk $0xffff, v2  }
0x261: {  	v3 =	vor.u32 $0xB9, v0;
	v2 =	vld.idx.msk [tilespmem:v4+s7+$0x0], $0xffff  }
0x262: {  	v4 =	vadd.s32 $0xA01A, v1;
	_ =	sdelay $0x3  }
0x263: {  	[tilespmem:v3+s10+$0x0] =	vst.idx.msk $0xffff, v2  }
0x264: {  	v3 =	vor.u32 $0xBA, v0;
	v2 =	vld.idx.msk [tilespmem:v4+s7+$0x0], $0xffff  }
0x265: {  	v4 =	vadd.s32 $0xA01B, v1;
	_ =	sdelay $0x3  }
0x266: {  	[tilespmem:v3+s10+$0x0] =	vst.idx.msk $0xffff, v2  }
0x267: {  	v3 =	vor.u32 $0xBB, v0;
	v2 =	vld.idx.msk [tilespmem:v4+s7+$0x0], $0xffff  }
0x268: {  	v4 =	vadd.s32 $0xA01C, v1;
	_ =	sdelay $0x3  }
0x269: {  	[tilespmem:v3+s10+$0x0] =	vst.idx.msk $0xffff, v2  }
0x26a: {  	v3 =	vor.u32 $0xBC, v0;
	v2 =	vld.idx.msk [tilespmem:v4+s7+$0x0], $0xffff  }
0x26b: {  	v4 =	vadd.s32 $0xA01D, v1;
	_ =	sdelay $0x3  }
0x26c: {  	[tilespmem:v3+s10+$0x0] =	vst.idx.msk $0xffff, v2  }
0x26d: {  	v3 =	vor.u32 $0xBD, v0;
	v2 =	vld.idx.msk [tilespmem:v4+s7+$0x0], $0xffff  }
0x26e: {  	v4 =	vadd.s32 $0xA01E, v1;
	_ =	sdelay $0x3  }
0x26f: {  	[tilespmem:v3+s10+$0x0] =	vst.idx.msk $0xffff, v2  }
0x270: {  	v3 =	vor.u32 $0xBE, v0;
	v2 =	vld.idx.msk [tilespmem:v4+s7+$0x0], $0xffff  }
0x271: {  	v1 =	vadd.s32 $0xA01F, v1;
	_ =	sdelay $0x3  }
0x272: {  	[tilespmem:v3+s10+$0x0] =	vst.idx.msk $0xffff, v2  }
0x273: {  	v2 =	vor.u32 $0xBF, v0;
	v1 =	vld.idx.msk [tilespmem:v1+s7+$0x0], $0xffff  }
0x274: {  	v3 =	vor.u32 $0x6, v63;
	_ =	sdelay $0x3  }
0x275: {  	[tilespmem:v2+s10+$0x0] =	vst.idx.msk $0xffff, v1  }
0x276: {  	v1 =	vld.idx.msk [tilespmem:v3+s2+$0x0], $0xffff;
	_ =	sdelay $0x4  }
0x277: {  	v1 =	vshll.u32 v1, $0x5  }
0x278: {  	v2 =	vadd.s32 $0xC000, v1;
	_ =	sdelay $0x4  }
0x279: {  	v3 =	vor.u32 $0xC0, v0;
	v2 =	vld.idx.msk [tilespmem:v2+s7+$0x0], $0xffff  }
0x27a: {  	v4 =	vadd.s32 $0xC001, v1;
	_ =	sdelay $0x3  }
0x27b: {  	[tilespmem:v3+s10+$0x0] =	vst.idx.msk $0xffff, v2  }
0x27c: {  	v3 =	vor.u32 $0xC1, v0;
	v2 =	vld.idx.msk [tilespmem:v4+s7+$0x0], $0xffff  }
0x27d: {  	v4 =	vadd.s32 $0xC002, v1;
	_ =	sdelay $0x3  }
0x27e: {  	[tilespmem:v3+s10+$0x0] =	vst.idx.msk $0xffff, v2  }
0x27f: {  	v3 =	vor.u32 $0xC2, v0;
	v2 =	vld.idx.msk [tilespmem:v4+s7+$0x0], $0xffff  }
0x280: {  	v4 =	vadd.s32 $0xC003, v1;
	_ =	sdelay $0x3  }
0x281: {  	[tilespmem:v3+s10+$0x0] =	vst.idx.msk $0xffff, v2  }
0x282: {  	v3 =	vor.u32 $0xC3, v0;
	v2 =	vld.idx.msk [tilespmem:v4+s7+$0x0], $0xffff  }
0x283: {  	v4 =	vadd.s32 $0xC004, v1;
	_ =	sdelay $0x3  }
0x284: {  	[tilespmem:v3+s10+$0x0] =	vst.idx.msk $0xffff, v2  }
0x285: {  	v3 =	vor.u32 $0xC4, v0;
	v2 =	vld.idx.msk [tilespmem:v4+s7+$0x0], $0xffff  }
0x286: {  	v4 =	vadd.s32 $0xC005, v1;
	_ =	sdelay $0x3  }
0x287: {  	[tilespmem:v3+s10+$0x0] =	vst.idx.msk $0xffff, v2  }
0x288: {  	v3 =	vor.u32 $0xC5, v0;
	v2 =	vld.idx.msk [tilespmem:v4+s7+$0x0], $0xffff  }
0x289: {  	v4 =	vadd.s32 $0xC006, v1;
	_ =	sdelay $0x3  }
0x28a: {  	[tilespmem:v3+s10+$0x0] =	vst.idx.msk $0xffff, v2  }
0x28b: {  	v3 =	vor.u32 $0xC6, v0;
	v2 =	vld.idx.msk [tilespmem:v4+s7+$0x0], $0xffff  }
0x28c: {  	v4 =	vadd.s32 $0xC007, v1;
	_ =	sdelay $0x3  }
0x28d: {  	[tilespmem:v3+s10+$0x0] =	vst.idx.msk $0xffff, v2  }
0x28e: {  	v3 =	vor.u32 $0xC7, v0;
	v2 =	vld.idx.msk [tilespmem:v4+s7+$0x0], $0xffff  }
0x28f: {  	v4 =	vadd.s32 $0xC008, v1;
	_ =	sdelay $0x3  }
0x290: {  	[tilespmem:v3+s10+$0x0] =	vst.idx.msk $0xffff, v2  }
0x291: {  	v3 =	vor.u32 $0xC8, v0;
	v2 =	vld.idx.msk [tilespmem:v4+s7+$0x0], $0xffff  }
0x292: {  	v4 =	vadd.s32 $0xC009, v1;
	_ =	sdelay $0x3  }
0x293: {  	[tilespmem:v3+s10+$0x0] =	vst.idx.msk $0xffff, v2  }
0x294: {  	v3 =	vor.u32 $0xC9, v0;
	v2 =	vld.idx.msk [tilespmem:v4+s7+$0x0], $0xffff  }
0x295: {  	v4 =	vadd.s32 $0xC00A, v1;
	_ =	sdelay $0x3  }
0x296: {  	[tilespmem:v3+s10+$0x0] =	vst.idx.msk $0xffff, v2  }
0x297: {  	v3 =	vor.u32 $0xCA, v0;
	v2 =	vld.idx.msk [tilespmem:v4+s7+$0x0], $0xffff  }
0x298: {  	v4 =	vadd.s32 $0xC00B, v1;
	_ =	sdelay $0x3  }
0x299: {  	[tilespmem:v3+s10+$0x0] =	vst.idx.msk $0xffff, v2  }
0x29a: {  	v3 =	vor.u32 $0xCB, v0;
	v2 =	vld.idx.msk [tilespmem:v4+s7+$0x0], $0xffff  }
0x29b: {  	v4 =	vadd.s32 $0xC00C, v1;
	_ =	sdelay $0x3  }
0x29c: {  	[tilespmem:v3+s10+$0x0] =	vst.idx.msk $0xffff, v2  }
0x29d: {  	v3 =	vor.u32 $0xCC, v0;
	v2 =	vld.idx.msk [tilespmem:v4+s7+$0x0], $0xffff  }
0x29e: {  	v4 =	vadd.s32 $0xC00D, v1;
	_ =	sdelay $0x3  }
0x29f: {  	[tilespmem:v3+s10+$0x0] =	vst.idx.msk $0xffff, v2  }
0x2a0: {  	v3 =	vor.u32 $0xCD, v0;
	v2 =	vld.idx.msk [tilespmem:v4+s7+$0x0], $0xffff  }
0x2a1: {  	v4 =	vadd.s32 $0xC00E, v1;
	_ =	sdelay $0x3  }
0x2a2: {  	[tilespmem:v3+s10+$0x0] =	vst.idx.msk $0xffff, v2  }
0x2a3: {  	v3 =	vor.u32 $0xCE, v0;
	v2 =	vld.idx.msk [tilespmem:v4+s7+$0x0], $0xffff  }
0x2a4: {  	v4 =	vadd.s32 $0xC00F, v1;
	_ =	sdelay $0x3  }
0x2a5: {  	[tilespmem:v3+s10+$0x0] =	vst.idx.msk $0xffff, v2  }
0x2a6: {  	v3 =	vor.u32 $0xCF, v0;
	v2 =	vld.idx.msk [tilespmem:v4+s7+$0x0], $0xffff  }
0x2a7: {  	v4 =	vadd.s32 $0xC010, v1;
	_ =	sdelay $0x3  }
0x2a8: {  	[tilespmem:v3+s10+$0x0] =	vst.idx.msk $0xffff, v2  }
0x2a9: {  	v3 =	vor.u32 $0xD0, v0;
	v2 =	vld.idx.msk [tilespmem:v4+s7+$0x0], $0xffff  }
0x2aa: {  	v4 =	vadd.s32 $0xC011, v1;
	_ =	sdelay $0x3  }
0x2ab: {  	[tilespmem:v3+s10+$0x0] =	vst.idx.msk $0xffff, v2  }
0x2ac: {  	v3 =	vor.u32 $0xD1, v0;
	v2 =	vld.idx.msk [tilespmem:v4+s7+$0x0], $0xffff  }
0x2ad: {  	v4 =	vadd.s32 $0xC012, v1;
	_ =	sdelay $0x3  }
0x2ae: {  	[tilespmem:v3+s10+$0x0] =	vst.idx.msk $0xffff, v2  }
0x2af: {  	v3 =	vor.u32 $0xD2, v0;
	v2 =	vld.idx.msk [tilespmem:v4+s7+$0x0], $0xffff  }
0x2b0: {  	v4 =	vadd.s32 $0xC013, v1;
	_ =	sdelay $0x3  }
0x2b1: {  	[tilespmem:v3+s10+$0x0] =	vst.idx.msk $0xffff, v2  }
0x2b2: {  	v3 =	vor.u32 $0xD3, v0;
	v2 =	vld.idx.msk [tilespmem:v4+s7+$0x0], $0xffff  }
0x2b3: {  	v4 =	vadd.s32 $0xC014, v1;
	_ =	sdelay $0x3  }
0x2b4: {  	[tilespmem:v3+s10+$0x0] =	vst.idx.msk $0xffff, v2  }
0x2b5: {  	v3 =	vor.u32 $0xD4, v0;
	v2 =	vld.idx.msk [tilespmem:v4+s7+$0x0], $0xffff  }
0x2b6: {  	v4 =	vadd.s32 $0xC015, v1;
	_ =	sdelay $0x3  }
0x2b7: {  	[tilespmem:v3+s10+$0x0] =	vst.idx.msk $0xffff, v2  }
0x2b8: {  	v3 =	vor.u32 $0xD5, v0;
	v2 =	vld.idx.msk [tilespmem:v4+s7+$0x0], $0xffff  }
0x2b9: {  	v4 =	vadd.s32 $0xC016, v1;
	_ =	sdelay $0x3  }
0x2ba: {  	[tilespmem:v3+s10+$0x0] =	vst.idx.msk $0xffff, v2  }
0x2bb: {  	v3 =	vor.u32 $0xD6, v0;
	v2 =	vld.idx.msk [tilespmem:v4+s7+$0x0], $0xffff  }
0x2bc: {  	v4 =	vadd.s32 $0xC017, v1;
	_ =	sdelay $0x3  }
0x2bd: {  	[tilespmem:v3+s10+$0x0] =	vst.idx.msk $0xffff, v2  }
0x2be: {  	v3 =	vor.u32 $0xD7, v0;
	v2 =	vld.idx.msk [tilespmem:v4+s7+$0x0], $0xffff  }
0x2bf: {  	v4 =	vadd.s32 $0xC018, v1;
	_ =	sdelay $0x3  }
0x2c0: {  	[tilespmem:v3+s10+$0x0] =	vst.idx.msk $0xffff, v2  }
0x2c1: {  	v3 =	vor.u32 $0xD8, v0;
	v2 =	vld.idx.msk [tilespmem:v4+s7+$0x0], $0xffff  }
0x2c2: {  	v4 =	vadd.s32 $0xC019, v1;
	_ =	sdelay $0x3  }
0x2c3: {  	[tilespmem:v3+s10+$0x0] =	vst.idx.msk $0xffff, v2  }
0x2c4: {  	v3 =	vor.u32 $0xD9, v0;
	v2 =	vld.idx.msk [tilespmem:v4+s7+$0x0], $0xffff  }
0x2c5: {  	v4 =	vadd.s32 $0xC01A, v1;
	_ =	sdelay $0x3  }
0x2c6: {  	[tilespmem:v3+s10+$0x0] =	vst.idx.msk $0xffff, v2  }
0x2c7: {  	v3 =	vor.u32 $0xDA, v0;
	v2 =	vld.idx.msk [tilespmem:v4+s7+$0x0], $0xffff  }
0x2c8: {  	v4 =	vadd.s32 $0xC01B, v1;
	_ =	sdelay $0x3  }
0x2c9: {  	[tilespmem:v3+s10+$0x0] =	vst.idx.msk $0xffff, v2  }
0x2ca: {  	v3 =	vor.u32 $0xDB, v0;
	v2 =	vld.idx.msk [tilespmem:v4+s7+$0x0], $0xffff  }
0x2cb: {  	v4 =	vadd.s32 $0xC01C, v1;
	_ =	sdelay $0x3  }
0x2cc: {  	[tilespmem:v3+s10+$0x0] =	vst.idx.msk $0xffff, v2  }
0x2cd: {  	v3 =	vor.u32 $0xDC, v0;
	v2 =	vld.idx.msk [tilespmem:v4+s7+$0x0], $0xffff  }
0x2ce: {  	v4 =	vadd.s32 $0xC01D, v1;
	_ =	sdelay $0x3  }
0x2cf: {  	[tilespmem:v3+s10+$0x0] =	vst.idx.msk $0xffff, v2  }
0x2d0: {  	v3 =	vor.u32 $0xDD, v0;
	v2 =	vld.idx.msk [tilespmem:v4+s7+$0x0], $0xffff  }
0x2d1: {  	v4 =	vadd.s32 $0xC01E, v1;
	_ =	sdelay $0x3  }
0x2d2: {  	[tilespmem:v3+s10+$0x0] =	vst.idx.msk $0xffff, v2  }
0x2d3: {  	v3 =	vor.u32 $0xDE, v0;
	v2 =	vld.idx.msk [tilespmem:v4+s7+$0x0], $0xffff  }
0x2d4: {  	v1 =	vadd.s32 $0xC01F, v1;
	_ =	sdelay $0x3  }
0x2d5: {  	[tilespmem:v3+s10+$0x0] =	vst.idx.msk $0xffff, v2  }
0x2d6: {  	v2 =	vor.u32 $0xDF, v0;
	v1 =	vld.idx.msk [tilespmem:v1+s7+$0x0], $0xffff  }
0x2d7: {  	v3 =	vor.u32 $0x7, v63;
	_ =	sdelay $0x3  }
0x2d8: {  	[tilespmem:v2+s10+$0x0] =	vst.idx.msk $0xffff, v1  }
0x2d9: {  	v1 =	vld.idx.msk [tilespmem:v3+s2+$0x0], $0xffff;
	_ =	sdelay $0x4  }
0x2da: {  	v1 =	vshll.u32 v1, $0x5  }
0x2db: {  	v2 =	vadd.s32 $0xE000, v1;
	_ =	sdelay $0x4  }
0x2dc: {  	v3 =	vor.u32 $0xE0, v0;
	v2 =	vld.idx.msk [tilespmem:v2+s7+$0x0], $0xffff  }
0x2dd: {  	v4 =	vadd.s32 $0xE001, v1;
	_ =	sdelay $0x3  }
0x2de: {  	[tilespmem:v3+s10+$0x0] =	vst.idx.msk $0xffff, v2  }
0x2df: {  	v3 =	vor.u32 $0xE1, v0;
	v2 =	vld.idx.msk [tilespmem:v4+s7+$0x0], $0xffff  }
0x2e0: {  	v4 =	vadd.s32 $0xE002, v1;
	_ =	sdelay $0x3  }
0x2e1: {  	[tilespmem:v3+s10+$0x0] =	vst.idx.msk $0xffff, v2  }
0x2e2: {  	v3 =	vor.u32 $0xE2, v0;
	v2 =	vld.idx.msk [tilespmem:v4+s7+$0x0], $0xffff  }
0x2e3: {  	v4 =	vadd.s32 $0xE003, v1;
	_ =	sdelay $0x3  }
0x2e4: {  	[tilespmem:v3+s10+$0x0] =	vst.idx.msk $0xffff, v2  }
0x2e5: {  	v3 =	vor.u32 $0xE3, v0;
	v2 =	vld.idx.msk [tilespmem:v4+s7+$0x0], $0xffff  }
0x2e6: {  	v4 =	vadd.s32 $0xE004, v1;
	_ =	sdelay $0x3  }
0x2e7: {  	[tilespmem:v3+s10+$0x0] =	vst.idx.msk $0xffff, v2  }
0x2e8: {  	v3 =	vor.u32 $0xE4, v0;
	v2 =	vld.idx.msk [tilespmem:v4+s7+$0x0], $0xffff  }
0x2e9: {  	v4 =	vadd.s32 $0xE005, v1;
	_ =	sdelay $0x3  }
0x2ea: {  	[tilespmem:v3+s10+$0x0] =	vst.idx.msk $0xffff, v2  }
0x2eb: {  	v3 =	vor.u32 $0xE5, v0;
	v2 =	vld.idx.msk [tilespmem:v4+s7+$0x0], $0xffff  }
0x2ec: {  	v4 =	vadd.s32 $0xE006, v1;
	_ =	sdelay $0x3  }
0x2ed: {  	[tilespmem:v3+s10+$0x0] =	vst.idx.msk $0xffff, v2  }
0x2ee: {  	v3 =	vor.u32 $0xE6, v0;
	v2 =	vld.idx.msk [tilespmem:v4+s7+$0x0], $0xffff  }
0x2ef: {  	v4 =	vadd.s32 $0xE007, v1;
	_ =	sdelay $0x3  }
0x2f0: {  	[tilespmem:v3+s10+$0x0] =	vst.idx.msk $0xffff, v2  }
0x2f1: {  	v3 =	vor.u32 $0xE7, v0;
	v2 =	vld.idx.msk [tilespmem:v4+s7+$0x0], $0xffff  }
0x2f2: {  	v4 =	vadd.s32 $0xE008, v1;
	_ =	sdelay $0x3  }
0x2f3: {  	[tilespmem:v3+s10+$0x0] =	vst.idx.msk $0xffff, v2  }
0x2f4: {  	v3 =	vor.u32 $0xE8, v0;
	v2 =	vld.idx.msk [tilespmem:v4+s7+$0x0], $0xffff  }
0x2f5: {  	v4 =	vadd.s32 $0xE009, v1;
	_ =	sdelay $0x3  }
0x2f6: {  	[tilespmem:v3+s10+$0x0] =	vst.idx.msk $0xffff, v2  }
0x2f7: {  	v3 =	vor.u32 $0xE9, v0;
	v2 =	vld.idx.msk [tilespmem:v4+s7+$0x0], $0xffff  }
0x2f8: {  	v4 =	vadd.s32 $0xE00A, v1;
	_ =	sdelay $0x3  }
0x2f9: {  	[tilespmem:v3+s10+$0x0] =	vst.idx.msk $0xffff, v2  }
0x2fa: {  	v3 =	vor.u32 $0xEA, v0;
	v2 =	vld.idx.msk [tilespmem:v4+s7+$0x0], $0xffff  }
0x2fb: {  	v4 =	vadd.s32 $0xE00B, v1;
	_ =	sdelay $0x3  }
0x2fc: {  	[tilespmem:v3+s10+$0x0] =	vst.idx.msk $0xffff, v2  }
0x2fd: {  	v3 =	vor.u32 $0xEB, v0;
	v2 =	vld.idx.msk [tilespmem:v4+s7+$0x0], $0xffff  }
0x2fe: {  	v4 =	vadd.s32 $0xE00C, v1;
	_ =	sdelay $0x3  }
0x2ff: {  	[tilespmem:v3+s10+$0x0] =	vst.idx.msk $0xffff, v2  }
0x300: {  	v3 =	vor.u32 $0xEC, v0;
	v2 =	vld.idx.msk [tilespmem:v4+s7+$0x0], $0xffff  }
0x301: {  	v4 =	vadd.s32 $0xE00D, v1;
	_ =	sdelay $0x3  }
0x302: {  	[tilespmem:v3+s10+$0x0] =	vst.idx.msk $0xffff, v2  }
0x303: {  	v3 =	vor.u32 $0xED, v0;
	v2 =	vld.idx.msk [tilespmem:v4+s7+$0x0], $0xffff  }
0x304: {  	v4 =	vadd.s32 $0xE00E, v1;
	_ =	sdelay $0x3  }
0x305: {  	[tilespmem:v3+s10+$0x0] =	vst.idx.msk $0xffff, v2  }
0x306: {  	v3 =	vor.u32 $0xEE, v0;
	v2 =	vld.idx.msk [tilespmem:v4+s7+$0x0], $0xffff  }
0x307: {  	v4 =	vadd.s32 $0xE00F, v1;
	_ =	sdelay $0x3  }
0x308: {  	[tilespmem:v3+s10+$0x0] =	vst.idx.msk $0xffff, v2  }
0x309: {  	v3 =	vor.u32 $0xEF, v0;
	v2 =	vld.idx.msk [tilespmem:v4+s7+$0x0], $0xffff  }
0x30a: {  	v4 =	vadd.s32 $0xE010, v1;
	_ =	sdelay $0x3  }
0x30b: {  	[tilespmem:v3+s10+$0x0] =	vst.idx.msk $0xffff, v2  }
0x30c: {  	v3 =	vor.u32 $0xF0, v0;
	v2 =	vld.idx.msk [tilespmem:v4+s7+$0x0], $0xffff  }
0x30d: {  	v4 =	vadd.s32 $0xE011, v1;
	_ =	sdelay $0x3  }
0x30e: {  	[tilespmem:v3+s10+$0x0] =	vst.idx.msk $0xffff, v2  }
0x30f: {  	v3 =	vor.u32 $0xF1, v0;
	v2 =	vld.idx.msk [tilespmem:v4+s7+$0x0], $0xffff  }
0x310: {  	v4 =	vadd.s32 $0xE012, v1;
	_ =	sdelay $0x3  }
0x311: {  	[tilespmem:v3+s10+$0x0] =	vst.idx.msk $0xffff, v2  }
0x312: {  	v3 =	vor.u32 $0xF2, v0;
	v2 =	vld.idx.msk [tilespmem:v4+s7+$0x0], $0xffff  }
0x313: {  	v4 =	vadd.s32 $0xE013, v1;
	_ =	sdelay $0x3  }
0x314: {  	[tilespmem:v3+s10+$0x0] =	vst.idx.msk $0xffff, v2  }
0x315: {  	v3 =	vor.u32 $0xF3, v0;
	v2 =	vld.idx.msk [tilespmem:v4+s7+$0x0], $0xffff  }
0x316: {  	v4 =	vadd.s32 $0xE014, v1;
	_ =	sdelay $0x3  }
0x317: {  	[tilespmem:v3+s10+$0x0] =	vst.idx.msk $0xffff, v2  }
0x318: {  	v3 =	vor.u32 $0xF4, v0;
	v2 =	vld.idx.msk [tilespmem:v4+s7+$0x0], $0xffff  }
0x319: {  	v4 =	vadd.s32 $0xE015, v1;
	_ =	sdelay $0x3  }
0x31a: {  	[tilespmem:v3+s10+$0x0] =	vst.idx.msk $0xffff, v2  }
0x31b: {  	v3 =	vor.u32 $0xF5, v0;
	v2 =	vld.idx.msk [tilespmem:v4+s7+$0x0], $0xffff  }
0x31c: {  	v4 =	vadd.s32 $0xE016, v1;
	_ =	sdelay $0x3  }
0x31d: {  	[tilespmem:v3+s10+$0x0] =	vst.idx.msk $0xffff, v2  }
0x31e: {  	v3 =	vor.u32 $0xF6, v0;
	v2 =	vld.idx.msk [tilespmem:v4+s7+$0x0], $0xffff  }
0x31f: {  	v4 =	vadd.s32 $0xE017, v1;
	_ =	sdelay $0x3  }
0x320: {  	[tilespmem:v3+s10+$0x0] =	vst.idx.msk $0xffff, v2  }
0x321: {  	v3 =	vor.u32 $0xF7, v0;
	v2 =	vld.idx.msk [tilespmem:v4+s7+$0x0], $0xffff  }
0x322: {  	v4 =	vadd.s32 $0xE018, v1;
	_ =	sdelay $0x3  }
0x323: {  	[tilespmem:v3+s10+$0x0] =	vst.idx.msk $0xffff, v2  }
0x324: {  	v3 =	vor.u32 $0xF8, v0;
	v2 =	vld.idx.msk [tilespmem:v4+s7+$0x0], $0xffff  }
0x325: {  	v4 =	vadd.s32 $0xE019, v1;
	_ =	sdelay $0x3  }
0x326: {  	[tilespmem:v3+s10+$0x0] =	vst.idx.msk $0xffff, v2  }
0x327: {  	v3 =	vor.u32 $0xF9, v0;
	v2 =	vld.idx.msk [tilespmem:v4+s7+$0x0], $0xffff  }
0x328: {  	v4 =	vadd.s32 $0xE01A, v1;
	_ =	sdelay $0x3  }
0x329: {  	[tilespmem:v3+s10+$0x0] =	vst.idx.msk $0xffff, v2  }
0x32a: {  	v3 =	vor.u32 $0xFA, v0;
	v2 =	vld.idx.msk [tilespmem:v4+s7+$0x0], $0xffff  }
0x32b: {  	v4 =	vadd.s32 $0xE01B, v1;
	_ =	sdelay $0x3  }
0x32c: {  	[tilespmem:v3+s10+$0x0] =	vst.idx.msk $0xffff, v2  }
0x32d: {  	v3 =	vor.u32 $0xFB, v0;
	v2 =	vld.idx.msk [tilespmem:v4+s7+$0x0], $0xffff  }
0x32e: {  	v4 =	vadd.s32 $0xE01C, v1;
	_ =	sdelay $0x3  }
0x32f: {  	[tilespmem:v3+s10+$0x0] =	vst.idx.msk $0xffff, v2  }
0x330: {  	v3 =	vor.u32 $0xFC, v0;
	v2 =	vld.idx.msk [tilespmem:v4+s7+$0x0], $0xffff  }
0x331: {  	v4 =	vadd.s32 $0xE01D, v1;
	_ =	sdelay $0x3  }
0x332: {  	[tilespmem:v3+s10+$0x0] =	vst.idx.msk $0xffff, v2  }
0x333: {  	v3 =	vor.u32 $0xFD, v0;
	v2 =	vld.idx.msk [tilespmem:v4+s7+$0x0], $0xffff  }
0x334: {  	v4 =	vadd.s32 $0xE01E, v1;
	_ =	sdelay $0x3  }
0x335: {  	[tilespmem:v3+s10+$0x0] =	vst.idx.msk $0xffff, v2  }
0x336: {  	v3 =	vor.u32 $0xFE, v0;
	v2 =	vld.idx.msk [tilespmem:v4+s7+$0x0], $0xffff  }
0x337: {  	v1 =	vadd.s32 $0xE01F, v1;
	_ =	sdelay $0x3  }
0x338: {  	[tilespmem:v3+s10+$0x0] =	vst.idx.msk $0xffff, v2  }
0x339: {  	v2 =	vor.u32 $0xFF, v0;
	v1 =	vld.idx.msk [tilespmem:v1+s7+$0x0], $0xffff;
	_ =	sdelay $0x3  }
0x33a: {  	p0 =	sne.s32 s14, $0x230  }
.Ltmp0:
0x33b: {  	[tilespmem:v2+s10+$0x0] =	vst.idx.msk $0xffff, v1;
	(pc) =	sbr.rel @p0 .LBB2_2-.Ltmp0, $4  }
0x33c: {  	v4 =	vld [tilespmem:$0x1FFF0];
	[hbm4b:s13+s2] =	stream.linear.scatter [tilespmem:s10], [sflag:$0x3], $0x1000, $0x38  }
0x33d: {  	v1 =	vld [tilespmem:$0x1FFE0];
	_ =	swait.ge [sflag:s11], $0x1000  }
0x33e: {  	[sflag:s11] =	ssyncset.done $0x0  }
0x33f: {  	s14 =	sadd.s32 $0x10, s14;
	s13 =	sadd.s32 $0x200, s13;
	[sflag:s11] =	ssyncadd.s32 $0xFFFFF000  }
0x340: {  	s12 =	sadd.s32 $0x1, s12  }
0x341: {  	p0 =	sne.s32 s12, s5  }
.Ltmp1:
0x342: {  	_ = 	snop;
	(pc) =	sbr.rel @p0 .LBB2_1-.Ltmp1, $1  }
0x343: {  	_ =	sdelay $0x3  }
0x344: {  	_ =	sfence.sel $0x180000  }
0x345: {  	[bflag:$0x0] =	sbarrier.arrive $0xFFFF  }
0x346: {  	p0 =	sne.s32 s0, $0x0;
	_ =	strace $0x90000047  }
0x347: {  	s0 =	sadd.s32 @!p0 $0x100000, s1;
	[bflag:$0x2] =	sbarrier.arrive $0xFFFF  }
0x348: {  	[sflag:s0] =	ssyncadd.tile.s32 @!p0 $0x1;
	_ =	shalt  }
.Lfunc_end2:
_tile_overlayer_lowered:
.L_overlay_start_2:
0x349: {  	(tag) =	ssettag $0x2  }
0x34a: {  	s0 =	rddreg [dreg:$0x0];
	s2 =	stileid.u32  }
0x34b: {  	s1 =	rddreg [dreg:$0x1];
	p0 =	sne.s32 s2, $0x0  }
0x34c: {  	s3 =	rddreg [dreg:$0x2];
	[bflag:$0x3] =	sbarrier.arrive $0xFFFF;
	s2 =	simm.s32 @!p0 $0x1C04  }
0x34d: {  	[timem:s3], [sflag:s2] =	dma.local @!p0 [hbm:s0], s1  }
0x34e: {  	s0 =	simm.s32 @!p0 $0x4  }
0x34f: {  	_ =	swait.ge @!p0 [sflag:s0], s1  }
0x350: {  	s1 =	ssub.s32 @!p0 $0x0, s1;
	[sflag:s0] =	ssyncset.done @!p0 $0x0  }
0x351: {  	[sflag:s0] =	ssyncadd.s32 @!p0 s1  }
0x352: {  	[bflag:$0x3] =	sbarrier.arrive $0xFFFF  }
0x353: {  	_ =	shalt  }

</sc_bundles>
